<compile_context>
chip_gen: v7x
topology: tpu7x:2x2x1
jax: 0.10.2.dev20260603
libtpu: 0.0.44.dev20260713+nightly
codegen_flags: <defaults>
</compile_context>

<pallas_src>
import functools

import jax
import jax.numpy as jnp
from jax import lax
from jax.experimental import pallas as pl
from jax.experimental.pallas import tpu as pltpu
from jax.experimental.pallas import tpu_sc as plsc

_NC = 2
_NS = 16
_NW = _NC * _NS
_SUB = 128
_K = 16
_F = 8


def _edge_agg_call(n, total_rows):
  zrows = n // _NS
  total_chunks = total_rows // _K
  nch_lo = total_chunks // _NW
  n_hi = total_chunks - nch_lo * _NW
  mesh = plsc.VectorSubcoreMesh(core_axis_name="c", subcore_axis_name="s")

  @functools.partial(
      pl.kernel,
      out_type=jax.ShapeDtypeStruct((_NC, n, _F), jnp.float32),
      mesh=mesh,
      scratch_types=[
          pltpu.VMEM((_K * _SUB,), jnp.int32),
          pltpu.VMEM((_K * _SUB,), jnp.int32),
          pltpu.VMEM((_K * _SUB, _F), jnp.float32),
          pltpu.VMEM_SHARED((n, _F), jnp.float32),
          pltpu.SemaphoreType.DMA,
          pltpu.SemaphoreType.DMA,
      ],
      compiler_params=pltpu.CompilerParams(use_tc_tiling_on_sc=False),
  )
  def k(table_hbm, zero_hbm, ei_hbm, out_hbm,
        idx_s, idx_d, rows, agg_sp, sem, sem2):
    c = lax.axis_index("c")
    s = lax.axis_index("s")
    wid = c * _NS + s
    pltpu.sync_copy(zero_hbm.at[pl.ds(s * zrows, zrows)],
                    agg_sp.at[pl.ds(s * zrows, zrows)])
    plsc.subcore_barrier()

    base_chunk = wid * nch_lo + jnp.minimum(wid, n_hi)
    nch = nch_lo + jnp.where(wid < n_hi, 1, 0)

    def body(i, carry):
      base = (base_chunk + i) * _K * _SUB
      pltpu.sync_copy(ei_hbm.at[0, pl.ds(base, _K * _SUB)], idx_s)
      pltpu.sync_copy(ei_hbm.at[1, pl.ds(base, _K * _SUB)], idx_d)
      cps = []
      for j in range(_K):
        cps.append(pltpu.async_copy(
            table_hbm.at[idx_s.at[pl.ds(j * _SUB, _SUB)]],
            rows.at[pl.ds(j * _SUB, _SUB)], sem))
      scs = []
      for j in range(_K):
        cps[j].wait()
        scs.append(pltpu.async_copy(
            rows.at[pl.ds(j * _SUB, _SUB)],
            agg_sp.at[idx_d.at[pl.ds(j * _SUB, _SUB)]], sem2, add=True))
      for cp in scs:
        cp.wait()
      return carry

    lax.fori_loop(0, nch, body, 0)
    plsc.subcore_barrier()
    pltpu.sync_copy(agg_sp.at[pl.ds(s * zrows, zrows)],
                    out_hbm.at[c, pl.ds(s * zrows, zrows)])

  return k


def _gather_rows_call(n_rows_out):
  rows_w = n_rows_out // (_NW * _SUB)
  per_w = rows_w * _SUB
  mesh = plsc.VectorSubcoreMesh(core_axis_name="c", subcore_axis_name="s")

  @functools.partial(
      pl.kernel,
      out_type=jax.ShapeDtypeStruct((n_rows_out, _F), jnp.float32),
      mesh=mesh,
      scratch_types=[
          pltpu.VMEM((rows_w, _SUB), jnp.int32),
          pltpu.VMEM((per_w, _F), jnp.float32),
          pltpu.SemaphoreType.DMA,
      ],
      compiler_params=pltpu.CompilerParams(use_tc_tiling_on_sc=False),
  )
  def k(table_hbm, idx_hbm, out_hbm, idx_v, rows, sem):
    c = lax.axis_index("c")
    s = lax.axis_index("s")
    wid = c * _NS + s
    pltpu.sync_copy(idx_hbm.at[pl.ds(wid * rows_w, rows_w)], idx_v)
    cps = []
    for j in range(rows_w):
      cps.append(pltpu.async_copy(
          table_hbm.at[idx_v.at[j]],
          rows.at[pl.ds(j * _SUB, _SUB)], sem))
    for cp in cps:
      cp.wait()
    pltpu.sync_copy(rows, out_hbm.at[pl.ds(wid * per_w, per_w)])

  return k


def _dense_body(x_ref, p_ref, w_ref, b_ref, o_ref):
  a = x_ref[...] + p_ref[0] + p_ref[1]
  o_ref[...] = jnp.maximum(
      jnp.dot(a, w_ref[...], preferred_element_type=jnp.float32) + b_ref[...],
      0.0)


def _dense(xr, pr, wbig, bbig, blk):
  nr = xr.shape[0]
  del blk
  return pl.pallas_call(
      _dense_body,
      in_specs=[
          pl.BlockSpec((nr, 128), lambda: (0, 0)),
          pl.BlockSpec((2, nr, 128), lambda: (0, 0, 0)),
          pl.BlockSpec((128, 128), lambda: (0, 0)),
          pl.BlockSpec((1, 128), lambda: (0, 0)),
      ],
      out_specs=pl.BlockSpec((nr, 128), lambda: (0, 0)),
      out_shape=jax.ShapeDtypeStruct((nr, 128), jnp.float32),
  )(xr, pr, wbig, bbig)


def _head_body(feat_ref, sel_ref, wih_ref, whh_ref, bih_ref, bhh_ref,
               wl1_ref, bl1_ref, wl2_ref, bl2_ref, o_ref):
  p = feat_ref.shape[0]
  d = 3
  featv = feat_ref[...]
  f0 = jnp.dot(featv, sel_ref[0], preferred_element_type=jnp.float32)
  f1 = jnp.dot(featv, sel_ref[1], preferred_element_type=jnp.float32)
  f2 = jnp.dot(featv, sel_ref[2], preferred_element_type=jnp.float32)
  wih_t = wih_ref[...]
  whh_t = whh_ref[...]
  bsum = bih_ref[...] + bhh_ref[...]
  q_star = jnp.zeros((p, 2 * d), jnp.float32)
  hs = jnp.zeros((p, d), jnp.float32)
  cs = jnp.zeros((p, d), jnp.float32)
  for _ in range(2):
    gates = (jnp.dot(q_star, wih_t, preferred_element_type=jnp.float32)
             + jnp.dot(hs, whh_t, preferred_element_type=jnp.float32) + bsum)
    gi = gates[:, 0:d]
    gf = gates[:, d:2 * d]
    gg = gates[:, 2 * d:3 * d]
    go = gates[:, 3 * d:4 * d]
    cs = jax.nn.sigmoid(gf) * cs + jax.nn.sigmoid(gi) * jnp.tanh(gg)
    hs = jax.nn.sigmoid(go) * jnp.tanh(cs)
    q = hs
    e = f0 * q[:, 0:1] + f1 * q[:, 1:2] + f2 * q[:, 2:3]
    m = jnp.max(e, axis=1, keepdims=True)
    ex = jnp.exp(e - m)
    alpha = ex / jnp.sum(ex, axis=1, keepdims=True)
    r0 = jnp.sum(alpha * f0, axis=1, keepdims=True)
    r1 = jnp.sum(alpha * f1, axis=1, keepdims=True)
    r2 = jnp.sum(alpha * f2, axis=1, keepdims=True)
    q_star = jnp.concatenate([q, r0, r1, r2], axis=1)
  xx = bl1_ref[...]
  for dd in range(2 * d):
    xx = xx + jnp.dot(wl1_ref[dd], q_star[:, dd:dd + 1],
                      preferred_element_type=jnp.float32)
  xx = jnp.maximum(xx, 0.0)
  o_ref[...] = jax.nn.sigmoid(
      jnp.dot(wl2_ref[...], xx, preferred_element_type=jnp.float32)
      + bl2_ref[...])


def _pad_mat(w, rows, cols):
  return jnp.zeros((rows, cols), jnp.float32).at[:w.shape[0], :w.shape[1]].set(w)


def kernel(x, edge_index, pathway_idx, W1, b1, W2, b2,
           Wih, Whh, bih, bhh, Wl1, bl1, Wl2, bl2):
  n, d = x.shape
  e = edge_index.shape[1]
  p, l = pathway_idx.shape
  nr = n * _F // 128

  zeros8 = jnp.zeros((n, _F), jnp.float32)
  x8 = jnp.pad(x, ((0, 0), (0, _F - d)))
  xr = x8.reshape(nr, 128)

  eye16 = jnp.eye(16, dtype=jnp.float32)
  wbig1 = jnp.kron(eye16, _pad_mat(W1.T, _F, _F))
  bbig1 = jnp.tile(_pad_mat(b1.reshape(1, -1), 1, _F), (1, 16))
  wbig2 = jnp.kron(eye16, _pad_mat(W2.T, _F, _F))
  bbig2 = jnp.tile(_pad_mat(b2.reshape(1, -1), 1, _F), (1, 16))

  agg = _edge_agg_call(n, e // _SUB)

  part1 = agg(x8, zeros8, edge_index)
  h1r = _dense(xr, part1.reshape(2, nr, 128), wbig1, bbig1, 1250)
  h1 = h1r.reshape(n, _F)
  part2 = agg(h1, zeros8, edge_index)
  h2r = _dense(h1r, part2.reshape(2, nr, 128), wbig2, bbig2, 1250)
  h2 = h2r.reshape(n, _F)

  pl_flat = p * l
  g_unit = _NW * _SUB
  g_pad = ((pl_flat + g_unit - 1) // g_unit) * g_unit
  pidx = jnp.concatenate(
      [pathway_idx.reshape(-1), jnp.zeros((g_pad - pl_flat,), jnp.int32)]
  ).reshape(g_pad // _SUB, _SUB)
  feat2 = _gather_rows_call(g_pad)(h2, pidx)[:pl_flat].reshape(p, l * _F)

  eye_l = jnp.eye(l, dtype=jnp.float32)
  sel = jnp.stack([
      jnp.kron(eye_l, jnp.eye(_F, dtype=jnp.float32)[:, dd:dd + 1])
      for dd in range(d)])

  wl1_stack = jnp.transpose(Wl1.reshape(p, p, 2 * d), (2, 0, 1))
  res = pl.pallas_call(
      _head_body,
      in_specs=[
          pl.BlockSpec((p, l * _F), lambda: (0, 0)),
          pl.BlockSpec((d, l * _F, l), lambda: (0, 0, 0)),
          pl.BlockSpec((2 * d, 4 * d), lambda: (0, 0)),
          pl.BlockSpec((d, 4 * d), lambda: (0, 0)),
          pl.BlockSpec((1, 4 * d), lambda: (0, 0)),
          pl.BlockSpec((1, 4 * d), lambda: (0, 0)),
          pl.BlockSpec((2 * d, p, p), lambda: (0, 0, 0)),
          pl.BlockSpec((p, 1), lambda: (0, 0)),
          pl.BlockSpec((1, p), lambda: (0, 0)),
          pl.BlockSpec((1, 1), lambda: (0, 0)),
      ],
      out_specs=pl.BlockSpec((1, 1), lambda: (0, 0)),
      out_shape=jax.ShapeDtypeStruct((1, 1), jnp.float32),
  )(feat2, sel, Wih.T, Whh.T, bih.reshape(1, 4 * d), bhh.reshape(1, 4 * d),
    wl1_stack, bl1.reshape(p, 1), Wl2, bl2.reshape(1, 1))
  return res.reshape(1)

# --- scband reference (transcript-rebuilt; emitter-appended) ---
"""Pipeline reference for scband-deep-moi-18863496364776 (READ-ONLY COPY).

The authoritative reference and input builder live on the scoring server;
editing this copy changes nothing except your own understanding.
"""

import jax, jax.numpy as jnp
import numpy as np

N = 100000   # nodes
E = 3200000  # edges (avg degree 32)
D = 3        # in_dim (omics count; fixed by Set2Set(3,2,1))
P = 300      # number of pathways
L = 200      # nodes per pathway


def setup_inputs(seed: int = 0) -> dict:
    key = jax.random.key(seed)
    ks = jax.random.split(key, 20)
    x = jax.random.normal(ks[0], (N, D), dtype=jnp.float32)
    edge_index = jax.random.randint(ks[1], (2, E), 0, N).astype(jnp.int32)
    pathway_idx = jax.random.randint(ks[2], (P, L), 0, N).astype(jnp.int32)
    s = 0.1
    # GIN linear 1: in_dim -> 2*in_dim
    W1 = jax.random.normal(ks[3], (2 * D, D), dtype=jnp.float32) * s
    b1 = jax.random.normal(ks[4], (2 * D,), dtype=jnp.float32) * s
    # GIN linear 2: 2*in_dim -> in_dim
    W2 = jax.random.normal(ks[5], (D, 2 * D), dtype=jnp.float32) * s
    b2 = jax.random.normal(ks[6], (D, ), dtype=jnp.float32) * s
    # Set2Set LSTM: input 2*D, hidden D, gates 4*D, torch gate order (i,f,g,o)
    Wih = jax.random.normal(ks[7], (4 * D, 2 * D), dtype=jnp.float32) * s
    Whh = jax.random.normal(ks[8], (4 * D, D), dtype=jnp.float32) * s
    bih = jax.random.normal(ks[9], (4 * D,), dtype=jnp.float32) * s
    bhh = jax.random.normal(ks[10], (4 * D,), dtype=jnp.float32) * s
    # lin1: P*2*D -> P ; lin2: P -> 1
    Wl1 = jax.random.normal(ks[11], (P, P * 2 * D), dtype=jnp.float32) * 0.01
    bl1 = jax.random.normal(ks[12], (P,), dtype=jnp.float32) * 0.01
    Wl2 = jax.random.normal(ks[13], (1, P), dtype=jnp.float32) * 0.01
    bl2 = jax.random.normal(ks[14], (1,), dtype=jnp.float32) * 0.01
    return {"x": x, "edge_index": edge_index, "pathway_idx": pathway_idx,
            "W1": W1, "b1": b1, "W2": W2, "b2": b2,
            "Wih": Wih, "Whh": Whh, "bih": bih, "bhh": bhh,
            "Wl1": Wl1, "bl1": bl1, "Wl2": Wl2, "bl2": bl2}


def reference(x, edge_index, pathway_idx, W1, b1, W2, b2, Wih, Whh, bih, bhh, Wl1, bl1, Wl2, bl2):
    src, dst = edge_index[0], edge_index[1]
    # GINConv #1 (aggregator 'sum', eps=0): lin1((1+0)*h + sum_neigh h)
    agg = jnp.zeros_like(x).at[dst].add(x[src])
    h = jax.nn.relu((x + agg) @ W1.T + b1)            # [N, 2D]
    # GINConv #2 (default 'sum', eps=0)
    agg2 = jnp.zeros_like(h).at[dst].add(h[src])
    h = jax.nn.relu((h + agg2) @ W2.T + b2)           # [N, D]
    # pathway node subgraphs (uniform size L) -> batched node features
    feat = h[pathway_idx]                              # [P, L, D]
    # Set2Set(input_dim=D, n_iters=2, n_layers=1); output dim 2*D per graph
    q_star = jnp.zeros((P, 2 * D), dtype=x.dtype)
    hs = jnp.zeros((P, D), dtype=x.dtype)
    cs = jnp.zeros((P, D), dtype=x.dtype)
    for _ in range(2):
        gates = q_star @ Wih.T + bih + hs @ Whh.T + bhh   # [P, 4D]
        i, f, g, o = jnp.split(gates, 4, axis=-1)
        cs = jax.nn.sigmoid(f) * cs + jax.nn.sigmoid(i) * jnp.tanh(g)
        hs = jax.nn.sigmoid(o) * jnp.tanh(cs)
        q = hs                                            # [P, D]
        e = jnp.einsum('pld,pd->pl', feat, q)             # attention scores
        alpha = jax.nn.softmax(e, axis=-1)                # per-subgraph softmax
        readout = jnp.einsum('pl,pld->pd', alpha, feat)   # segment-weighted sum
        q_star = jnp.concatenate([q, readout], axis=-1)
    readout1 = q_star.reshape(-1)                         # [P*2D]
    xx = jax.nn.relu(Wl1 @ readout1 + bl1)                # [P]
    logit = jax.nn.sigmoid(Wl2 @ xx + bl2)                # [1]
    return logit

if __name__ == "__main__":
    import jax
    _d = setup_inputs()
    print(jax.jit(kernel)(*tuple(_d.values())))

</pallas_src>

<mosaic_0001>
#map = affine_map<(d0, d1) -> (0, 0)>
module attributes {stable_mosaic.version = 14 : i64} {
  func.func @k(%arg0: i32, %arg1: i32, %arg2: memref<100000x8xf32, #tpu.memory_space<hbm>>, %arg3: memref<480x128xi32, #tpu.memory_space<hbm>>, %arg4: memref<61440x8xf32, #tpu.memory_space<hbm>>, %arg5: memref<15x128xi32, #tpu.memory_space<vmem>>, %arg6: memref<1920x8xf32, #tpu.memory_space<vmem>>, %arg7: memref<!tpu.dma_semaphore, #tpu.memory_space<semaphore_mem>>) attributes {dimension_semantics = [#tpu.dimension_semantics<core_parallel>, #tpu.dimension_semantics<subcore_parallel>], iteration_bounds = array<i64: 2, 16>, scalar_prefetch = 0 : i64, scratch_operands = 3 : i64, tpu.core_type = #tpu.core_type<sc_vector_subcore>, window_params = [{transform_indices = #map}, {transform_indices = #map}, {transform_indices = #map}]} {
    %mul3A = arith.constant 16 : i32
    %mul3A_0 = arith.muli %arg0, %mul3A : i32
    %add3A = arith.addi %mul3A_0, %arg1 : i32
    %mul3A_1 = arith.constant 15 : i32
    %mul3A_2 = arith.muli %add3A, %mul3A_1 : i32
    "tpu.region"() ({
      %run_scoped3A = tpu.sem_alloc : memref<!tpu.dma_semaphore, #tpu.memory_space<semaphore_mem>>
      %dma_start3A_303 = arith.constant 0 : i32
      %dma_start3A_304 = tpu.memref_slice %arg3[%mul3A_2, %dma_start3A_303] : memref<480x128xi32, #tpu.memory_space<hbm>> -> memref<15x128xi32, #tpu.memory_space<hbm>>
      %dma_start3A_305 = arith.constant 0 : i32
      %dma_start3A_306 = tpu.memref_slice %arg3[%mul3A_2, %dma_start3A_305] : memref<480x128xi32, #tpu.memory_space<hbm>> -> memref<15x128xi32, #tpu.memory_space<hbm>>
      tpu.enqueue_dma source(%dma_start3A_306 : memref<15x128xi32, #tpu.memory_space<hbm>>) target(%arg5 : memref<15x128xi32, #tpu.memory_space<vmem>>) target_semaphore(%run_scoped3A : memref<!tpu.dma_semaphore, #tpu.memory_space<semaphore_mem>>)
      %dma_wait3A_307 = arith.constant 0 : i32
      %dma_wait3A_308 = tpu.memref_slice %arg3[%mul3A_2, %dma_wait3A_307] : memref<480x128xi32, #tpu.memory_space<hbm>> -> memref<15x128xi32, #tpu.memory_space<hbm>>
      %dma_wait3A_309 = arith.constant 0 : i32
      %dma_wait3A_310 = tpu.memref_slice %arg3[%mul3A_2, %dma_wait3A_309] : memref<480x128xi32, #tpu.memory_space<hbm>> -> memref<15x128xi32, #tpu.memory_space<hbm>>
      tpu.wait_dma2 semaphore(%run_scoped3A : memref<!tpu.dma_semaphore, #tpu.memory_space<semaphore_mem>>) src(%dma_wait3A_310 : memref<15x128xi32, #tpu.memory_space<hbm>>) dst(%arg5 : memref<15x128xi32, #tpu.memory_space<vmem>>)
      tpu.yield
    }) : () -> ()
    %dma_start3A = arith.constant 0 : i32
    %dma_start3A_3 = arith.constant 0 : i32
    %dma_start3A_4 = arith.constant 0 : i32
    %dma_start3A_5 = tpu.memref_slice %arg6[%dma_start3A_3, %dma_start3A_4] : memref<1920x8xf32, #tpu.memory_space<vmem>> -> memref<128x8xf32, #tpu.memory_space<vmem>>
    %dma_start3A_6 = arith.constant 0 : i32
    %dma_start3A_7 = tpu.memref_slice %arg5[%dma_start3A, %dma_start3A_6] : memref<15x128xi32, #tpu.memory_space<vmem>> -> memref<1x128xi32, #tpu.memory_space<vmem>>
    %dma_start3A_8 = tpu.memref_squeeze %dma_start3A_7 : memref<1x128xi32, #tpu.memory_space<vmem>> -> memref<128xi32, #tpu.memory_space<vmem>>
    %dma_start3A_9 = arith.constant 0 : i32
    %dma_start3A_10 = arith.constant 0 : i32
    %dma_start3A_11 = tpu.memref_slice %arg2[%dma_start3A_9, %dma_start3A_10] : memref<100000x8xf32, #tpu.memory_space<hbm>> -> memref<100000x8xf32, #tpu.memory_space<hbm>>
    tpu.enqueue_indirect_dma source(%dma_start3A_11 : memref<100000x8xf32, #tpu.memory_space<hbm>>) target(%dma_start3A_5 : memref<128x8xf32, #tpu.memory_space<vmem>>) offsets(%dma_start3A_8 : memref<128xi32, #tpu.memory_space<vmem>>) semaphore(%arg7 : memref<!tpu.dma_semaphore, #tpu.memory_space<semaphore_mem>>)
    %dma_start3A_12 = arith.constant 1 : i32
    %dma_start3A_13 = arith.constant 128 : i32
    %dma_start3A_14 = arith.constant 0 : i32
    %dma_start3A_15 = tpu.memref_slice %arg6[%dma_start3A_13, %dma_start3A_14] : memref<1920x8xf32, #tpu.memory_space<vmem>> -> memref<128x8xf32, #tpu.memory_space<vmem>>
    %dma_start3A_16 = arith.constant 0 : i32
    %dma_start3A_17 = tpu.memref_slice %arg5[%dma_start3A_12, %dma_start3A_16] : memref<15x128xi32, #tpu.memory_space<vmem>> -> memref<1x128xi32, #tpu.memory_space<vmem>>
    %dma_start3A_18 = tpu.memref_squeeze %dma_start3A_17 : memref<1x128xi32, #tpu.memory_space<vmem>> -> memref<128xi32, #tpu.memory_space<vmem>>
    %dma_start3A_19 = arith.constant 0 : i32
    %dma_start3A_20 = arith.constant 0 : i32
    %dma_start3A_21 = tpu.memref_slice %arg2[%dma_start3A_19, %dma_start3A_20] : memref<100000x8xf32, #tpu.memory_space<hbm>> -> memref<100000x8xf32, #tpu.memory_space<hbm>>
    tpu.enqueue_indirect_dma source(%dma_start3A_21 : memref<100000x8xf32, #tpu.memory_space<hbm>>) target(%dma_start3A_15 : memref<128x8xf32, #tpu.memory_space<vmem>>) offsets(%dma_start3A_18 : memref<128xi32, #tpu.memory_space<vmem>>) semaphore(%arg7 : memref<!tpu.dma_semaphore, #tpu.memory_space<semaphore_mem>>)
    %dma_start3A_22 = arith.constant 2 : i32
    %dma_start3A_23 = arith.constant 256 : i32
    %dma_start3A_24 = arith.constant 0 : i32
    %dma_start3A_25 = tpu.memref_slice %arg6[%dma_start3A_23, %dma_start3A_24] : memref<1920x8xf32, #tpu.memory_space<vmem>> -> memref<128x8xf32, #tpu.memory_space<vmem>>
    %dma_start3A_26 = arith.constant 0 : i32
    %dma_start3A_27 = tpu.memref_slice %arg5[%dma_start3A_22, %dma_start3A_26] : memref<15x128xi32, #tpu.memory_space<vmem>> -> memref<1x128xi32, #tpu.memory_space<vmem>>
    %dma_start3A_28 = tpu.memref_squeeze %dma_start3A_27 : memref<1x128xi32, #tpu.memory_space<vmem>> -> memref<128xi32, #tpu.memory_space<vmem>>
    %dma_start3A_29 = arith.constant 0 : i32
    %dma_start3A_30 = arith.constant 0 : i32
    %dma_start3A_31 = tpu.memref_slice %arg2[%dma_start3A_29, %dma_start3A_30] : memref<100000x8xf32, #tpu.memory_space<hbm>> -> memref<100000x8xf32, #tpu.memory_space<hbm>>
    tpu.enqueue_indirect_dma source(%dma_start3A_31 : memref<100000x8xf32, #tpu.memory_space<hbm>>) target(%dma_start3A_25 : memref<128x8xf32, #tpu.memory_space<vmem>>) offsets(%dma_start3A_28 : memref<128xi32, #tpu.memory_space<vmem>>) semaphore(%arg7 : memref<!tpu.dma_semaphore, #tpu.memory_space<semaphore_mem>>)
    %dma_start3A_32 = arith.constant 3 : i32
    %dma_start3A_33 = arith.constant 384 : i32
    %dma_start3A_34 = arith.constant 0 : i32
    %dma_start3A_35 = tpu.memref_slice %arg6[%dma_start3A_33, %dma_start3A_34] : memref<1920x8xf32, #tpu.memory_space<vmem>> -> memref<128x8xf32, #tpu.memory_space<vmem>>
    %dma_start3A_36 = arith.constant 0 : i32
    %dma_start3A_37 = tpu.memref_slice %arg5[%dma_start3A_32, %dma_start3A_36] : memref<15x128xi32, #tpu.memory_space<vmem>> -> memref<1x128xi32, #tpu.memory_space<vmem>>
    %dma_start3A_38 = tpu.memref_squeeze %dma_start3A_37 : memref<1x128xi32, #tpu.memory_space<vmem>> -> memref<128xi32, #tpu.memory_space<vmem>>
    %dma_start3A_39 = arith.constant 0 : i32
    %dma_start3A_40 = arith.constant 0 : i32
    %dma_start3A_41 = tpu.memref_slice %arg2[%dma_start3A_39, %dma_start3A_40] : memref<100000x8xf32, #tpu.memory_space<hbm>> -> memref<100000x8xf32, #tpu.memory_space<hbm>>
    tpu.enqueue_indirect_dma source(%dma_start3A_41 : memref<100000x8xf32, #tpu.memory_space<hbm>>) target(%dma_start3A_35 : memref<128x8xf32, #tpu.memory_space<vmem>>) offsets(%dma_start3A_38 : memref<128xi32, #tpu.memory_space<vmem>>) semaphore(%arg7 : memref<!tpu.dma_semaphore, #tpu.memory_space<semaphore_mem>>)
    %dma_start3A_42 = arith.constant 4 : i32
    %dma_start3A_43 = arith.constant 512 : i32
    %dma_start3A_44 = arith.constant 0 : i32
    %dma_start3A_45 = tpu.memref_slice %arg6[%dma_start3A_43, %dma_start3A_44] : memref<1920x8xf32, #tpu.memory_space<vmem>> -> memref<128x8xf32, #tpu.memory_space<vmem>>
    %dma_start3A_46 = arith.constant 0 : i32
    %dma_start3A_47 = tpu.memref_slice %arg5[%dma_start3A_42, %dma_start3A_46] : memref<15x128xi32, #tpu.memory_space<vmem>> -> memref<1x128xi32, #tpu.memory_space<vmem>>
    %dma_start3A_48 = tpu.memref_squeeze %dma_start3A_47 : memref<1x128xi32, #tpu.memory_space<vmem>> -> memref<128xi32, #tpu.memory_space<vmem>>
    %dma_start3A_49 = arith.constant 0 : i32
    %dma_start3A_50 = arith.constant 0 : i32
    %dma_start3A_51 = tpu.memref_slice %arg2[%dma_start3A_49, %dma_start3A_50] : memref<100000x8xf32, #tpu.memory_space<hbm>> -> memref<100000x8xf32, #tpu.memory_space<hbm>>
    tpu.enqueue_indirect_dma source(%dma_start3A_51 : memref<100000x8xf32, #tpu.memory_space<hbm>>) target(%dma_start3A_45 : memref<128x8xf32, #tpu.memory_space<vmem>>) offsets(%dma_start3A_48 : memref<128xi32, #tpu.memory_space<vmem>>) semaphore(%arg7 : memref<!tpu.dma_semaphore, #tpu.memory_space<semaphore_mem>>)
    %dma_start3A_52 = arith.constant 5 : i32
    %dma_start3A_53 = arith.constant 640 : i32
    %dma_start3A_54 = arith.constant 0 : i32
    %dma_start3A_55 = tpu.memref_slice %arg6[%dma_start3A_53, %dma_start3A_54] : memref<1920x8xf32, #tpu.memory_space<vmem>> -> memref<128x8xf32, #tpu.memory_space<vmem>>
    %dma_start3A_56 = arith.constant 0 : i32
    %dma_start3A_57 = tpu.memref_slice %arg5[%dma_start3A_52, %dma_start3A_56] : memref<15x128xi32, #tpu.memory_space<vmem>> -> memref<1x128xi32, #tpu.memory_space<vmem>>
    %dma_start3A_58 = tpu.memref_squeeze %dma_start3A_57 : memref<1x128xi32, #tpu.memory_space<vmem>> -> memref<128xi32, #tpu.memory_space<vmem>>
    %dma_start3A_59 = arith.constant 0 : i32
    %dma_start3A_60 = arith.constant 0 : i32
    %dma_start3A_61 = tpu.memref_slice %arg2[%dma_start3A_59, %dma_start3A_60] : memref<100000x8xf32, #tpu.memory_space<hbm>> -> memref<100000x8xf32, #tpu.memory_space<hbm>>
    tpu.enqueue_indirect_dma source(%dma_start3A_61 : memref<100000x8xf32, #tpu.memory_space<hbm>>) target(%dma_start3A_55 : memref<128x8xf32, #tpu.memory_space<vmem>>) offsets(%dma_start3A_58 : memref<128xi32, #tpu.memory_space<vmem>>) semaphore(%arg7 : memref<!tpu.dma_semaphore, #tpu.memory_space<semaphore_mem>>)
    %dma_start3A_62 = arith.constant 6 : i32
    %dma_start3A_63 = arith.constant 768 : i32
    %dma_start3A_64 = arith.constant 0 : i32
    %dma_start3A_65 = tpu.memref_slice %arg6[%dma_start3A_63, %dma_start3A_64] : memref<1920x8xf32, #tpu.memory_space<vmem>> -> memref<128x8xf32, #tpu.memory_space<vmem>>
    %dma_start3A_66 = arith.constant 0 : i32
    %dma_start3A_67 = tpu.memref_slice %arg5[%dma_start3A_62, %dma_start3A_66] : memref<15x128xi32, #tpu.memory_space<vmem>> -> memref<1x128xi32, #tpu.memory_space<vmem>>
    %dma_start3A_68 = tpu.memref_squeeze %dma_start3A_67 : memref<1x128xi32, #tpu.memory_space<vmem>> -> memref<128xi32, #tpu.memory_space<vmem>>
    %dma_start3A_69 = arith.constant 0 : i32
    %dma_start3A_70 = arith.constant 0 : i32
    %dma_start3A_71 = tpu.memref_slice %arg2[%dma_start3A_69, %dma_start3A_70] : memref<100000x8xf32, #tpu.memory_space<hbm>> -> memref<100000x8xf32, #tpu.memory_space<hbm>>
    tpu.enqueue_indirect_dma source(%dma_start3A_71 : memref<100000x8xf32, #tpu.memory_space<hbm>>) target(%dma_start3A_65 : memref<128x8xf32, #tpu.memory_space<vmem>>) offsets(%dma_start3A_68 : memref<128xi32, #tpu.memory_space<vmem>>) semaphore(%arg7 : memref<!tpu.dma_semaphore, #tpu.memory_space<semaphore_mem>>)
    %dma_start3A_72 = arith.constant 7 : i32
    %dma_start3A_73 = arith.constant 896 : i32
    %dma_start3A_74 = arith.constant 0 : i32
    %dma_start3A_75 = tpu.memref_slice %arg6[%dma_start3A_73, %dma_start3A_74] : memref<1920x8xf32, #tpu.memory_space<vmem>> -> memref<128x8xf32, #tpu.memory_space<vmem>>
    %dma_start3A_76 = arith.constant 0 : i32
    %dma_start3A_77 = tpu.memref_slice %arg5[%dma_start3A_72, %dma_start3A_76] : memref<15x128xi32, #tpu.memory_space<vmem>> -> memref<1x128xi32, #tpu.memory_space<vmem>>
    %dma_start3A_78 = tpu.memref_squeeze %dma_start3A_77 : memref<1x128xi32, #tpu.memory_space<vmem>> -> memref<128xi32, #tpu.memory_space<vmem>>
    %dma_start3A_79 = arith.constant 0 : i32
    %dma_start3A_80 = arith.constant 0 : i32
    %dma_start3A_81 = tpu.memref_slice %arg2[%dma_start3A_79, %dma_start3A_80] : memref<100000x8xf32, #tpu.memory_space<hbm>> -> memref<100000x8xf32, #tpu.memory_space<hbm>>
    tpu.enqueue_indirect_dma source(%dma_start3A_81 : memref<100000x8xf32, #tpu.memory_space<hbm>>) target(%dma_start3A_75 : memref<128x8xf32, #tpu.memory_space<vmem>>) offsets(%dma_start3A_78 : memref<128xi32, #tpu.memory_space<vmem>>) semaphore(%arg7 : memref<!tpu.dma_semaphore, #tpu.memory_space<semaphore_mem>>)
    %dma_start3A_82 = arith.constant 8 : i32
    %dma_start3A_83 = arith.constant 1024 : i32
    %dma_start3A_84 = arith.constant 0 : i32
    %dma_start3A_85 = tpu.memref_slice %arg6[%dma_start3A_83, %dma_start3A_84] : memref<1920x8xf32, #tpu.memory_space<vmem>> -> memref<128x8xf32, #tpu.memory_space<vmem>>
    %dma_start3A_86 = arith.constant 0 : i32
    %dma_start3A_87 = tpu.memref_slice %arg5[%dma_start3A_82, %dma_start3A_86] : memref<15x128xi32, #tpu.memory_space<vmem>> -> memref<1x128xi32, #tpu.memory_space<vmem>>
    %dma_start3A_88 = tpu.memref_squeeze %dma_start3A_87 : memref<1x128xi32, #tpu.memory_space<vmem>> -> memref<128xi32, #tpu.memory_space<vmem>>
    %dma_start3A_89 = arith.constant 0 : i32
    %dma_start3A_90 = arith.constant 0 : i32
    %dma_start3A_91 = tpu.memref_slice %arg2[%dma_start3A_89, %dma_start3A_90] : memref<100000x8xf32, #tpu.memory_space<hbm>> -> memref<100000x8xf32, #tpu.memory_space<hbm>>
    tpu.enqueue_indirect_dma source(%dma_start3A_91 : memref<100000x8xf32, #tpu.memory_space<hbm>>) target(%dma_start3A_85 : memref<128x8xf32, #tpu.memory_space<vmem>>) offsets(%dma_start3A_88 : memref<128xi32, #tpu.memory_space<vmem>>) semaphore(%arg7 : memref<!tpu.dma_semaphore, #tpu.memory_space<semaphore_mem>>)
    %dma_start3A_92 = arith.constant 9 : i32
    %dma_start3A_93 = arith.constant 1152 : i32
    %dma_start3A_94 = arith.constant 0 : i32
    %dma_start3A_95 = tpu.memref_slice %arg6[%dma_start3A_93, %dma_start3A_94] : memref<1920x8xf32, #tpu.memory_space<vmem>> -> memref<128x8xf32, #tpu.memory_space<vmem>>
    %dma_start3A_96 = arith.constant 0 : i32
    %dma_start3A_97 = tpu.memref_slice %arg5[%dma_start3A_92, %dma_start3A_96] : memref<15x128xi32, #tpu.memory_space<vmem>> -> memref<1x128xi32, #tpu.memory_space<vmem>>
    %dma_start3A_98 = tpu.memref_squeeze %dma_start3A_97 : memref<1x128xi32, #tpu.memory_space<vmem>> -> memref<128xi32, #tpu.memory_space<vmem>>
    %dma_start3A_99 = arith.constant 0 : i32
    %dma_start3A_100 = arith.constant 0 : i32
    %dma_start3A_101 = tpu.memref_slice %arg2[%dma_start3A_99, %dma_start3A_100] : memref<100000x8xf32, #tpu.memory_space<hbm>> -> memref<100000x8xf32, #tpu.memory_space<hbm>>
    tpu.enqueue_indirect_dma source(%dma_start3A_101 : memref<100000x8xf32, #tpu.memory_space<hbm>>) target(%dma_start3A_95 : memref<128x8xf32, #tpu.memory_space<vmem>>) offsets(%dma_start3A_98 : memref<128xi32, #tpu.memory_space<vmem>>) semaphore(%arg7 : memref<!tpu.dma_semaphore, #tpu.memory_space<semaphore_mem>>)
    %dma_start3A_102 = arith.constant 10 : i32
    %dma_start3A_103 = arith.constant 1280 : i32
    %dma_start3A_104 = arith.constant 0 : i32
    %dma_start3A_105 = tpu.memref_slice %arg6[%dma_start3A_103, %dma_start3A_104] : memref<1920x8xf32, #tpu.memory_space<vmem>> -> memref<128x8xf32, #tpu.memory_space<vmem>>
    %dma_start3A_106 = arith.constant 0 : i32
    %dma_start3A_107 = tpu.memref_slice %arg5[%dma_start3A_102, %dma_start3A_106] : memref<15x128xi32, #tpu.memory_space<vmem>> -> memref<1x128xi32, #tpu.memory_space<vmem>>
    %dma_start3A_108 = tpu.memref_squeeze %dma_start3A_107 : memref<1x128xi32, #tpu.memory_space<vmem>> -> memref<128xi32, #tpu.memory_space<vmem>>
    %dma_start3A_109 = arith.constant 0 : i32
    %dma_start3A_110 = arith.constant 0 : i32
    %dma_start3A_111 = tpu.memref_slice %arg2[%dma_start3A_109, %dma_start3A_110] : memref<100000x8xf32, #tpu.memory_space<hbm>> -> memref<100000x8xf32, #tpu.memory_space<hbm>>
    tpu.enqueue_indirect_dma source(%dma_start3A_111 : memref<100000x8xf32, #tpu.memory_space<hbm>>) target(%dma_start3A_105 : memref<128x8xf32, #tpu.memory_space<vmem>>) offsets(%dma_start3A_108 : memref<128xi32, #tpu.memory_space<vmem>>) semaphore(%arg7 : memref<!tpu.dma_semaphore, #tpu.memory_space<semaphore_mem>>)
    %dma_start3A_112 = arith.constant 11 : i32
    %dma_start3A_113 = arith.constant 1408 : i32
    %dma_start3A_114 = arith.constant 0 : i32
    %dma_start3A_115 = tpu.memref_slice %arg6[%dma_start3A_113, %dma_start3A_114] : memref<1920x8xf32, #tpu.memory_space<vmem>> -> memref<128x8xf32, #tpu.memory_space<vmem>>
    %dma_start3A_116 = arith.constant 0 : i32
    %dma_start3A_117 = tpu.memref_slice %arg5[%dma_start3A_112, %dma_start3A_116] : memref<15x128xi32, #tpu.memory_space<vmem>> -> memref<1x128xi32, #tpu.memory_space<vmem>>
    %dma_start3A_118 = tpu.memref_squeeze %dma_start3A_117 : memref<1x128xi32, #tpu.memory_space<vmem>> -> memref<128xi32, #tpu.memory_space<vmem>>
    %dma_start3A_119 = arith.constant 0 : i32
    %dma_start3A_120 = arith.constant 0 : i32
    %dma_start3A_121 = tpu.memref_slice %arg2[%dma_start3A_119, %dma_start3A_120] : memref<100000x8xf32, #tpu.memory_space<hbm>> -> memref<100000x8xf32, #tpu.memory_space<hbm>>
    tpu.enqueue_indirect_dma source(%dma_start3A_121 : memref<100000x8xf32, #tpu.memory_space<hbm>>) target(%dma_start3A_115 : memref<128x8xf32, #tpu.memory_space<vmem>>) offsets(%dma_start3A_118 : memref<128xi32, #tpu.memory_space<vmem>>) semaphore(%arg7 : memref<!tpu.dma_semaphore, #tpu.memory_space<semaphore_mem>>)
    %dma_start3A_122 = arith.constant 12 : i32
    %dma_start3A_123 = arith.constant 1536 : i32
    %dma_start3A_124 = arith.constant 0 : i32
    %dma_start3A_125 = tpu.memref_slice %arg6[%dma_start3A_123, %dma_start3A_124] : memref<1920x8xf32, #tpu.memory_space<vmem>> -> memref<128x8xf32, #tpu.memory_space<vmem>>
    %dma_start3A_126 = arith.constant 0 : i32
    %dma_start3A_127 = tpu.memref_slice %arg5[%dma_start3A_122, %dma_start3A_126] : memref<15x128xi32, #tpu.memory_space<vmem>> -> memref<1x128xi32, #tpu.memory_space<vmem>>
    %dma_start3A_128 = tpu.memref_squeeze %dma_start3A_127 : memref<1x128xi32, #tpu.memory_space<vmem>> -> memref<128xi32, #tpu.memory_space<vmem>>
    %dma_start3A_129 = arith.constant 0 : i32
    %dma_start3A_130 = arith.constant 0 : i32
    %dma_start3A_131 = tpu.memref_slice %arg2[%dma_start3A_129, %dma_start3A_130] : memref<100000x8xf32, #tpu.memory_space<hbm>> -> memref<100000x8xf32, #tpu.memory_space<hbm>>
    tpu.enqueue_indirect_dma source(%dma_start3A_131 : memref<100000x8xf32, #tpu.memory_space<hbm>>) target(%dma_start3A_125 : memref<128x8xf32, #tpu.memory_space<vmem>>) offsets(%dma_start3A_128 : memref<128xi32, #tpu.memory_space<vmem>>) semaphore(%arg7 : memref<!tpu.dma_semaphore, #tpu.memory_space<semaphore_mem>>)
    %dma_start3A_132 = arith.constant 13 : i32
    %dma_start3A_133 = arith.constant 1664 : i32
    %dma_start3A_134 = arith.constant 0 : i32
    %dma_start3A_135 = tpu.memref_slice %arg6[%dma_start3A_133, %dma_start3A_134] : memref<1920x8xf32, #tpu.memory_space<vmem>> -> memref<128x8xf32, #tpu.memory_space<vmem>>
    %dma_start3A_136 = arith.constant 0 : i32
    %dma_start3A_137 = tpu.memref_slice %arg5[%dma_start3A_132, %dma_start3A_136] : memref<15x128xi32, #tpu.memory_space<vmem>> -> memref<1x128xi32, #tpu.memory_space<vmem>>
    %dma_start3A_138 = tpu.memref_squeeze %dma_start3A_137 : memref<1x128xi32, #tpu.memory_space<vmem>> -> memref<128xi32, #tpu.memory_space<vmem>>
    %dma_start3A_139 = arith.constant 0 : i32
    %dma_start3A_140 = arith.constant 0 : i32
    %dma_start3A_141 = tpu.memref_slice %arg2[%dma_start3A_139, %dma_start3A_140] : memref<100000x8xf32, #tpu.memory_space<hbm>> -> memref<100000x8xf32, #tpu.memory_space<hbm>>
    tpu.enqueue_indirect_dma source(%dma_start3A_141 : memref<100000x8xf32, #tpu.memory_space<hbm>>) target(%dma_start3A_135 : memref<128x8xf32, #tpu.memory_space<vmem>>) offsets(%dma_start3A_138 : memref<128xi32, #tpu.memory_space<vmem>>) semaphore(%arg7 : memref<!tpu.dma_semaphore, #tpu.memory_space<semaphore_mem>>)
    %dma_start3A_142 = arith.constant 14 : i32
    %dma_start3A_143 = arith.constant 1792 : i32
    %dma_start3A_144 = arith.constant 0 : i32
    %dma_start3A_145 = tpu.memref_slice %arg6[%dma_start3A_143, %dma_start3A_144] : memref<1920x8xf32, #tpu.memory_space<vmem>> -> memref<128x8xf32, #tpu.memory_space<vmem>>
    %dma_start3A_146 = arith.constant 0 : i32
    %dma_start3A_147 = tpu.memref_slice %arg5[%dma_start3A_142, %dma_start3A_146] : memref<15x128xi32, #tpu.memory_space<vmem>> -> memref<1x128xi32, #tpu.memory_space<vmem>>
    %dma_start3A_148 = tpu.memref_squeeze %dma_start3A_147 : memref<1x128xi32, #tpu.memory_space<vmem>> -> memref<128xi32, #tpu.memory_space<vmem>>
    %dma_start3A_149 = arith.constant 0 : i32
    %dma_start3A_150 = arith.constant 0 : i32
    %dma_start3A_151 = tpu.memref_slice %arg2[%dma_start3A_149, %dma_start3A_150] : memref<100000x8xf32, #tpu.memory_space<hbm>> -> memref<100000x8xf32, #tpu.memory_space<hbm>>
    tpu.enqueue_indirect_dma source(%dma_start3A_151 : memref<100000x8xf32, #tpu.memory_space<hbm>>) target(%dma_start3A_145 : memref<128x8xf32, #tpu.memory_space<vmem>>) offsets(%dma_start3A_148 : memref<128xi32, #tpu.memory_space<vmem>>) semaphore(%arg7 : memref<!tpu.dma_semaphore, #tpu.memory_space<semaphore_mem>>)
    %dma_wait3A = arith.constant 0 : i32
    %dma_wait3A_152 = arith.constant 0 : i32
    %dma_wait3A_153 = arith.constant 0 : i32
    %dma_wait3A_154 = tpu.memref_slice %arg6[%dma_wait3A_152, %dma_wait3A_153] : memref<1920x8xf32, #tpu.memory_space<vmem>> -> memref<128x8xf32, #tpu.memory_space<vmem>>
    %dma_wait3A_155 = arith.constant 0 : i32
    %dma_wait3A_156 = tpu.memref_slice %arg5[%dma_wait3A, %dma_wait3A_155] : memref<15x128xi32, #tpu.memory_space<vmem>> -> memref<1x128xi32, #tpu.memory_space<vmem>>
    %dma_wait3A_157 = tpu.memref_squeeze %dma_wait3A_156 : memref<1x128xi32, #tpu.memory_space<vmem>> -> memref<128xi32, #tpu.memory_space<vmem>>
    %dma_wait3A_158 = arith.constant 0 : i32
    %dma_wait3A_159 = arith.constant 0 : i32
    %dma_wait3A_160 = tpu.memref_slice %arg2[%dma_wait3A_158, %dma_wait3A_159] : memref<100000x8xf32, #tpu.memory_space<hbm>> -> memref<100000x8xf32, #tpu.memory_space<hbm>>
    tpu.wait_indirect_dma semaphore(%arg7 : memref<!tpu.dma_semaphore, #tpu.memory_space<semaphore_mem>>) src(%dma_wait3A_160 : memref<100000x8xf32, #tpu.memory_space<hbm>>) dst(%dma_wait3A_154 : memref<128x8xf32, #tpu.memory_space<vmem>>)
    %dma_wait3A_161 = arith.constant 1 : i32
    %dma_wait3A_162 = arith.constant 128 : i32
    %dma_wait3A_163 = arith.constant 0 : i32
    %dma_wait3A_164 = tpu.memref_slice %arg6[%dma_wait3A_162, %dma_wait3A_163] : memref<1920x8xf32, #tpu.memory_space<vmem>> -> memref<128x8xf32, #tpu.memory_space<vmem>>
    %dma_wait3A_165 = arith.constant 0 : i32
    %dma_wait3A_166 = tpu.memref_slice %arg5[%dma_wait3A_161, %dma_wait3A_165] : memref<15x128xi32, #tpu.memory_space<vmem>> -> memref<1x128xi32, #tpu.memory_space<vmem>>
    %dma_wait3A_167 = tpu.memref_squeeze %dma_wait3A_166 : memref<1x128xi32, #tpu.memory_space<vmem>> -> memref<128xi32, #tpu.memory_space<vmem>>
    %dma_wait3A_168 = arith.constant 0 : i32
    %dma_wait3A_169 = arith.constant 0 : i32
    %dma_wait3A_170 = tpu.memref_slice %arg2[%dma_wait3A_168, %dma_wait3A_169] : memref<100000x8xf32, #tpu.memory_space<hbm>> -> memref<100000x8xf32, #tpu.memory_space<hbm>>
    tpu.wait_indirect_dma semaphore(%arg7 : memref<!tpu.dma_semaphore, #tpu.memory_space<semaphore_mem>>) src(%dma_wait3A_170 : memref<100000x8xf32, #tpu.memory_space<hbm>>) dst(%dma_wait3A_164 : memref<128x8xf32, #tpu.memory_space<vmem>>)
    %dma_wait3A_171 = arith.constant 2 : i32
    %dma_wait3A_172 = arith.constant 256 : i32
    %dma_wait3A_173 = arith.constant 0 : i32
    %dma_wait3A_174 = tpu.memref_slice %arg6[%dma_wait3A_172, %dma_wait3A_173] : memref<1920x8xf32, #tpu.memory_space<vmem>> -> memref<128x8xf32, #tpu.memory_space<vmem>>
    %dma_wait3A_175 = arith.constant 0 : i32
    %dma_wait3A_176 = tpu.memref_slice %arg5[%dma_wait3A_171, %dma_wait3A_175] : memref<15x128xi32, #tpu.memory_space<vmem>> -> memref<1x128xi32, #tpu.memory_space<vmem>>
    %dma_wait3A_177 = tpu.memref_squeeze %dma_wait3A_176 : memref<1x128xi32, #tpu.memory_space<vmem>> -> memref<128xi32, #tpu.memory_space<vmem>>
    %dma_wait3A_178 = arith.constant 0 : i32
    %dma_wait3A_179 = arith.constant 0 : i32
    %dma_wait3A_180 = tpu.memref_slice %arg2[%dma_wait3A_178, %dma_wait3A_179] : memref<100000x8xf32, #tpu.memory_space<hbm>> -> memref<100000x8xf32, #tpu.memory_space<hbm>>
    tpu.wait_indirect_dma semaphore(%arg7 : memref<!tpu.dma_semaphore, #tpu.memory_space<semaphore_mem>>) src(%dma_wait3A_180 : memref<100000x8xf32, #tpu.memory_space<hbm>>) dst(%dma_wait3A_174 : memref<128x8xf32, #tpu.memory_space<vmem>>)
    %dma_wait3A_181 = arith.constant 3 : i32
    %dma_wait3A_182 = arith.constant 384 : i32
    %dma_wait3A_183 = arith.constant 0 : i32
    %dma_wait3A_184 = tpu.memref_slice %arg6[%dma_wait3A_182, %dma_wait3A_183] : memref<1920x8xf32, #tpu.memory_space<vmem>> -> memref<128x8xf32, #tpu.memory_space<vmem>>
    %dma_wait3A_185 = arith.constant 0 : i32
    %dma_wait3A_186 = tpu.memref_slice %arg5[%dma_wait3A_181, %dma_wait3A_185] : memref<15x128xi32, #tpu.memory_space<vmem>> -> memref<1x128xi32, #tpu.memory_space<vmem>>
    %dma_wait3A_187 = tpu.memref_squeeze %dma_wait3A_186 : memref<1x128xi32, #tpu.memory_space<vmem>> -> memref<128xi32, #tpu.memory_space<vmem>>
    %dma_wait3A_188 = arith.constant 0 : i32
    %dma_wait3A_189 = arith.constant 0 : i32
    %dma_wait3A_190 = tpu.memref_slice %arg2[%dma_wait3A_188, %dma_wait3A_189] : memref<100000x8xf32, #tpu.memory_space<hbm>> -> memref<100000x8xf32, #tpu.memory_space<hbm>>
    tpu.wait_indirect_dma semaphore(%arg7 : memref<!tpu.dma_semaphore, #tpu.memory_space<semaphore_mem>>) src(%dma_wait3A_190 : memref<100000x8xf32, #tpu.memory_space<hbm>>) dst(%dma_wait3A_184 : memref<128x8xf32, #tpu.memory_space<vmem>>)
    %dma_wait3A_191 = arith.constant 4 : i32
    %dma_wait3A_192 = arith.constant 512 : i32
    %dma_wait3A_193 = arith.constant 0 : i32
    %dma_wait3A_194 = tpu.memref_slice %arg6[%dma_wait3A_192, %dma_wait3A_193] : memref<1920x8xf32, #tpu.memory_space<vmem>> -> memref<128x8xf32, #tpu.memory_space<vmem>>
    %dma_wait3A_195 = arith.constant 0 : i32
    %dma_wait3A_196 = tpu.memref_slice %arg5[%dma_wait3A_191, %dma_wait3A_195] : memref<15x128xi32, #tpu.memory_space<vmem>> -> memref<1x128xi32, #tpu.memory_space<vmem>>
    %dma_wait3A_197 = tpu.memref_squeeze %dma_wait3A_196 : memref<1x128xi32, #tpu.memory_space<vmem>> -> memref<128xi32, #tpu.memory_space<vmem>>
    %dma_wait3A_198 = arith.constant 0 : i32
    %dma_wait3A_199 = arith.constant 0 : i32
    %dma_wait3A_200 = tpu.memref_slice %arg2[%dma_wait3A_198, %dma_wait3A_199] : memref<100000x8xf32, #tpu.memory_space<hbm>> -> memref<100000x8xf32, #tpu.memory_space<hbm>>
    tpu.wait_indirect_dma semaphore(%arg7 : memref<!tpu.dma_semaphore, #tpu.memory_space<semaphore_mem>>) src(%dma_wait3A_200 : memref<100000x8xf32, #tpu.memory_space<hbm>>) dst(%dma_wait3A_194 : memref<128x8xf32, #tpu.memory_space<vmem>>)
    %dma_wait3A_201 = arith.constant 5 : i32
    %dma_wait3A_202 = arith.constant 640 : i32
    %dma_wait3A_203 = arith.constant 0 : i32
    %dma_wait3A_204 = tpu.memref_slice %arg6[%dma_wait3A_202, %dma_wait3A_203] : memref<1920x8xf32, #tpu.memory_space<vmem>> -> memref<128x8xf32, #tpu.memory_space<vmem>>
    %dma_wait3A_205 = arith.constant 0 : i32
    %dma_wait3A_206 = tpu.memref_slice %arg5[%dma_wait3A_201, %dma_wait3A_205] : memref<15x128xi32, #tpu.memory_space<vmem>> -> memref<1x128xi32, #tpu.memory_space<vmem>>
    %dma_wait3A_207 = tpu.memref_squeeze %dma_wait3A_206 : memref<1x128xi32, #tpu.memory_space<vmem>> -> memref<128xi32, #tpu.memory_space<vmem>>
    %dma_wait3A_208 = arith.constant 0 : i32
    %dma_wait3A_209 = arith.constant 0 : i32
    %dma_wait3A_210 = tpu.memref_slice %arg2[%dma_wait3A_208, %dma_wait3A_209] : memref<100000x8xf32, #tpu.memory_space<hbm>> -> memref<100000x8xf32, #tpu.memory_space<hbm>>
    tpu.wait_indirect_dma semaphore(%arg7 : memref<!tpu.dma_semaphore, #tpu.memory_space<semaphore_mem>>) src(%dma_wait3A_210 : memref<100000x8xf32, #tpu.memory_space<hbm>>) dst(%dma_wait3A_204 : memref<128x8xf32, #tpu.memory_space<vmem>>)
    %dma_wait3A_211 = arith.constant 6 : i32
    %dma_wait3A_212 = arith.constant 768 : i32
    %dma_wait3A_213 = arith.constant 0 : i32
    %dma_wait3A_214 = tpu.memref_slice %arg6[%dma_wait3A_212, %dma_wait3A_213] : memref<1920x8xf32, #tpu.memory_space<vmem>> -> memref<128x8xf32, #tpu.memory_space<vmem>>
    %dma_wait3A_215 = arith.constant 0 : i32
    %dma_wait3A_216 = tpu.memref_slice %arg5[%dma_wait3A_211, %dma_wait3A_215] : memref<15x128xi32, #tpu.memory_space<vmem>> -> memref<1x128xi32, #tpu.memory_space<vmem>>
    %dma_wait3A_217 = tpu.memref_squeeze %dma_wait3A_216 : memref<1x128xi32, #tpu.memory_space<vmem>> -> memref<128xi32, #tpu.memory_space<vmem>>
    %dma_wait3A_218 = arith.constant 0 : i32
    %dma_wait3A_219 = arith.constant 0 : i32
    %dma_wait3A_220 = tpu.memref_slice %arg2[%dma_wait3A_218, %dma_wait3A_219] : memref<100000x8xf32, #tpu.memory_space<hbm>> -> memref<100000x8xf32, #tpu.memory_space<hbm>>
    tpu.wait_indirect_dma semaphore(%arg7 : memref<!tpu.dma_semaphore, #tpu.memory_space<semaphore_mem>>) src(%dma_wait3A_220 : memref<100000x8xf32, #tpu.memory_space<hbm>>) dst(%dma_wait3A_214 : memref<128x8xf32, #tpu.memory_space<vmem>>)
    %dma_wait3A_221 = arith.constant 7 : i32
    %dma_wait3A_222 = arith.constant 896 : i32
    %dma_wait3A_223 = arith.constant 0 : i32
    %dma_wait3A_224 = tpu.memref_slice %arg6[%dma_wait3A_222, %dma_wait3A_223] : memref<1920x8xf32, #tpu.memory_space<vmem>> -> memref<128x8xf32, #tpu.memory_space<vmem>>
    %dma_wait3A_225 = arith.constant 0 : i32
    %dma_wait3A_226 = tpu.memref_slice %arg5[%dma_wait3A_221, %dma_wait3A_225] : memref<15x128xi32, #tpu.memory_space<vmem>> -> memref<1x128xi32, #tpu.memory_space<vmem>>
    %dma_wait3A_227 = tpu.memref_squeeze %dma_wait3A_226 : memref<1x128xi32, #tpu.memory_space<vmem>> -> memref<128xi32, #tpu.memory_space<vmem>>
    %dma_wait3A_228 = arith.constant 0 : i32
    %dma_wait3A_229 = arith.constant 0 : i32
    %dma_wait3A_230 = tpu.memref_slice %arg2[%dma_wait3A_228, %dma_wait3A_229] : memref<100000x8xf32, #tpu.memory_space<hbm>> -> memref<100000x8xf32, #tpu.memory_space<hbm>>
    tpu.wait_indirect_dma semaphore(%arg7 : memref<!tpu.dma_semaphore, #tpu.memory_space<semaphore_mem>>) src(%dma_wait3A_230 : memref<100000x8xf32, #tpu.memory_space<hbm>>) dst(%dma_wait3A_224 : memref<128x8xf32, #tpu.memory_space<vmem>>)
    %dma_wait3A_231 = arith.constant 8 : i32
    %dma_wait3A_232 = arith.constant 1024 : i32
    %dma_wait3A_233 = arith.constant 0 : i32
    %dma_wait3A_234 = tpu.memref_slice %arg6[%dma_wait3A_232, %dma_wait3A_233] : memref<1920x8xf32, #tpu.memory_space<vmem>> -> memref<128x8xf32, #tpu.memory_space<vmem>>
    %dma_wait3A_235 = arith.constant 0 : i32
    %dma_wait3A_236 = tpu.memref_slice %arg5[%dma_wait3A_231, %dma_wait3A_235] : memref<15x128xi32, #tpu.memory_space<vmem>> -> memref<1x128xi32, #tpu.memory_space<vmem>>
    %dma_wait3A_237 = tpu.memref_squeeze %dma_wait3A_236 : memref<1x128xi32, #tpu.memory_space<vmem>> -> memref<128xi32, #tpu.memory_space<vmem>>
    %dma_wait3A_238 = arith.constant 0 : i32
    %dma_wait3A_239 = arith.constant 0 : i32
    %dma_wait3A_240 = tpu.memref_slice %arg2[%dma_wait3A_238, %dma_wait3A_239] : memref<100000x8xf32, #tpu.memory_space<hbm>> -> memref<100000x8xf32, #tpu.memory_space<hbm>>
    tpu.wait_indirect_dma semaphore(%arg7 : memref<!tpu.dma_semaphore, #tpu.memory_space<semaphore_mem>>) src(%dma_wait3A_240 : memref<100000x8xf32, #tpu.memory_space<hbm>>) dst(%dma_wait3A_234 : memref<128x8xf32, #tpu.memory_space<vmem>>)
    %dma_wait3A_241 = arith.constant 9 : i32
    %dma_wait3A_242 = arith.constant 1152 : i32
    %dma_wait3A_243 = arith.constant 0 : i32
    %dma_wait3A_244 = tpu.memref_slice %arg6[%dma_wait3A_242, %dma_wait3A_243] : memref<1920x8xf32, #tpu.memory_space<vmem>> -> memref<128x8xf32, #tpu.memory_space<vmem>>
    %dma_wait3A_245 = arith.constant 0 : i32
    %dma_wait3A_246 = tpu.memref_slice %arg5[%dma_wait3A_241, %dma_wait3A_245] : memref<15x128xi32, #tpu.memory_space<vmem>> -> memref<1x128xi32, #tpu.memory_space<vmem>>
    %dma_wait3A_247 = tpu.memref_squeeze %dma_wait3A_246 : memref<1x128xi32, #tpu.memory_space<vmem>> -> memref<128xi32, #tpu.memory_space<vmem>>
    %dma_wait3A_248 = arith.constant 0 : i32
    %dma_wait3A_249 = arith.constant 0 : i32
    %dma_wait3A_250 = tpu.memref_slice %arg2[%dma_wait3A_248, %dma_wait3A_249] : memref<100000x8xf32, #tpu.memory_space<hbm>> -> memref<100000x8xf32, #tpu.memory_space<hbm>>
    tpu.wait_indirect_dma semaphore(%arg7 : memref<!tpu.dma_semaphore, #tpu.memory_space<semaphore_mem>>) src(%dma_wait3A_250 : memref<100000x8xf32, #tpu.memory_space<hbm>>) dst(%dma_wait3A_244 : memref<128x8xf32, #tpu.memory_space<vmem>>)
    %dma_wait3A_251 = arith.constant 10 : i32
    %dma_wait3A_252 = arith.constant 1280 : i32
    %dma_wait3A_253 = arith.constant 0 : i32
    %dma_wait3A_254 = tpu.memref_slice %arg6[%dma_wait3A_252, %dma_wait3A_253] : memref<1920x8xf32, #tpu.memory_space<vmem>> -> memref<128x8xf32, #tpu.memory_space<vmem>>
    %dma_wait3A_255 = arith.constant 0 : i32
    %dma_wait3A_256 = tpu.memref_slice %arg5[%dma_wait3A_251, %dma_wait3A_255] : memref<15x128xi32, #tpu.memory_space<vmem>> -> memref<1x128xi32, #tpu.memory_space<vmem>>
    %dma_wait3A_257 = tpu.memref_squeeze %dma_wait3A_256 : memref<1x128xi32, #tpu.memory_space<vmem>> -> memref<128xi32, #tpu.memory_space<vmem>>
    %dma_wait3A_258 = arith.constant 0 : i32
    %dma_wait3A_259 = arith.constant 0 : i32
    %dma_wait3A_260 = tpu.memref_slice %arg2[%dma_wait3A_258, %dma_wait3A_259] : memref<100000x8xf32, #tpu.memory_space<hbm>> -> memref<100000x8xf32, #tpu.memory_space<hbm>>
    tpu.wait_indirect_dma semaphore(%arg7 : memref<!tpu.dma_semaphore, #tpu.memory_space<semaphore_mem>>) src(%dma_wait3A_260 : memref<100000x8xf32, #tpu.memory_space<hbm>>) dst(%dma_wait3A_254 : memref<128x8xf32, #tpu.memory_space<vmem>>)
    %dma_wait3A_261 = arith.constant 11 : i32
    %dma_wait3A_262 = arith.constant 1408 : i32
    %dma_wait3A_263 = arith.constant 0 : i32
    %dma_wait3A_264 = tpu.memref_slice %arg6[%dma_wait3A_262, %dma_wait3A_263] : memref<1920x8xf32, #tpu.memory_space<vmem>> -> memref<128x8xf32, #tpu.memory_space<vmem>>
    %dma_wait3A_265 = arith.constant 0 : i32
    %dma_wait3A_266 = tpu.memref_slice %arg5[%dma_wait3A_261, %dma_wait3A_265] : memref<15x128xi32, #tpu.memory_space<vmem>> -> memref<1x128xi32, #tpu.memory_space<vmem>>
    %dma_wait3A_267 = tpu.memref_squeeze %dma_wait3A_266 : memref<1x128xi32, #tpu.memory_space<vmem>> -> memref<128xi32, #tpu.memory_space<vmem>>
    %dma_wait3A_268 = arith.constant 0 : i32
    %dma_wait3A_269 = arith.constant 0 : i32
    %dma_wait3A_270 = tpu.memref_slice %arg2[%dma_wait3A_268, %dma_wait3A_269] : memref<100000x8xf32, #tpu.memory_space<hbm>> -> memref<100000x8xf32, #tpu.memory_space<hbm>>
    tpu.wait_indirect_dma semaphore(%arg7 : memref<!tpu.dma_semaphore, #tpu.memory_space<semaphore_mem>>) src(%dma_wait3A_270 : memref<100000x8xf32, #tpu.memory_space<hbm>>) dst(%dma_wait3A_264 : memref<128x8xf32, #tpu.memory_space<vmem>>)
    %dma_wait3A_271 = arith.constant 12 : i32
    %dma_wait3A_272 = arith.constant 1536 : i32
    %dma_wait3A_273 = arith.constant 0 : i32
    %dma_wait3A_274 = tpu.memref_slice %arg6[%dma_wait3A_272, %dma_wait3A_273] : memref<1920x8xf32, #tpu.memory_space<vmem>> -> memref<128x8xf32, #tpu.memory_space<vmem>>
    %dma_wait3A_275 = arith.constant 0 : i32
    %dma_wait3A_276 = tpu.memref_slice %arg5[%dma_wait3A_271, %dma_wait3A_275] : memref<15x128xi32, #tpu.memory_space<vmem>> -> memref<1x128xi32, #tpu.memory_space<vmem>>
    %dma_wait3A_277 = tpu.memref_squeeze %dma_wait3A_276 : memref<1x128xi32, #tpu.memory_space<vmem>> -> memref<128xi32, #tpu.memory_space<vmem>>
    %dma_wait3A_278 = arith.constant 0 : i32
    %dma_wait3A_279 = arith.constant 0 : i32
    %dma_wait3A_280 = tpu.memref_slice %arg2[%dma_wait3A_278, %dma_wait3A_279] : memref<100000x8xf32, #tpu.memory_space<hbm>> -> memref<100000x8xf32, #tpu.memory_space<hbm>>
    tpu.wait_indirect_dma semaphore(%arg7 : memref<!tpu.dma_semaphore, #tpu.memory_space<semaphore_mem>>) src(%dma_wait3A_280 : memref<100000x8xf32, #tpu.memory_space<hbm>>) dst(%dma_wait3A_274 : memref<128x8xf32, #tpu.memory_space<vmem>>)
    %dma_wait3A_281 = arith.constant 13 : i32
    %dma_wait3A_282 = arith.constant 1664 : i32
    %dma_wait3A_283 = arith.constant 0 : i32
    %dma_wait3A_284 = tpu.memref_slice %arg6[%dma_wait3A_282, %dma_wait3A_283] : memref<1920x8xf32, #tpu.memory_space<vmem>> -> memref<128x8xf32, #tpu.memory_space<vmem>>
    %dma_wait3A_285 = arith.constant 0 : i32
    %dma_wait3A_286 = tpu.memref_slice %arg5[%dma_wait3A_281, %dma_wait3A_285] : memref<15x128xi32, #tpu.memory_space<vmem>> -> memref<1x128xi32, #tpu.memory_space<vmem>>
    %dma_wait3A_287 = tpu.memref_squeeze %dma_wait3A_286 : memref<1x128xi32, #tpu.memory_space<vmem>> -> memref<128xi32, #tpu.memory_space<vmem>>
    %dma_wait3A_288 = arith.constant 0 : i32
    %dma_wait3A_289 = arith.constant 0 : i32
    %dma_wait3A_290 = tpu.memref_slice %arg2[%dma_wait3A_288, %dma_wait3A_289] : memref<100000x8xf32, #tpu.memory_space<hbm>> -> memref<100000x8xf32, #tpu.memory_space<hbm>>
    tpu.wait_indirect_dma semaphore(%arg7 : memref<!tpu.dma_semaphore, #tpu.memory_space<semaphore_mem>>) src(%dma_wait3A_290 : memref<100000x8xf32, #tpu.memory_space<hbm>>) dst(%dma_wait3A_284 : memref<128x8xf32, #tpu.memory_space<vmem>>)
    %dma_wait3A_291 = arith.constant 14 : i32
    %dma_wait3A_292 = arith.constant 1792 : i32
    %dma_wait3A_293 = arith.constant 0 : i32
    %dma_wait3A_294 = tpu.memref_slice %arg6[%dma_wait3A_292, %dma_wait3A_293] : memref<1920x8xf32, #tpu.memory_space<vmem>> -> memref<128x8xf32, #tpu.memory_space<vmem>>
    %dma_wait3A_295 = arith.constant 0 : i32
    %dma_wait3A_296 = tpu.memref_slice %arg5[%dma_wait3A_291, %dma_wait3A_295] : memref<15x128xi32, #tpu.memory_space<vmem>> -> memref<1x128xi32, #tpu.memory_space<vmem>>
    %dma_wait3A_297 = tpu.memref_squeeze %dma_wait3A_296 : memref<1x128xi32, #tpu.memory_space<vmem>> -> memref<128xi32, #tpu.memory_space<vmem>>
    %dma_wait3A_298 = arith.constant 0 : i32
    %dma_wait3A_299 = arith.constant 0 : i32
    %dma_wait3A_300 = tpu.memref_slice %arg2[%dma_wait3A_298, %dma_wait3A_299] : memref<100000x8xf32, #tpu.memory_space<hbm>> -> memref<100000x8xf32, #tpu.memory_space<hbm>>
    tpu.wait_indirect_dma semaphore(%arg7 : memref<!tpu.dma_semaphore, #tpu.memory_space<semaphore_mem>>) src(%dma_wait3A_300 : memref<100000x8xf32, #tpu.memory_space<hbm>>) dst(%dma_wait3A_294 : memref<128x8xf32, #tpu.memory_space<vmem>>)
    %mul3A_301 = arith.constant 1920 : i32
    %mul3A_302 = arith.muli %add3A, %mul3A_301 : i32
    "tpu.region"() ({
      %run_scoped3A = tpu.sem_alloc : memref<!tpu.dma_semaphore, #tpu.memory_space<semaphore_mem>>
      %dma_start3A_303 = arith.constant 0 : i32
      %dma_start3A_304 = tpu.memref_slice %arg4[%mul3A_302, %dma_start3A_303] : memref<61440x8xf32, #tpu.memory_space<hbm>> -> memref<1920x8xf32, #tpu.memory_space<hbm>>
      %dma_start3A_305 = arith.constant 0 : i32
      %dma_start3A_306 = tpu.memref_slice %arg4[%mul3A_302, %dma_start3A_305] : memref<61440x8xf32, #tpu.memory_space<hbm>> -> memref<1920x8xf32, #tpu.memory_space<hbm>>
      tpu.enqueue_dma source(%arg6 : memref<1920x8xf32, #tpu.memory_space<vmem>>) target(%dma_start3A_306 : memref<1920x8xf32, #tpu.memory_space<hbm>>) target_semaphore(%run_scoped3A : memref<!tpu.dma_semaphore, #tpu.memory_space<semaphore_mem>>)
      %dma_wait3A_307 = arith.constant 0 : i32
      %dma_wait3A_308 = tpu.memref_slice %arg4[%mul3A_302, %dma_wait3A_307] : memref<61440x8xf32, #tpu.memory_space<hbm>> -> memref<1920x8xf32, #tpu.memory_space<hbm>>
      %dma_wait3A_309 = arith.constant 0 : i32
      %dma_wait3A_310 = tpu.memref_slice %arg4[%mul3A_302, %dma_wait3A_309] : memref<61440x8xf32, #tpu.memory_space<hbm>> -> memref<1920x8xf32, #tpu.memory_space<hbm>>
      tpu.wait_dma2 semaphore(%run_scoped3A : memref<!tpu.dma_semaphore, #tpu.memory_space<semaphore_mem>>) src(%arg6 : memref<1920x8xf32, #tpu.memory_space<vmem>>) dst(%dma_wait3A_310 : memref<1920x8xf32, #tpu.memory_space<hbm>>)
      tpu.yield
    }) : () -> ()
    return
  }
}

#map = affine_map<(d0, d1) -> (0, 0)>
#map1 = affine_map<(d0, d1) -> (0, 0, 0)>
module attributes {stable_mosaic.version = 14 : i64} {
  func.func @k(%arg0: i32, %arg1: i32, %arg2: memref<100000x8xf32, #tpu.memory_space<hbm>>, %arg3: memref<100000x8xf32, #tpu.memory_space<hbm>>, %arg4: memref<2x3200000xi32, #tpu.memory_space<hbm>>, %arg5: memref<2x100000x8xf32, #tpu.memory_space<hbm>>, %arg6: memref<2048xi32, #tpu.memory_space<vmem>>, %arg7: memref<2048xi32, #tpu.memory_space<vmem>>, %arg8: memref<2048x8xf32, #tpu.memory_space<vmem>>, %arg9: memref<100000x8xf32, #tpu.memory_space<vmem_shared>>, %arg10: memref<!tpu.dma_semaphore, #tpu.memory_space<semaphore_mem>>, %arg11: memref<!tpu.dma_semaphore, #tpu.memory_space<semaphore_mem>>) attributes {dimension_semantics = [#tpu.dimension_semantics<core_parallel>, #tpu.dimension_semantics<subcore_parallel>], iteration_bounds = array<i64: 2, 16>, scalar_prefetch = 0 : i64, scratch_operands = 6 : i64, tpu.core_type = #tpu.core_type<sc_vector_subcore>, window_params = [{transform_indices = #map}, {transform_indices = #map}, {transform_indices = #map}, {transform_indices = #map1}]} {
    %mul3A = arith.constant 16 : i32
    %mul3A_0 = arith.muli %arg0, %mul3A : i32
    %add3A = arith.addi %mul3A_0, %arg1 : i32
    %mul3A_1 = arith.constant 6250 : i32
    %mul3A_2 = arith.muli %arg1, %mul3A_1 : i32
    %mul3A_3 = arith.constant 6250 : i32
    %mul3A_4 = arith.muli %arg1, %mul3A_3 : i32
    "tpu.region"() ({
      %run_scoped3A = tpu.sem_alloc : memref<!tpu.dma_semaphore, #tpu.memory_space<semaphore_mem>>
      %dma_start3A = arith.constant 0 : i32
      %dma_start3A_27 = tpu.memref_slice %arg9[%mul3A_4, %dma_start3A] : memref<100000x8xf32, #tpu.memory_space<vmem_shared>> -> memref<6250x8xf32, #tpu.memory_space<vmem_shared>>
      %dma_start3A_28 = arith.constant 0 : i32
      %dma_start3A_29 = tpu.memref_slice %arg3[%mul3A_2, %dma_start3A_28] : memref<100000x8xf32, #tpu.memory_space<hbm>> -> memref<6250x8xf32, #tpu.memory_space<hbm>>
      tpu.enqueue_dma source(%dma_start3A_29 : memref<6250x8xf32, #tpu.memory_space<hbm>>) target(%dma_start3A_27 : memref<6250x8xf32, #tpu.memory_space<vmem_shared>>) target_semaphore(%run_scoped3A : memref<!tpu.dma_semaphore, #tpu.memory_space<semaphore_mem>>)
      %dma_wait3A = arith.constant 0 : i32
      %dma_wait3A_30 = tpu.memref_slice %arg9[%mul3A_4, %dma_wait3A] : memref<100000x8xf32, #tpu.memory_space<vmem_shared>> -> memref<6250x8xf32, #tpu.memory_space<vmem_shared>>
      %dma_wait3A_31 = arith.constant 0 : i32
      %dma_wait3A_32 = tpu.memref_slice %arg3[%mul3A_2, %dma_wait3A_31] : memref<100000x8xf32, #tpu.memory_space<hbm>> -> memref<6250x8xf32, #tpu.memory_space<hbm>>
      tpu.wait_dma2 semaphore(%run_scoped3A : memref<!tpu.dma_semaphore, #tpu.memory_space<semaphore_mem>>) src(%dma_wait3A_32 : memref<6250x8xf32, #tpu.memory_space<hbm>>) dst(%dma_wait3A_30 : memref<6250x8xf32, #tpu.memory_space<vmem_shared>>)
      tpu.yield
    }) : () -> ()
    %barrier3A = arith.constant 0 : index
    tpu.barrier barrier_id(%barrier3A)
    %mul3A_5 = arith.constant 48 : i32
    %mul3A_6 = arith.muli %add3A, %mul3A_5 : i32
    %min3A = arith.constant 26 : i32
    %min3A_7 = arith.minsi %add3A, %min3A : i32
    %add3A_8 = arith.addi %mul3A_6, %min3A_7 : i32
    %lt3A = arith.constant 26 : i32
    %lt3A_9 = arith.cmpi slt, %add3A, %lt3A : i32
    %jit3A = arith.constant 1 : i32
    %jit3A_10 = arith.constant 0 : i32
    %select_n3A = arith.select %lt3A_9, %jit3A, %jit3A_10 : i32
    %add3A_11 = arith.constant 48 : i32
    %add3A_12 = arith.addi %add3A_11, %select_n3A : i32
    %while3A = arith.constant 0 : i32
    %while3A_13 = arith.constant 0 : i32
    %while3A_14 = arith.subi %add3A_12, %while3A_13 : i32
    %while3A_15 = arith.addi %while3A_13, %while3A_14 : i32
    %while3A_16 = arith.constant 1 : i32
    %while3A_17 = arith.divsi %while3A_14, %while3A_16 : i32
    %while3A_18 = arith.muli %while3A_17, %while3A_16 : i32
    %while3A_19 = arith.addi %while3A_13, %while3A_18 : i32
    %while3A_20 = arith.constant 1 : i32
    scf.for %while3A_27 = %while3A_13 to %while3A_19 step %while3A_20  : i32 {
      %add3A_28 = arith.addi %add3A_8, %while3A_27 : i32
      %mul3A_29 = arith.constant 16 : i32
      %mul3A_30 = arith.muli %add3A_28, %mul3A_29 : i32
      %mul3A_31 = arith.constant 128 : i32
      %mul3A_32 = arith.muli %mul3A_30, %mul3A_31 : i32
      %run_scoped3A = arith.constant 0 : i32
      "tpu.region"() ({
        %run_scoped3A_544 = tpu.sem_alloc : memref<!tpu.dma_semaphore, #tpu.memory_space<semaphore_mem>>
        %dma_start3A_545 = tpu.memref_slice %arg4[%run_scoped3A, %mul3A_32] : memref<2x3200000xi32, #tpu.memory_space<hbm>> -> memref<1x2048xi32, #tpu.memory_space<hbm>>
        %dma_start3A_546 = tpu.memref_squeeze %dma_start3A_545 : memref<1x2048xi32, #tpu.memory_space<hbm>> -> memref<2048xi32, #tpu.memory_space<hbm>>
        %dma_start3A_547 = tpu.memref_slice %arg4[%run_scoped3A, %mul3A_32] : memref<2x3200000xi32, #tpu.memory_space<hbm>> -> memref<1x2048xi32, #tpu.memory_space<hbm>>
        %dma_start3A_548 = tpu.memref_squeeze %dma_start3A_547 : memref<1x2048xi32, #tpu.memory_space<hbm>> -> memref<2048xi32, #tpu.memory_space<hbm>>
        tpu.enqueue_dma source(%dma_start3A_548 : memref<2048xi32, #tpu.memory_space<hbm>>) target(%arg6 : memref<2048xi32, #tpu.memory_space<vmem>>) target_semaphore(%run_scoped3A_544 : memref<!tpu.dma_semaphore, #tpu.memory_space<semaphore_mem>>)
        %dma_wait3A_549 = tpu.memref_slice %arg4[%run_scoped3A, %mul3A_32] : memref<2x3200000xi32, #tpu.memory_space<hbm>> -> memref<1x2048xi32, #tpu.memory_space<hbm>>
        %dma_wait3A_550 = tpu.memref_squeeze %dma_wait3A_549 : memref<1x2048xi32, #tpu.memory_space<hbm>> -> memref<2048xi32, #tpu.memory_space<hbm>>
        %dma_wait3A_551 = tpu.memref_slice %arg4[%run_scoped3A, %mul3A_32] : memref<2x3200000xi32, #tpu.memory_space<hbm>> -> memref<1x2048xi32, #tpu.memory_space<hbm>>
        %dma_wait3A_552 = tpu.memref_squeeze %dma_wait3A_551 : memref<1x2048xi32, #tpu.memory_space<hbm>> -> memref<2048xi32, #tpu.memory_space<hbm>>
        tpu.wait_dma2 semaphore(%run_scoped3A_544 : memref<!tpu.dma_semaphore, #tpu.memory_space<semaphore_mem>>) src(%dma_wait3A_552 : memref<2048xi32, #tpu.memory_space<hbm>>) dst(%arg6 : memref<2048xi32, #tpu.memory_space<vmem>>)
        tpu.yield
      }) : () -> ()
      %run_scoped3A_33 = arith.constant 1 : i32
      "tpu.region"() ({
        %run_scoped3A_544 = tpu.sem_alloc : memref<!tpu.dma_semaphore, #tpu.memory_space<semaphore_mem>>
        %dma_start3A_545 = tpu.memref_slice %arg4[%run_scoped3A_33, %mul3A_32] : memref<2x3200000xi32, #tpu.memory_space<hbm>> -> memref<1x2048xi32, #tpu.memory_space<hbm>>
        %dma_start3A_546 = tpu.memref_squeeze %dma_start3A_545 : memref<1x2048xi32, #tpu.memory_space<hbm>> -> memref<2048xi32, #tpu.memory_space<hbm>>
        %dma_start3A_547 = tpu.memref_slice %arg4[%run_scoped3A_33, %mul3A_32] : memref<2x3200000xi32, #tpu.memory_space<hbm>> -> memref<1x2048xi32, #tpu.memory_space<hbm>>
        %dma_start3A_548 = tpu.memref_squeeze %dma_start3A_547 : memref<1x2048xi32, #tpu.memory_space<hbm>> -> memref<2048xi32, #tpu.memory_space<hbm>>
        tpu.enqueue_dma source(%dma_start3A_548 : memref<2048xi32, #tpu.memory_space<hbm>>) target(%arg7 : memref<2048xi32, #tpu.memory_space<vmem>>) target_semaphore(%run_scoped3A_544 : memref<!tpu.dma_semaphore, #tpu.memory_space<semaphore_mem>>)
        %dma_wait3A_549 = tpu.memref_slice %arg4[%run_scoped3A_33, %mul3A_32] : memref<2x3200000xi32, #tpu.memory_space<hbm>> -> memref<1x2048xi32, #tpu.memory_space<hbm>>
        %dma_wait3A_550 = tpu.memref_squeeze %dma_wait3A_549 : memref<1x2048xi32, #tpu.memory_space<hbm>> -> memref<2048xi32, #tpu.memory_space<hbm>>
        %dma_wait3A_551 = tpu.memref_slice %arg4[%run_scoped3A_33, %mul3A_32] : memref<2x3200000xi32, #tpu.memory_space<hbm>> -> memref<1x2048xi32, #tpu.memory_space<hbm>>
        %dma_wait3A_552 = tpu.memref_squeeze %dma_wait3A_551 : memref<1x2048xi32, #tpu.memory_space<hbm>> -> memref<2048xi32, #tpu.memory_space<hbm>>
        tpu.wait_dma2 semaphore(%run_scoped3A_544 : memref<!tpu.dma_semaphore, #tpu.memory_space<semaphore_mem>>) src(%dma_wait3A_552 : memref<2048xi32, #tpu.memory_space<hbm>>) dst(%arg7 : memref<2048xi32, #tpu.memory_space<vmem>>)
        tpu.yield
      }) : () -> ()
      %dma_start3A = arith.constant 0 : i32
      %dma_start3A_34 = arith.constant 0 : i32
      %dma_start3A_35 = tpu.memref_slice %arg8[%dma_start3A, %dma_start3A_34] : memref<2048x8xf32, #tpu.memory_space<vmem>> -> memref<128x8xf32, #tpu.memory_space<vmem>>
      %dma_start3A_36 = arith.constant 0 : i32
      %dma_start3A_37 = tpu.memref_slice %arg6[%dma_start3A_36] : memref<2048xi32, #tpu.memory_space<vmem>> -> memref<128xi32, #tpu.memory_space<vmem>>
      %dma_start3A_38 = arith.constant 0 : i32
      %dma_start3A_39 = arith.constant 0 : i32
      %dma_start3A_40 = tpu.memref_slice %arg2[%dma_start3A_38, %dma_start3A_39] : memref<100000x8xf32, #tpu.memory_space<hbm>> -> memref<100000x8xf32, #tpu.memory_space<hbm>>
      tpu.enqueue_indirect_dma source(%dma_start3A_40 : memref<100000x8xf32, #tpu.memory_space<hbm>>) target(%dma_start3A_35 : memref<128x8xf32, #tpu.memory_space<vmem>>) offsets(%dma_start3A_37 : memref<128xi32, #tpu.memory_space<vmem>>) semaphore(%arg10 : memref<!tpu.dma_semaphore, #tpu.memory_space<semaphore_mem>>)
      %dma_start3A_41 = arith.constant 128 : i32
      %dma_start3A_42 = arith.constant 0 : i32
      %dma_start3A_43 = tpu.memref_slice %arg8[%dma_start3A_41, %dma_start3A_42] : memref<2048x8xf32, #tpu.memory_space<vmem>> -> memref<128x8xf32, #tpu.memory_space<vmem>>
      %dma_start3A_44 = arith.constant 128 : i32
      %dma_start3A_45 = tpu.memref_slice %arg6[%dma_start3A_44] : memref<2048xi32, #tpu.memory_space<vmem>> -> memref<128xi32, #tpu.memory_space<vmem>>
      %dma_start3A_46 = arith.constant 0 : i32
      %dma_start3A_47 = arith.constant 0 : i32
      %dma_start3A_48 = tpu.memref_slice %arg2[%dma_start3A_46, %dma_start3A_47] : memref<100000x8xf32, #tpu.memory_space<hbm>> -> memref<100000x8xf32, #tpu.memory_space<hbm>>
      tpu.enqueue_indirect_dma source(%dma_start3A_48 : memref<100000x8xf32, #tpu.memory_space<hbm>>) target(%dma_start3A_43 : memref<128x8xf32, #tpu.memory_space<vmem>>) offsets(%dma_start3A_45 : memref<128xi32, #tpu.memory_space<vmem>>) semaphore(%arg10 : memref<!tpu.dma_semaphore, #tpu.memory_space<semaphore_mem>>)
      %dma_start3A_49 = arith.constant 256 : i32
      %dma_start3A_50 = arith.constant 0 : i32
      %dma_start3A_51 = tpu.memref_slice %arg8[%dma_start3A_49, %dma_start3A_50] : memref<2048x8xf32, #tpu.memory_space<vmem>> -> memref<128x8xf32, #tpu.memory_space<vmem>>
      %dma_start3A_52 = arith.constant 256 : i32
      %dma_start3A_53 = tpu.memref_slice %arg6[%dma_start3A_52] : memref<2048xi32, #tpu.memory_space<vmem>> -> memref<128xi32, #tpu.memory_space<vmem>>
      %dma_start3A_54 = arith.constant 0 : i32
      %dma_start3A_55 = arith.constant 0 : i32
      %dma_start3A_56 = tpu.memref_slice %arg2[%dma_start3A_54, %dma_start3A_55] : memref<100000x8xf32, #tpu.memory_space<hbm>> -> memref<100000x8xf32, #tpu.memory_space<hbm>>
      tpu.enqueue_indirect_dma source(%dma_start3A_56 : memref<100000x8xf32, #tpu.memory_space<hbm>>) target(%dma_start3A_51 : memref<128x8xf32, #tpu.memory_space<vmem>>) offsets(%dma_start3A_53 : memref<128xi32, #tpu.memory_space<vmem>>) semaphore(%arg10 : memref<!tpu.dma_semaphore, #tpu.memory_space<semaphore_mem>>)
      %dma_start3A_57 = arith.constant 384 : i32
      %dma_start3A_58 = arith.constant 0 : i32
      %dma_start3A_59 = tpu.memref_slice %arg8[%dma_start3A_57, %dma_start3A_58] : memref<2048x8xf32, #tpu.memory_space<vmem>> -> memref<128x8xf32, #tpu.memory_space<vmem>>
      %dma_start3A_60 = arith.constant 384 : i32
      %dma_start3A_61 = tpu.memref_slice %arg6[%dma_start3A_60] : memref<2048xi32, #tpu.memory_space<vmem>> -> memref<128xi32, #tpu.memory_space<vmem>>
      %dma_start3A_62 = arith.constant 0 : i32
      %dma_start3A_63 = arith.constant 0 : i32
      %dma_start3A_64 = tpu.memref_slice %arg2[%dma_start3A_62, %dma_start3A_63] : memref<100000x8xf32, #tpu.memory_space<hbm>> -> memref<100000x8xf32, #tpu.memory_space<hbm>>
      tpu.enqueue_indirect_dma source(%dma_start3A_64 : memref<100000x8xf32, #tpu.memory_space<hbm>>) target(%dma_start3A_59 : memref<128x8xf32, #tpu.memory_space<vmem>>) offsets(%dma_start3A_61 : memref<128xi32, #tpu.memory_space<vmem>>) semaphore(%arg10 : memref<!tpu.dma_semaphore, #tpu.memory_space<semaphore_mem>>)
      %dma_start3A_65 = arith.constant 512 : i32
      %dma_start3A_66 = arith.constant 0 : i32
      %dma_start3A_67 = tpu.memref_slice %arg8[%dma_start3A_65, %dma_start3A_66] : memref<2048x8xf32, #tpu.memory_space<vmem>> -> memref<128x8xf32, #tpu.memory_space<vmem>>
      %dma_start3A_68 = arith.constant 512 : i32
      %dma_start3A_69 = tpu.memref_slice %arg6[%dma_start3A_68] : memref<2048xi32, #tpu.memory_space<vmem>> -> memref<128xi32, #tpu.memory_space<vmem>>
      %dma_start3A_70 = arith.constant 0 : i32
      %dma_start3A_71 = arith.constant 0 : i32
      %dma_start3A_72 = tpu.memref_slice %arg2[%dma_start3A_70, %dma_start3A_71] : memref<100000x8xf32, #tpu.memory_space<hbm>> -> memref<100000x8xf32, #tpu.memory_space<hbm>>
      tpu.enqueue_indirect_dma source(%dma_start3A_72 : memref<100000x8xf32, #tpu.memory_space<hbm>>) target(%dma_start3A_67 : memref<128x8xf32, #tpu.memory_space<vmem>>) offsets(%dma_start3A_69 : memref<128xi32, #tpu.memory_space<vmem>>) semaphore(%arg10 : memref<!tpu.dma_semaphore, #tpu.memory_space<semaphore_mem>>)
      %dma_start3A_73 = arith.constant 640 : i32
      %dma_start3A_74 = arith.constant 0 : i32
      %dma_start3A_75 = tpu.memref_slice %arg8[%dma_start3A_73, %dma_start3A_74] : memref<2048x8xf32, #tpu.memory_space<vmem>> -> memref<128x8xf32, #tpu.memory_space<vmem>>
      %dma_start3A_76 = arith.constant 640 : i32
      %dma_start3A_77 = tpu.memref_slice %arg6[%dma_start3A_76] : memref<2048xi32, #tpu.memory_space<vmem>> -> memref<128xi32, #tpu.memory_space<vmem>>
      %dma_start3A_78 = arith.constant 0 : i32
      %dma_start3A_79 = arith.constant 0 : i32
      %dma_start3A_80 = tpu.memref_slice %arg2[%dma_start3A_78, %dma_start3A_79] : memref<100000x8xf32, #tpu.memory_space<hbm>> -> memref<100000x8xf32, #tpu.memory_space<hbm>>
      tpu.enqueue_indirect_dma source(%dma_start3A_80 : memref<100000x8xf32, #tpu.memory_space<hbm>>) target(%dma_start3A_75 : memref<128x8xf32, #tpu.memory_space<vmem>>) offsets(%dma_start3A_77 : memref<128xi32, #tpu.memory_space<vmem>>) semaphore(%arg10 : memref<!tpu.dma_semaphore, #tpu.memory_space<semaphore_mem>>)
      %dma_start3A_81 = arith.constant 768 : i32
      %dma_start3A_82 = arith.constant 0 : i32
      %dma_start3A_83 = tpu.memref_slice %arg8[%dma_start3A_81, %dma_start3A_82] : memref<2048x8xf32, #tpu.memory_space<vmem>> -> memref<128x8xf32, #tpu.memory_space<vmem>>
      %dma_start3A_84 = arith.constant 768 : i32
      %dma_start3A_85 = tpu.memref_slice %arg6[%dma_start3A_84] : memref<2048xi32, #tpu.memory_space<vmem>> -> memref<128xi32, #tpu.memory_space<vmem>>
      %dma_start3A_86 = arith.constant 0 : i32
      %dma_start3A_87 = arith.constant 0 : i32
      %dma_start3A_88 = tpu.memref_slice %arg2[%dma_start3A_86, %dma_start3A_87] : memref<100000x8xf32, #tpu.memory_space<hbm>> -> memref<100000x8xf32, #tpu.memory_space<hbm>>
      tpu.enqueue_indirect_dma source(%dma_start3A_88 : memref<100000x8xf32, #tpu.memory_space<hbm>>) target(%dma_start3A_83 : memref<128x8xf32, #tpu.memory_space<vmem>>) offsets(%dma_start3A_85 : memref<128xi32, #tpu.memory_space<vmem>>) semaphore(%arg10 : memref<!tpu.dma_semaphore, #tpu.memory_space<semaphore_mem>>)
      %dma_start3A_89 = arith.constant 896 : i32
      %dma_start3A_90 = arith.constant 0 : i32
      %dma_start3A_91 = tpu.memref_slice %arg8[%dma_start3A_89, %dma_start3A_90] : memref<2048x8xf32, #tpu.memory_space<vmem>> -> memref<128x8xf32, #tpu.memory_space<vmem>>
      %dma_start3A_92 = arith.constant 896 : i32
      %dma_start3A_93 = tpu.memref_slice %arg6[%dma_start3A_92] : memref<2048xi32, #tpu.memory_space<vmem>> -> memref<128xi32, #tpu.memory_space<vmem>>
      %dma_start3A_94 = arith.constant 0 : i32
      %dma_start3A_95 = arith.constant 0 : i32
      %dma_start3A_96 = tpu.memref_slice %arg2[%dma_start3A_94, %dma_start3A_95] : memref<100000x8xf32, #tpu.memory_space<hbm>> -> memref<100000x8xf32, #tpu.memory_space<hbm>>
      tpu.enqueue_indirect_dma source(%dma_start3A_96 : memref<100000x8xf32, #tpu.memory_space<hbm>>) target(%dma_start3A_91 : memref<128x8xf32, #tpu.memory_space<vmem>>) offsets(%dma_start3A_93 : memref<128xi32, #tpu.memory_space<vmem>>) semaphore(%arg10 : memref<!tpu.dma_semaphore, #tpu.memory_space<semaphore_mem>>)
      %dma_start3A_97 = arith.constant 1024 : i32
      %dma_start3A_98 = arith.constant 0 : i32
      %dma_start3A_99 = tpu.memref_slice %arg8[%dma_start3A_97, %dma_start3A_98] : memref<2048x8xf32, #tpu.memory_space<vmem>> -> memref<128x8xf32, #tpu.memory_space<vmem>>
      %dma_start3A_100 = arith.constant 1024 : i32
      %dma_start3A_101 = tpu.memref_slice %arg6[%dma_start3A_100] : memref<2048xi32, #tpu.memory_space<vmem>> -> memref<128xi32, #tpu.memory_space<vmem>>
      %dma_start3A_102 = arith.constant 0 : i32
      %dma_start3A_103 = arith.constant 0 : i32
      %dma_start3A_104 = tpu.memref_slice %arg2[%dma_start3A_102, %dma_start3A_103] : memref<100000x8xf32, #tpu.memory_space<hbm>> -> memref<100000x8xf32, #tpu.memory_space<hbm>>
      tpu.enqueue_indirect_dma source(%dma_start3A_104 : memref<100000x8xf32, #tpu.memory_space<hbm>>) target(%dma_start3A_99 : memref<128x8xf32, #tpu.memory_space<vmem>>) offsets(%dma_start3A_101 : memref<128xi32, #tpu.memory_space<vmem>>) semaphore(%arg10 : memref<!tpu.dma_semaphore, #tpu.memory_space<semaphore_mem>>)
      %dma_start3A_105 = arith.constant 1152 : i32
      %dma_start3A_106 = arith.constant 0 : i32
      %dma_start3A_107 = tpu.memref_slice %arg8[%dma_start3A_105, %dma_start3A_106] : memref<2048x8xf32, #tpu.memory_space<vmem>> -> memref<128x8xf32, #tpu.memory_space<vmem>>
      %dma_start3A_108 = arith.constant 1152 : i32
      %dma_start3A_109 = tpu.memref_slice %arg6[%dma_start3A_108] : memref<2048xi32, #tpu.memory_space<vmem>> -> memref<128xi32, #tpu.memory_space<vmem>>
      %dma_start3A_110 = arith.constant 0 : i32
      %dma_start3A_111 = arith.constant 0 : i32
      %dma_start3A_112 = tpu.memref_slice %arg2[%dma_start3A_110, %dma_start3A_111] : memref<100000x8xf32, #tpu.memory_space<hbm>> -> memref<100000x8xf32, #tpu.memory_space<hbm>>
      tpu.enqueue_indirect_dma source(%dma_start3A_112 : memref<100000x8xf32, #tpu.memory_space<hbm>>) target(%dma_start3A_107 : memref<128x8xf32, #tpu.memory_space<vmem>>) offsets(%dma_start3A_109 : memref<128xi32, #tpu.memory_space<vmem>>) semaphore(%arg10 : memref<!tpu.dma_semaphore, #tpu.memory_space<semaphore_mem>>)
      %dma_start3A_113 = arith.constant 1280 : i32
      %dma_start3A_114 = arith.constant 0 : i32
      %dma_start3A_115 = tpu.memref_slice %arg8[%dma_start3A_113, %dma_start3A_114] : memref<2048x8xf32, #tpu.memory_space<vmem>> -> memref<128x8xf32, #tpu.memory_space<vmem>>
      %dma_start3A_116 = arith.constant 1280 : i32
      %dma_start3A_117 = tpu.memref_slice %arg6[%dma_start3A_116] : memref<2048xi32, #tpu.memory_space<vmem>> -> memref<128xi32, #tpu.memory_space<vmem>>
      %dma_start3A_118 = arith.constant 0 : i32
      %dma_start3A_119 = arith.constant 0 : i32
      %dma_start3A_120 = tpu.memref_slice %arg2[%dma_start3A_118, %dma_start3A_119] : memref<100000x8xf32, #tpu.memory_space<hbm>> -> memref<100000x8xf32, #tpu.memory_space<hbm>>
      tpu.enqueue_indirect_dma source(%dma_start3A_120 : memref<100000x8xf32, #tpu.memory_space<hbm>>) target(%dma_start3A_115 : memref<128x8xf32, #tpu.memory_space<vmem>>) offsets(%dma_start3A_117 : memref<128xi32, #tpu.memory_space<vmem>>) semaphore(%arg10 : memref<!tpu.dma_semaphore, #tpu.memory_space<semaphore_mem>>)
      %dma_start3A_121 = arith.constant 1408 : i32
      %dma_start3A_122 = arith.constant 0 : i32
      %dma_start3A_123 = tpu.memref_slice %arg8[%dma_start3A_121, %dma_start3A_122] : memref<2048x8xf32, #tpu.memory_space<vmem>> -> memref<128x8xf32, #tpu.memory_space<vmem>>
      %dma_start3A_124 = arith.constant 1408 : i32
      %dma_start3A_125 = tpu.memref_slice %arg6[%dma_start3A_124] : memref<2048xi32, #tpu.memory_space<vmem>> -> memref<128xi32, #tpu.memory_space<vmem>>
      %dma_start3A_126 = arith.constant 0 : i32
      %dma_start3A_127 = arith.constant 0 : i32
      %dma_start3A_128 = tpu.memref_slice %arg2[%dma_start3A_126, %dma_start3A_127] : memref<100000x8xf32, #tpu.memory_space<hbm>> -> memref<100000x8xf32, #tpu.memory_space<hbm>>
      tpu.enqueue_indirect_dma source(%dma_start3A_128 : memref<100000x8xf32, #tpu.memory_space<hbm>>) target(%dma_start3A_123 : memref<128x8xf32, #tpu.memory_space<vmem>>) offsets(%dma_start3A_125 : memref<128xi32, #tpu.memory_space<vmem>>) semaphore(%arg10 : memref<!tpu.dma_semaphore, #tpu.memory_space<semaphore_mem>>)
      %dma_start3A_129 = arith.constant 1536 : i32
      %dma_start3A_130 = arith.constant 0 : i32
      %dma_start3A_131 = tpu.memref_slice %arg8[%dma_start3A_129, %dma_start3A_130] : memref<2048x8xf32, #tpu.memory_space<vmem>> -> memref<128x8xf32, #tpu.memory_space<vmem>>
      %dma_start3A_132 = arith.constant 1536 : i32
      %dma_start3A_133 = tpu.memref_slice %arg6[%dma_start3A_132] : memref<2048xi32, #tpu.memory_space<vmem>> -> memref<128xi32, #tpu.memory_space<vmem>>
      %dma_start3A_134 = arith.constant 0 : i32
      %dma_start3A_135 = arith.constant 0 : i32
      %dma_start3A_136 = tpu.memref_slice %arg2[%dma_start3A_134, %dma_start3A_135] : memref<100000x8xf32, #tpu.memory_space<hbm>> -> memref<100000x8xf32, #tpu.memory_space<hbm>>
      tpu.enqueue_indirect_dma source(%dma_start3A_136 : memref<100000x8xf32, #tpu.memory_space<hbm>>) target(%dma_start3A_131 : memref<128x8xf32, #tpu.memory_space<vmem>>) offsets(%dma_start3A_133 : memref<128xi32, #tpu.memory_space<vmem>>) semaphore(%arg10 : memref<!tpu.dma_semaphore, #tpu.memory_space<semaphore_mem>>)
      %dma_start3A_137 = arith.constant 1664 : i32
      %dma_start3A_138 = arith.constant 0 : i32
      %dma_start3A_139 = tpu.memref_slice %arg8[%dma_start3A_137, %dma_start3A_138] : memref<2048x8xf32, #tpu.memory_space<vmem>> -> memref<128x8xf32, #tpu.memory_space<vmem>>
      %dma_start3A_140 = arith.constant 1664 : i32
      %dma_start3A_141 = tpu.memref_slice %arg6[%dma_start3A_140] : memref<2048xi32, #tpu.memory_space<vmem>> -> memref<128xi32, #tpu.memory_space<vmem>>
      %dma_start3A_142 = arith.constant 0 : i32
      %dma_start3A_143 = arith.constant 0 : i32
      %dma_start3A_144 = tpu.memref_slice %arg2[%dma_start3A_142, %dma_start3A_143] : memref<100000x8xf32, #tpu.memory_space<hbm>> -> memref<100000x8xf32, #tpu.memory_space<hbm>>
      tpu.enqueue_indirect_dma source(%dma_start3A_144 : memref<100000x8xf32, #tpu.memory_space<hbm>>) target(%dma_start3A_139 : memref<128x8xf32, #tpu.memory_space<vmem>>) offsets(%dma_start3A_141 : memref<128xi32, #tpu.memory_space<vmem>>) semaphore(%arg10 : memref<!tpu.dma_semaphore, #tpu.memory_space<semaphore_mem>>)
      %dma_start3A_145 = arith.constant 1792 : i32
      %dma_start3A_146 = arith.constant 0 : i32
      %dma_start3A_147 = tpu.memref_slice %arg8[%dma_start3A_145, %dma_start3A_146] : memref<2048x8xf32, #tpu.memory_space<vmem>> -> memref<128x8xf32, #tpu.memory_space<vmem>>
      %dma_start3A_148 = arith.constant 1792 : i32
      %dma_start3A_149 = tpu.memref_slice %arg6[%dma_start3A_148] : memref<2048xi32, #tpu.memory_space<vmem>> -> memref<128xi32, #tpu.memory_space<vmem>>
      %dma_start3A_150 = arith.constant 0 : i32
      %dma_start3A_151 = arith.constant 0 : i32
      %dma_start3A_152 = tpu.memref_slice %arg2[%dma_start3A_150, %dma_start3A_151] : memref<100000x8xf32, #tpu.memory_space<hbm>> -> memref<100000x8xf32, #tpu.memory_space<hbm>>
      tpu.enqueue_indirect_dma source(%dma_start3A_152 : memref<100000x8xf32, #tpu.memory_space<hbm>>) target(%dma_start3A_147 : memref<128x8xf32, #tpu.memory_space<vmem>>) offsets(%dma_start3A_149 : memref<128xi32, #tpu.memory_space<vmem>>) semaphore(%arg10 : memref<!tpu.dma_semaphore, #tpu.memory_space<semaphore_mem>>)
      %dma_start3A_153 = arith.constant 1920 : i32
      %dma_start3A_154 = arith.constant 0 : i32
      %dma_start3A_155 = tpu.memref_slice %arg8[%dma_start3A_153, %dma_start3A_154] : memref<2048x8xf32, #tpu.memory_space<vmem>> -> memref<128x8xf32, #tpu.memory_space<vmem>>
      %dma_start3A_156 = arith.constant 1920 : i32
      %dma_start3A_157 = tpu.memref_slice %arg6[%dma_start3A_156] : memref<2048xi32, #tpu.memory_space<vmem>> -> memref<128xi32, #tpu.memory_space<vmem>>
      %dma_start3A_158 = arith.constant 0 : i32
      %dma_start3A_159 = arith.constant 0 : i32
      %dma_start3A_160 = tpu.memref_slice %arg2[%dma_start3A_158, %dma_start3A_159] : memref<100000x8xf32, #tpu.memory_space<hbm>> -> memref<100000x8xf32, #tpu.memory_space<hbm>>
      tpu.enqueue_indirect_dma source(%dma_start3A_160 : memref<100000x8xf32, #tpu.memory_space<hbm>>) target(%dma_start3A_155 : memref<128x8xf32, #tpu.memory_space<vmem>>) offsets(%dma_start3A_157 : memref<128xi32, #tpu.memory_space<vmem>>) semaphore(%arg10 : memref<!tpu.dma_semaphore, #tpu.memory_space<semaphore_mem>>)
      %dma_wait3A = arith.constant 0 : i32
      %dma_wait3A_161 = arith.constant 0 : i32
      %dma_wait3A_162 = tpu.memref_slice %arg8[%dma_wait3A, %dma_wait3A_161] : memref<2048x8xf32, #tpu.memory_space<vmem>> -> memref<128x8xf32, #tpu.memory_space<vmem>>
      %dma_wait3A_163 = arith.constant 0 : i32
      %dma_wait3A_164 = tpu.memref_slice %arg6[%dma_wait3A_163] : memref<2048xi32, #tpu.memory_space<vmem>> -> memref<128xi32, #tpu.memory_space<vmem>>
      %dma_wait3A_165 = arith.constant 0 : i32
      %dma_wait3A_166 = arith.constant 0 : i32
      %dma_wait3A_167 = tpu.memref_slice %arg2[%dma_wait3A_165, %dma_wait3A_166] : memref<100000x8xf32, #tpu.memory_space<hbm>> -> memref<100000x8xf32, #tpu.memory_space<hbm>>
      tpu.wait_indirect_dma semaphore(%arg10 : memref<!tpu.dma_semaphore, #tpu.memory_space<semaphore_mem>>) src(%dma_wait3A_167 : memref<100000x8xf32, #tpu.memory_space<hbm>>) dst(%dma_wait3A_162 : memref<128x8xf32, #tpu.memory_space<vmem>>)
      %dma_start3A_168 = arith.constant 0 : i32
      %dma_start3A_169 = arith.constant 0 : i32
      %dma_start3A_170 = tpu.memref_slice %arg8[%dma_start3A_168, %dma_start3A_169] : memref<2048x8xf32, #tpu.memory_space<vmem>> -> memref<128x8xf32, #tpu.memory_space<vmem>>
      %dma_start3A_171 = arith.constant 0 : i32
      %dma_start3A_172 = tpu.memref_slice %arg7[%dma_start3A_171] : memref<2048xi32, #tpu.memory_space<vmem>> -> memref<128xi32, #tpu.memory_space<vmem>>
      %dma_start3A_173 = arith.constant 0 : i32
      %dma_start3A_174 = arith.constant 0 : i32
      %dma_start3A_175 = tpu.memref_slice %arg9[%dma_start3A_173, %dma_start3A_174] : memref<100000x8xf32, #tpu.memory_space<vmem_shared>> -> memref<100000x8xf32, #tpu.memory_space<vmem_shared>>
      tpu.enqueue_indirect_dma source(%dma_start3A_170 : memref<128x8xf32, #tpu.memory_space<vmem>>) target(%dma_start3A_175 : memref<100000x8xf32, #tpu.memory_space<vmem_shared>>) offsets(%dma_start3A_172 : memref<128xi32, #tpu.memory_space<vmem>>) semaphore(%arg11 : memref<!tpu.dma_semaphore, #tpu.memory_space<semaphore_mem>>) {add = true}
      %dma_wait3A_176 = arith.constant 128 : i32
      %dma_wait3A_177 = arith.constant 0 : i32
      %dma_wait3A_178 = tpu.memref_slice %arg8[%dma_wait3A_176, %dma_wait3A_177] : memref<2048x8xf32, #tpu.memory_space<vmem>> -> memref<128x8xf32, #tpu.memory_space<vmem>>
      %dma_wait3A_179 = arith.constant 128 : i32
      %dma_wait3A_180 = tpu.memref_slice %arg6[%dma_wait3A_179] : memref<2048xi32, #tpu.memory_space<vmem>> -> memref<128xi32, #tpu.memory_space<vmem>>
      %dma_wait3A_181 = arith.constant 0 : i32
      %dma_wait3A_182 = arith.constant 0 : i32
      %dma_wait3A_183 = tpu.memref_slice %arg2[%dma_wait3A_181, %dma_wait3A_182] : memref<100000x8xf32, #tpu.memory_space<hbm>> -> memref<100000x8xf32, #tpu.memory_space<hbm>>
      tpu.wait_indirect_dma semaphore(%arg10 : memref<!tpu.dma_semaphore, #tpu.memory_space<semaphore_mem>>) src(%dma_wait3A_183 : memref<100000x8xf32, #tpu.memory_space<hbm>>) dst(%dma_wait3A_178 : memref<128x8xf32, #tpu.memory_space<vmem>>)
      %dma_start3A_184 = arith.constant 128 : i32
      %dma_start3A_185 = arith.constant 0 : i32
      %dma_start3A_186 = tpu.memref_slice %arg8[%dma_start3A_184, %dma_start3A_185] : memref<2048x8xf32, #tpu.memory_space<vmem>> -> memref<128x8xf32, #tpu.memory_space<vmem>>
      %dma_start3A_187 = arith.constant 128 : i32
      %dma_start3A_188 = tpu.memref_slice %arg7[%dma_start3A_187] : memref<2048xi32, #tpu.memory_space<vmem>> -> memref<128xi32, #tpu.memory_space<vmem>>
      %dma_start3A_189 = arith.constant 0 : i32
      %dma_start3A_190 = arith.constant 0 : i32
      %dma_start3A_191 = tpu.memref_slice %arg9[%dma_start3A_189, %dma_start3A_190] : memref<100000x8xf32, #tpu.memory_space<vmem_shared>> -> memref<100000x8xf32, #tpu.memory_space<vmem_shared>>
      tpu.enqueue_indirect_dma source(%dma_start3A_186 : memref<128x8xf32, #tpu.memory_space<vmem>>) target(%dma_start3A_191 : memref<100000x8xf32, #tpu.memory_space<vmem_shared>>) offsets(%dma_start3A_188 : memref<128xi32, #tpu.memory_space<vmem>>) semaphore(%arg11 : memref<!tpu.dma_semaphore, #tpu.memory_space<semaphore_mem>>) {add = true}
      %dma_wait3A_192 = arith.constant 256 : i32
      %dma_wait3A_193 = arith.constant 0 : i32
      %dma_wait3A_194 = tpu.memref_slice %arg8[%dma_wait3A_192, %dma_wait3A_193] : memref<2048x8xf32, #tpu.memory_space<vmem>> -> memref<128x8xf32, #tpu.memory_space<vmem>>
      %dma_wait3A_195 = arith.constant 256 : i32
      %dma_wait3A_196 = tpu.memref_slice %arg6[%dma_wait3A_195] : memref<2048xi32, #tpu.memory_space<vmem>> -> memref<128xi32, #tpu.memory_space<vmem>>
      %dma_wait3A_197 = arith.constant 0 : i32
      %dma_wait3A_198 = arith.constant 0 : i32
      %dma_wait3A_199 = tpu.memref_slice %arg2[%dma_wait3A_197, %dma_wait3A_198] : memref<100000x8xf32, #tpu.memory_space<hbm>> -> memref<100000x8xf32, #tpu.memory_space<hbm>>
      tpu.wait_indirect_dma semaphore(%arg10 : memref<!tpu.dma_semaphore, #tpu.memory_space<semaphore_mem>>) src(%dma_wait3A_199 : memref<100000x8xf32, #tpu.memory_space<hbm>>) dst(%dma_wait3A_194 : memref<128x8xf32, #tpu.memory_space<vmem>>)
      %dma_start3A_200 = arith.constant 256 : i32
      %dma_start3A_201 = arith.constant 0 : i32
      %dma_start3A_202 = tpu.memref_slice %arg8[%dma_start3A_200, %dma_start3A_201] : memref<2048x8xf32, #tpu.memory_space<vmem>> -> memref<128x8xf32, #tpu.memory_space<vmem>>
      %dma_start3A_203 = arith.constant 256 : i32
      %dma_start3A_204 = tpu.memref_slice %arg7[%dma_start3A_203] : memref<2048xi32, #tpu.memory_space<vmem>> -> memref<128xi32, #tpu.memory_space<vmem>>
      %dma_start3A_205 = arith.constant 0 : i32
      %dma_start3A_206 = arith.constant 0 : i32
      %dma_start3A_207 = tpu.memref_slice %arg9[%dma_start3A_205, %dma_start3A_206] : memref<100000x8xf32, #tpu.memory_space<vmem_shared>> -> memref<100000x8xf32, #tpu.memory_space<vmem_shared>>
      tpu.enqueue_indirect_dma source(%dma_start3A_202 : memref<128x8xf32, #tpu.memory_space<vmem>>) target(%dma_start3A_207 : memref<100000x8xf32, #tpu.memory_space<vmem_shared>>) offsets(%dma_start3A_204 : memref<128xi32, #tpu.memory_space<vmem>>) semaphore(%arg11 : memref<!tpu.dma_semaphore, #tpu.memory_space<semaphore_mem>>) {add = true}
      %dma_wait3A_208 = arith.constant 384 : i32
      %dma_wait3A_209 = arith.constant 0 : i32
      %dma_wait3A_210 = tpu.memref_slice %arg8[%dma_wait3A_208, %dma_wait3A_209] : memref<2048x8xf32, #tpu.memory_space<vmem>> -> memref<128x8xf32, #tpu.memory_space<vmem>>
      %dma_wait3A_211 = arith.constant 384 : i32
      %dma_wait3A_212 = tpu.memref_slice %arg6[%dma_wait3A_211] : memref<2048xi32, #tpu.memory_space<vmem>> -> memref<128xi32, #tpu.memory_space<vmem>>
      %dma_wait3A_213 = arith.constant 0 : i32
      %dma_wait3A_214 = arith.constant 0 : i32
      %dma_wait3A_215 = tpu.memref_slice %arg2[%dma_wait3A_213, %dma_wait3A_214] : memref<100000x8xf32, #tpu.memory_space<hbm>> -> memref<100000x8xf32, #tpu.memory_space<hbm>>
      tpu.wait_indirect_dma semaphore(%arg10 : memref<!tpu.dma_semaphore, #tpu.memory_space<semaphore_mem>>) src(%dma_wait3A_215 : memref<100000x8xf32, #tpu.memory_space<hbm>>) dst(%dma_wait3A_210 : memref<128x8xf32, #tpu.memory_space<vmem>>)
      %dma_start3A_216 = arith.constant 384 : i32
      %dma_start3A_217 = arith.constant 0 : i32
      %dma_start3A_218 = tpu.memref_slice %arg8[%dma_start3A_216, %dma_start3A_217] : memref<2048x8xf32, #tpu.memory_space<vmem>> -> memref<128x8xf32, #tpu.memory_space<vmem>>
      %dma_start3A_219 = arith.constant 384 : i32
      %dma_start3A_220 = tpu.memref_slice %arg7[%dma_start3A_219] : memref<2048xi32, #tpu.memory_space<vmem>> -> memref<128xi32, #tpu.memory_space<vmem>>
      %dma_start3A_221 = arith.constant 0 : i32
      %dma_start3A_222 = arith.constant 0 : i32
      %dma_start3A_223 = tpu.memref_slice %arg9[%dma_start3A_221, %dma_start3A_222] : memref<100000x8xf32, #tpu.memory_space<vmem_shared>> -> memref<100000x8xf32, #tpu.memory_space<vmem_shared>>
      tpu.enqueue_indirect_dma source(%dma_start3A_218 : memref<128x8xf32, #tpu.memory_space<vmem>>) target(%dma_start3A_223 : memref<100000x8xf32, #tpu.memory_space<vmem_shared>>) offsets(%dma_start3A_220 : memref<128xi32, #tpu.memory_space<vmem>>) semaphore(%arg11 : memref<!tpu.dma_semaphore, #tpu.memory_space<semaphore_mem>>) {add = true}
      %dma_wait3A_224 = arith.constant 512 : i32
      %dma_wait3A_225 = arith.constant 0 : i32
      %dma_wait3A_226 = tpu.memref_slice %arg8[%dma_wait3A_224, %dma_wait3A_225] : memref<2048x8xf32, #tpu.memory_space<vmem>> -> memref<128x8xf32, #tpu.memory_space<vmem>>
      %dma_wait3A_227 = arith.constant 512 : i32
      %dma_wait3A_228 = tpu.memref_slice %arg6[%dma_wait3A_227] : memref<2048xi32, #tpu.memory_space<vmem>> -> memref<128xi32, #tpu.memory_space<vmem>>
      %dma_wait3A_229 = arith.constant 0 : i32
      %dma_wait3A_230 = arith.constant 0 : i32
      %dma_wait3A_231 = tpu.memref_slice %arg2[%dma_wait3A_229, %dma_wait3A_230] : memref<100000x8xf32, #tpu.memory_space<hbm>> -> memref<100000x8xf32, #tpu.memory_space<hbm>>
      tpu.wait_indirect_dma semaphore(%arg10 : memref<!tpu.dma_semaphore, #tpu.memory_space<semaphore_mem>>) src(%dma_wait3A_231 : memref<100000x8xf32, #tpu.memory_space<hbm>>) dst(%dma_wait3A_226 : memref<128x8xf32, #tpu.memory_space<vmem>>)
      %dma_start3A_232 = arith.constant 512 : i32
      %dma_start3A_233 = arith.constant 0 : i32
      %dma_start3A_234 = tpu.memref_slice %arg8[%dma_start3A_232, %dma_start3A_233] : memref<2048x8xf32, #tpu.memory_space<vmem>> -> memref<128x8xf32, #tpu.memory_space<vmem>>
      %dma_start3A_235 = arith.constant 512 : i32
      %dma_start3A_236 = tpu.memref_slice %arg7[%dma_start3A_235] : memref<2048xi32, #tpu.memory_space<vmem>> -> memref<128xi32, #tpu.memory_space<vmem>>
      %dma_start3A_237 = arith.constant 0 : i32
      %dma_start3A_238 = arith.constant 0 : i32
      %dma_start3A_239 = tpu.memref_slice %arg9[%dma_start3A_237, %dma_start3A_238] : memref<100000x8xf32, #tpu.memory_space<vmem_shared>> -> memref<100000x8xf32, #tpu.memory_space<vmem_shared>>
      tpu.enqueue_indirect_dma source(%dma_start3A_234 : memref<128x8xf32, #tpu.memory_space<vmem>>) target(%dma_start3A_239 : memref<100000x8xf32, #tpu.memory_space<vmem_shared>>) offsets(%dma_start3A_236 : memref<128xi32, #tpu.memory_space<vmem>>) semaphore(%arg11 : memref<!tpu.dma_semaphore, #tpu.memory_space<semaphore_mem>>) {add = true}
      %dma_wait3A_240 = arith.constant 640 : i32
      %dma_wait3A_241 = arith.constant 0 : i32
      %dma_wait3A_242 = tpu.memref_slice %arg8[%dma_wait3A_240, %dma_wait3A_241] : memref<2048x8xf32, #tpu.memory_space<vmem>> -> memref<128x8xf32, #tpu.memory_space<vmem>>
      %dma_wait3A_243 = arith.constant 640 : i32
      %dma_wait3A_244 = tpu.memref_slice %arg6[%dma_wait3A_243] : memref<2048xi32, #tpu.memory_space<vmem>> -> memref<128xi32, #tpu.memory_space<vmem>>
      %dma_wait3A_245 = arith.constant 0 : i32
      %dma_wait3A_246 = arith.constant 0 : i32
      %dma_wait3A_247 = tpu.memref_slice %arg2[%dma_wait3A_245, %dma_wait3A_246] : memref<100000x8xf32, #tpu.memory_space<hbm>> -> memref<100000x8xf32, #tpu.memory_space<hbm>>
      tpu.wait_indirect_dma semaphore(%arg10 : memref<!tpu.dma_semaphore, #tpu.memory_space<semaphore_mem>>) src(%dma_wait3A_247 : memref<100000x8xf32, #tpu.memory_space<hbm>>) dst(%dma_wait3A_242 : memref<128x8xf32, #tpu.memory_space<vmem>>)
      %dma_start3A_248 = arith.constant 640 : i32
      %dma_start3A_249 = arith.constant 0 : i32
      %dma_start3A_250 = tpu.memref_slice %arg8[%dma_start3A_248, %dma_start3A_249] : memref<2048x8xf32, #tpu.memory_space<vmem>> -> memref<128x8xf32, #tpu.memory_space<vmem>>
      %dma_start3A_251 = arith.constant 640 : i32
      %dma_start3A_252 = tpu.memref_slice %arg7[%dma_start3A_251] : memref<2048xi32, #tpu.memory_space<vmem>> -> memref<128xi32, #tpu.memory_space<vmem>>
      %dma_start3A_253 = arith.constant 0 : i32
      %dma_start3A_254 = arith.constant 0 : i32
      %dma_start3A_255 = tpu.memref_slice %arg9[%dma_start3A_253, %dma_start3A_254] : memref<100000x8xf32, #tpu.memory_space<vmem_shared>> -> memref<100000x8xf32, #tpu.memory_space<vmem_shared>>
      tpu.enqueue_indirect_dma source(%dma_start3A_250 : memref<128x8xf32, #tpu.memory_space<vmem>>) target(%dma_start3A_255 : memref<100000x8xf32, #tpu.memory_space<vmem_shared>>) offsets(%dma_start3A_252 : memref<128xi32, #tpu.memory_space<vmem>>) semaphore(%arg11 : memref<!tpu.dma_semaphore, #tpu.memory_space<semaphore_mem>>) {add = true}
      %dma_wait3A_256 = arith.constant 768 : i32
      %dma_wait3A_257 = arith.constant 0 : i32
      %dma_wait3A_258 = tpu.memref_slice %arg8[%dma_wait3A_256, %dma_wait3A_257] : memref<2048x8xf32, #tpu.memory_space<vmem>> -> memref<128x8xf32, #tpu.memory_space<vmem>>
      %dma_wait3A_259 = arith.constant 768 : i32
      %dma_wait3A_260 = tpu.memref_slice %arg6[%dma_wait3A_259] : memref<2048xi32, #tpu.memory_space<vmem>> -> memref<128xi32, #tpu.memory_space<vmem>>
      %dma_wait3A_261 = arith.constant 0 : i32
      %dma_wait3A_262 = arith.constant 0 : i32
      %dma_wait3A_263 = tpu.memref_slice %arg2[%dma_wait3A_261, %dma_wait3A_262] : memref<100000x8xf32, #tpu.memory_space<hbm>> -> memref<100000x8xf32, #tpu.memory_space<hbm>>
      tpu.wait_indirect_dma semaphore(%arg10 : memref<!tpu.dma_semaphore, #tpu.memory_space<semaphore_mem>>) src(%dma_wait3A_263 : memref<100000x8xf32, #tpu.memory_space<hbm>>) dst(%dma_wait3A_258 : memref<128x8xf32, #tpu.memory_space<vmem>>)
      %dma_start3A_264 = arith.constant 768 : i32
      %dma_start3A_265 = arith.constant 0 : i32
      %dma_start3A_266 = tpu.memref_slice %arg8[%dma_start3A_264, %dma_start3A_265] : memref<2048x8xf32, #tpu.memory_space<vmem>> -> memref<128x8xf32, #tpu.memory_space<vmem>>
      %dma_start3A_267 = arith.constant 768 : i32
      %dma_start3A_268 = tpu.memref_slice %arg7[%dma_start3A_267] : memref<2048xi32, #tpu.memory_space<vmem>> -> memref<128xi32, #tpu.memory_space<vmem>>
      %dma_start3A_269 = arith.constant 0 : i32
      %dma_start3A_270 = arith.constant 0 : i32
      %dma_start3A_271 = tpu.memref_slice %arg9[%dma_start3A_269, %dma_start3A_270] : memref<100000x8xf32, #tpu.memory_space<vmem_shared>> -> memref<100000x8xf32, #tpu.memory_space<vmem_shared>>
      tpu.enqueue_indirect_dma source(%dma_start3A_266 : memref<128x8xf32, #tpu.memory_space<vmem>>) target(%dma_start3A_271 : memref<100000x8xf32, #tpu.memory_space<vmem_shared>>) offsets(%dma_start3A_268 : memref<128xi32, #tpu.memory_space<vmem>>) semaphore(%arg11 : memref<!tpu.dma_semaphore, #tpu.memory_space<semaphore_mem>>) {add = true}
      %dma_wait3A_272 = arith.constant 896 : i32
      %dma_wait3A_273 = arith.constant 0 : i32
      %dma_wait3A_274 = tpu.memref_slice %arg8[%dma_wait3A_272, %dma_wait3A_273] : memref<2048x8xf32, #tpu.memory_space<vmem>> -> memref<128x8xf32, #tpu.memory_space<vmem>>
      %dma_wait3A_275 = arith.constant 896 : i32
      %dma_wait3A_276 = tpu.memref_slice %arg6[%dma_wait3A_275] : memref<2048xi32, #tpu.memory_space<vmem>> -> memref<128xi32, #tpu.memory_space<vmem>>
      %dma_wait3A_277 = arith.constant 0 : i32
      %dma_wait3A_278 = arith.constant 0 : i32
      %dma_wait3A_279 = tpu.memref_slice %arg2[%dma_wait3A_277, %dma_wait3A_278] : memref<100000x8xf32, #tpu.memory_space<hbm>> -> memref<100000x8xf32, #tpu.memory_space<hbm>>
      tpu.wait_indirect_dma semaphore(%arg10 : memref<!tpu.dma_semaphore, #tpu.memory_space<semaphore_mem>>) src(%dma_wait3A_279 : memref<100000x8xf32, #tpu.memory_space<hbm>>) dst(%dma_wait3A_274 : memref<128x8xf32, #tpu.memory_space<vmem>>)
      %dma_start3A_280 = arith.constant 896 : i32
      %dma_start3A_281 = arith.constant 0 : i32
      %dma_start3A_282 = tpu.memref_slice %arg8[%dma_start3A_280, %dma_start3A_281] : memref<2048x8xf32, #tpu.memory_space<vmem>> -> memref<128x8xf32, #tpu.memory_space<vmem>>
      %dma_start3A_283 = arith.constant 896 : i32
      %dma_start3A_284 = tpu.memref_slice %arg7[%dma_start3A_283] : memref<2048xi32, #tpu.memory_space<vmem>> -> memref<128xi32, #tpu.memory_space<vmem>>
      %dma_start3A_285 = arith.constant 0 : i32
      %dma_start3A_286 = arith.constant 0 : i32
      %dma_start3A_287 = tpu.memref_slice %arg9[%dma_start3A_285, %dma_start3A_286] : memref<100000x8xf32, #tpu.memory_space<vmem_shared>> -> memref<100000x8xf32, #tpu.memory_space<vmem_shared>>
      tpu.enqueue_indirect_dma source(%dma_start3A_282 : memref<128x8xf32, #tpu.memory_space<vmem>>) target(%dma_start3A_287 : memref<100000x8xf32, #tpu.memory_space<vmem_shared>>) offsets(%dma_start3A_284 : memref<128xi32, #tpu.memory_space<vmem>>) semaphore(%arg11 : memref<!tpu.dma_semaphore, #tpu.memory_space<semaphore_mem>>) {add = true}
      %dma_wait3A_288 = arith.constant 1024 : i32
      %dma_wait3A_289 = arith.constant 0 : i32
      %dma_wait3A_290 = tpu.memref_slice %arg8[%dma_wait3A_288, %dma_wait3A_289] : memref<2048x8xf32, #tpu.memory_space<vmem>> -> memref<128x8xf32, #tpu.memory_space<vmem>>
      %dma_wait3A_291 = arith.constant 1024 : i32
      %dma_wait3A_292 = tpu.memref_slice %arg6[%dma_wait3A_291] : memref<2048xi32, #tpu.memory_space<vmem>> -> memref<128xi32, #tpu.memory_space<vmem>>
      %dma_wait3A_293 = arith.constant 0 : i32
      %dma_wait3A_294 = arith.constant 0 : i32
      %dma_wait3A_295 = tpu.memref_slice %arg2[%dma_wait3A_293, %dma_wait3A_294] : memref<100000x8xf32, #tpu.memory_space<hbm>> -> memref<100000x8xf32, #tpu.memory_space<hbm>>
      tpu.wait_indirect_dma semaphore(%arg10 : memref<!tpu.dma_semaphore, #tpu.memory_space<semaphore_mem>>) src(%dma_wait3A_295 : memref<100000x8xf32, #tpu.memory_space<hbm>>) dst(%dma_wait3A_290 : memref<128x8xf32, #tpu.memory_space<vmem>>)
      %dma_start3A_296 = arith.constant 1024 : i32
      %dma_start3A_297 = arith.constant 0 : i32
      %dma_start3A_298 = tpu.memref_slice %arg8[%dma_start3A_296, %dma_start3A_297] : memref<2048x8xf32, #tpu.memory_space<vmem>> -> memref<128x8xf32, #tpu.memory_space<vmem>>
      %dma_start3A_299 = arith.constant 1024 : i32
      %dma_start3A_300 = tpu.memref_slice %arg7[%dma_start3A_299] : memref<2048xi32, #tpu.memory_space<vmem>> -> memref<128xi32, #tpu.memory_space<vmem>>
      %dma_start3A_301 = arith.constant 0 : i32
      %dma_start3A_302 = arith.constant 0 : i32
      %dma_start3A_303 = tpu.memref_slice %arg9[%dma_start3A_301, %dma_start3A_302] : memref<100000x8xf32, #tpu.memory_space<vmem_shared>> -> memref<100000x8xf32, #tpu.memory_space<vmem_shared>>
      tpu.enqueue_indirect_dma source(%dma_start3A_298 : memref<128x8xf32, #tpu.memory_space<vmem>>) target(%dma_start3A_303 : memref<100000x8xf32, #tpu.memory_space<vmem_shared>>) offsets(%dma_start3A_300 : memref<128xi32, #tpu.memory_space<vmem>>) semaphore(%arg11 : memref<!tpu.dma_semaphore, #tpu.memory_space<semaphore_mem>>) {add = true}
      %dma_wait3A_304 = arith.constant 1152 : i32
      %dma_wait3A_305 = arith.constant 0 : i32
      %dma_wait3A_306 = tpu.memref_slice %arg8[%dma_wait3A_304, %dma_wait3A_305] : memref<2048x8xf32, #tpu.memory_space<vmem>> -> memref<128x8xf32, #tpu.memory_space<vmem>>
      %dma_wait3A_307 = arith.constant 1152 : i32
      %dma_wait3A_308 = tpu.memref_slice %arg6[%dma_wait3A_307] : memref<2048xi32, #tpu.memory_space<vmem>> -> memref<128xi32, #tpu.memory_space<vmem>>
      %dma_wait3A_309 = arith.constant 0 : i32
      %dma_wait3A_310 = arith.constant 0 : i32
      %dma_wait3A_311 = tpu.memref_slice %arg2[%dma_wait3A_309, %dma_wait3A_310] : memref<100000x8xf32, #tpu.memory_space<hbm>> -> memref<100000x8xf32, #tpu.memory_space<hbm>>
      tpu.wait_indirect_dma semaphore(%arg10 : memref<!tpu.dma_semaphore, #tpu.memory_space<semaphore_mem>>) src(%dma_wait3A_311 : memref<100000x8xf32, #tpu.memory_space<hbm>>) dst(%dma_wait3A_306 : memref<128x8xf32, #tpu.memory_space<vmem>>)
      %dma_start3A_312 = arith.constant 1152 : i32
      %dma_start3A_313 = arith.constant 0 : i32
      %dma_start3A_314 = tpu.memref_slice %arg8[%dma_start3A_312, %dma_start3A_313] : memref<2048x8xf32, #tpu.memory_space<vmem>> -> memref<128x8xf32, #tpu.memory_space<vmem>>
      %dma_start3A_315 = arith.constant 1152 : i32
      %dma_start3A_316 = tpu.memref_slice %arg7[%dma_start3A_315] : memref<2048xi32, #tpu.memory_space<vmem>> -> memref<128xi32, #tpu.memory_space<vmem>>
      %dma_start3A_317 = arith.constant 0 : i32
      %dma_start3A_318 = arith.constant 0 : i32
      %dma_start3A_319 = tpu.memref_slice %arg9[%dma_start3A_317, %dma_start3A_318] : memref<100000x8xf32, #tpu.memory_space<vmem_shared>> -> memref<100000x8xf32, #tpu.memory_space<vmem_shared>>
      tpu.enqueue_indirect_dma source(%dma_start3A_314 : memref<128x8xf32, #tpu.memory_space<vmem>>) target(%dma_start3A_319 : memref<100000x8xf32, #tpu.memory_space<vmem_shared>>) offsets(%dma_start3A_316 : memref<128xi32, #tpu.memory_space<vmem>>) semaphore(%arg11 : memref<!tpu.dma_semaphore, #tpu.memory_space<semaphore_mem>>) {add = true}
      %dma_wait3A_320 = arith.constant 1280 : i32
      %dma_wait3A_321 = arith.constant 0 : i32
      %dma_wait3A_322 = tpu.memref_slice %arg8[%dma_wait3A_320, %dma_wait3A_321] : memref<2048x8xf32, #tpu.memory_space<vmem>> -> memref<128x8xf32, #tpu.memory_space<vmem>>
      %dma_wait3A_323 = arith.constant 1280 : i32
      %dma_wait3A_324 = tpu.memref_slice %arg6[%dma_wait3A_323] : memref<2048xi32, #tpu.memory_space<vmem>> -> memref<128xi32, #tpu.memory_space<vmem>>
      %dma_wait3A_325 = arith.constant 0 : i32
      %dma_wait3A_326 = arith.constant 0 : i32
      %dma_wait3A_327 = tpu.memref_slice %arg2[%dma_wait3A_325, %dma_wait3A_326] : memref<100000x8xf32, #tpu.memory_space<hbm>> -> memref<100000x8xf32, #tpu.memory_space<hbm>>
      tpu.wait_indirect_dma semaphore(%arg10 : memref<!tpu.dma_semaphore, #tpu.memory_space<semaphore_mem>>) src(%dma_wait3A_327 : memref<100000x8xf32, #tpu.memory_space<hbm>>) dst(%dma_wait3A_322 : memref<128x8xf32, #tpu.memory_space<vmem>>)
      %dma_start3A_328 = arith.constant 1280 : i32
      %dma_start3A_329 = arith.constant 0 : i32
      %dma_start3A_330 = tpu.memref_slice %arg8[%dma_start3A_328, %dma_start3A_329] : memref<2048x8xf32, #tpu.memory_space<vmem>> -> memref<128x8xf32, #tpu.memory_space<vmem>>
      %dma_start3A_331 = arith.constant 1280 : i32
      %dma_start3A_332 = tpu.memref_slice %arg7[%dma_start3A_331] : memref<2048xi32, #tpu.memory_space<vmem>> -> memref<128xi32, #tpu.memory_space<vmem>>
      %dma_start3A_333 = arith.constant 0 : i32
      %dma_start3A_334 = arith.constant 0 : i32
      %dma_start3A_335 = tpu.memref_slice %arg9[%dma_start3A_333, %dma_start3A_334] : memref<100000x8xf32, #tpu.memory_space<vmem_shared>> -> memref<100000x8xf32, #tpu.memory_space<vmem_shared>>
      tpu.enqueue_indirect_dma source(%dma_start3A_330 : memref<128x8xf32, #tpu.memory_space<vmem>>) target(%dma_start3A_335 : memref<100000x8xf32, #tpu.memory_space<vmem_shared>>) offsets(%dma_start3A_332 : memref<128xi32, #tpu.memory_space<vmem>>) semaphore(%arg11 : memref<!tpu.dma_semaphore, #tpu.memory_space<semaphore_mem>>) {add = true}
      %dma_wait3A_336 = arith.constant 1408 : i32
      %dma_wait3A_337 = arith.constant 0 : i32
      %dma_wait3A_338 = tpu.memref_slice %arg8[%dma_wait3A_336, %dma_wait3A_337] : memref<2048x8xf32, #tpu.memory_space<vmem>> -> memref<128x8xf32, #tpu.memory_space<vmem>>
      %dma_wait3A_339 = arith.constant 1408 : i32
      %dma_wait3A_340 = tpu.memref_slice %arg6[%dma_wait3A_339] : memref<2048xi32, #tpu.memory_space<vmem>> -> memref<128xi32, #tpu.memory_space<vmem>>
      %dma_wait3A_341 = arith.constant 0 : i32
      %dma_wait3A_342 = arith.constant 0 : i32
      %dma_wait3A_343 = tpu.memref_slice %arg2[%dma_wait3A_341, %dma_wait3A_342] : memref<100000x8xf32, #tpu.memory_space<hbm>> -> memref<100000x8xf32, #tpu.memory_space<hbm>>
      tpu.wait_indirect_dma semaphore(%arg10 : memref<!tpu.dma_semaphore, #tpu.memory_space<semaphore_mem>>) src(%dma_wait3A_343 : memref<100000x8xf32, #tpu.memory_space<hbm>>) dst(%dma_wait3A_338 : memref<128x8xf32, #tpu.memory_space<vmem>>)
      %dma_start3A_344 = arith.constant 1408 : i32
      %dma_start3A_345 = arith.constant 0 : i32
      %dma_start3A_346 = tpu.memref_slice %arg8[%dma_start3A_344, %dma_start3A_345] : memref<2048x8xf32, #tpu.memory_space<vmem>> -> memref<128x8xf32, #tpu.memory_space<vmem>>
      %dma_start3A_347 = arith.constant 1408 : i32
      %dma_start3A_348 = tpu.memref_slice %arg7[%dma_start3A_347] : memref<2048xi32, #tpu.memory_space<vmem>> -> memref<128xi32, #tpu.memory_space<vmem>>
      %dma_start3A_349 = arith.constant 0 : i32
      %dma_start3A_350 = arith.constant 0 : i32
      %dma_start3A_351 = tpu.memref_slice %arg9[%dma_start3A_349, %dma_start3A_350] : memref<100000x8xf32, #tpu.memory_space<vmem_shared>> -> memref<100000x8xf32, #tpu.memory_space<vmem_shared>>
      tpu.enqueue_indirect_dma source(%dma_start3A_346 : memref<128x8xf32, #tpu.memory_space<vmem>>) target(%dma_start3A_351 : memref<100000x8xf32, #tpu.memory_space<vmem_shared>>) offsets(%dma_start3A_348 : memref<128xi32, #tpu.memory_space<vmem>>) semaphore(%arg11 : memref<!tpu.dma_semaphore, #tpu.memory_space<semaphore_mem>>) {add = true}
      %dma_wait3A_352 = arith.constant 1536 : i32
      %dma_wait3A_353 = arith.constant 0 : i32
      %dma_wait3A_354 = tpu.memref_slice %arg8[%dma_wait3A_352, %dma_wait3A_353] : memref<2048x8xf32, #tpu.memory_space<vmem>> -> memref<128x8xf32, #tpu.memory_space<vmem>>
      %dma_wait3A_355 = arith.constant 1536 : i32
      %dma_wait3A_356 = tpu.memref_slice %arg6[%dma_wait3A_355] : memref<2048xi32, #tpu.memory_space<vmem>> -> memref<128xi32, #tpu.memory_space<vmem>>
      %dma_wait3A_357 = arith.constant 0 : i32
      %dma_wait3A_358 = arith.constant 0 : i32
      %dma_wait3A_359 = tpu.memref_slice %arg2[%dma_wait3A_357, %dma_wait3A_358] : memref<100000x8xf32, #tpu.memory_space<hbm>> -> memref<100000x8xf32, #tpu.memory_space<hbm>>
      tpu.wait_indirect_dma semaphore(%arg10 : memref<!tpu.dma_semaphore, #tpu.memory_space<semaphore_mem>>) src(%dma_wait3A_359 : memref<100000x8xf32, #tpu.memory_space<hbm>>) dst(%dma_wait3A_354 : memref<128x8xf32, #tpu.memory_space<vmem>>)
      %dma_start3A_360 = arith.constant 1536 : i32
      %dma_start3A_361 = arith.constant 0 : i32
      %dma_start3A_362 = tpu.memref_slice %arg8[%dma_start3A_360, %dma_start3A_361] : memref<2048x8xf32, #tpu.memory_space<vmem>> -> memref<128x8xf32, #tpu.memory_space<vmem>>
      %dma_start3A_363 = arith.constant 1536 : i32
      %dma_start3A_364 = tpu.memref_slice %arg7[%dma_start3A_363] : memref<2048xi32, #tpu.memory_space<vmem>> -> memref<128xi32, #tpu.memory_space<vmem>>
      %dma_start3A_365 = arith.constant 0 : i32
      %dma_start3A_366 = arith.constant 0 : i32
      %dma_start3A_367 = tpu.memref_slice %arg9[%dma_start3A_365, %dma_start3A_366] : memref<100000x8xf32, #tpu.memory_space<vmem_shared>> -> memref<100000x8xf32, #tpu.memory_space<vmem_shared>>
      tpu.enqueue_indirect_dma source(%dma_start3A_362 : memref<128x8xf32, #tpu.memory_space<vmem>>) target(%dma_start3A_367 : memref<100000x8xf32, #tpu.memory_space<vmem_shared>>) offsets(%dma_start3A_364 : memref<128xi32, #tpu.memory_space<vmem>>) semaphore(%arg11 : memref<!tpu.dma_semaphore, #tpu.memory_space<semaphore_mem>>) {add = true}
      %dma_wait3A_368 = arith.constant 1664 : i32
      %dma_wait3A_369 = arith.constant 0 : i32
      %dma_wait3A_370 = tpu.memref_slice %arg8[%dma_wait3A_368, %dma_wait3A_369] : memref<2048x8xf32, #tpu.memory_space<vmem>> -> memref<128x8xf32, #tpu.memory_space<vmem>>
      %dma_wait3A_371 = arith.constant 1664 : i32
      %dma_wait3A_372 = tpu.memref_slice %arg6[%dma_wait3A_371] : memref<2048xi32, #tpu.memory_space<vmem>> -> memref<128xi32, #tpu.memory_space<vmem>>
      %dma_wait3A_373 = arith.constant 0 : i32
      %dma_wait3A_374 = arith.constant 0 : i32
      %dma_wait3A_375 = tpu.memref_slice %arg2[%dma_wait3A_373, %dma_wait3A_374] : memref<100000x8xf32, #tpu.memory_space<hbm>> -> memref<100000x8xf32, #tpu.memory_space<hbm>>
      tpu.wait_indirect_dma semaphore(%arg10 : memref<!tpu.dma_semaphore, #tpu.memory_space<semaphore_mem>>) src(%dma_wait3A_375 : memref<100000x8xf32, #tpu.memory_space<hbm>>) dst(%dma_wait3A_370 : memref<128x8xf32, #tpu.memory_space<vmem>>)
      %dma_start3A_376 = arith.constant 1664 : i32
      %dma_start3A_377 = arith.constant 0 : i32
      %dma_start3A_378 = tpu.memref_slice %arg8[%dma_start3A_376, %dma_start3A_377] : memref<2048x8xf32, #tpu.memory_space<vmem>> -> memref<128x8xf32, #tpu.memory_space<vmem>>
      %dma_start3A_379 = arith.constant 1664 : i32
      %dma_start3A_380 = tpu.memref_slice %arg7[%dma_start3A_379] : memref<2048xi32, #tpu.memory_space<vmem>> -> memref<128xi32, #tpu.memory_space<vmem>>
      %dma_start3A_381 = arith.constant 0 : i32
      %dma_start3A_382 = arith.constant 0 : i32
      %dma_start3A_383 = tpu.memref_slice %arg9[%dma_start3A_381, %dma_start3A_382] : memref<100000x8xf32, #tpu.memory_space<vmem_shared>> -> memref<100000x8xf32, #tpu.memory_space<vmem_shared>>
      tpu.enqueue_indirect_dma source(%dma_start3A_378 : memref<128x8xf32, #tpu.memory_space<vmem>>) target(%dma_start3A_383 : memref<100000x8xf32, #tpu.memory_space<vmem_shared>>) offsets(%dma_start3A_380 : memref<128xi32, #tpu.memory_space<vmem>>) semaphore(%arg11 : memref<!tpu.dma_semaphore, #tpu.memory_space<semaphore_mem>>) {add = true}
      %dma_wait3A_384 = arith.constant 1792 : i32
      %dma_wait3A_385 = arith.constant 0 : i32
      %dma_wait3A_386 = tpu.memref_slice %arg8[%dma_wait3A_384, %dma_wait3A_385] : memref<2048x8xf32, #tpu.memory_space<vmem>> -> memref<128x8xf32, #tpu.memory_space<vmem>>
      %dma_wait3A_387 = arith.constant 1792 : i32
      %dma_wait3A_388 = tpu.memref_slice %arg6[%dma_wait3A_387] : memref<2048xi32, #tpu.memory_space<vmem>> -> memref<128xi32, #tpu.memory_space<vmem>>
      %dma_wait3A_389 = arith.constant 0 : i32
      %dma_wait3A_390 = arith.constant 0 : i32
      %dma_wait3A_391 = tpu.memref_slice %arg2[%dma_wait3A_389, %dma_wait3A_390] : memref<100000x8xf32, #tpu.memory_space<hbm>> -> memref<100000x8xf32, #tpu.memory_space<hbm>>
      tpu.wait_indirect_dma semaphore(%arg10 : memref<!tpu.dma_semaphore, #tpu.memory_space<semaphore_mem>>) src(%dma_wait3A_391 : memref<100000x8xf32, #tpu.memory_space<hbm>>) dst(%dma_wait3A_386 : memref<128x8xf32, #tpu.memory_space<vmem>>)
      %dma_start3A_392 = arith.constant 1792 : i32
      %dma_start3A_393 = arith.constant 0 : i32
      %dma_start3A_394 = tpu.memref_slice %arg8[%dma_start3A_392, %dma_start3A_393] : memref<2048x8xf32, #tpu.memory_space<vmem>> -> memref<128x8xf32, #tpu.memory_space<vmem>>
      %dma_start3A_395 = arith.constant 1792 : i32
      %dma_start3A_396 = tpu.memref_slice %arg7[%dma_start3A_395] : memref<2048xi32, #tpu.memory_space<vmem>> -> memref<128xi32, #tpu.memory_space<vmem>>
      %dma_start3A_397 = arith.constant 0 : i32
      %dma_start3A_398 = arith.constant 0 : i32
      %dma_start3A_399 = tpu.memref_slice %arg9[%dma_start3A_397, %dma_start3A_398] : memref<100000x8xf32, #tpu.memory_space<vmem_shared>> -> memref<100000x8xf32, #tpu.memory_space<vmem_shared>>
      tpu.enqueue_indirect_dma source(%dma_start3A_394 : memref<128x8xf32, #tpu.memory_space<vmem>>) target(%dma_start3A_399 : memref<100000x8xf32, #tpu.memory_space<vmem_shared>>) offsets(%dma_start3A_396 : memref<128xi32, #tpu.memory_space<vmem>>) semaphore(%arg11 : memref<!tpu.dma_semaphore, #tpu.memory_space<semaphore_mem>>) {add = true}
      %dma_wait3A_400 = arith.constant 1920 : i32
      %dma_wait3A_401 = arith.constant 0 : i32
      %dma_wait3A_402 = tpu.memref_slice %arg8[%dma_wait3A_400, %dma_wait3A_401] : memref<2048x8xf32, #tpu.memory_space<vmem>> -> memref<128x8xf32, #tpu.memory_space<vmem>>
      %dma_wait3A_403 = arith.constant 1920 : i32
      %dma_wait3A_404 = tpu.memref_slice %arg6[%dma_wait3A_403] : memref<2048xi32, #tpu.memory_space<vmem>> -> memref<128xi32, #tpu.memory_space<vmem>>
      %dma_wait3A_405 = arith.constant 0 : i32
      %dma_wait3A_406 = arith.constant 0 : i32
      %dma_wait3A_407 = tpu.memref_slice %arg2[%dma_wait3A_405, %dma_wait3A_406] : memref<100000x8xf32, #tpu.memory_space<hbm>> -> memref<100000x8xf32, #tpu.memory_space<hbm>>
      tpu.wait_indirect_dma semaphore(%arg10 : memref<!tpu.dma_semaphore, #tpu.memory_space<semaphore_mem>>) src(%dma_wait3A_407 : memref<100000x8xf32, #tpu.memory_space<hbm>>) dst(%dma_wait3A_402 : memref<128x8xf32, #tpu.memory_space<vmem>>)
      %dma_start3A_408 = arith.constant 1920 : i32
      %dma_start3A_409 = arith.constant 0 : i32
      %dma_start3A_410 = tpu.memref_slice %arg8[%dma_start3A_408, %dma_start3A_409] : memref<2048x8xf32, #tpu.memory_space<vmem>> -> memref<128x8xf32, #tpu.memory_space<vmem>>
      %dma_start3A_411 = arith.constant 1920 : i32
      %dma_start3A_412 = tpu.memref_slice %arg7[%dma_start3A_411] : memref<2048xi32, #tpu.memory_space<vmem>> -> memref<128xi32, #tpu.memory_space<vmem>>
      %dma_start3A_413 = arith.constant 0 : i32
      %dma_start3A_414 = arith.constant 0 : i32
      %dma_start3A_415 = tpu.memref_slice %arg9[%dma_start3A_413, %dma_start3A_414] : memref<100000x8xf32, #tpu.memory_space<vmem_shared>> -> memref<100000x8xf32, #tpu.memory_space<vmem_shared>>
      tpu.enqueue_indirect_dma source(%dma_start3A_410 : memref<128x8xf32, #tpu.memory_space<vmem>>) target(%dma_start3A_415 : memref<100000x8xf32, #tpu.memory_space<vmem_shared>>) offsets(%dma_start3A_412 : memref<128xi32, #tpu.memory_space<vmem>>) semaphore(%arg11 : memref<!tpu.dma_semaphore, #tpu.memory_space<semaphore_mem>>) {add = true}
      %dma_wait3A_416 = arith.constant 0 : i32
      %dma_wait3A_417 = arith.constant 0 : i32
      %dma_wait3A_418 = tpu.memref_slice %arg8[%dma_wait3A_416, %dma_wait3A_417] : memref<2048x8xf32, #tpu.memory_space<vmem>> -> memref<128x8xf32, #tpu.memory_space<vmem>>
      %dma_wait3A_419 = arith.constant 0 : i32
      %dma_wait3A_420 = tpu.memref_slice %arg7[%dma_wait3A_419] : memref<2048xi32, #tpu.memory_space<vmem>> -> memref<128xi32, #tpu.memory_space<vmem>>
      %dma_wait3A_421 = arith.constant 0 : i32
      %dma_wait3A_422 = arith.constant 0 : i32
      %dma_wait3A_423 = tpu.memref_slice %arg9[%dma_wait3A_421, %dma_wait3A_422] : memref<100000x8xf32, #tpu.memory_space<vmem_shared>> -> memref<100000x8xf32, #tpu.memory_space<vmem_shared>>
      tpu.wait_indirect_dma semaphore(%arg11 : memref<!tpu.dma_semaphore, #tpu.memory_space<semaphore_mem>>) src(%dma_wait3A_418 : memref<128x8xf32, #tpu.memory_space<vmem>>) dst(%dma_wait3A_423 : memref<100000x8xf32, #tpu.memory_space<vmem_shared>>)
      %dma_wait3A_424 = arith.constant 128 : i32
      %dma_wait3A_425 = arith.constant 0 : i32
      %dma_wait3A_426 = tpu.memref_slice %arg8[%dma_wait3A_424, %dma_wait3A_425] : memref<2048x8xf32, #tpu.memory_space<vmem>> -> memref<128x8xf32, #tpu.memory_space<vmem>>
      %dma_wait3A_427 = arith.constant 128 : i32
      %dma_wait3A_428 = tpu.memref_slice %arg7[%dma_wait3A_427] : memref<2048xi32, #tpu.memory_space<vmem>> -> memref<128xi32, #tpu.memory_space<vmem>>
      %dma_wait3A_429 = arith.constant 0 : i32
      %dma_wait3A_430 = arith.constant 0 : i32
      %dma_wait3A_431 = tpu.memref_slice %arg9[%dma_wait3A_429, %dma_wait3A_430] : memref<100000x8xf32, #tpu.memory_space<vmem_shared>> -> memref<100000x8xf32, #tpu.memory_space<vmem_shared>>
      tpu.wait_indirect_dma semaphore(%arg11 : memref<!tpu.dma_semaphore, #tpu.memory_space<semaphore_mem>>) src(%dma_wait3A_426 : memref<128x8xf32, #tpu.memory_space<vmem>>) dst(%dma_wait3A_431 : memref<100000x8xf32, #tpu.memory_space<vmem_shared>>)
      %dma_wait3A_432 = arith.constant 256 : i32
      %dma_wait3A_433 = arith.constant 0 : i32
      %dma_wait3A_434 = tpu.memref_slice %arg8[%dma_wait3A_432, %dma_wait3A_433] : memref<2048x8xf32, #tpu.memory_space<vmem>> -> memref<128x8xf32, #tpu.memory_space<vmem>>
      %dma_wait3A_435 = arith.constant 256 : i32
      %dma_wait3A_436 = tpu.memref_slice %arg7[%dma_wait3A_435] : memref<2048xi32, #tpu.memory_space<vmem>> -> memref<128xi32, #tpu.memory_space<vmem>>
      %dma_wait3A_437 = arith.constant 0 : i32
      %dma_wait3A_438 = arith.constant 0 : i32
      %dma_wait3A_439 = tpu.memref_slice %arg9[%dma_wait3A_437, %dma_wait3A_438] : memref<100000x8xf32, #tpu.memory_space<vmem_shared>> -> memref<100000x8xf32, #tpu.memory_space<vmem_shared>>
      tpu.wait_indirect_dma semaphore(%arg11 : memref<!tpu.dma_semaphore, #tpu.memory_space<semaphore_mem>>) src(%dma_wait3A_434 : memref<128x8xf32, #tpu.memory_space<vmem>>) dst(%dma_wait3A_439 : memref<100000x8xf32, #tpu.memory_space<vmem_shared>>)
      %dma_wait3A_440 = arith.constant 384 : i32
      %dma_wait3A_441 = arith.constant 0 : i32
      %dma_wait3A_442 = tpu.memref_slice %arg8[%dma_wait3A_440, %dma_wait3A_441] : memref<2048x8xf32, #tpu.memory_space<vmem>> -> memref<128x8xf32, #tpu.memory_space<vmem>>
      %dma_wait3A_443 = arith.constant 384 : i32
      %dma_wait3A_444 = tpu.memref_slice %arg7[%dma_wait3A_443] : memref<2048xi32, #tpu.memory_space<vmem>> -> memref<128xi32, #tpu.memory_space<vmem>>
      %dma_wait3A_445 = arith.constant 0 : i32
      %dma_wait3A_446 = arith.constant 0 : i32
      %dma_wait3A_447 = tpu.memref_slice %arg9[%dma_wait3A_445, %dma_wait3A_446] : memref<100000x8xf32, #tpu.memory_space<vmem_shared>> -> memref<100000x8xf32, #tpu.memory_space<vmem_shared>>
      tpu.wait_indirect_dma semaphore(%arg11 : memref<!tpu.dma_semaphore, #tpu.memory_space<semaphore_mem>>) src(%dma_wait3A_442 : memref<128x8xf32, #tpu.memory_space<vmem>>) dst(%dma_wait3A_447 : memref<100000x8xf32, #tpu.memory_space<vmem_shared>>)
      %dma_wait3A_448 = arith.constant 512 : i32
      %dma_wait3A_449 = arith.constant 0 : i32
      %dma_wait3A_450 = tpu.memref_slice %arg8[%dma_wait3A_448, %dma_wait3A_449] : memref<2048x8xf32, #tpu.memory_space<vmem>> -> memref<128x8xf32, #tpu.memory_space<vmem>>
      %dma_wait3A_451 = arith.constant 512 : i32
      %dma_wait3A_452 = tpu.memref_slice %arg7[%dma_wait3A_451] : memref<2048xi32, #tpu.memory_space<vmem>> -> memref<128xi32, #tpu.memory_space<vmem>>
      %dma_wait3A_453 = arith.constant 0 : i32
      %dma_wait3A_454 = arith.constant 0 : i32
      %dma_wait3A_455 = tpu.memref_slice %arg9[%dma_wait3A_453, %dma_wait3A_454] : memref<100000x8xf32, #tpu.memory_space<vmem_shared>> -> memref<100000x8xf32, #tpu.memory_space<vmem_shared>>
      tpu.wait_indirect_dma semaphore(%arg11 : memref<!tpu.dma_semaphore, #tpu.memory_space<semaphore_mem>>) src(%dma_wait3A_450 : memref<128x8xf32, #tpu.memory_space<vmem>>) dst(%dma_wait3A_455 : memref<100000x8xf32, #tpu.memory_space<vmem_shared>>)
      %dma_wait3A_456 = arith.constant 640 : i32
      %dma_wait3A_457 = arith.constant 0 : i32
      %dma_wait3A_458 = tpu.memref_slice %arg8[%dma_wait3A_456, %dma_wait3A_457] : memref<2048x8xf32, #tpu.memory_space<vmem>> -> memref<128x8xf32, #tpu.memory_space<vmem>>
      %dma_wait3A_459 = arith.constant 640 : i32
      %dma_wait3A_460 = tpu.memref_slice %arg7[%dma_wait3A_459] : memref<2048xi32, #tpu.memory_space<vmem>> -> memref<128xi32, #tpu.memory_space<vmem>>
      %dma_wait3A_461 = arith.constant 0 : i32
      %dma_wait3A_462 = arith.constant 0 : i32
      %dma_wait3A_463 = tpu.memref_slice %arg9[%dma_wait3A_461, %dma_wait3A_462] : memref<100000x8xf32, #tpu.memory_space<vmem_shared>> -> memref<100000x8xf32, #tpu.memory_space<vmem_shared>>
      tpu.wait_indirect_dma semaphore(%arg11 : memref<!tpu.dma_semaphore, #tpu.memory_space<semaphore_mem>>) src(%dma_wait3A_458 : memref<128x8xf32, #tpu.memory_space<vmem>>) dst(%dma_wait3A_463 : memref<100000x8xf32, #tpu.memory_space<vmem_shared>>)
      %dma_wait3A_464 = arith.constant 768 : i32
      %dma_wait3A_465 = arith.constant 0 : i32
      %dma_wait3A_466 = tpu.memref_slice %arg8[%dma_wait3A_464, %dma_wait3A_465] : memref<2048x8xf32, #tpu.memory_space<vmem>> -> memref<128x8xf32, #tpu.memory_space<vmem>>
      %dma_wait3A_467 = arith.constant 768 : i32
      %dma_wait3A_468 = tpu.memref_slice %arg7[%dma_wait3A_467] : memref<2048xi32, #tpu.memory_space<vmem>> -> memref<128xi32, #tpu.memory_space<vmem>>
      %dma_wait3A_469 = arith.constant 0 : i32
      %dma_wait3A_470 = arith.constant 0 : i32
      %dma_wait3A_471 = tpu.memref_slice %arg9[%dma_wait3A_469, %dma_wait3A_470] : memref<100000x8xf32, #tpu.memory_space<vmem_shared>> -> memref<100000x8xf32, #tpu.memory_space<vmem_shared>>
      tpu.wait_indirect_dma semaphore(%arg11 : memref<!tpu.dma_semaphore, #tpu.memory_space<semaphore_mem>>) src(%dma_wait3A_466 : memref<128x8xf32, #tpu.memory_space<vmem>>) dst(%dma_wait3A_471 : memref<100000x8xf32, #tpu.memory_space<vmem_shared>>)
      %dma_wait3A_472 = arith.constant 896 : i32
      %dma_wait3A_473 = arith.constant 0 : i32
      %dma_wait3A_474 = tpu.memref_slice %arg8[%dma_wait3A_472, %dma_wait3A_473] : memref<2048x8xf32, #tpu.memory_space<vmem>> -> memref<128x8xf32, #tpu.memory_space<vmem>>
      %dma_wait3A_475 = arith.constant 896 : i32
      %dma_wait3A_476 = tpu.memref_slice %arg7[%dma_wait3A_475] : memref<2048xi32, #tpu.memory_space<vmem>> -> memref<128xi32, #tpu.memory_space<vmem>>
      %dma_wait3A_477 = arith.constant 0 : i32
      %dma_wait3A_478 = arith.constant 0 : i32
      %dma_wait3A_479 = tpu.memref_slice %arg9[%dma_wait3A_477, %dma_wait3A_478] : memref<100000x8xf32, #tpu.memory_space<vmem_shared>> -> memref<100000x8xf32, #tpu.memory_space<vmem_shared>>
      tpu.wait_indirect_dma semaphore(%arg11 : memref<!tpu.dma_semaphore, #tpu.memory_space<semaphore_mem>>) src(%dma_wait3A_474 : memref<128x8xf32, #tpu.memory_space<vmem>>) dst(%dma_wait3A_479 : memref<100000x8xf32, #tpu.memory_space<vmem_shared>>)
      %dma_wait3A_480 = arith.constant 1024 : i32
      %dma_wait3A_481 = arith.constant 0 : i32
      %dma_wait3A_482 = tpu.memref_slice %arg8[%dma_wait3A_480, %dma_wait3A_481] : memref<2048x8xf32, #tpu.memory_space<vmem>> -> memref<128x8xf32, #tpu.memory_space<vmem>>
      %dma_wait3A_483 = arith.constant 1024 : i32
      %dma_wait3A_484 = tpu.memref_slice %arg7[%dma_wait3A_483] : memref<2048xi32, #tpu.memory_space<vmem>> -> memref<128xi32, #tpu.memory_space<vmem>>
      %dma_wait3A_485 = arith.constant 0 : i32
      %dma_wait3A_486 = arith.constant 0 : i32
      %dma_wait3A_487 = tpu.memref_slice %arg9[%dma_wait3A_485, %dma_wait3A_486] : memref<100000x8xf32, #tpu.memory_space<vmem_shared>> -> memref<100000x8xf32, #tpu.memory_space<vmem_shared>>
      tpu.wait_indirect_dma semaphore(%arg11 : memref<!tpu.dma_semaphore, #tpu.memory_space<semaphore_mem>>) src(%dma_wait3A_482 : memref<128x8xf32, #tpu.memory_space<vmem>>) dst(%dma_wait3A_487 : memref<100000x8xf32, #tpu.memory_space<vmem_shared>>)
      %dma_wait3A_488 = arith.constant 1152 : i32
      %dma_wait3A_489 = arith.constant 0 : i32
      %dma_wait3A_490 = tpu.memref_slice %arg8[%dma_wait3A_488, %dma_wait3A_489] : memref<2048x8xf32, #tpu.memory_space<vmem>> -> memref<128x8xf32, #tpu.memory_space<vmem>>
      %dma_wait3A_491 = arith.constant 1152 : i32
      %dma_wait3A_492 = tpu.memref_slice %arg7[%dma_wait3A_491] : memref<2048xi32, #tpu.memory_space<vmem>> -> memref<128xi32, #tpu.memory_space<vmem>>
      %dma_wait3A_493 = arith.constant 0 : i32
      %dma_wait3A_494 = arith.constant 0 : i32
      %dma_wait3A_495 = tpu.memref_slice %arg9[%dma_wait3A_493, %dma_wait3A_494] : memref<100000x8xf32, #tpu.memory_space<vmem_shared>> -> memref<100000x8xf32, #tpu.memory_space<vmem_shared>>
      tpu.wait_indirect_dma semaphore(%arg11 : memref<!tpu.dma_semaphore, #tpu.memory_space<semaphore_mem>>) src(%dma_wait3A_490 : memref<128x8xf32, #tpu.memory_space<vmem>>) dst(%dma_wait3A_495 : memref<100000x8xf32, #tpu.memory_space<vmem_shared>>)
      %dma_wait3A_496 = arith.constant 1280 : i32
      %dma_wait3A_497 = arith.constant 0 : i32
      %dma_wait3A_498 = tpu.memref_slice %arg8[%dma_wait3A_496, %dma_wait3A_497] : memref<2048x8xf32, #tpu.memory_space<vmem>> -> memref<128x8xf32, #tpu.memory_space<vmem>>
      %dma_wait3A_499 = arith.constant 1280 : i32
      %dma_wait3A_500 = tpu.memref_slice %arg7[%dma_wait3A_499] : memref<2048xi32, #tpu.memory_space<vmem>> -> memref<128xi32, #tpu.memory_space<vmem>>
      %dma_wait3A_501 = arith.constant 0 : i32
      %dma_wait3A_502 = arith.constant 0 : i32
      %dma_wait3A_503 = tpu.memref_slice %arg9[%dma_wait3A_501, %dma_wait3A_502] : memref<100000x8xf32, #tpu.memory_space<vmem_shared>> -> memref<100000x8xf32, #tpu.memory_space<vmem_shared>>
      tpu.wait_indirect_dma semaphore(%arg11 : memref<!tpu.dma_semaphore, #tpu.memory_space<semaphore_mem>>) src(%dma_wait3A_498 : memref<128x8xf32, #tpu.memory_space<vmem>>) dst(%dma_wait3A_503 : memref<100000x8xf32, #tpu.memory_space<vmem_shared>>)
      %dma_wait3A_504 = arith.constant 1408 : i32
      %dma_wait3A_505 = arith.constant 0 : i32
      %dma_wait3A_506 = tpu.memref_slice %arg8[%dma_wait3A_504, %dma_wait3A_505] : memref<2048x8xf32, #tpu.memory_space<vmem>> -> memref<128x8xf32, #tpu.memory_space<vmem>>
      %dma_wait3A_507 = arith.constant 1408 : i32
      %dma_wait3A_508 = tpu.memref_slice %arg7[%dma_wait3A_507] : memref<2048xi32, #tpu.memory_space<vmem>> -> memref<128xi32, #tpu.memory_space<vmem>>
      %dma_wait3A_509 = arith.constant 0 : i32
      %dma_wait3A_510 = arith.constant 0 : i32
      %dma_wait3A_511 = tpu.memref_slice %arg9[%dma_wait3A_509, %dma_wait3A_510] : memref<100000x8xf32, #tpu.memory_space<vmem_shared>> -> memref<100000x8xf32, #tpu.memory_space<vmem_shared>>
      tpu.wait_indirect_dma semaphore(%arg11 : memref<!tpu.dma_semaphore, #tpu.memory_space<semaphore_mem>>) src(%dma_wait3A_506 : memref<128x8xf32, #tpu.memory_space<vmem>>) dst(%dma_wait3A_511 : memref<100000x8xf32, #tpu.memory_space<vmem_shared>>)
      %dma_wait3A_512 = arith.constant 1536 : i32
      %dma_wait3A_513 = arith.constant 0 : i32
      %dma_wait3A_514 = tpu.memref_slice %arg8[%dma_wait3A_512, %dma_wait3A_513] : memref<2048x8xf32, #tpu.memory_space<vmem>> -> memref<128x8xf32, #tpu.memory_space<vmem>>
      %dma_wait3A_515 = arith.constant 1536 : i32
      %dma_wait3A_516 = tpu.memref_slice %arg7[%dma_wait3A_515] : memref<2048xi32, #tpu.memory_space<vmem>> -> memref<128xi32, #tpu.memory_space<vmem>>
      %dma_wait3A_517 = arith.constant 0 : i32
      %dma_wait3A_518 = arith.constant 0 : i32
      %dma_wait3A_519 = tpu.memref_slice %arg9[%dma_wait3A_517, %dma_wait3A_518] : memref<100000x8xf32, #tpu.memory_space<vmem_shared>> -> memref<100000x8xf32, #tpu.memory_space<vmem_shared>>
      tpu.wait_indirect_dma semaphore(%arg11 : memref<!tpu.dma_semaphore, #tpu.memory_space<semaphore_mem>>) src(%dma_wait3A_514 : memref<128x8xf32, #tpu.memory_space<vmem>>) dst(%dma_wait3A_519 : memref<100000x8xf32, #tpu.memory_space<vmem_shared>>)
      %dma_wait3A_520 = arith.constant 1664 : i32
      %dma_wait3A_521 = arith.constant 0 : i32
      %dma_wait3A_522 = tpu.memref_slice %arg8[%dma_wait3A_520, %dma_wait3A_521] : memref<2048x8xf32, #tpu.memory_space<vmem>> -> memref<128x8xf32, #tpu.memory_space<vmem>>
      %dma_wait3A_523 = arith.constant 1664 : i32
      %dma_wait3A_524 = tpu.memref_slice %arg7[%dma_wait3A_523] : memref<2048xi32, #tpu.memory_space<vmem>> -> memref<128xi32, #tpu.memory_space<vmem>>
      %dma_wait3A_525 = arith.constant 0 : i32
      %dma_wait3A_526 = arith.constant 0 : i32
      %dma_wait3A_527 = tpu.memref_slice %arg9[%dma_wait3A_525, %dma_wait3A_526] : memref<100000x8xf32, #tpu.memory_space<vmem_shared>> -> memref<100000x8xf32, #tpu.memory_space<vmem_shared>>
      tpu.wait_indirect_dma semaphore(%arg11 : memref<!tpu.dma_semaphore, #tpu.memory_space<semaphore_mem>>) src(%dma_wait3A_522 : memref<128x8xf32, #tpu.memory_space<vmem>>) dst(%dma_wait3A_527 : memref<100000x8xf32, #tpu.memory_space<vmem_shared>>)
      %dma_wait3A_528 = arith.constant 1792 : i32
      %dma_wait3A_529 = arith.constant 0 : i32
      %dma_wait3A_530 = tpu.memref_slice %arg8[%dma_wait3A_528, %dma_wait3A_529] : memref<2048x8xf32, #tpu.memory_space<vmem>> -> memref<128x8xf32, #tpu.memory_space<vmem>>
      %dma_wait3A_531 = arith.constant 1792 : i32
      %dma_wait3A_532 = tpu.memref_slice %arg7[%dma_wait3A_531] : memref<2048xi32, #tpu.memory_space<vmem>> -> memref<128xi32, #tpu.memory_space<vmem>>
      %dma_wait3A_533 = arith.constant 0 : i32
      %dma_wait3A_534 = arith.constant 0 : i32
      %dma_wait3A_535 = tpu.memref_slice %arg9[%dma_wait3A_533, %dma_wait3A_534] : memref<100000x8xf32, #tpu.memory_space<vmem_shared>> -> memref<100000x8xf32, #tpu.memory_space<vmem_shared>>
      tpu.wait_indirect_dma semaphore(%arg11 : memref<!tpu.dma_semaphore, #tpu.memory_space<semaphore_mem>>) src(%dma_wait3A_530 : memref<128x8xf32, #tpu.memory_space<vmem>>) dst(%dma_wait3A_535 : memref<100000x8xf32, #tpu.memory_space<vmem_shared>>)
      %dma_wait3A_536 = arith.constant 1920 : i32
      %dma_wait3A_537 = arith.constant 0 : i32
      %dma_wait3A_538 = tpu.memref_slice %arg8[%dma_wait3A_536, %dma_wait3A_537] : memref<2048x8xf32, #tpu.memory_space<vmem>> -> memref<128x8xf32, #tpu.memory_space<vmem>>
      %dma_wait3A_539 = arith.constant 1920 : i32
      %dma_wait3A_540 = tpu.memref_slice %arg7[%dma_wait3A_539] : memref<2048xi32, #tpu.memory_space<vmem>> -> memref<128xi32, #tpu.memory_space<vmem>>
      %dma_wait3A_541 = arith.constant 0 : i32
      %dma_wait3A_542 = arith.constant 0 : i32
      %dma_wait3A_543 = tpu.memref_slice %arg9[%dma_wait3A_541, %dma_wait3A_542] : memref<100000x8xf32, #tpu.memory_space<vmem_shared>> -> memref<100000x8xf32, #tpu.memory_space<vmem_shared>>
      tpu.wait_indirect_dma semaphore(%arg11 : memref<!tpu.dma_semaphore, #tpu.memory_space<semaphore_mem>>) src(%dma_wait3A_538 : memref<128x8xf32, #tpu.memory_space<vmem>>) dst(%dma_wait3A_543 : memref<100000x8xf32, #tpu.memory_space<vmem_shared>>)
    }
    %while3A_21 = arith.constant 1 : i32
    scf.for %while3A_27 = %while3A_19 to %while3A_15 step %while3A_21  : i32 {
      %add3A_28 = arith.addi %add3A_8, %while3A_27 : i32
      %mul3A_29 = arith.constant 16 : i32
      %mul3A_30 = arith.muli %add3A_28, %mul3A_29 : i32
      %mul3A_31 = arith.constant 128 : i32
      %mul3A_32 = arith.muli %mul3A_30, %mul3A_31 : i32
      %run_scoped3A = arith.constant 0 : i32
      "tpu.region"() ({
        %run_scoped3A_544 = tpu.sem_alloc : memref<!tpu.dma_semaphore, #tpu.memory_space<semaphore_mem>>
        %dma_start3A_545 = tpu.memref_slice %arg4[%run_scoped3A, %mul3A_32] : memref<2x3200000xi32, #tpu.memory_space<hbm>> -> memref<1x2048xi32, #tpu.memory_space<hbm>>
        %dma_start3A_546 = tpu.memref_squeeze %dma_start3A_545 : memref<1x2048xi32, #tpu.memory_space<hbm>> -> memref<2048xi32, #tpu.memory_space<hbm>>
        %dma_start3A_547 = tpu.memref_slice %arg4[%run_scoped3A, %mul3A_32] : memref<2x3200000xi32, #tpu.memory_space<hbm>> -> memref<1x2048xi32, #tpu.memory_space<hbm>>
        %dma_start3A_548 = tpu.memref_squeeze %dma_start3A_547 : memref<1x2048xi32, #tpu.memory_space<hbm>> -> memref<2048xi32, #tpu.memory_space<hbm>>
        tpu.enqueue_dma source(%dma_start3A_548 : memref<2048xi32, #tpu.memory_space<hbm>>) target(%arg6 : memref<2048xi32, #tpu.memory_space<vmem>>) target_semaphore(%run_scoped3A_544 : memref<!tpu.dma_semaphore, #tpu.memory_space<semaphore_mem>>)
        %dma_wait3A_549 = tpu.memref_slice %arg4[%run_scoped3A, %mul3A_32] : memref<2x3200000xi32, #tpu.memory_space<hbm>> -> memref<1x2048xi32, #tpu.memory_space<hbm>>
        %dma_wait3A_550 = tpu.memref_squeeze %dma_wait3A_549 : memref<1x2048xi32, #tpu.memory_space<hbm>> -> memref<2048xi32, #tpu.memory_space<hbm>>
        %dma_wait3A_551 = tpu.memref_slice %arg4[%run_scoped3A, %mul3A_32] : memref<2x3200000xi32, #tpu.memory_space<hbm>> -> memref<1x2048xi32, #tpu.memory_space<hbm>>
        %dma_wait3A_552 = tpu.memref_squeeze %dma_wait3A_551 : memref<1x2048xi32, #tpu.memory_space<hbm>> -> memref<2048xi32, #tpu.memory_space<hbm>>
        tpu.wait_dma2 semaphore(%run_scoped3A_544 : memref<!tpu.dma_semaphore, #tpu.memory_space<semaphore_mem>>) src(%dma_wait3A_552 : memref<2048xi32, #tpu.memory_space<hbm>>) dst(%arg6 : memref<2048xi32, #tpu.memory_space<vmem>>)
        tpu.yield
      }) : () -> ()
      %run_scoped3A_33 = arith.constant 1 : i32
      "tpu.region"() ({
        %run_scoped3A_544 = tpu.sem_alloc : memref<!tpu.dma_semaphore, #tpu.memory_space<semaphore_mem>>
        %dma_start3A_545 = tpu.memref_slice %arg4[%run_scoped3A_33, %mul3A_32] : memref<2x3200000xi32, #tpu.memory_space<hbm>> -> memref<1x2048xi32, #tpu.memory_space<hbm>>
        %dma_start3A_546 = tpu.memref_squeeze %dma_start3A_545 : memref<1x2048xi32, #tpu.memory_space<hbm>> -> memref<2048xi32, #tpu.memory_space<hbm>>
        %dma_start3A_547 = tpu.memref_slice %arg4[%run_scoped3A_33, %mul3A_32] : memref<2x3200000xi32, #tpu.memory_space<hbm>> -> memref<1x2048xi32, #tpu.memory_space<hbm>>
        %dma_start3A_548 = tpu.memref_squeeze %dma_start3A_547 : memref<1x2048xi32, #tpu.memory_space<hbm>> -> memref<2048xi32, #tpu.memory_space<hbm>>
        tpu.enqueue_dma source(%dma_start3A_548 : memref<2048xi32, #tpu.memory_space<hbm>>) target(%arg7 : memref<2048xi32, #tpu.memory_space<vmem>>) target_semaphore(%run_scoped3A_544 : memref<!tpu.dma_semaphore, #tpu.memory_space<semaphore_mem>>)
        %dma_wait3A_549 = tpu.memref_slice %arg4[%run_scoped3A_33, %mul3A_32] : memref<2x3200000xi32, #tpu.memory_space<hbm>> -> memref<1x2048xi32, #tpu.memory_space<hbm>>
        %dma_wait3A_550 = tpu.memref_squeeze %dma_wait3A_549 : memref<1x2048xi32, #tpu.memory_space<hbm>> -> memref<2048xi32, #tpu.memory_space<hbm>>
        %dma_wait3A_551 = tpu.memref_slice %arg4[%run_scoped3A_33, %mul3A_32] : memref<2x3200000xi32, #tpu.memory_space<hbm>> -> memref<1x2048xi32, #tpu.memory_space<hbm>>
        %dma_wait3A_552 = tpu.memref_squeeze %dma_wait3A_551 : memref<1x2048xi32, #tpu.memory_space<hbm>> -> memref<2048xi32, #tpu.memory_space<hbm>>
        tpu.wait_dma2 semaphore(%run_scoped3A_544 : memref<!tpu.dma_semaphore, #tpu.memory_space<semaphore_mem>>) src(%dma_wait3A_552 : memref<2048xi32, #tpu.memory_space<hbm>>) dst(%arg7 : memref<2048xi32, #tpu.memory_space<vmem>>)
        tpu.yield
      }) : () -> ()
      %dma_start3A = arith.constant 0 : i32
      %dma_start3A_34 = arith.constant 0 : i32
      %dma_start3A_35 = tpu.memref_slice %arg8[%dma_start3A, %dma_start3A_34] : memref<2048x8xf32, #tpu.memory_space<vmem>> -> memref<128x8xf32, #tpu.memory_space<vmem>>
      %dma_start3A_36 = arith.constant 0 : i32
      %dma_start3A_37 = tpu.memref_slice %arg6[%dma_start3A_36] : memref<2048xi32, #tpu.memory_space<vmem>> -> memref<128xi32, #tpu.memory_space<vmem>>
      %dma_start3A_38 = arith.constant 0 : i32
      %dma_start3A_39 = arith.constant 0 : i32
      %dma_start3A_40 = tpu.memref_slice %arg2[%dma_start3A_38, %dma_start3A_39] : memref<100000x8xf32, #tpu.memory_space<hbm>> -> memref<100000x8xf32, #tpu.memory_space<hbm>>
      tpu.enqueue_indirect_dma source(%dma_start3A_40 : memref<100000x8xf32, #tpu.memory_space<hbm>>) target(%dma_start3A_35 : memref<128x8xf32, #tpu.memory_space<vmem>>) offsets(%dma_start3A_37 : memref<128xi32, #tpu.memory_space<vmem>>) semaphore(%arg10 : memref<!tpu.dma_semaphore, #tpu.memory_space<semaphore_mem>>)
      %dma_start3A_41 = arith.constant 128 : i32
      %dma_start3A_42 = arith.constant 0 : i32
      %dma_start3A_43 = tpu.memref_slice %arg8[%dma_start3A_41, %dma_start3A_42] : memref<2048x8xf32, #tpu.memory_space<vmem>> -> memref<128x8xf32, #tpu.memory_space<vmem>>
      %dma_start3A_44 = arith.constant 128 : i32
      %dma_start3A_45 = tpu.memref_slice %arg6[%dma_start3A_44] : memref<2048xi32, #tpu.memory_space<vmem>> -> memref<128xi32, #tpu.memory_space<vmem>>
      %dma_start3A_46 = arith.constant 0 : i32
      %dma_start3A_47 = arith.constant 0 : i32
      %dma_start3A_48 = tpu.memref_slice %arg2[%dma_start3A_46, %dma_start3A_47] : memref<100000x8xf32, #tpu.memory_space<hbm>> -> memref<100000x8xf32, #tpu.memory_space<hbm>>
      tpu.enqueue_indirect_dma source(%dma_start3A_48 : memref<100000x8xf32, #tpu.memory_space<hbm>>) target(%dma_start3A_43 : memref<128x8xf32, #tpu.memory_space<vmem>>) offsets(%dma_start3A_45 : memref<128xi32, #tpu.memory_space<vmem>>) semaphore(%arg10 : memref<!tpu.dma_semaphore, #tpu.memory_space<semaphore_mem>>)
      %dma_start3A_49 = arith.constant 256 : i32
      %dma_start3A_50 = arith.constant 0 : i32
      %dma_start3A_51 = tpu.memref_slice %arg8[%dma_start3A_49, %dma_start3A_50] : memref<2048x8xf32, #tpu.memory_space<vmem>> -> memref<128x8xf32, #tpu.memory_space<vmem>>
      %dma_start3A_52 = arith.constant 256 : i32
      %dma_start3A_53 = tpu.memref_slice %arg6[%dma_start3A_52] : memref<2048xi32, #tpu.memory_space<vmem>> -> memref<128xi32, #tpu.memory_space<vmem>>
      %dma_start3A_54 = arith.constant 0 : i32
      %dma_start3A_55 = arith.constant 0 : i32
      %dma_start3A_56 = tpu.memref_slice %arg2[%dma_start3A_54, %dma_start3A_55] : memref<100000x8xf32, #tpu.memory_space<hbm>> -> memref<100000x8xf32, #tpu.memory_space<hbm>>
      tpu.enqueue_indirect_dma source(%dma_start3A_56 : memref<100000x8xf32, #tpu.memory_space<hbm>>) target(%dma_start3A_51 : memref<128x8xf32, #tpu.memory_space<vmem>>) offsets(%dma_start3A_53 : memref<128xi32, #tpu.memory_space<vmem>>) semaphore(%arg10 : memref<!tpu.dma_semaphore, #tpu.memory_space<semaphore_mem>>)
      %dma_start3A_57 = arith.constant 384 : i32
      %dma_start3A_58 = arith.constant 0 : i32
      %dma_start3A_59 = tpu.memref_slice %arg8[%dma_start3A_57, %dma_start3A_58] : memref<2048x8xf32, #tpu.memory_space<vmem>> -> memref<128x8xf32, #tpu.memory_space<vmem>>
      %dma_start3A_60 = arith.constant 384 : i32
      %dma_start3A_61 = tpu.memref_slice %arg6[%dma_start3A_60] : memref<2048xi32, #tpu.memory_space<vmem>> -> memref<128xi32, #tpu.memory_space<vmem>>
      %dma_start3A_62 = arith.constant 0 : i32
      %dma_start3A_63 = arith.constant 0 : i32
      %dma_start3A_64 = tpu.memref_slice %arg2[%dma_start3A_62, %dma_start3A_63] : memref<100000x8xf32, #tpu.memory_space<hbm>> -> memref<100000x8xf32, #tpu.memory_space<hbm>>
      tpu.enqueue_indirect_dma source(%dma_start3A_64 : memref<100000x8xf32, #tpu.memory_space<hbm>>) target(%dma_start3A_59 : memref<128x8xf32, #tpu.memory_space<vmem>>) offsets(%dma_start3A_61 : memref<128xi32, #tpu.memory_space<vmem>>) semaphore(%arg10 : memref<!tpu.dma_semaphore, #tpu.memory_space<semaphore_mem>>)
      %dma_start3A_65 = arith.constant 512 : i32
      %dma_start3A_66 = arith.constant 0 : i32
      %dma_start3A_67 = tpu.memref_slice %arg8[%dma_start3A_65, %dma_start3A_66] : memref<2048x8xf32, #tpu.memory_space<vmem>> -> memref<128x8xf32, #tpu.memory_space<vmem>>
      %dma_start3A_68 = arith.constant 512 : i32
      %dma_start3A_69 = tpu.memref_slice %arg6[%dma_start3A_68] : memref<2048xi32, #tpu.memory_space<vmem>> -> memref<128xi32, #tpu.memory_space<vmem>>
      %dma_start3A_70 = arith.constant 0 : i32
      %dma_start3A_71 = arith.constant 0 : i32
      %dma_start3A_72 = tpu.memref_slice %arg2[%dma_start3A_70, %dma_start3A_71] : memref<100000x8xf32, #tpu.memory_space<hbm>> -> memref<100000x8xf32, #tpu.memory_space<hbm>>
      tpu.enqueue_indirect_dma source(%dma_start3A_72 : memref<100000x8xf32, #tpu.memory_space<hbm>>) target(%dma_start3A_67 : memref<128x8xf32, #tpu.memory_space<vmem>>) offsets(%dma_start3A_69 : memref<128xi32, #tpu.memory_space<vmem>>) semaphore(%arg10 : memref<!tpu.dma_semaphore, #tpu.memory_space<semaphore_mem>>)
      %dma_start3A_73 = arith.constant 640 : i32
      %dma_start3A_74 = arith.constant 0 : i32
      %dma_start3A_75 = tpu.memref_slice %arg8[%dma_start3A_73, %dma_start3A_74] : memref<2048x8xf32, #tpu.memory_space<vmem>> -> memref<128x8xf32, #tpu.memory_space<vmem>>
      %dma_start3A_76 = arith.constant 640 : i32
      %dma_start3A_77 = tpu.memref_slice %arg6[%dma_start3A_76] : memref<2048xi32, #tpu.memory_space<vmem>> -> memref<128xi32, #tpu.memory_space<vmem>>
      %dma_start3A_78 = arith.constant 0 : i32
      %dma_start3A_79 = arith.constant 0 : i32
      %dma_start3A_80 = tpu.memref_slice %arg2[%dma_start3A_78, %dma_start3A_79] : memref<100000x8xf32, #tpu.memory_space<hbm>> -> memref<100000x8xf32, #tpu.memory_space<hbm>>
      tpu.enqueue_indirect_dma source(%dma_start3A_80 : memref<100000x8xf32, #tpu.memory_space<hbm>>) target(%dma_start3A_75 : memref<128x8xf32, #tpu.memory_space<vmem>>) offsets(%dma_start3A_77 : memref<128xi32, #tpu.memory_space<vmem>>) semaphore(%arg10 : memref<!tpu.dma_semaphore, #tpu.memory_space<semaphore_mem>>)
      %dma_start3A_81 = arith.constant 768 : i32
      %dma_start3A_82 = arith.constant 0 : i32
      %dma_start3A_83 = tpu.memref_slice %arg8[%dma_start3A_81, %dma_start3A_82] : memref<2048x8xf32, #tpu.memory_space<vmem>> -> memref<128x8xf32, #tpu.memory_space<vmem>>
      %dma_start3A_84 = arith.constant 768 : i32
      %dma_start3A_85 = tpu.memref_slice %arg6[%dma_start3A_84] : memref<2048xi32, #tpu.memory_space<vmem>> -> memref<128xi32, #tpu.memory_space<vmem>>
      %dma_start3A_86 = arith.constant 0 : i32
      %dma_start3A_87 = arith.constant 0 : i32
      %dma_start3A_88 = tpu.memref_slice %arg2[%dma_start3A_86, %dma_start3A_87] : memref<100000x8xf32, #tpu.memory_space<hbm>> -> memref<100000x8xf32, #tpu.memory_space<hbm>>
      tpu.enqueue_indirect_dma source(%dma_start3A_88 : memref<100000x8xf32, #tpu.memory_space<hbm>>) target(%dma_start3A_83 : memref<128x8xf32, #tpu.memory_space<vmem>>) offsets(%dma_start3A_85 : memref<128xi32, #tpu.memory_space<vmem>>) semaphore(%arg10 : memref<!tpu.dma_semaphore, #tpu.memory_space<semaphore_mem>>)
      %dma_start3A_89 = arith.constant 896 : i32
      %dma_start3A_90 = arith.constant 0 : i32
      %dma_start3A_91 = tpu.memref_slice %arg8[%dma_start3A_89, %dma_start3A_90] : memref<2048x8xf32, #tpu.memory_space<vmem>> -> memref<128x8xf32, #tpu.memory_space<vmem>>
      %dma_start3A_92 = arith.constant 896 : i32
      %dma_start3A_93 = tpu.memref_slice %arg6[%dma_start3A_92] : memref<2048xi32, #tpu.memory_space<vmem>> -> memref<128xi32, #tpu.memory_space<vmem>>
      %dma_start3A_94 = arith.constant 0 : i32
      %dma_start3A_95 = arith.constant 0 : i32
      %dma_start3A_96 = tpu.memref_slice %arg2[%dma_start3A_94, %dma_start3A_95] : memref<100000x8xf32, #tpu.memory_space<hbm>> -> memref<100000x8xf32, #tpu.memory_space<hbm>>
      tpu.enqueue_indirect_dma source(%dma_start3A_96 : memref<100000x8xf32, #tpu.memory_space<hbm>>) target(%dma_start3A_91 : memref<128x8xf32, #tpu.memory_space<vmem>>) offsets(%dma_start3A_93 : memref<128xi32, #tpu.memory_space<vmem>>) semaphore(%arg10 : memref<!tpu.dma_semaphore, #tpu.memory_space<semaphore_mem>>)
      %dma_start3A_97 = arith.constant 1024 : i32
      %dma_start3A_98 = arith.constant 0 : i32
      %dma_start3A_99 = tpu.memref_slice %arg8[%dma_start3A_97, %dma_start3A_98] : memref<2048x8xf32, #tpu.memory_space<vmem>> -> memref<128x8xf32, #tpu.memory_space<vmem>>
      %dma_start3A_100 = arith.constant 1024 : i32
      %dma_start3A_101 = tpu.memref_slice %arg6[%dma_start3A_100] : memref<2048xi32, #tpu.memory_space<vmem>> -> memref<128xi32, #tpu.memory_space<vmem>>
      %dma_start3A_102 = arith.constant 0 : i32
      %dma_start3A_103 = arith.constant 0 : i32
      %dma_start3A_104 = tpu.memref_slice %arg2[%dma_start3A_102, %dma_start3A_103] : memref<100000x8xf32, #tpu.memory_space<hbm>> -> memref<100000x8xf32, #tpu.memory_space<hbm>>
      tpu.enqueue_indirect_dma source(%dma_start3A_104 : memref<100000x8xf32, #tpu.memory_space<hbm>>) target(%dma_start3A_99 : memref<128x8xf32, #tpu.memory_space<vmem>>) offsets(%dma_start3A_101 : memref<128xi32, #tpu.memory_space<vmem>>) semaphore(%arg10 : memref<!tpu.dma_semaphore, #tpu.memory_space<semaphore_mem>>)
      %dma_start3A_105 = arith.constant 1152 : i32
      %dma_start3A_106 = arith.constant 0 : i32
      %dma_start3A_107 = tpu.memref_slice %arg8[%dma_start3A_105, %dma_start3A_106] : memref<2048x8xf32, #tpu.memory_space<vmem>> -> memref<128x8xf32, #tpu.memory_space<vmem>>
      %dma_start3A_108 = arith.constant 1152 : i32
      %dma_start3A_109 = tpu.memref_slice %arg6[%dma_start3A_108] : memref<2048xi32, #tpu.memory_space<vmem>> -> memref<128xi32, #tpu.memory_space<vmem>>
      %dma_start3A_110 = arith.constant 0 : i32
      %dma_start3A_111 = arith.constant 0 : i32
      %dma_start3A_112 = tpu.memref_slice %arg2[%dma_start3A_110, %dma_start3A_111] : memref<100000x8xf32, #tpu.memory_space<hbm>> -> memref<100000x8xf32, #tpu.memory_space<hbm>>
      tpu.enqueue_indirect_dma source(%dma_start3A_112 : memref<100000x8xf32, #tpu.memory_space<hbm>>) target(%dma_start3A_107 : memref<128x8xf32, #tpu.memory_space<vmem>>) offsets(%dma_start3A_109 : memref<128xi32, #tpu.memory_space<vmem>>) semaphore(%arg10 : memref<!tpu.dma_semaphore, #tpu.memory_space<semaphore_mem>>)
      %dma_start3A_113 = arith.constant 1280 : i32
      %dma_start3A_114 = arith.constant 0 : i32
      %dma_start3A_115 = tpu.memref_slice %arg8[%dma_start3A_113, %dma_start3A_114] : memref<2048x8xf32, #tpu.memory_space<vmem>> -> memref<128x8xf32, #tpu.memory_space<vmem>>
      %dma_start3A_116 = arith.constant 1280 : i32
      %dma_start3A_117 = tpu.memref_slice %arg6[%dma_start3A_116] : memref<2048xi32, #tpu.memory_space<vmem>> -> memref<128xi32, #tpu.memory_space<vmem>>
      %dma_start3A_118 = arith.constant 0 : i32
      %dma_start3A_119 = arith.constant 0 : i32
      %dma_start3A_120 = tpu.memref_slice %arg2[%dma_start3A_118, %dma_start3A_119] : memref<100000x8xf32, #tpu.memory_space<hbm>> -> memref<100000x8xf32, #tpu.memory_space<hbm>>
      tpu.enqueue_indirect_dma source(%dma_start3A_120 : memref<100000x8xf32, #tpu.memory_space<hbm>>) target(%dma_start3A_115 : memref<128x8xf32, #tpu.memory_space<vmem>>) offsets(%dma_start3A_117 : memref<128xi32, #tpu.memory_space<vmem>>) semaphore(%arg10 : memref<!tpu.dma_semaphore, #tpu.memory_space<semaphore_mem>>)
      %dma_start3A_121 = arith.constant 1408 : i32
      %dma_start3A_122 = arith.constant 0 : i32
      %dma_start3A_123 = tpu.memref_slice %arg8[%dma_start3A_121, %dma_start3A_122] : memref<2048x8xf32, #tpu.memory_space<vmem>> -> memref<128x8xf32, #tpu.memory_space<vmem>>
      %dma_start3A_124 = arith.constant 1408 : i32
      %dma_start3A_125 = tpu.memref_slice %arg6[%dma_start3A_124] : memref<2048xi32, #tpu.memory_space<vmem>> -> memref<128xi32, #tpu.memory_space<vmem>>
      %dma_start3A_126 = arith.constant 0 : i32
      %dma_start3A_127 = arith.constant 0 : i32
      %dma_start3A_128 = tpu.memref_slice %arg2[%dma_start3A_126, %dma_start3A_127] : memref<100000x8xf32, #tpu.memory_space<hbm>> -> memref<100000x8xf32, #tpu.memory_space<hbm>>
      tpu.enqueue_indirect_dma source(%dma_start3A_128 : memref<100000x8xf32, #tpu.memory_space<hbm>>) target(%dma_start3A_123 : memref<128x8xf32, #tpu.memory_space<vmem>>) offsets(%dma_start3A_125 : memref<128xi32, #tpu.memory_space<vmem>>) semaphore(%arg10 : memref<!tpu.dma_semaphore, #tpu.memory_space<semaphore_mem>>)
      %dma_start3A_129 = arith.constant 1536 : i32
      %dma_start3A_130 = arith.constant 0 : i32
      %dma_start3A_131 = tpu.memref_slice %arg8[%dma_start3A_129, %dma_start3A_130] : memref<2048x8xf32, #tpu.memory_space<vmem>> -> memref<128x8xf32, #tpu.memory_space<vmem>>
      %dma_start3A_132 = arith.constant 1536 : i32
      %dma_start3A_133 = tpu.memref_slice %arg6[%dma_start3A_132] : memref<2048xi32, #tpu.memory_space<vmem>> -> memref<128xi32, #tpu.memory_space<vmem>>
      %dma_start3A_134 = arith.constant 0 : i32
      %dma_start3A_135 = arith.constant 0 : i32
      %dma_start3A_136 = tpu.memref_slice %arg2[%dma_start3A_134, %dma_start3A_135] : memref<100000x8xf32, #tpu.memory_space<hbm>> -> memref<100000x8xf32, #tpu.memory_space<hbm>>
      tpu.enqueue_indirect_dma source(%dma_start3A_136 : memref<100000x8xf32, #tpu.memory_space<hbm>>) target(%dma_start3A_131 : memref<128x8xf32, #tpu.memory_space<vmem>>) offsets(%dma_start3A_133 : memref<128xi32, #tpu.memory_space<vmem>>) semaphore(%arg10 : memref<!tpu.dma_semaphore, #tpu.memory_space<semaphore_mem>>)
      %dma_start3A_137 = arith.constant 1664 : i32
      %dma_start3A_138 = arith.constant 0 : i32
      %dma_start3A_139 = tpu.memref_slice %arg8[%dma_start3A_137, %dma_start3A_138] : memref<2048x8xf32, #tpu.memory_space<vmem>> -> memref<128x8xf32, #tpu.memory_space<vmem>>
      %dma_start3A_140 = arith.constant 1664 : i32
      %dma_start3A_141 = tpu.memref_slice %arg6[%dma_start3A_140] : memref<2048xi32, #tpu.memory_space<vmem>> -> memref<128xi32, #tpu.memory_space<vmem>>
      %dma_start3A_142 = arith.constant 0 : i32
      %dma_start3A_143 = arith.constant 0 : i32
      %dma_start3A_144 = tpu.memref_slice %arg2[%dma_start3A_142, %dma_start3A_143] : memref<100000x8xf32, #tpu.memory_space<hbm>> -> memref<100000x8xf32, #tpu.memory_space<hbm>>
      tpu.enqueue_indirect_dma source(%dma_start3A_144 : memref<100000x8xf32, #tpu.memory_space<hbm>>) target(%dma_start3A_139 : memref<128x8xf32, #tpu.memory_space<vmem>>) offsets(%dma_start3A_141 : memref<128xi32, #tpu.memory_space<vmem>>) semaphore(%arg10 : memref<!tpu.dma_semaphore, #tpu.memory_space<semaphore_mem>>)
      %dma_start3A_145 = arith.constant 1792 : i32
      %dma_start3A_146 = arith.constant 0 : i32
      %dma_start3A_147 = tpu.memref_slice %arg8[%dma_start3A_145, %dma_start3A_146] : memref<2048x8xf32, #tpu.memory_space<vmem>> -> memref<128x8xf32, #tpu.memory_space<vmem>>
      %dma_start3A_148 = arith.constant 1792 : i32
      %dma_start3A_149 = tpu.memref_slice %arg6[%dma_start3A_148] : memref<2048xi32, #tpu.memory_space<vmem>> -> memref<128xi32, #tpu.memory_space<vmem>>
      %dma_start3A_150 = arith.constant 0 : i32
      %dma_start3A_151 = arith.constant 0 : i32
      %dma_start3A_152 = tpu.memref_slice %arg2[%dma_start3A_150, %dma_start3A_151] : memref<100000x8xf32, #tpu.memory_space<hbm>> -> memref<100000x8xf32, #tpu.memory_space<hbm>>
      tpu.enqueue_indirect_dma source(%dma_start3A_152 : memref<100000x8xf32, #tpu.memory_space<hbm>>) target(%dma_start3A_147 : memref<128x8xf32, #tpu.memory_space<vmem>>) offsets(%dma_start3A_149 : memref<128xi32, #tpu.memory_space<vmem>>) semaphore(%arg10 : memref<!tpu.dma_semaphore, #tpu.memory_space<semaphore_mem>>)
      %dma_start3A_153 = arith.constant 1920 : i32
      %dma_start3A_154 = arith.constant 0 : i32
      %dma_start3A_155 = tpu.memref_slice %arg8[%dma_start3A_153, %dma_start3A_154] : memref<2048x8xf32, #tpu.memory_space<vmem>> -> memref<128x8xf32, #tpu.memory_space<vmem>>
      %dma_start3A_156 = arith.constant 1920 : i32
      %dma_start3A_157 = tpu.memref_slice %arg6[%dma_start3A_156] : memref<2048xi32, #tpu.memory_space<vmem>> -> memref<128xi32, #tpu.memory_space<vmem>>
      %dma_start3A_158 = arith.constant 0 : i32
      %dma_start3A_159 = arith.constant 0 : i32
      %dma_start3A_160 = tpu.memref_slice %arg2[%dma_start3A_158, %dma_start3A_159] : memref<100000x8xf32, #tpu.memory_space<hbm>> -> memref<100000x8xf32, #tpu.memory_space<hbm>>
      tpu.enqueue_indirect_dma source(%dma_start3A_160 : memref<100000x8xf32, #tpu.memory_space<hbm>>) target(%dma_start3A_155 : memref<128x8xf32, #tpu.memory_space<vmem>>) offsets(%dma_start3A_157 : memref<128xi32, #tpu.memory_space<vmem>>) semaphore(%arg10 : memref<!tpu.dma_semaphore, #tpu.memory_space<semaphore_mem>>)
      %dma_wait3A = arith.constant 0 : i32
      %dma_wait3A_161 = arith.constant 0 : i32
      %dma_wait3A_162 = tpu.memref_slice %arg8[%dma_wait3A, %dma_wait3A_161] : memref<2048x8xf32, #tpu.memory_space<vmem>> -> memref<128x8xf32, #tpu.memory_space<vmem>>
      %dma_wait3A_163 = arith.constant 0 : i32
      %dma_wait3A_164 = tpu.memref_slice %arg6[%dma_wait3A_163] : memref<2048xi32, #tpu.memory_space<vmem>> -> memref<128xi32, #tpu.memory_space<vmem>>
      %dma_wait3A_165 = arith.constant 0 : i32
      %dma_wait3A_166 = arith.constant 0 : i32
      %dma_wait3A_167 = tpu.memref_slice %arg2[%dma_wait3A_165, %dma_wait3A_166] : memref<100000x8xf32, #tpu.memory_space<hbm>> -> memref<100000x8xf32, #tpu.memory_space<hbm>>
      tpu.wait_indirect_dma semaphore(%arg10 : memref<!tpu.dma_semaphore, #tpu.memory_space<semaphore_mem>>) src(%dma_wait3A_167 : memref<100000x8xf32, #tpu.memory_space<hbm>>) dst(%dma_wait3A_162 : memref<128x8xf32, #tpu.memory_space<vmem>>)
      %dma_start3A_168 = arith.constant 0 : i32
      %dma_start3A_169 = arith.constant 0 : i32
      %dma_start3A_170 = tpu.memref_slice %arg8[%dma_start3A_168, %dma_start3A_169] : memref<2048x8xf32, #tpu.memory_space<vmem>> -> memref<128x8xf32, #tpu.memory_space<vmem>>
      %dma_start3A_171 = arith.constant 0 : i32
      %dma_start3A_172 = tpu.memref_slice %arg7[%dma_start3A_171] : memref<2048xi32, #tpu.memory_space<vmem>> -> memref<128xi32, #tpu.memory_space<vmem>>
      %dma_start3A_173 = arith.constant 0 : i32
      %dma_start3A_174 = arith.constant 0 : i32
      %dma_start3A_175 = tpu.memref_slice %arg9[%dma_start3A_173, %dma_start3A_174] : memref<100000x8xf32, #tpu.memory_space<vmem_shared>> -> memref<100000x8xf32, #tpu.memory_space<vmem_shared>>
      tpu.enqueue_indirect_dma source(%dma_start3A_170 : memref<128x8xf32, #tpu.memory_space<vmem>>) target(%dma_start3A_175 : memref<100000x8xf32, #tpu.memory_space<vmem_shared>>) offsets(%dma_start3A_172 : memref<128xi32, #tpu.memory_space<vmem>>) semaphore(%arg11 : memref<!tpu.dma_semaphore, #tpu.memory_space<semaphore_mem>>) {add = true}
      %dma_wait3A_176 = arith.constant 128 : i32
      %dma_wait3A_177 = arith.constant 0 : i32
      %dma_wait3A_178 = tpu.memref_slice %arg8[%dma_wait3A_176, %dma_wait3A_177] : memref<2048x8xf32, #tpu.memory_space<vmem>> -> memref<128x8xf32, #tpu.memory_space<vmem>>
      %dma_wait3A_179 = arith.constant 128 : i32
      %dma_wait3A_180 = tpu.memref_slice %arg6[%dma_wait3A_179] : memref<2048xi32, #tpu.memory_space<vmem>> -> memref<128xi32, #tpu.memory_space<vmem>>
      %dma_wait3A_181 = arith.constant 0 : i32
      %dma_wait3A_182 = arith.constant 0 : i32
      %dma_wait3A_183 = tpu.memref_slice %arg2[%dma_wait3A_181, %dma_wait3A_182] : memref<100000x8xf32, #tpu.memory_space<hbm>> -> memref<100000x8xf32, #tpu.memory_space<hbm>>
      tpu.wait_indirect_dma semaphore(%arg10 : memref<!tpu.dma_semaphore, #tpu.memory_space<semaphore_mem>>) src(%dma_wait3A_183 : memref<100000x8xf32, #tpu.memory_space<hbm>>) dst(%dma_wait3A_178 : memref<128x8xf32, #tpu.memory_space<vmem>>)
      %dma_start3A_184 = arith.constant 128 : i32
      %dma_start3A_185 = arith.constant 0 : i32
      %dma_start3A_186 = tpu.memref_slice %arg8[%dma_start3A_184, %dma_start3A_185] : memref<2048x8xf32, #tpu.memory_space<vmem>> -> memref<128x8xf32, #tpu.memory_space<vmem>>
      %dma_start3A_187 = arith.constant 128 : i32
      %dma_start3A_188 = tpu.memref_slice %arg7[%dma_start3A_187] : memref<2048xi32, #tpu.memory_space<vmem>> -> memref<128xi32, #tpu.memory_space<vmem>>
      %dma_start3A_189 = arith.constant 0 : i32
      %dma_start3A_190 = arith.constant 0 : i32
      %dma_start3A_191 = tpu.memref_slice %arg9[%dma_start3A_189, %dma_start3A_190] : memref<100000x8xf32, #tpu.memory_space<vmem_shared>> -> memref<100000x8xf32, #tpu.memory_space<vmem_shared>>
      tpu.enqueue_indirect_dma source(%dma_start3A_186 : memref<128x8xf32, #tpu.memory_space<vmem>>) target(%dma_start3A_191 : memref<100000x8xf32, #tpu.memory_space<vmem_shared>>) offsets(%dma_start3A_188 : memref<128xi32, #tpu.memory_space<vmem>>) semaphore(%arg11 : memref<!tpu.dma_semaphore, #tpu.memory_space<semaphore_mem>>) {add = true}
      %dma_wait3A_192 = arith.constant 256 : i32
      %dma_wait3A_193 = arith.constant 0 : i32
      %dma_wait3A_194 = tpu.memref_slice %arg8[%dma_wait3A_192, %dma_wait3A_193] : memref<2048x8xf32, #tpu.memory_space<vmem>> -> memref<128x8xf32, #tpu.memory_space<vmem>>
      %dma_wait3A_195 = arith.constant 256 : i32
      %dma_wait3A_196 = tpu.memref_slice %arg6[%dma_wait3A_195] : memref<2048xi32, #tpu.memory_space<vmem>> -> memref<128xi32, #tpu.memory_space<vmem>>
      %dma_wait3A_197 = arith.constant 0 : i32
      %dma_wait3A_198 = arith.constant 0 : i32
      %dma_wait3A_199 = tpu.memref_slice %arg2[%dma_wait3A_197, %dma_wait3A_198] : memref<100000x8xf32, #tpu.memory_space<hbm>> -> memref<100000x8xf32, #tpu.memory_space<hbm>>
      tpu.wait_indirect_dma semaphore(%arg10 : memref<!tpu.dma_semaphore, #tpu.memory_space<semaphore_mem>>) src(%dma_wait3A_199 : memref<100000x8xf32, #tpu.memory_space<hbm>>) dst(%dma_wait3A_194 : memref<128x8xf32, #tpu.memory_space<vmem>>)
      %dma_start3A_200 = arith.constant 256 : i32
      %dma_start3A_201 = arith.constant 0 : i32
      %dma_start3A_202 = tpu.memref_slice %arg8[%dma_start3A_200, %dma_start3A_201] : memref<2048x8xf32, #tpu.memory_space<vmem>> -> memref<128x8xf32, #tpu.memory_space<vmem>>
      %dma_start3A_203 = arith.constant 256 : i32
      %dma_start3A_204 = tpu.memref_slice %arg7[%dma_start3A_203] : memref<2048xi32, #tpu.memory_space<vmem>> -> memref<128xi32, #tpu.memory_space<vmem>>
      %dma_start3A_205 = arith.constant 0 : i32
      %dma_start3A_206 = arith.constant 0 : i32
      %dma_start3A_207 = tpu.memref_slice %arg9[%dma_start3A_205, %dma_start3A_206] : memref<100000x8xf32, #tpu.memory_space<vmem_shared>> -> memref<100000x8xf32, #tpu.memory_space<vmem_shared>>
      tpu.enqueue_indirect_dma source(%dma_start3A_202 : memref<128x8xf32, #tpu.memory_space<vmem>>) target(%dma_start3A_207 : memref<100000x8xf32, #tpu.memory_space<vmem_shared>>) offsets(%dma_start3A_204 : memref<128xi32, #tpu.memory_space<vmem>>) semaphore(%arg11 : memref<!tpu.dma_semaphore, #tpu.memory_space<semaphore_mem>>) {add = true}
      %dma_wait3A_208 = arith.constant 384 : i32
      %dma_wait3A_209 = arith.constant 0 : i32
      %dma_wait3A_210 = tpu.memref_slice %arg8[%dma_wait3A_208, %dma_wait3A_209] : memref<2048x8xf32, #tpu.memory_space<vmem>> -> memref<128x8xf32, #tpu.memory_space<vmem>>
      %dma_wait3A_211 = arith.constant 384 : i32
      %dma_wait3A_212 = tpu.memref_slice %arg6[%dma_wait3A_211] : memref<2048xi32, #tpu.memory_space<vmem>> -> memref<128xi32, #tpu.memory_space<vmem>>
      %dma_wait3A_213 = arith.constant 0 : i32
      %dma_wait3A_214 = arith.constant 0 : i32
      %dma_wait3A_215 = tpu.memref_slice %arg2[%dma_wait3A_213, %dma_wait3A_214] : memref<100000x8xf32, #tpu.memory_space<hbm>> -> memref<100000x8xf32, #tpu.memory_space<hbm>>
      tpu.wait_indirect_dma semaphore(%arg10 : memref<!tpu.dma_semaphore, #tpu.memory_space<semaphore_mem>>) src(%dma_wait3A_215 : memref<100000x8xf32, #tpu.memory_space<hbm>>) dst(%dma_wait3A_210 : memref<128x8xf32, #tpu.memory_space<vmem>>)
      %dma_start3A_216 = arith.constant 384 : i32
      %dma_start3A_217 = arith.constant 0 : i32
      %dma_start3A_218 = tpu.memref_slice %arg8[%dma_start3A_216, %dma_start3A_217] : memref<2048x8xf32, #tpu.memory_space<vmem>> -> memref<128x8xf32, #tpu.memory_space<vmem>>
      %dma_start3A_219 = arith.constant 384 : i32
      %dma_start3A_220 = tpu.memref_slice %arg7[%dma_start3A_219] : memref<2048xi32, #tpu.memory_space<vmem>> -> memref<128xi32, #tpu.memory_space<vmem>>
      %dma_start3A_221 = arith.constant 0 : i32
      %dma_start3A_222 = arith.constant 0 : i32
      %dma_start3A_223 = tpu.memref_slice %arg9[%dma_start3A_221, %dma_start3A_222] : memref<100000x8xf32, #tpu.memory_space<vmem_shared>> -> memref<100000x8xf32, #tpu.memory_space<vmem_shared>>
      tpu.enqueue_indirect_dma source(%dma_start3A_218 : memref<128x8xf32, #tpu.memory_space<vmem>>) target(%dma_start3A_223 : memref<100000x8xf32, #tpu.memory_space<vmem_shared>>) offsets(%dma_start3A_220 : memref<128xi32, #tpu.memory_space<vmem>>) semaphore(%arg11 : memref<!tpu.dma_semaphore, #tpu.memory_space<semaphore_mem>>) {add = true}
      %dma_wait3A_224 = arith.constant 512 : i32
      %dma_wait3A_225 = arith.constant 0 : i32
      %dma_wait3A_226 = tpu.memref_slice %arg8[%dma_wait3A_224, %dma_wait3A_225] : memref<2048x8xf32, #tpu.memory_space<vmem>> -> memref<128x8xf32, #tpu.memory_space<vmem>>
      %dma_wait3A_227 = arith.constant 512 : i32
      %dma_wait3A_228 = tpu.memref_slice %arg6[%dma_wait3A_227] : memref<2048xi32, #tpu.memory_space<vmem>> -> memref<128xi32, #tpu.memory_space<vmem>>
      %dma_wait3A_229 = arith.constant 0 : i32
      %dma_wait3A_230 = arith.constant 0 : i32
      %dma_wait3A_231 = tpu.memref_slice %arg2[%dma_wait3A_229, %dma_wait3A_230] : memref<100000x8xf32, #tpu.memory_space<hbm>> -> memref<100000x8xf32, #tpu.memory_space<hbm>>
      tpu.wait_indirect_dma semaphore(%arg10 : memref<!tpu.dma_semaphore, #tpu.memory_space<semaphore_mem>>) src(%dma_wait3A_231 : memref<100000x8xf32, #tpu.memory_space<hbm>>) dst(%dma_wait3A_226 : memref<128x8xf32, #tpu.memory_space<vmem>>)
      %dma_start3A_232 = arith.constant 512 : i32
      %dma_start3A_233 = arith.constant 0 : i32
      %dma_start3A_234 = tpu.memref_slice %arg8[%dma_start3A_232, %dma_start3A_233] : memref<2048x8xf32, #tpu.memory_space<vmem>> -> memref<128x8xf32, #tpu.memory_space<vmem>>
      %dma_start3A_235 = arith.constant 512 : i32
      %dma_start3A_236 = tpu.memref_slice %arg7[%dma_start3A_235] : memref<2048xi32, #tpu.memory_space<vmem>> -> memref<128xi32, #tpu.memory_space<vmem>>
      %dma_start3A_237 = arith.constant 0 : i32
      %dma_start3A_238 = arith.constant 0 : i32
      %dma_start3A_239 = tpu.memref_slice %arg9[%dma_start3A_237, %dma_start3A_238] : memref<100000x8xf32, #tpu.memory_space<vmem_shared>> -> memref<100000x8xf32, #tpu.memory_space<vmem_shared>>
      tpu.enqueue_indirect_dma source(%dma_start3A_234 : memref<128x8xf32, #tpu.memory_space<vmem>>) target(%dma_start3A_239 : memref<100000x8xf32, #tpu.memory_space<vmem_shared>>) offsets(%dma_start3A_236 : memref<128xi32, #tpu.memory_space<vmem>>) semaphore(%arg11 : memref<!tpu.dma_semaphore, #tpu.memory_space<semaphore_mem>>) {add = true}
      %dma_wait3A_240 = arith.constant 640 : i32
      %dma_wait3A_241 = arith.constant 0 : i32
      %dma_wait3A_242 = tpu.memref_slice %arg8[%dma_wait3A_240, %dma_wait3A_241] : memref<2048x8xf32, #tpu.memory_space<vmem>> -> memref<128x8xf32, #tpu.memory_space<vmem>>
      %dma_wait3A_243 = arith.constant 640 : i32
      %dma_wait3A_244 = tpu.memref_slice %arg6[%dma_wait3A_243] : memref<2048xi32, #tpu.memory_space<vmem>> -> memref<128xi32, #tpu.memory_space<vmem>>
      %dma_wait3A_245 = arith.constant 0 : i32
      %dma_wait3A_246 = arith.constant 0 : i32
      %dma_wait3A_247 = tpu.memref_slice %arg2[%dma_wait3A_245, %dma_wait3A_246] : memref<100000x8xf32, #tpu.memory_space<hbm>> -> memref<100000x8xf32, #tpu.memory_space<hbm>>
      tpu.wait_indirect_dma semaphore(%arg10 : memref<!tpu.dma_semaphore, #tpu.memory_space<semaphore_mem>>) src(%dma_wait3A_247 : memref<100000x8xf32, #tpu.memory_space<hbm>>) dst(%dma_wait3A_242 : memref<128x8xf32, #tpu.memory_space<vmem>>)
      %dma_start3A_248 = arith.constant 640 : i32
      %dma_start3A_249 = arith.constant 0 : i32
      %dma_start3A_250 = tpu.memref_slice %arg8[%dma_start3A_248, %dma_start3A_249] : memref<2048x8xf32, #tpu.memory_space<vmem>> -> memref<128x8xf32, #tpu.memory_space<vmem>>
      %dma_start3A_251 = arith.constant 640 : i32
      %dma_start3A_252 = tpu.memref_slice %arg7[%dma_start3A_251] : memref<2048xi32, #tpu.memory_space<vmem>> -> memref<128xi32, #tpu.memory_space<vmem>>
      %dma_start3A_253 = arith.constant 0 : i32
      %dma_start3A_254 = arith.constant 0 : i32
      %dma_start3A_255 = tpu.memref_slice %arg9[%dma_start3A_253, %dma_start3A_254] : memref<100000x8xf32, #tpu.memory_space<vmem_shared>> -> memref<100000x8xf32, #tpu.memory_space<vmem_shared>>
      tpu.enqueue_indirect_dma source(%dma_start3A_250 : memref<128x8xf32, #tpu.memory_space<vmem>>) target(%dma_start3A_255 : memref<100000x8xf32, #tpu.memory_space<vmem_shared>>) offsets(%dma_start3A_252 : memref<128xi32, #tpu.memory_space<vmem>>) semaphore(%arg11 : memref<!tpu.dma_semaphore, #tpu.memory_space<semaphore_mem>>) {add = true}
      %dma_wait3A_256 = arith.constant 768 : i32
      %dma_wait3A_257 = arith.constant 0 : i32
      %dma_wait3A_258 = tpu.memref_slice %arg8[%dma_wait3A_256, %dma_wait3A_257] : memref<2048x8xf32, #tpu.memory_space<vmem>> -> memref<128x8xf32, #tpu.memory_space<vmem>>
      %dma_wait3A_259 = arith.constant 768 : i32
      %dma_wait3A_260 = tpu.memref_slice %arg6[%dma_wait3A_259] : memref<2048xi32, #tpu.memory_space<vmem>> -> memref<128xi32, #tpu.memory_space<vmem>>
      %dma_wait3A_261 = arith.constant 0 : i32
      %dma_wait3A_262 = arith.constant 0 : i32
      %dma_wait3A_263 = tpu.memref_slice %arg2[%dma_wait3A_261, %dma_wait3A_262] : memref<100000x8xf32, #tpu.memory_space<hbm>> -> memref<100000x8xf32, #tpu.memory_space<hbm>>
      tpu.wait_indirect_dma semaphore(%arg10 : memref<!tpu.dma_semaphore, #tpu.memory_space<semaphore_mem>>) src(%dma_wait3A_263 : memref<100000x8xf32, #tpu.memory_space<hbm>>) dst(%dma_wait3A_258 : memref<128x8xf32, #tpu.memory_space<vmem>>)
      %dma_start3A_264 = arith.constant 768 : i32
      %dma_start3A_265 = arith.constant 0 : i32
      %dma_start3A_266 = tpu.memref_slice %arg8[%dma_start3A_264, %dma_start3A_265] : memref<2048x8xf32, #tpu.memory_space<vmem>> -> memref<128x8xf32, #tpu.memory_space<vmem>>
      %dma_start3A_267 = arith.constant 768 : i32
      %dma_start3A_268 = tpu.memref_slice %arg7[%dma_start3A_267] : memref<2048xi32, #tpu.memory_space<vmem>> -> memref<128xi32, #tpu.memory_space<vmem>>
      %dma_start3A_269 = arith.constant 0 : i32
      %dma_start3A_270 = arith.constant 0 : i32
      %dma_start3A_271 = tpu.memref_slice %arg9[%dma_start3A_269, %dma_start3A_270] : memref<100000x8xf32, #tpu.memory_space<vmem_shared>> -> memref<100000x8xf32, #tpu.memory_space<vmem_shared>>
      tpu.enqueue_indirect_dma source(%dma_start3A_266 : memref<128x8xf32, #tpu.memory_space<vmem>>) target(%dma_start3A_271 : memref<100000x8xf32, #tpu.memory_space<vmem_shared>>) offsets(%dma_start3A_268 : memref<128xi32, #tpu.memory_space<vmem>>) semaphore(%arg11 : memref<!tpu.dma_semaphore, #tpu.memory_space<semaphore_mem>>) {add = true}
      %dma_wait3A_272 = arith.constant 896 : i32
      %dma_wait3A_273 = arith.constant 0 : i32
      %dma_wait3A_274 = tpu.memref_slice %arg8[%dma_wait3A_272, %dma_wait3A_273] : memref<2048x8xf32, #tpu.memory_space<vmem>> -> memref<128x8xf32, #tpu.memory_space<vmem>>
      %dma_wait3A_275 = arith.constant 896 : i32
      %dma_wait3A_276 = tpu.memref_slice %arg6[%dma_wait3A_275] : memref<2048xi32, #tpu.memory_space<vmem>> -> memref<128xi32, #tpu.memory_space<vmem>>
      %dma_wait3A_277 = arith.constant 0 : i32
      %dma_wait3A_278 = arith.constant 0 : i32
      %dma_wait3A_279 = tpu.memref_slice %arg2[%dma_wait3A_277, %dma_wait3A_278] : memref<100000x8xf32, #tpu.memory_space<hbm>> -> memref<100000x8xf32, #tpu.memory_space<hbm>>
      tpu.wait_indirect_dma semaphore(%arg10 : memref<!tpu.dma_semaphore, #tpu.memory_space<semaphore_mem>>) src(%dma_wait3A_279 : memref<100000x8xf32, #tpu.memory_space<hbm>>) dst(%dma_wait3A_274 : memref<128x8xf32, #tpu.memory_space<vmem>>)
      %dma_start3A_280 = arith.constant 896 : i32
      %dma_start3A_281 = arith.constant 0 : i32
      %dma_start3A_282 = tpu.memref_slice %arg8[%dma_start3A_280, %dma_start3A_281] : memref<2048x8xf32, #tpu.memory_space<vmem>> -> memref<128x8xf32, #tpu.memory_space<vmem>>
      %dma_start3A_283 = arith.constant 896 : i32
      %dma_start3A_284 = tpu.memref_slice %arg7[%dma_start3A_283] : memref<2048xi32, #tpu.memory_space<vmem>> -> memref<128xi32, #tpu.memory_space<vmem>>
      %dma_start3A_285 = arith.constant 0 : i32
      %dma_start3A_286 = arith.constant 0 : i32
      %dma_start3A_287 = tpu.memref_slice %arg9[%dma_start3A_285, %dma_start3A_286] : memref<100000x8xf32, #tpu.memory_space<vmem_shared>> -> memref<100000x8xf32, #tpu.memory_space<vmem_shared>>
      tpu.enqueue_indirect_dma source(%dma_start3A_282 : memref<128x8xf32, #tpu.memory_space<vmem>>) target(%dma_start3A_287 : memref<100000x8xf32, #tpu.memory_space<vmem_shared>>) offsets(%dma_start3A_284 : memref<128xi32, #tpu.memory_space<vmem>>) semaphore(%arg11 : memref<!tpu.dma_semaphore, #tpu.memory_space<semaphore_mem>>) {add = true}
      %dma_wait3A_288 = arith.constant 1024 : i32
      %dma_wait3A_289 = arith.constant 0 : i32
      %dma_wait3A_290 = tpu.memref_slice %arg8[%dma_wait3A_288, %dma_wait3A_289] : memref<2048x8xf32, #tpu.memory_space<vmem>> -> memref<128x8xf32, #tpu.memory_space<vmem>>
      %dma_wait3A_291 = arith.constant 1024 : i32
      %dma_wait3A_292 = tpu.memref_slice %arg6[%dma_wait3A_291] : memref<2048xi32, #tpu.memory_space<vmem>> -> memref<128xi32, #tpu.memory_space<vmem>>
      %dma_wait3A_293 = arith.constant 0 : i32
      %dma_wait3A_294 = arith.constant 0 : i32
      %dma_wait3A_295 = tpu.memref_slice %arg2[%dma_wait3A_293, %dma_wait3A_294] : memref<100000x8xf32, #tpu.memory_space<hbm>> -> memref<100000x8xf32, #tpu.memory_space<hbm>>
      tpu.wait_indirect_dma semaphore(%arg10 : memref<!tpu.dma_semaphore, #tpu.memory_space<semaphore_mem>>) src(%dma_wait3A_295 : memref<100000x8xf32, #tpu.memory_space<hbm>>) dst(%dma_wait3A_290 : memref<128x8xf32, #tpu.memory_space<vmem>>)
      %dma_start3A_296 = arith.constant 1024 : i32
      %dma_start3A_297 = arith.constant 0 : i32
      %dma_start3A_298 = tpu.memref_slice %arg8[%dma_start3A_296, %dma_start3A_297] : memref<2048x8xf32, #tpu.memory_space<vmem>> -> memref<128x8xf32, #tpu.memory_space<vmem>>
      %dma_start3A_299 = arith.constant 1024 : i32
      %dma_start3A_300 = tpu.memref_slice %arg7[%dma_start3A_299] : memref<2048xi32, #tpu.memory_space<vmem>> -> memref<128xi32, #tpu.memory_space<vmem>>
      %dma_start3A_301 = arith.constant 0 : i32
      %dma_start3A_302 = arith.constant 0 : i32
      %dma_start3A_303 = tpu.memref_slice %arg9[%dma_start3A_301, %dma_start3A_302] : memref<100000x8xf32, #tpu.memory_space<vmem_shared>> -> memref<100000x8xf32, #tpu.memory_space<vmem_shared>>
      tpu.enqueue_indirect_dma source(%dma_start3A_298 : memref<128x8xf32, #tpu.memory_space<vmem>>) target(%dma_start3A_303 : memref<100000x8xf32, #tpu.memory_space<vmem_shared>>) offsets(%dma_start3A_300 : memref<128xi32, #tpu.memory_space<vmem>>) semaphore(%arg11 : memref<!tpu.dma_semaphore, #tpu.memory_space<semaphore_mem>>) {add = true}
      %dma_wait3A_304 = arith.constant 1152 : i32
      %dma_wait3A_305 = arith.constant 0 : i32
      %dma_wait3A_306 = tpu.memref_slice %arg8[%dma_wait3A_304, %dma_wait3A_305] : memref<2048x8xf32, #tpu.memory_space<vmem>> -> memref<128x8xf32, #tpu.memory_space<vmem>>
      %dma_wait3A_307 = arith.constant 1152 : i32
      %dma_wait3A_308 = tpu.memref_slice %arg6[%dma_wait3A_307] : memref<2048xi32, #tpu.memory_space<vmem>> -> memref<128xi32, #tpu.memory_space<vmem>>
      %dma_wait3A_309 = arith.constant 0 : i32
      %dma_wait3A_310 = arith.constant 0 : i32
      %dma_wait3A_311 = tpu.memref_slice %arg2[%dma_wait3A_309, %dma_wait3A_310] : memref<100000x8xf32, #tpu.memory_space<hbm>> -> memref<100000x8xf32, #tpu.memory_space<hbm>>
      tpu.wait_indirect_dma semaphore(%arg10 : memref<!tpu.dma_semaphore, #tpu.memory_space<semaphore_mem>>) src(%dma_wait3A_311 : memref<100000x8xf32, #tpu.memory_space<hbm>>) dst(%dma_wait3A_306 : memref<128x8xf32, #tpu.memory_space<vmem>>)
      %dma_start3A_312 = arith.constant 1152 : i32
      %dma_start3A_313 = arith.constant 0 : i32
      %dma_start3A_314 = tpu.memref_slice %arg8[%dma_start3A_312, %dma_start3A_313] : memref<2048x8xf32, #tpu.memory_space<vmem>> -> memref<128x8xf32, #tpu.memory_space<vmem>>
      %dma_start3A_315 = arith.constant 1152 : i32
      %dma_start3A_316 = tpu.memref_slice %arg7[%dma_start3A_315] : memref<2048xi32, #tpu.memory_space<vmem>> -> memref<128xi32, #tpu.memory_space<vmem>>
      %dma_start3A_317 = arith.constant 0 : i32
      %dma_start3A_318 = arith.constant 0 : i32
      %dma_start3A_319 = tpu.memref_slice %arg9[%dma_start3A_317, %dma_start3A_318] : memref<100000x8xf32, #tpu.memory_space<vmem_shared>> -> memref<100000x8xf32, #tpu.memory_space<vmem_shared>>
      tpu.enqueue_indirect_dma source(%dma_start3A_314 : memref<128x8xf32, #tpu.memory_space<vmem>>) target(%dma_start3A_319 : memref<100000x8xf32, #tpu.memory_space<vmem_shared>>) offsets(%dma_start3A_316 : memref<128xi32, #tpu.memory_space<vmem>>) semaphore(%arg11 : memref<!tpu.dma_semaphore, #tpu.memory_space<semaphore_mem>>) {add = true}
      %dma_wait3A_320 = arith.constant 1280 : i32
      %dma_wait3A_321 = arith.constant 0 : i32
      %dma_wait3A_322 = tpu.memref_slice %arg8[%dma_wait3A_320, %dma_wait3A_321] : memref<2048x8xf32, #tpu.memory_space<vmem>> -> memref<128x8xf32, #tpu.memory_space<vmem>>
      %dma_wait3A_323 = arith.constant 1280 : i32
      %dma_wait3A_324 = tpu.memref_slice %arg6[%dma_wait3A_323] : memref<2048xi32, #tpu.memory_space<vmem>> -> memref<128xi32, #tpu.memory_space<vmem>>
      %dma_wait3A_325 = arith.constant 0 : i32
      %dma_wait3A_326 = arith.constant 0 : i32
      %dma_wait3A_327 = tpu.memref_slice %arg2[%dma_wait3A_325, %dma_wait3A_326] : memref<100000x8xf32, #tpu.memory_space<hbm>> -> memref<100000x8xf32, #tpu.memory_space<hbm>>
      tpu.wait_indirect_dma semaphore(%arg10 : memref<!tpu.dma_semaphore, #tpu.memory_space<semaphore_mem>>) src(%dma_wait3A_327 : memref<100000x8xf32, #tpu.memory_space<hbm>>) dst(%dma_wait3A_322 : memref<128x8xf32, #tpu.memory_space<vmem>>)
      %dma_start3A_328 = arith.constant 1280 : i32
      %dma_start3A_329 = arith.constant 0 : i32
      %dma_start3A_330 = tpu.memref_slice %arg8[%dma_start3A_328, %dma_start3A_329] : memref<2048x8xf32, #tpu.memory_space<vmem>> -> memref<128x8xf32, #tpu.memory_space<vmem>>
      %dma_start3A_331 = arith.constant 1280 : i32
      %dma_start3A_332 = tpu.memref_slice %arg7[%dma_start3A_331] : memref<2048xi32, #tpu.memory_space<vmem>> -> memref<128xi32, #tpu.memory_space<vmem>>
      %dma_start3A_333 = arith.constant 0 : i32
      %dma_start3A_334 = arith.constant 0 : i32
      %dma_start3A_335 = tpu.memref_slice %arg9[%dma_start3A_333, %dma_start3A_334] : memref<100000x8xf32, #tpu.memory_space<vmem_shared>> -> memref<100000x8xf32, #tpu.memory_space<vmem_shared>>
      tpu.enqueue_indirect_dma source(%dma_start3A_330 : memref<128x8xf32, #tpu.memory_space<vmem>>) target(%dma_start3A_335 : memref<100000x8xf32, #tpu.memory_space<vmem_shared>>) offsets(%dma_start3A_332 : memref<128xi32, #tpu.memory_space<vmem>>) semaphore(%arg11 : memref<!tpu.dma_semaphore, #tpu.memory_space<semaphore_mem>>) {add = true}
      %dma_wait3A_336 = arith.constant 1408 : i32
      %dma_wait3A_337 = arith.constant 0 : i32
      %dma_wait3A_338 = tpu.memref_slice %arg8[%dma_wait3A_336, %dma_wait3A_337] : memref<2048x8xf32, #tpu.memory_space<vmem>> -> memref<128x8xf32, #tpu.memory_space<vmem>>
      %dma_wait3A_339 = arith.constant 1408 : i32
      %dma_wait3A_340 = tpu.memref_slice %arg6[%dma_wait3A_339] : memref<2048xi32, #tpu.memory_space<vmem>> -> memref<128xi32, #tpu.memory_space<vmem>>
      %dma_wait3A_341 = arith.constant 0 : i32
      %dma_wait3A_342 = arith.constant 0 : i32
      %dma_wait3A_343 = tpu.memref_slice %arg2[%dma_wait3A_341, %dma_wait3A_342] : memref<100000x8xf32, #tpu.memory_space<hbm>> -> memref<100000x8xf32, #tpu.memory_space<hbm>>
      tpu.wait_indirect_dma semaphore(%arg10 : memref<!tpu.dma_semaphore, #tpu.memory_space<semaphore_mem>>) src(%dma_wait3A_343 : memref<100000x8xf32, #tpu.memory_space<hbm>>) dst(%dma_wait3A_338 : memref<128x8xf32, #tpu.memory_space<vmem>>)
      %dma_start3A_344 = arith.constant 1408 : i32
      %dma_start3A_345 = arith.constant 0 : i32
      %dma_start3A_346 = tpu.memref_slice %arg8[%dma_start3A_344, %dma_start3A_345] : memref<2048x8xf32, #tpu.memory_space<vmem>> -> memref<128x8xf32, #tpu.memory_space<vmem>>
      %dma_start3A_347 = arith.constant 1408 : i32
      %dma_start3A_348 = tpu.memref_slice %arg7[%dma_start3A_347] : memref<2048xi32, #tpu.memory_space<vmem>> -> memref<128xi32, #tpu.memory_space<vmem>>
      %dma_start3A_349 = arith.constant 0 : i32
      %dma_start3A_350 = arith.constant 0 : i32
      %dma_start3A_351 = tpu.memref_slice %arg9[%dma_start3A_349, %dma_start3A_350] : memref<100000x8xf32, #tpu.memory_space<vmem_shared>> -> memref<100000x8xf32, #tpu.memory_space<vmem_shared>>
      tpu.enqueue_indirect_dma source(%dma_start3A_346 : memref<128x8xf32, #tpu.memory_space<vmem>>) target(%dma_start3A_351 : memref<100000x8xf32, #tpu.memory_space<vmem_shared>>) offsets(%dma_start3A_348 : memref<128xi32, #tpu.memory_space<vmem>>) semaphore(%arg11 : memref<!tpu.dma_semaphore, #tpu.memory_space<semaphore_mem>>) {add = true}
      %dma_wait3A_352 = arith.constant 1536 : i32
      %dma_wait3A_353 = arith.constant 0 : i32
      %dma_wait3A_354 = tpu.memref_slice %arg8[%dma_wait3A_352, %dma_wait3A_353] : memref<2048x8xf32, #tpu.memory_space<vmem>> -> memref<128x8xf32, #tpu.memory_space<vmem>>
      %dma_wait3A_355 = arith.constant 1536 : i32
      %dma_wait3A_356 = tpu.memref_slice %arg6[%dma_wait3A_355] : memref<2048xi32, #tpu.memory_space<vmem>> -> memref<128xi32, #tpu.memory_space<vmem>>
      %dma_wait3A_357 = arith.constant 0 : i32
      %dma_wait3A_358 = arith.constant 0 : i32
      %dma_wait3A_359 = tpu.memref_slice %arg2[%dma_wait3A_357, %dma_wait3A_358] : memref<100000x8xf32, #tpu.memory_space<hbm>> -> memref<100000x8xf32, #tpu.memory_space<hbm>>
      tpu.wait_indirect_dma semaphore(%arg10 : memref<!tpu.dma_semaphore, #tpu.memory_space<semaphore_mem>>) src(%dma_wait3A_359 : memref<100000x8xf32, #tpu.memory_space<hbm>>) dst(%dma_wait3A_354 : memref<128x8xf32, #tpu.memory_space<vmem>>)
      %dma_start3A_360 = arith.constant 1536 : i32
      %dma_start3A_361 = arith.constant 0 : i32
      %dma_start3A_362 = tpu.memref_slice %arg8[%dma_start3A_360, %dma_start3A_361] : memref<2048x8xf32, #tpu.memory_space<vmem>> -> memref<128x8xf32, #tpu.memory_space<vmem>>
      %dma_start3A_363 = arith.constant 1536 : i32
      %dma_start3A_364 = tpu.memref_slice %arg7[%dma_start3A_363] : memref<2048xi32, #tpu.memory_space<vmem>> -> memref<128xi32, #tpu.memory_space<vmem>>
      %dma_start3A_365 = arith.constant 0 : i32
      %dma_start3A_366 = arith.constant 0 : i32
      %dma_start3A_367 = tpu.memref_slice %arg9[%dma_start3A_365, %dma_start3A_366] : memref<100000x8xf32, #tpu.memory_space<vmem_shared>> -> memref<100000x8xf32, #tpu.memory_space<vmem_shared>>
      tpu.enqueue_indirect_dma source(%dma_start3A_362 : memref<128x8xf32, #tpu.memory_space<vmem>>) target(%dma_start3A_367 : memref<100000x8xf32, #tpu.memory_space<vmem_shared>>) offsets(%dma_start3A_364 : memref<128xi32, #tpu.memory_space<vmem>>) semaphore(%arg11 : memref<!tpu.dma_semaphore, #tpu.memory_space<semaphore_mem>>) {add = true}
      %dma_wait3A_368 = arith.constant 1664 : i32
      %dma_wait3A_369 = arith.constant 0 : i32
      %dma_wait3A_370 = tpu.memref_slice %arg8[%dma_wait3A_368, %dma_wait3A_369] : memref<2048x8xf32, #tpu.memory_space<vmem>> -> memref<128x8xf32, #tpu.memory_space<vmem>>
      %dma_wait3A_371 = arith.constant 1664 : i32
      %dma_wait3A_372 = tpu.memref_slice %arg6[%dma_wait3A_371] : memref<2048xi32, #tpu.memory_space<vmem>> -> memref<128xi32, #tpu.memory_space<vmem>>
      %dma_wait3A_373 = arith.constant 0 : i32
      %dma_wait3A_374 = arith.constant 0 : i32
      %dma_wait3A_375 = tpu.memref_slice %arg2[%dma_wait3A_373, %dma_wait3A_374] : memref<100000x8xf32, #tpu.memory_space<hbm>> -> memref<100000x8xf32, #tpu.memory_space<hbm>>
      tpu.wait_indirect_dma semaphore(%arg10 : memref<!tpu.dma_semaphore, #tpu.memory_space<semaphore_mem>>) src(%dma_wait3A_375 : memref<100000x8xf32, #tpu.memory_space<hbm>>) dst(%dma_wait3A_370 : memref<128x8xf32, #tpu.memory_space<vmem>>)
      %dma_start3A_376 = arith.constant 1664 : i32
      %dma_start3A_377 = arith.constant 0 : i32
      %dma_start3A_378 = tpu.memref_slice %arg8[%dma_start3A_376, %dma_start3A_377] : memref<2048x8xf32, #tpu.memory_space<vmem>> -> memref<128x8xf32, #tpu.memory_space<vmem>>
      %dma_start3A_379 = arith.constant 1664 : i32
      %dma_start3A_380 = tpu.memref_slice %arg7[%dma_start3A_379] : memref<2048xi32, #tpu.memory_space<vmem>> -> memref<128xi32, #tpu.memory_space<vmem>>
      %dma_start3A_381 = arith.constant 0 : i32
      %dma_start3A_382 = arith.constant 0 : i32
      %dma_start3A_383 = tpu.memref_slice %arg9[%dma_start3A_381, %dma_start3A_382] : memref<100000x8xf32, #tpu.memory_space<vmem_shared>> -> memref<100000x8xf32, #tpu.memory_space<vmem_shared>>
      tpu.enqueue_indirect_dma source(%dma_start3A_378 : memref<128x8xf32, #tpu.memory_space<vmem>>) target(%dma_start3A_383 : memref<100000x8xf32, #tpu.memory_space<vmem_shared>>) offsets(%dma_start3A_380 : memref<128xi32, #tpu.memory_space<vmem>>) semaphore(%arg11 : memref<!tpu.dma_semaphore, #tpu.memory_space<semaphore_mem>>) {add = true}
      %dma_wait3A_384 = arith.constant 1792 : i32
      %dma_wait3A_385 = arith.constant 0 : i32
      %dma_wait3A_386 = tpu.memref_slice %arg8[%dma_wait3A_384, %dma_wait3A_385] : memref<2048x8xf32, #tpu.memory_space<vmem>> -> memref<128x8xf32, #tpu.memory_space<vmem>>
      %dma_wait3A_387 = arith.constant 1792 : i32
      %dma_wait3A_388 = tpu.memref_slice %arg6[%dma_wait3A_387] : memref<2048xi32, #tpu.memory_space<vmem>> -> memref<128xi32, #tpu.memory_space<vmem>>
      %dma_wait3A_389 = arith.constant 0 : i32
      %dma_wait3A_390 = arith.constant 0 : i32
      %dma_wait3A_391 = tpu.memref_slice %arg2[%dma_wait3A_389, %dma_wait3A_390] : memref<100000x8xf32, #tpu.memory_space<hbm>> -> memref<100000x8xf32, #tpu.memory_space<hbm>>
      tpu.wait_indirect_dma semaphore(%arg10 : memref<!tpu.dma_semaphore, #tpu.memory_space<semaphore_mem>>) src(%dma_wait3A_391 : memref<100000x8xf32, #tpu.memory_space<hbm>>) dst(%dma_wait3A_386 : memref<128x8xf32, #tpu.memory_space<vmem>>)
      %dma_start3A_392 = arith.constant 1792 : i32
      %dma_start3A_393 = arith.constant 0 : i32
      %dma_start3A_394 = tpu.memref_slice %arg8[%dma_start3A_392, %dma_start3A_393] : memref<2048x8xf32, #tpu.memory_space<vmem>> -> memref<128x8xf32, #tpu.memory_space<vmem>>
      %dma_start3A_395 = arith.constant 1792 : i32
      %dma_start3A_396 = tpu.memref_slice %arg7[%dma_start3A_395] : memref<2048xi32, #tpu.memory_space<vmem>> -> memref<128xi32, #tpu.memory_space<vmem>>
      %dma_start3A_397 = arith.constant 0 : i32
      %dma_start3A_398 = arith.constant 0 : i32
      %dma_start3A_399 = tpu.memref_slice %arg9[%dma_start3A_397, %dma_start3A_398] : memref<100000x8xf32, #tpu.memory_space<vmem_shared>> -> memref<100000x8xf32, #tpu.memory_space<vmem_shared>>
      tpu.enqueue_indirect_dma source(%dma_start3A_394 : memref<128x8xf32, #tpu.memory_space<vmem>>) target(%dma_start3A_399 : memref<100000x8xf32, #tpu.memory_space<vmem_shared>>) offsets(%dma_start3A_396 : memref<128xi32, #tpu.memory_space<vmem>>) semaphore(%arg11 : memref<!tpu.dma_semaphore, #tpu.memory_space<semaphore_mem>>) {add = true}
      %dma_wait3A_400 = arith.constant 1920 : i32
      %dma_wait3A_401 = arith.constant 0 : i32
      %dma_wait3A_402 = tpu.memref_slice %arg8[%dma_wait3A_400, %dma_wait3A_401] : memref<2048x8xf32, #tpu.memory_space<vmem>> -> memref<128x8xf32, #tpu.memory_space<vmem>>
      %dma_wait3A_403 = arith.constant 1920 : i32
      %dma_wait3A_404 = tpu.memref_slice %arg6[%dma_wait3A_403] : memref<2048xi32, #tpu.memory_space<vmem>> -> memref<128xi32, #tpu.memory_space<vmem>>
      %dma_wait3A_405 = arith.constant 0 : i32
      %dma_wait3A_406 = arith.constant 0 : i32
      %dma_wait3A_407 = tpu.memref_slice %arg2[%dma_wait3A_405, %dma_wait3A_406] : memref<100000x8xf32, #tpu.memory_space<hbm>> -> memref<100000x8xf32, #tpu.memory_space<hbm>>
      tpu.wait_indirect_dma semaphore(%arg10 : memref<!tpu.dma_semaphore, #tpu.memory_space<semaphore_mem>>) src(%dma_wait3A_407 : memref<100000x8xf32, #tpu.memory_space<hbm>>) dst(%dma_wait3A_402 : memref<128x8xf32, #tpu.memory_space<vmem>>)
      %dma_start3A_408 = arith.constant 1920 : i32
      %dma_start3A_409 = arith.constant 0 : i32
      %dma_start3A_410 = tpu.memref_slice %arg8[%dma_start3A_408, %dma_start3A_409] : memref<2048x8xf32, #tpu.memory_space<vmem>> -> memref<128x8xf32, #tpu.memory_space<vmem>>
      %dma_start3A_411 = arith.constant 1920 : i32
      %dma_start3A_412 = tpu.memref_slice %arg7[%dma_start3A_411] : memref<2048xi32, #tpu.memory_space<vmem>> -> memref<128xi32, #tpu.memory_space<vmem>>
      %dma_start3A_413 = arith.constant 0 : i32
      %dma_start3A_414 = arith.constant 0 : i32
      %dma_start3A_415 = tpu.memref_slice %arg9[%dma_start3A_413, %dma_start3A_414] : memref<100000x8xf32, #tpu.memory_space<vmem_shared>> -> memref<100000x8xf32, #tpu.memory_space<vmem_shared>>
      tpu.enqueue_indirect_dma source(%dma_start3A_410 : memref<128x8xf32, #tpu.memory_space<vmem>>) target(%dma_start3A_415 : memref<100000x8xf32, #tpu.memory_space<vmem_shared>>) offsets(%dma_start3A_412 : memref<128xi32, #tpu.memory_space<vmem>>) semaphore(%arg11 : memref<!tpu.dma_semaphore, #tpu.memory_space<semaphore_mem>>) {add = true}
      %dma_wait3A_416 = arith.constant 0 : i32
      %dma_wait3A_417 = arith.constant 0 : i32
      %dma_wait3A_418 = tpu.memref_slice %arg8[%dma_wait3A_416, %dma_wait3A_417] : memref<2048x8xf32, #tpu.memory_space<vmem>> -> memref<128x8xf32, #tpu.memory_space<vmem>>
      %dma_wait3A_419 = arith.constant 0 : i32
      %dma_wait3A_420 = tpu.memref_slice %arg7[%dma_wait3A_419] : memref<2048xi32, #tpu.memory_space<vmem>> -> memref<128xi32, #tpu.memory_space<vmem>>
      %dma_wait3A_421 = arith.constant 0 : i32
      %dma_wait3A_422 = arith.constant 0 : i32
      %dma_wait3A_423 = tpu.memref_slice %arg9[%dma_wait3A_421, %dma_wait3A_422] : memref<100000x8xf32, #tpu.memory_space<vmem_shared>> -> memref<100000x8xf32, #tpu.memory_space<vmem_shared>>
      tpu.wait_indirect_dma semaphore(%arg11 : memref<!tpu.dma_semaphore, #tpu.memory_space<semaphore_mem>>) src(%dma_wait3A_418 : memref<128x8xf32, #tpu.memory_space<vmem>>) dst(%dma_wait3A_423 : memref<100000x8xf32, #tpu.memory_space<vmem_shared>>)
      %dma_wait3A_424 = arith.constant 128 : i32
      %dma_wait3A_425 = arith.constant 0 : i32
      %dma_wait3A_426 = tpu.memref_slice %arg8[%dma_wait3A_424, %dma_wait3A_425] : memref<2048x8xf32, #tpu.memory_space<vmem>> -> memref<128x8xf32, #tpu.memory_space<vmem>>
      %dma_wait3A_427 = arith.constant 128 : i32
      %dma_wait3A_428 = tpu.memref_slice %arg7[%dma_wait3A_427] : memref<2048xi32, #tpu.memory_space<vmem>> -> memref<128xi32, #tpu.memory_space<vmem>>
      %dma_wait3A_429 = arith.constant 0 : i32
      %dma_wait3A_430 = arith.constant 0 : i32
      %dma_wait3A_431 = tpu.memref_slice %arg9[%dma_wait3A_429, %dma_wait3A_430] : memref<100000x8xf32, #tpu.memory_space<vmem_shared>> -> memref<100000x8xf32, #tpu.memory_space<vmem_shared>>
      tpu.wait_indirect_dma semaphore(%arg11 : memref<!tpu.dma_semaphore, #tpu.memory_space<semaphore_mem>>) src(%dma_wait3A_426 : memref<128x8xf32, #tpu.memory_space<vmem>>) dst(%dma_wait3A_431 : memref<100000x8xf32, #tpu.memory_space<vmem_shared>>)
      %dma_wait3A_432 = arith.constant 256 : i32
      %dma_wait3A_433 = arith.constant 0 : i32
      %dma_wait3A_434 = tpu.memref_slice %arg8[%dma_wait3A_432, %dma_wait3A_433] : memref<2048x8xf32, #tpu.memory_space<vmem>> -> memref<128x8xf32, #tpu.memory_space<vmem>>
      %dma_wait3A_435 = arith.constant 256 : i32
      %dma_wait3A_436 = tpu.memref_slice %arg7[%dma_wait3A_435] : memref<2048xi32, #tpu.memory_space<vmem>> -> memref<128xi32, #tpu.memory_space<vmem>>
      %dma_wait3A_437 = arith.constant 0 : i32
      %dma_wait3A_438 = arith.constant 0 : i32
      %dma_wait3A_439 = tpu.memref_slice %arg9[%dma_wait3A_437, %dma_wait3A_438] : memref<100000x8xf32, #tpu.memory_space<vmem_shared>> -> memref<100000x8xf32, #tpu.memory_space<vmem_shared>>
      tpu.wait_indirect_dma semaphore(%arg11 : memref<!tpu.dma_semaphore, #tpu.memory_space<semaphore_mem>>) src(%dma_wait3A_434 : memref<128x8xf32, #tpu.memory_space<vmem>>) dst(%dma_wait3A_439 : memref<100000x8xf32, #tpu.memory_space<vmem_shared>>)
      %dma_wait3A_440 = arith.constant 384 : i32
      %dma_wait3A_441 = arith.constant 0 : i32
      %dma_wait3A_442 = tpu.memref_slice %arg8[%dma_wait3A_440, %dma_wait3A_441] : memref<2048x8xf32, #tpu.memory_space<vmem>> -> memref<128x8xf32, #tpu.memory_space<vmem>>
      %dma_wait3A_443 = arith.constant 384 : i32
      %dma_wait3A_444 = tpu.memref_slice %arg7[%dma_wait3A_443] : memref<2048xi32, #tpu.memory_space<vmem>> -> memref<128xi32, #tpu.memory_space<vmem>>
      %dma_wait3A_445 = arith.constant 0 : i32
      %dma_wait3A_446 = arith.constant 0 : i32
      %dma_wait3A_447 = tpu.memref_slice %arg9[%dma_wait3A_445, %dma_wait3A_446] : memref<100000x8xf32, #tpu.memory_space<vmem_shared>> -> memref<100000x8xf32, #tpu.memory_space<vmem_shared>>
      tpu.wait_indirect_dma semaphore(%arg11 : memref<!tpu.dma_semaphore, #tpu.memory_space<semaphore_mem>>) src(%dma_wait3A_442 : memref<128x8xf32, #tpu.memory_space<vmem>>) dst(%dma_wait3A_447 : memref<100000x8xf32, #tpu.memory_space<vmem_shared>>)
      %dma_wait3A_448 = arith.constant 512 : i32
      %dma_wait3A_449 = arith.constant 0 : i32
      %dma_wait3A_450 = tpu.memref_slice %arg8[%dma_wait3A_448, %dma_wait3A_449] : memref<2048x8xf32, #tpu.memory_space<vmem>> -> memref<128x8xf32, #tpu.memory_space<vmem>>
      %dma_wait3A_451 = arith.constant 512 : i32
      %dma_wait3A_452 = tpu.memref_slice %arg7[%dma_wait3A_451] : memref<2048xi32, #tpu.memory_space<vmem>> -> memref<128xi32, #tpu.memory_space<vmem>>
      %dma_wait3A_453 = arith.constant 0 : i32
      %dma_wait3A_454 = arith.constant 0 : i32
      %dma_wait3A_455 = tpu.memref_slice %arg9[%dma_wait3A_453, %dma_wait3A_454] : memref<100000x8xf32, #tpu.memory_space<vmem_shared>> -> memref<100000x8xf32, #tpu.memory_space<vmem_shared>>
      tpu.wait_indirect_dma semaphore(%arg11 : memref<!tpu.dma_semaphore, #tpu.memory_space<semaphore_mem>>) src(%dma_wait3A_450 : memref<128x8xf32, #tpu.memory_space<vmem>>) dst(%dma_wait3A_455 : memref<100000x8xf32, #tpu.memory_space<vmem_shared>>)
      %dma_wait3A_456 = arith.constant 640 : i32
      %dma_wait3A_457 = arith.constant 0 : i32
      %dma_wait3A_458 = tpu.memref_slice %arg8[%dma_wait3A_456, %dma_wait3A_457] : memref<2048x8xf32, #tpu.memory_space<vmem>> -> memref<128x8xf32, #tpu.memory_space<vmem>>
      %dma_wait3A_459 = arith.constant 640 : i32
      %dma_wait3A_460 = tpu.memref_slice %arg7[%dma_wait3A_459] : memref<2048xi32, #tpu.memory_space<vmem>> -> memref<128xi32, #tpu.memory_space<vmem>>
      %dma_wait3A_461 = arith.constant 0 : i32
      %dma_wait3A_462 = arith.constant 0 : i32
      %dma_wait3A_463 = tpu.memref_slice %arg9[%dma_wait3A_461, %dma_wait3A_462] : memref<100000x8xf32, #tpu.memory_space<vmem_shared>> -> memref<100000x8xf32, #tpu.memory_space<vmem_shared>>
      tpu.wait_indirect_dma semaphore(%arg11 : memref<!tpu.dma_semaphore, #tpu.memory_space<semaphore_mem>>) src(%dma_wait3A_458 : memref<128x8xf32, #tpu.memory_space<vmem>>) dst(%dma_wait3A_463 : memref<100000x8xf32, #tpu.memory_space<vmem_shared>>)
      %dma_wait3A_464 = arith.constant 768 : i32
      %dma_wait3A_465 = arith.constant 0 : i32
      %dma_wait3A_466 = tpu.memref_slice %arg8[%dma_wait3A_464, %dma_wait3A_465] : memref<2048x8xf32, #tpu.memory_space<vmem>> -> memref<128x8xf32, #tpu.memory_space<vmem>>
      %dma_wait3A_467 = arith.constant 768 : i32
      %dma_wait3A_468 = tpu.memref_slice %arg7[%dma_wait3A_467] : memref<2048xi32, #tpu.memory_space<vmem>> -> memref<128xi32, #tpu.memory_space<vmem>>
      %dma_wait3A_469 = arith.constant 0 : i32
      %dma_wait3A_470 = arith.constant 0 : i32
      %dma_wait3A_471 = tpu.memref_slice %arg9[%dma_wait3A_469, %dma_wait3A_470] : memref<100000x8xf32, #tpu.memory_space<vmem_shared>> -> memref<100000x8xf32, #tpu.memory_space<vmem_shared>>
      tpu.wait_indirect_dma semaphore(%arg11 : memref<!tpu.dma_semaphore, #tpu.memory_space<semaphore_mem>>) src(%dma_wait3A_466 : memref<128x8xf32, #tpu.memory_space<vmem>>) dst(%dma_wait3A_471 : memref<100000x8xf32, #tpu.memory_space<vmem_shared>>)
      %dma_wait3A_472 = arith.constant 896 : i32
      %dma_wait3A_473 = arith.constant 0 : i32
      %dma_wait3A_474 = tpu.memref_slice %arg8[%dma_wait3A_472, %dma_wait3A_473] : memref<2048x8xf32, #tpu.memory_space<vmem>> -> memref<128x8xf32, #tpu.memory_space<vmem>>
      %dma_wait3A_475 = arith.constant 896 : i32
      %dma_wait3A_476 = tpu.memref_slice %arg7[%dma_wait3A_475] : memref<2048xi32, #tpu.memory_space<vmem>> -> memref<128xi32, #tpu.memory_space<vmem>>
      %dma_wait3A_477 = arith.constant 0 : i32
      %dma_wait3A_478 = arith.constant 0 : i32
      %dma_wait3A_479 = tpu.memref_slice %arg9[%dma_wait3A_477, %dma_wait3A_478] : memref<100000x8xf32, #tpu.memory_space<vmem_shared>> -> memref<100000x8xf32, #tpu.memory_space<vmem_shared>>
      tpu.wait_indirect_dma semaphore(%arg11 : memref<!tpu.dma_semaphore, #tpu.memory_space<semaphore_mem>>) src(%dma_wait3A_474 : memref<128x8xf32, #tpu.memory_space<vmem>>) dst(%dma_wait3A_479 : memref<100000x8xf32, #tpu.memory_space<vmem_shared>>)
      %dma_wait3A_480 = arith.constant 1024 : i32
      %dma_wait3A_481 = arith.constant 0 : i32
      %dma_wait3A_482 = tpu.memref_slice %arg8[%dma_wait3A_480, %dma_wait3A_481] : memref<2048x8xf32, #tpu.memory_space<vmem>> -> memref<128x8xf32, #tpu.memory_space<vmem>>
      %dma_wait3A_483 = arith.constant 1024 : i32
      %dma_wait3A_484 = tpu.memref_slice %arg7[%dma_wait3A_483] : memref<2048xi32, #tpu.memory_space<vmem>> -> memref<128xi32, #tpu.memory_space<vmem>>
      %dma_wait3A_485 = arith.constant 0 : i32
      %dma_wait3A_486 = arith.constant 0 : i32
      %dma_wait3A_487 = tpu.memref_slice %arg9[%dma_wait3A_485, %dma_wait3A_486] : memref<100000x8xf32, #tpu.memory_space<vmem_shared>> -> memref<100000x8xf32, #tpu.memory_space<vmem_shared>>
      tpu.wait_indirect_dma semaphore(%arg11 : memref<!tpu.dma_semaphore, #tpu.memory_space<semaphore_mem>>) src(%dma_wait3A_482 : memref<128x8xf32, #tpu.memory_space<vmem>>) dst(%dma_wait3A_487 : memref<100000x8xf32, #tpu.memory_space<vmem_shared>>)
      %dma_wait3A_488 = arith.constant 1152 : i32
      %dma_wait3A_489 = arith.constant 0 : i32
      %dma_wait3A_490 = tpu.memref_slice %arg8[%dma_wait3A_488, %dma_wait3A_489] : memref<2048x8xf32, #tpu.memory_space<vmem>> -> memref<128x8xf32, #tpu.memory_space<vmem>>
      %dma_wait3A_491 = arith.constant 1152 : i32
      %dma_wait3A_492 = tpu.memref_slice %arg7[%dma_wait3A_491] : memref<2048xi32, #tpu.memory_space<vmem>> -> memref<128xi32, #tpu.memory_space<vmem>>
      %dma_wait3A_493 = arith.constant 0 : i32
      %dma_wait3A_494 = arith.constant 0 : i32
      %dma_wait3A_495 = tpu.memref_slice %arg9[%dma_wait3A_493, %dma_wait3A_494] : memref<100000x8xf32, #tpu.memory_space<vmem_shared>> -> memref<100000x8xf32, #tpu.memory_space<vmem_shared>>
      tpu.wait_indirect_dma semaphore(%arg11 : memref<!tpu.dma_semaphore, #tpu.memory_space<semaphore_mem>>) src(%dma_wait3A_490 : memref<128x8xf32, #tpu.memory_space<vmem>>) dst(%dma_wait3A_495 : memref<100000x8xf32, #tpu.memory_space<vmem_shared>>)
      %dma_wait3A_496 = arith.constant 1280 : i32
      %dma_wait3A_497 = arith.constant 0 : i32
      %dma_wait3A_498 = tpu.memref_slice %arg8[%dma_wait3A_496, %dma_wait3A_497] : memref<2048x8xf32, #tpu.memory_space<vmem>> -> memref<128x8xf32, #tpu.memory_space<vmem>>
      %dma_wait3A_499 = arith.constant 1280 : i32
      %dma_wait3A_500 = tpu.memref_slice %arg7[%dma_wait3A_499] : memref<2048xi32, #tpu.memory_space<vmem>> -> memref<128xi32, #tpu.memory_space<vmem>>
      %dma_wait3A_501 = arith.constant 0 : i32
      %dma_wait3A_502 = arith.constant 0 : i32
      %dma_wait3A_503 = tpu.memref_slice %arg9[%dma_wait3A_501, %dma_wait3A_502] : memref<100000x8xf32, #tpu.memory_space<vmem_shared>> -> memref<100000x8xf32, #tpu.memory_space<vmem_shared>>
      tpu.wait_indirect_dma semaphore(%arg11 : memref<!tpu.dma_semaphore, #tpu.memory_space<semaphore_mem>>) src(%dma_wait3A_498 : memref<128x8xf32, #tpu.memory_space<vmem>>) dst(%dma_wait3A_503 : memref<100000x8xf32, #tpu.memory_space<vmem_shared>>)
      %dma_wait3A_504 = arith.constant 1408 : i32
      %dma_wait3A_505 = arith.constant 0 : i32
      %dma_wait3A_506 = tpu.memref_slice %arg8[%dma_wait3A_504, %dma_wait3A_505] : memref<2048x8xf32, #tpu.memory_space<vmem>> -> memref<128x8xf32, #tpu.memory_space<vmem>>
      %dma_wait3A_507 = arith.constant 1408 : i32
      %dma_wait3A_508 = tpu.memref_slice %arg7[%dma_wait3A_507] : memref<2048xi32, #tpu.memory_space<vmem>> -> memref<128xi32, #tpu.memory_space<vmem>>
      %dma_wait3A_509 = arith.constant 0 : i32
      %dma_wait3A_510 = arith.constant 0 : i32
      %dma_wait3A_511 = tpu.memref_slice %arg9[%dma_wait3A_509, %dma_wait3A_510] : memref<100000x8xf32, #tpu.memory_space<vmem_shared>> -> memref<100000x8xf32, #tpu.memory_space<vmem_shared>>
      tpu.wait_indirect_dma semaphore(%arg11 : memref<!tpu.dma_semaphore, #tpu.memory_space<semaphore_mem>>) src(%dma_wait3A_506 : memref<128x8xf32, #tpu.memory_space<vmem>>) dst(%dma_wait3A_511 : memref<100000x8xf32, #tpu.memory_space<vmem_shared>>)
      %dma_wait3A_512 = arith.constant 1536 : i32
      %dma_wait3A_513 = arith.constant 0 : i32
      %dma_wait3A_514 = tpu.memref_slice %arg8[%dma_wait3A_512, %dma_wait3A_513] : memref<2048x8xf32, #tpu.memory_space<vmem>> -> memref<128x8xf32, #tpu.memory_space<vmem>>
      %dma_wait3A_515 = arith.constant 1536 : i32
      %dma_wait3A_516 = tpu.memref_slice %arg7[%dma_wait3A_515] : memref<2048xi32, #tpu.memory_space<vmem>> -> memref<128xi32, #tpu.memory_space<vmem>>
      %dma_wait3A_517 = arith.constant 0 : i32
      %dma_wait3A_518 = arith.constant 0 : i32
      %dma_wait3A_519 = tpu.memref_slice %arg9[%dma_wait3A_517, %dma_wait3A_518] : memref<100000x8xf32, #tpu.memory_space<vmem_shared>> -> memref<100000x8xf32, #tpu.memory_space<vmem_shared>>
      tpu.wait_indirect_dma semaphore(%arg11 : memref<!tpu.dma_semaphore, #tpu.memory_space<semaphore_mem>>) src(%dma_wait3A_514 : memref<128x8xf32, #tpu.memory_space<vmem>>) dst(%dma_wait3A_519 : memref<100000x8xf32, #tpu.memory_space<vmem_shared>>)
      %dma_wait3A_520 = arith.constant 1664 : i32
      %dma_wait3A_521 = arith.constant 0 : i32
      %dma_wait3A_522 = tpu.memref_slice %arg8[%dma_wait3A_520, %dma_wait3A_521] : memref<2048x8xf32, #tpu.memory_space<vmem>> -> memref<128x8xf32, #tpu.memory_space<vmem>>
      %dma_wait3A_523 = arith.constant 1664 : i32
      %dma_wait3A_524 = tpu.memref_slice %arg7[%dma_wait3A_523] : memref<2048xi32, #tpu.memory_space<vmem>> -> memref<128xi32, #tpu.memory_space<vmem>>
      %dma_wait3A_525 = arith.constant 0 : i32
      %dma_wait3A_526 = arith.constant 0 : i32
      %dma_wait3A_527 = tpu.memref_slice %arg9[%dma_wait3A_525, %dma_wait3A_526] : memref<100000x8xf32, #tpu.memory_space<vmem_shared>> -> memref<100000x8xf32, #tpu.memory_space<vmem_shared>>
      tpu.wait_indirect_dma semaphore(%arg11 : memref<!tpu.dma_semaphore, #tpu.memory_space<semaphore_mem>>) src(%dma_wait3A_522 : memref<128x8xf32, #tpu.memory_space<vmem>>) dst(%dma_wait3A_527 : memref<100000x8xf32, #tpu.memory_space<vmem_shared>>)
      %dma_wait3A_528 = arith.constant 1792 : i32
      %dma_wait3A_529 = arith.constant 0 : i32
      %dma_wait3A_530 = tpu.memref_slice %arg8[%dma_wait3A_528, %dma_wait3A_529] : memref<2048x8xf32, #tpu.memory_space<vmem>> -> memref<128x8xf32, #tpu.memory_space<vmem>>
      %dma_wait3A_531 = arith.constant 1792 : i32
      %dma_wait3A_532 = tpu.memref_slice %arg7[%dma_wait3A_531] : memref<2048xi32, #tpu.memory_space<vmem>> -> memref<128xi32, #tpu.memory_space<vmem>>
      %dma_wait3A_533 = arith.constant 0 : i32
      %dma_wait3A_534 = arith.constant 0 : i32
      %dma_wait3A_535 = tpu.memref_slice %arg9[%dma_wait3A_533, %dma_wait3A_534] : memref<100000x8xf32, #tpu.memory_space<vmem_shared>> -> memref<100000x8xf32, #tpu.memory_space<vmem_shared>>
      tpu.wait_indirect_dma semaphore(%arg11 : memref<!tpu.dma_semaphore, #tpu.memory_space<semaphore_mem>>) src(%dma_wait3A_530 : memref<128x8xf32, #tpu.memory_space<vmem>>) dst(%dma_wait3A_535 : memref<100000x8xf32, #tpu.memory_space<vmem_shared>>)
      %dma_wait3A_536 = arith.constant 1920 : i32
      %dma_wait3A_537 = arith.constant 0 : i32
      %dma_wait3A_538 = tpu.memref_slice %arg8[%dma_wait3A_536, %dma_wait3A_537] : memref<2048x8xf32, #tpu.memory_space<vmem>> -> memref<128x8xf32, #tpu.memory_space<vmem>>
      %dma_wait3A_539 = arith.constant 1920 : i32
      %dma_wait3A_540 = tpu.memref_slice %arg7[%dma_wait3A_539] : memref<2048xi32, #tpu.memory_space<vmem>> -> memref<128xi32, #tpu.memory_space<vmem>>
      %dma_wait3A_541 = arith.constant 0 : i32
      %dma_wait3A_542 = arith.constant 0 : i32
      %dma_wait3A_543 = tpu.memref_slice %arg9[%dma_wait3A_541, %dma_wait3A_542] : memref<100000x8xf32, #tpu.memory_space<vmem_shared>> -> memref<100000x8xf32, #tpu.memory_space<vmem_shared>>
      tpu.wait_indirect_dma semaphore(%arg11 : memref<!tpu.dma_semaphore, #tpu.memory_space<semaphore_mem>>) src(%dma_wait3A_538 : memref<128x8xf32, #tpu.memory_space<vmem>>) dst(%dma_wait3A_543 : memref<100000x8xf32, #tpu.memory_space<vmem_shared>>)
    }
    %barrier3A_22 = arith.constant 0 : index
    tpu.barrier barrier_id(%barrier3A_22)
    %mul3A_23 = arith.constant 6250 : i32
    %mul3A_24 = arith.muli %arg1, %mul3A_23 : i32
    %mul3A_25 = arith.constant 6250 : i32
    %mul3A_26 = arith.muli %arg1, %mul3A_25 : i32
    "tpu.region"() ({
      %run_scoped3A = tpu.sem_alloc : memref<!tpu.dma_semaphore, #tpu.memory_space<semaphore_mem>>
      %dma_start3A = arith.constant 0 : i32
      %dma_start3A_27 = tpu.memref_slice %arg5[%arg0, %mul3A_26, %dma_start3A] : memref<2x100000x8xf32, #tpu.memory_space<hbm>> -> memref<1x6250x8xf32, #tpu.memory_space<hbm>>
      %dma_start3A_28 = tpu.memref_squeeze %dma_start3A_27 : memref<1x6250x8xf32, #tpu.memory_space<hbm>> -> memref<6250x8xf32, #tpu.memory_space<hbm>>
      %dma_start3A_29 = arith.constant 0 : i32
      %dma_start3A_30 = tpu.memref_slice %arg9[%mul3A_24, %dma_start3A_29] : memref<100000x8xf32, #tpu.memory_space<vmem_shared>> -> memref<6250x8xf32, #tpu.memory_space<vmem_shared>>
      tpu.enqueue_dma source(%dma_start3A_30 : memref<6250x8xf32, #tpu.memory_space<vmem_shared>>) target(%dma_start3A_28 : memref<6250x8xf32, #tpu.memory_space<hbm>>) target_semaphore(%run_scoped3A : memref<!tpu.dma_semaphore, #tpu.memory_space<semaphore_mem>>)
      %dma_wait3A = arith.constant 0 : i32
      %dma_wait3A_31 = tpu.memref_slice %arg5[%arg0, %mul3A_26, %dma_wait3A] : memref<2x100000x8xf32, #tpu.memory_space<hbm>> -> memref<1x6250x8xf32, #tpu.memory_space<hbm>>
      %dma_wait3A_32 = tpu.memref_squeeze %dma_wait3A_31 : memref<1x6250x8xf32, #tpu.memory_space<hbm>> -> memref<6250x8xf32, #tpu.memory_space<hbm>>
      %dma_wait3A_33 = arith.constant 0 : i32
      %dma_wait3A_34 = tpu.memref_slice %arg9[%mul3A_24, %dma_wait3A_33] : memref<100000x8xf32, #tpu.memory_space<vmem_shared>> -> memref<6250x8xf32, #tpu.memory_space<vmem_shared>>
      tpu.wait_dma2 semaphore(%run_scoped3A : memref<!tpu.dma_semaphore, #tpu.memory_space<semaphore_mem>>) src(%dma_wait3A_34 : memref<6250x8xf32, #tpu.memory_space<vmem_shared>>) dst(%dma_wait3A_32 : memref<6250x8xf32, #tpu.memory_space<hbm>>)
      tpu.yield
    }) : () -> ()
    return
  }
}

#map = affine_map<(d0, d1) -> (0, 0)>
#map1 = affine_map<(d0, d1) -> (0, 0, 0)>
module attributes {stable_mosaic.version = 14 : i64} {
  func.func @k(%arg0: i32, %arg1: i32, %arg2: memref<100000x8xf32, #tpu.memory_space<hbm>>, %arg3: memref<100000x8xf32, #tpu.memory_space<hbm>>, %arg4: memref<2x3200000xi32, #tpu.memory_space<hbm>>, %arg5: memref<2x100000x8xf32, #tpu.memory_space<hbm>>, %arg6: memref<2048xi32, #tpu.memory_space<vmem>>, %arg7: memref<2048xi32, #tpu.memory_space<vmem>>, %arg8: memref<2048x8xf32, #tpu.memory_space<vmem>>, %arg9: memref<100000x8xf32, #tpu.memory_space<vmem_shared>>, %arg10: memref<!tpu.dma_semaphore, #tpu.memory_space<semaphore_mem>>, %arg11: memref<!tpu.dma_semaphore, #tpu.memory_space<semaphore_mem>>) attributes {dimension_semantics = [#tpu.dimension_semantics<core_parallel>, #tpu.dimension_semantics<subcore_parallel>], iteration_bounds = array<i64: 2, 16>, scalar_prefetch = 0 : i64, scratch_operands = 6 : i64, tpu.core_type = #tpu.core_type<sc_vector_subcore>, window_params = [{transform_indices = #map}, {transform_indices = #map}, {transform_indices = #map}, {transform_indices = #map1}]} {
    %mul3A = arith.constant 16 : i32
    %mul3A_0 = arith.muli %arg0, %mul3A : i32
    %add3A = arith.addi %mul3A_0, %arg1 : i32
    %mul3A_1 = arith.constant 6250 : i32
    %mul3A_2 = arith.muli %arg1, %mul3A_1 : i32
    %mul3A_3 = arith.constant 6250 : i32
    %mul3A_4 = arith.muli %arg1, %mul3A_3 : i32
    "tpu.region"() ({
      %run_scoped3A = tpu.sem_alloc : memref<!tpu.dma_semaphore, #tpu.memory_space<semaphore_mem>>
      %dma_start3A = arith.constant 0 : i32
      %dma_start3A_27 = tpu.memref_slice %arg9[%mul3A_4, %dma_start3A] : memref<100000x8xf32, #tpu.memory_space<vmem_shared>> -> memref<6250x8xf32, #tpu.memory_space<vmem_shared>>
      %dma_start3A_28 = arith.constant 0 : i32
      %dma_start3A_29 = tpu.memref_slice %arg3[%mul3A_2, %dma_start3A_28] : memref<100000x8xf32, #tpu.memory_space<hbm>> -> memref<6250x8xf32, #tpu.memory_space<hbm>>
      tpu.enqueue_dma source(%dma_start3A_29 : memref<6250x8xf32, #tpu.memory_space<hbm>>) target(%dma_start3A_27 : memref<6250x8xf32, #tpu.memory_space<vmem_shared>>) target_semaphore(%run_scoped3A : memref<!tpu.dma_semaphore, #tpu.memory_space<semaphore_mem>>)
      %dma_wait3A = arith.constant 0 : i32
      %dma_wait3A_30 = tpu.memref_slice %arg9[%mul3A_4, %dma_wait3A] : memref<100000x8xf32, #tpu.memory_space<vmem_shared>> -> memref<6250x8xf32, #tpu.memory_space<vmem_shared>>
      %dma_wait3A_31 = arith.constant 0 : i32
      %dma_wait3A_32 = tpu.memref_slice %arg3[%mul3A_2, %dma_wait3A_31] : memref<100000x8xf32, #tpu.memory_space<hbm>> -> memref<6250x8xf32, #tpu.memory_space<hbm>>
      tpu.wait_dma2 semaphore(%run_scoped3A : memref<!tpu.dma_semaphore, #tpu.memory_space<semaphore_mem>>) src(%dma_wait3A_32 : memref<6250x8xf32, #tpu.memory_space<hbm>>) dst(%dma_wait3A_30 : memref<6250x8xf32, #tpu.memory_space<vmem_shared>>)
      tpu.yield
    }) : () -> ()
    %barrier3A = arith.constant 0 : index
    tpu.barrier barrier_id(%barrier3A)
    %mul3A_5 = arith.constant 48 : i32
    %mul3A_6 = arith.muli %add3A, %mul3A_5 : i32
    %min3A = arith.constant 26 : i32
    %min3A_7 = arith.minsi %add3A, %min3A : i32
    %add3A_8 = arith.addi %mul3A_6, %min3A_7 : i32
    %lt3A = arith.constant 26 : i32
    %lt3A_9 = arith.cmpi slt, %add3A, %lt3A : i32
    %jit3A = arith.constant 1 : i32
    %jit3A_10 = arith.constant 0 : i32
    %select_n3A = arith.select %lt3A_9, %jit3A, %jit3A_10 : i32
    %add3A_11 = arith.constant 48 : i32
    %add3A_12 = arith.addi %add3A_11, %select_n3A : i32
    %while3A = arith.constant 0 : i32
    %while3A_13 = arith.constant 0 : i32
    %while3A_14 = arith.subi %add3A_12, %while3A_13 : i32
    %while3A_15 = arith.addi %while3A_13, %while3A_14 : i32
    %while3A_16 = arith.constant 1 : i32
    %while3A_17 = arith.divsi %while3A_14, %while3A_16 : i32
    %while3A_18 = arith.muli %while3A_17, %while3A_16 : i32
    %while3A_19 = arith.addi %while3A_13, %while3A_18 : i32
    %while3A_20 = arith.constant 1 : i32
    scf.for %while3A_27 = %while3A_13 to %while3A_19 step %while3A_20  : i32 {
      %add3A_28 = arith.addi %add3A_8, %while3A_27 : i32
      %mul3A_29 = arith.constant 16 : i32
      %mul3A_30 = arith.muli %add3A_28, %mul3A_29 : i32
      %mul3A_31 = arith.constant 128 : i32
      %mul3A_32 = arith.muli %mul3A_30, %mul3A_31 : i32
      %run_scoped3A = arith.constant 0 : i32
      "tpu.region"() ({
        %run_scoped3A_544 = tpu.sem_alloc : memref<!tpu.dma_semaphore, #tpu.memory_space<semaphore_mem>>
        %dma_start3A_545 = tpu.memref_slice %arg4[%run_scoped3A, %mul3A_32] : memref<2x3200000xi32, #tpu.memory_space<hbm>> -> memref<1x2048xi32, #tpu.memory_space<hbm>>
        %dma_start3A_546 = tpu.memref_squeeze %dma_start3A_545 : memref<1x2048xi32, #tpu.memory_space<hbm>> -> memref<2048xi32, #tpu.memory_space<hbm>>
        %dma_start3A_547 = tpu.memref_slice %arg4[%run_scoped3A, %mul3A_32] : memref<2x3200000xi32, #tpu.memory_space<hbm>> -> memref<1x2048xi32, #tpu.memory_space<hbm>>
        %dma_start3A_548 = tpu.memref_squeeze %dma_start3A_547 : memref<1x2048xi32, #tpu.memory_space<hbm>> -> memref<2048xi32, #tpu.memory_space<hbm>>
        tpu.enqueue_dma source(%dma_start3A_548 : memref<2048xi32, #tpu.memory_space<hbm>>) target(%arg6 : memref<2048xi32, #tpu.memory_space<vmem>>) target_semaphore(%run_scoped3A_544 : memref<!tpu.dma_semaphore, #tpu.memory_space<semaphore_mem>>)
        %dma_wait3A_549 = tpu.memref_slice %arg4[%run_scoped3A, %mul3A_32] : memref<2x3200000xi32, #tpu.memory_space<hbm>> -> memref<1x2048xi32, #tpu.memory_space<hbm>>
        %dma_wait3A_550 = tpu.memref_squeeze %dma_wait3A_549 : memref<1x2048xi32, #tpu.memory_space<hbm>> -> memref<2048xi32, #tpu.memory_space<hbm>>
        %dma_wait3A_551 = tpu.memref_slice %arg4[%run_scoped3A, %mul3A_32] : memref<2x3200000xi32, #tpu.memory_space<hbm>> -> memref<1x2048xi32, #tpu.memory_space<hbm>>
        %dma_wait3A_552 = tpu.memref_squeeze %dma_wait3A_551 : memref<1x2048xi32, #tpu.memory_space<hbm>> -> memref<2048xi32, #tpu.memory_space<hbm>>
        tpu.wait_dma2 semaphore(%run_scoped3A_544 : memref<!tpu.dma_semaphore, #tpu.memory_space<semaphore_mem>>) src(%dma_wait3A_552 : memref<2048xi32, #tpu.memory_space<hbm>>) dst(%arg6 : memref<2048xi32, #tpu.memory_space<vmem>>)
        tpu.yield
      }) : () -> ()
      %run_scoped3A_33 = arith.constant 1 : i32
      "tpu.region"() ({
        %run_scoped3A_544 = tpu.sem_alloc : memref<!tpu.dma_semaphore, #tpu.memory_space<semaphore_mem>>
        %dma_start3A_545 = tpu.memref_slice %arg4[%run_scoped3A_33, %mul3A_32] : memref<2x3200000xi32, #tpu.memory_space<hbm>> -> memref<1x2048xi32, #tpu.memory_space<hbm>>
        %dma_start3A_546 = tpu.memref_squeeze %dma_start3A_545 : memref<1x2048xi32, #tpu.memory_space<hbm>> -> memref<2048xi32, #tpu.memory_space<hbm>>
        %dma_start3A_547 = tpu.memref_slice %arg4[%run_scoped3A_33, %mul3A_32] : memref<2x3200000xi32, #tpu.memory_space<hbm>> -> memref<1x2048xi32, #tpu.memory_space<hbm>>
        %dma_start3A_548 = tpu.memref_squeeze %dma_start3A_547 : memref<1x2048xi32, #tpu.memory_space<hbm>> -> memref<2048xi32, #tpu.memory_space<hbm>>
        tpu.enqueue_dma source(%dma_start3A_548 : memref<2048xi32, #tpu.memory_space<hbm>>) target(%arg7 : memref<2048xi32, #tpu.memory_space<vmem>>) target_semaphore(%run_scoped3A_544 : memref<!tpu.dma_semaphore, #tpu.memory_space<semaphore_mem>>)
        %dma_wait3A_549 = tpu.memref_slice %arg4[%run_scoped3A_33, %mul3A_32] : memref<2x3200000xi32, #tpu.memory_space<hbm>> -> memref<1x2048xi32, #tpu.memory_space<hbm>>
        %dma_wait3A_550 = tpu.memref_squeeze %dma_wait3A_549 : memref<1x2048xi32, #tpu.memory_space<hbm>> -> memref<2048xi32, #tpu.memory_space<hbm>>
        %dma_wait3A_551 = tpu.memref_slice %arg4[%run_scoped3A_33, %mul3A_32] : memref<2x3200000xi32, #tpu.memory_space<hbm>> -> memref<1x2048xi32, #tpu.memory_space<hbm>>
        %dma_wait3A_552 = tpu.memref_squeeze %dma_wait3A_551 : memref<1x2048xi32, #tpu.memory_space<hbm>> -> memref<2048xi32, #tpu.memory_space<hbm>>
        tpu.wait_dma2 semaphore(%run_scoped3A_544 : memref<!tpu.dma_semaphore, #tpu.memory_space<semaphore_mem>>) src(%dma_wait3A_552 : memref<2048xi32, #tpu.memory_space<hbm>>) dst(%arg7 : memref<2048xi32, #tpu.memory_space<vmem>>)
        tpu.yield
      }) : () -> ()
      %dma_start3A = arith.constant 0 : i32
      %dma_start3A_34 = arith.constant 0 : i32
      %dma_start3A_35 = tpu.memref_slice %arg8[%dma_start3A, %dma_start3A_34] : memref<2048x8xf32, #tpu.memory_space<vmem>> -> memref<128x8xf32, #tpu.memory_space<vmem>>
      %dma_start3A_36 = arith.constant 0 : i32
      %dma_start3A_37 = tpu.memref_slice %arg6[%dma_start3A_36] : memref<2048xi32, #tpu.memory_space<vmem>> -> memref<128xi32, #tpu.memory_space<vmem>>
      %dma_start3A_38 = arith.constant 0 : i32
      %dma_start3A_39 = arith.constant 0 : i32
      %dma_start3A_40 = tpu.memref_slice %arg2[%dma_start3A_38, %dma_start3A_39] : memref<100000x8xf32, #tpu.memory_space<hbm>> -> memref<100000x8xf32, #tpu.memory_space<hbm>>
      tpu.enqueue_indirect_dma source(%dma_start3A_40 : memref<100000x8xf32, #tpu.memory_space<hbm>>) target(%dma_start3A_35 : memref<128x8xf32, #tpu.memory_space<vmem>>) offsets(%dma_start3A_37 : memref<128xi32, #tpu.memory_space<vmem>>) semaphore(%arg10 : memref<!tpu.dma_semaphore, #tpu.memory_space<semaphore_mem>>)
      %dma_start3A_41 = arith.constant 128 : i32
      %dma_start3A_42 = arith.constant 0 : i32
      %dma_start3A_43 = tpu.memref_slice %arg8[%dma_start3A_41, %dma_start3A_42] : memref<2048x8xf32, #tpu.memory_space<vmem>> -> memref<128x8xf32, #tpu.memory_space<vmem>>
      %dma_start3A_44 = arith.constant 128 : i32
      %dma_start3A_45 = tpu.memref_slice %arg6[%dma_start3A_44] : memref<2048xi32, #tpu.memory_space<vmem>> -> memref<128xi32, #tpu.memory_space<vmem>>
      %dma_start3A_46 = arith.constant 0 : i32
      %dma_start3A_47 = arith.constant 0 : i32
      %dma_start3A_48 = tpu.memref_slice %arg2[%dma_start3A_46, %dma_start3A_47] : memref<100000x8xf32, #tpu.memory_space<hbm>> -> memref<100000x8xf32, #tpu.memory_space<hbm>>
      tpu.enqueue_indirect_dma source(%dma_start3A_48 : memref<100000x8xf32, #tpu.memory_space<hbm>>) target(%dma_start3A_43 : memref<128x8xf32, #tpu.memory_space<vmem>>) offsets(%dma_start3A_45 : memref<128xi32, #tpu.memory_space<vmem>>) semaphore(%arg10 : memref<!tpu.dma_semaphore, #tpu.memory_space<semaphore_mem>>)
      %dma_start3A_49 = arith.constant 256 : i32
      %dma_start3A_50 = arith.constant 0 : i32
      %dma_start3A_51 = tpu.memref_slice %arg8[%dma_start3A_49, %dma_start3A_50] : memref<2048x8xf32, #tpu.memory_space<vmem>> -> memref<128x8xf32, #tpu.memory_space<vmem>>
      %dma_start3A_52 = arith.constant 256 : i32
      %dma_start3A_53 = tpu.memref_slice %arg6[%dma_start3A_52] : memref<2048xi32, #tpu.memory_space<vmem>> -> memref<128xi32, #tpu.memory_space<vmem>>
      %dma_start3A_54 = arith.constant 0 : i32
      %dma_start3A_55 = arith.constant 0 : i32
      %dma_start3A_56 = tpu.memref_slice %arg2[%dma_start3A_54, %dma_start3A_55] : memref<100000x8xf32, #tpu.memory_space<hbm>> -> memref<100000x8xf32, #tpu.memory_space<hbm>>
      tpu.enqueue_indirect_dma source(%dma_start3A_56 : memref<100000x8xf32, #tpu.memory_space<hbm>>) target(%dma_start3A_51 : memref<128x8xf32, #tpu.memory_space<vmem>>) offsets(%dma_start3A_53 : memref<128xi32, #tpu.memory_space<vmem>>) semaphore(%arg10 : memref<!tpu.dma_semaphore, #tpu.memory_space<semaphore_mem>>)
      %dma_start3A_57 = arith.constant 384 : i32
      %dma_start3A_58 = arith.constant 0 : i32
      %dma_start3A_59 = tpu.memref_slice %arg8[%dma_start3A_57, %dma_start3A_58] : memref<2048x8xf32, #tpu.memory_space<vmem>> -> memref<128x8xf32, #tpu.memory_space<vmem>>
      %dma_start3A_60 = arith.constant 384 : i32
      %dma_start3A_61 = tpu.memref_slice %arg6[%dma_start3A_60] : memref<2048xi32, #tpu.memory_space<vmem>> -> memref<128xi32, #tpu.memory_space<vmem>>
      %dma_start3A_62 = arith.constant 0 : i32
      %dma_start3A_63 = arith.constant 0 : i32
      %dma_start3A_64 = tpu.memref_slice %arg2[%dma_start3A_62, %dma_start3A_63] : memref<100000x8xf32, #tpu.memory_space<hbm>> -> memref<100000x8xf32, #tpu.memory_space<hbm>>
      tpu.enqueue_indirect_dma source(%dma_start3A_64 : memref<100000x8xf32, #tpu.memory_space<hbm>>) target(%dma_start3A_59 : memref<128x8xf32, #tpu.memory_space<vmem>>) offsets(%dma_start3A_61 : memref<128xi32, #tpu.memory_space<vmem>>) semaphore(%arg10 : memref<!tpu.dma_semaphore, #tpu.memory_space<semaphore_mem>>)
      %dma_start3A_65 = arith.constant 512 : i32
      %dma_start3A_66 = arith.constant 0 : i32
      %dma_start3A_67 = tpu.memref_slice %arg8[%dma_start3A_65, %dma_start3A_66] : memref<2048x8xf32, #tpu.memory_space<vmem>> -> memref<128x8xf32, #tpu.memory_space<vmem>>
      %dma_start3A_68 = arith.constant 512 : i32
      %dma_start3A_69 = tpu.memref_slice %arg6[%dma_start3A_68] : memref<2048xi32, #tpu.memory_space<vmem>> -> memref<128xi32, #tpu.memory_space<vmem>>
      %dma_start3A_70 = arith.constant 0 : i32
      %dma_start3A_71 = arith.constant 0 : i32
      %dma_start3A_72 = tpu.memref_slice %arg2[%dma_start3A_70, %dma_start3A_71] : memref<100000x8xf32, #tpu.memory_space<hbm>> -> memref<100000x8xf32, #tpu.memory_space<hbm>>
      tpu.enqueue_indirect_dma source(%dma_start3A_72 : memref<100000x8xf32, #tpu.memory_space<hbm>>) target(%dma_start3A_67 : memref<128x8xf32, #tpu.memory_space<vmem>>) offsets(%dma_start3A_69 : memref<128xi32, #tpu.memory_space<vmem>>) semaphore(%arg10 : memref<!tpu.dma_semaphore, #tpu.memory_space<semaphore_mem>>)
      %dma_start3A_73 = arith.constant 640 : i32
      %dma_start3A_74 = arith.constant 0 : i32
      %dma_start3A_75 = tpu.memref_slice %arg8[%dma_start3A_73, %dma_start3A_74] : memref<2048x8xf32, #tpu.memory_space<vmem>> -> memref<128x8xf32, #tpu.memory_space<vmem>>
      %dma_start3A_76 = arith.constant 640 : i32
      %dma_start3A_77 = tpu.memref_slice %arg6[%dma_start3A_76] : memref<2048xi32, #tpu.memory_space<vmem>> -> memref<128xi32, #tpu.memory_space<vmem>>
      %dma_start3A_78 = arith.constant 0 : i32
      %dma_start3A_79 = arith.constant 0 : i32
      %dma_start3A_80 = tpu.memref_slice %arg2[%dma_start3A_78, %dma_start3A_79] : memref<100000x8xf32, #tpu.memory_space<hbm>> -> memref<100000x8xf32, #tpu.memory_space<hbm>>
      tpu.enqueue_indirect_dma source(%dma_start3A_80 : memref<100000x8xf32, #tpu.memory_space<hbm>>) target(%dma_start3A_75 : memref<128x8xf32, #tpu.memory_space<vmem>>) offsets(%dma_start3A_77 : memref<128xi32, #tpu.memory_space<vmem>>) semaphore(%arg10 : memref<!tpu.dma_semaphore, #tpu.memory_space<semaphore_mem>>)
      %dma_start3A_81 = arith.constant 768 : i32
      %dma_start3A_82 = arith.constant 0 : i32
      %dma_start3A_83 = tpu.memref_slice %arg8[%dma_start3A_81, %dma_start3A_82] : memref<2048x8xf32, #tpu.memory_space<vmem>> -> memref<128x8xf32, #tpu.memory_space<vmem>>
      %dma_start3A_84 = arith.constant 768 : i32
      %dma_start3A_85 = tpu.memref_slice %arg6[%dma_start3A_84] : memref<2048xi32, #tpu.memory_space<vmem>> -> memref<128xi32, #tpu.memory_space<vmem>>
      %dma_start3A_86 = arith.constant 0 : i32
      %dma_start3A_87 = arith.constant 0 : i32
      %dma_start3A_88 = tpu.memref_slice %arg2[%dma_start3A_86, %dma_start3A_87] : memref<100000x8xf32, #tpu.memory_space<hbm>> -> memref<100000x8xf32, #tpu.memory_space<hbm>>
      tpu.enqueue_indirect_dma source(%dma_start3A_88 : memref<100000x8xf32, #tpu.memory_space<hbm>>) target(%dma_start3A_83 : memref<128x8xf32, #tpu.memory_space<vmem>>) offsets(%dma_start3A_85 : memref<128xi32, #tpu.memory_space<vmem>>) semaphore(%arg10 : memref<!tpu.dma_semaphore, #tpu.memory_space<semaphore_mem>>)
      %dma_start3A_89 = arith.constant 896 : i32
      %dma_start3A_90 = arith.constant 0 : i32
      %dma_start3A_91 = tpu.memref_slice %arg8[%dma_start3A_89, %dma_start3A_90] : memref<2048x8xf32, #tpu.memory_space<vmem>> -> memref<128x8xf32, #tpu.memory_space<vmem>>
      %dma_start3A_92 = arith.constant 896 : i32
      %dma_start3A_93 = tpu.memref_slice %arg6[%dma_start3A_92] : memref<2048xi32, #tpu.memory_space<vmem>> -> memref<128xi32, #tpu.memory_space<vmem>>
      %dma_start3A_94 = arith.constant 0 : i32
      %dma_start3A_95 = arith.constant 0 : i32
      %dma_start3A_96 = tpu.memref_slice %arg2[%dma_start3A_94, %dma_start3A_95] : memref<100000x8xf32, #tpu.memory_space<hbm>> -> memref<100000x8xf32, #tpu.memory_space<hbm>>
      tpu.enqueue_indirect_dma source(%dma_start3A_96 : memref<100000x8xf32, #tpu.memory_space<hbm>>) target(%dma_start3A_91 : memref<128x8xf32, #tpu.memory_space<vmem>>) offsets(%dma_start3A_93 : memref<128xi32, #tpu.memory_space<vmem>>) semaphore(%arg10 : memref<!tpu.dma_semaphore, #tpu.memory_space<semaphore_mem>>)
      %dma_start3A_97 = arith.constant 1024 : i32
      %dma_start3A_98 = arith.constant 0 : i32
      %dma_start3A_99 = tpu.memref_slice %arg8[%dma_start3A_97, %dma_start3A_98] : memref<2048x8xf32, #tpu.memory_space<vmem>> -> memref<128x8xf32, #tpu.memory_space<vmem>>
      %dma_start3A_100 = arith.constant 1024 : i32
      %dma_start3A_101 = tpu.memref_slice %arg6[%dma_start3A_100] : memref<2048xi32, #tpu.memory_space<vmem>> -> memref<128xi32, #tpu.memory_space<vmem>>
      %dma_start3A_102 = arith.constant 0 : i32
      %dma_start3A_103 = arith.constant 0 : i32
      %dma_start3A_104 = tpu.memref_slice %arg2[%dma_start3A_102, %dma_start3A_103] : memref<100000x8xf32, #tpu.memory_space<hbm>> -> memref<100000x8xf32, #tpu.memory_space<hbm>>
      tpu.enqueue_indirect_dma source(%dma_start3A_104 : memref<100000x8xf32, #tpu.memory_space<hbm>>) target(%dma_start3A_99 : memref<128x8xf32, #tpu.memory_space<vmem>>) offsets(%dma_start3A_101 : memref<128xi32, #tpu.memory_space<vmem>>) semaphore(%arg10 : memref<!tpu.dma_semaphore, #tpu.memory_space<semaphore_mem>>)
      %dma_start3A_105 = arith.constant 1152 : i32
      %dma_start3A_106 = arith.constant 0 : i32
      %dma_start3A_107 = tpu.memref_slice %arg8[%dma_start3A_105, %dma_start3A_106] : memref<2048x8xf32, #tpu.memory_space<vmem>> -> memref<128x8xf32, #tpu.memory_space<vmem>>
      %dma_start3A_108 = arith.constant 1152 : i32
      %dma_start3A_109 = tpu.memref_slice %arg6[%dma_start3A_108] : memref<2048xi32, #tpu.memory_space<vmem>> -> memref<128xi32, #tpu.memory_space<vmem>>
      %dma_start3A_110 = arith.constant 0 : i32
      %dma_start3A_111 = arith.constant 0 : i32
      %dma_start3A_112 = tpu.memref_slice %arg2[%dma_start3A_110, %dma_start3A_111] : memref<100000x8xf32, #tpu.memory_space<hbm>> -> memref<100000x8xf32, #tpu.memory_space<hbm>>
      tpu.enqueue_indirect_dma source(%dma_start3A_112 : memref<100000x8xf32, #tpu.memory_space<hbm>>) target(%dma_start3A_107 : memref<128x8xf32, #tpu.memory_space<vmem>>) offsets(%dma_start3A_109 : memref<128xi32, #tpu.memory_space<vmem>>) semaphore(%arg10 : memref<!tpu.dma_semaphore, #tpu.memory_space<semaphore_mem>>)
      %dma_start3A_113 = arith.constant 1280 : i32
      %dma_start3A_114 = arith.constant 0 : i32
      %dma_start3A_115 = tpu.memref_slice %arg8[%dma_start3A_113, %dma_start3A_114] : memref<2048x8xf32, #tpu.memory_space<vmem>> -> memref<128x8xf32, #tpu.memory_space<vmem>>
      %dma_start3A_116 = arith.constant 1280 : i32
      %dma_start3A_117 = tpu.memref_slice %arg6[%dma_start3A_116] : memref<2048xi32, #tpu.memory_space<vmem>> -> memref<128xi32, #tpu.memory_space<vmem>>
      %dma_start3A_118 = arith.constant 0 : i32
      %dma_start3A_119 = arith.constant 0 : i32
      %dma_start3A_120 = tpu.memref_slice %arg2[%dma_start3A_118, %dma_start3A_119] : memref<100000x8xf32, #tpu.memory_space<hbm>> -> memref<100000x8xf32, #tpu.memory_space<hbm>>
      tpu.enqueue_indirect_dma source(%dma_start3A_120 : memref<100000x8xf32, #tpu.memory_space<hbm>>) target(%dma_start3A_115 : memref<128x8xf32, #tpu.memory_space<vmem>>) offsets(%dma_start3A_117 : memref<128xi32, #tpu.memory_space<vmem>>) semaphore(%arg10 : memref<!tpu.dma_semaphore, #tpu.memory_space<semaphore_mem>>)
      %dma_start3A_121 = arith.constant 1408 : i32
      %dma_start3A_122 = arith.constant 0 : i32
      %dma_start3A_123 = tpu.memref_slice %arg8[%dma_start3A_121, %dma_start3A_122] : memref<2048x8xf32, #tpu.memory_space<vmem>> -> memref<128x8xf32, #tpu.memory_space<vmem>>
      %dma_start3A_124 = arith.constant 1408 : i32
      %dma_start3A_125 = tpu.memref_slice %arg6[%dma_start3A_124] : memref<2048xi32, #tpu.memory_space<vmem>> -> memref<128xi32, #tpu.memory_space<vmem>>
      %dma_start3A_126 = arith.constant 0 : i32
      %dma_start3A_127 = arith.constant 0 : i32
      %dma_start3A_128 = tpu.memref_slice %arg2[%dma_start3A_126, %dma_start3A_127] : memref<100000x8xf32, #tpu.memory_space<hbm>> -> memref<100000x8xf32, #tpu.memory_space<hbm>>
      tpu.enqueue_indirect_dma source(%dma_start3A_128 : memref<100000x8xf32, #tpu.memory_space<hbm>>) target(%dma_start3A_123 : memref<128x8xf32, #tpu.memory_space<vmem>>) offsets(%dma_start3A_125 : memref<128xi32, #tpu.memory_space<vmem>>) semaphore(%arg10 : memref<!tpu.dma_semaphore, #tpu.memory_space<semaphore_mem>>)
      %dma_start3A_129 = arith.constant 1536 : i32
      %dma_start3A_130 = arith.constant 0 : i32
      %dma_start3A_131 = tpu.memref_slice %arg8[%dma_start3A_129, %dma_start3A_130] : memref<2048x8xf32, #tpu.memory_space<vmem>> -> memref<128x8xf32, #tpu.memory_space<vmem>>
      %dma_start3A_132 = arith.constant 1536 : i32
      %dma_start3A_133 = tpu.memref_slice %arg6[%dma_start3A_132] : memref<2048xi32, #tpu.memory_space<vmem>> -> memref<128xi32, #tpu.memory_space<vmem>>
      %dma_start3A_134 = arith.constant 0 : i32
      %dma_start3A_135 = arith.constant 0 : i32
      %dma_start3A_136 = tpu.memref_slice %arg2[%dma_start3A_134, %dma_start3A_135] : memref<100000x8xf32, #tpu.memory_space<hbm>> -> memref<100000x8xf32, #tpu.memory_space<hbm>>
      tpu.enqueue_indirect_dma source(%dma_start3A_136 : memref<100000x8xf32, #tpu.memory_space<hbm>>) target(%dma_start3A_131 : memref<128x8xf32, #tpu.memory_space<vmem>>) offsets(%dma_start3A_133 : memref<128xi32, #tpu.memory_space<vmem>>) semaphore(%arg10 : memref<!tpu.dma_semaphore, #tpu.memory_space<semaphore_mem>>)
      %dma_start3A_137 = arith.constant 1664 : i32
      %dma_start3A_138 = arith.constant 0 : i32
      %dma_start3A_139 = tpu.memref_slice %arg8[%dma_start3A_137, %dma_start3A_138] : memref<2048x8xf32, #tpu.memory_space<vmem>> -> memref<128x8xf32, #tpu.memory_space<vmem>>
      %dma_start3A_140 = arith.constant 1664 : i32
      %dma_start3A_141 = tpu.memref_slice %arg6[%dma_start3A_140] : memref<2048xi32, #tpu.memory_space<vmem>> -> memref<128xi32, #tpu.memory_space<vmem>>
      %dma_start3A_142 = arith.constant 0 : i32
      %dma_start3A_143 = arith.constant 0 : i32
      %dma_start3A_144 = tpu.memref_slice %arg2[%dma_start3A_142, %dma_start3A_143] : memref<100000x8xf32, #tpu.memory_space<hbm>> -> memref<100000x8xf32, #tpu.memory_space<hbm>>
      tpu.enqueue_indirect_dma source(%dma_start3A_144 : memref<100000x8xf32, #tpu.memory_space<hbm>>) target(%dma_start3A_139 : memref<128x8xf32, #tpu.memory_space<vmem>>) offsets(%dma_start3A_141 : memref<128xi32, #tpu.memory_space<vmem>>) semaphore(%arg10 : memref<!tpu.dma_semaphore, #tpu.memory_space<semaphore_mem>>)
      %dma_start3A_145 = arith.constant 1792 : i32
      %dma_start3A_146 = arith.constant 0 : i32
      %dma_start3A_147 = tpu.memref_slice %arg8[%dma_start3A_145, %dma_start3A_146] : memref<2048x8xf32, #tpu.memory_space<vmem>> -> memref<128x8xf32, #tpu.memory_space<vmem>>
      %dma_start3A_148 = arith.constant 1792 : i32
      %dma_start3A_149 = tpu.memref_slice %arg6[%dma_start3A_148] : memref<2048xi32, #tpu.memory_space<vmem>> -> memref<128xi32, #tpu.memory_space<vmem>>
      %dma_start3A_150 = arith.constant 0 : i32
      %dma_start3A_151 = arith.constant 0 : i32
      %dma_start3A_152 = tpu.memref_slice %arg2[%dma_start3A_150, %dma_start3A_151] : memref<100000x8xf32, #tpu.memory_space<hbm>> -> memref<100000x8xf32, #tpu.memory_space<hbm>>
      tpu.enqueue_indirect_dma source(%dma_start3A_152 : memref<100000x8xf32, #tpu.memory_space<hbm>>) target(%dma_start3A_147 : memref<128x8xf32, #tpu.memory_space<vmem>>) offsets(%dma_start3A_149 : memref<128xi32, #tpu.memory_space<vmem>>) semaphore(%arg10 : memref<!tpu.dma_semaphore, #tpu.memory_space<semaphore_mem>>)
      %dma_start3A_153 = arith.constant 1920 : i32
      %dma_start3A_154 = arith.constant 0 : i32
      %dma_start3A_155 = tpu.memref_slice %arg8[%dma_start3A_153, %dma_start3A_154] : memref<2048x8xf32, #tpu.memory_space<vmem>> -> memref<128x8xf32, #tpu.memory_space<vmem>>
      %dma_start3A_156 = arith.constant 1920 : i32
      %dma_start3A_157 = tpu.memref_slice %arg6[%dma_start3A_156] : memref<2048xi32, #tpu.memory_space<vmem>> -> memref<128xi32, #tpu.memory_space<vmem>>
      %dma_start3A_158 = arith.constant 0 : i32
      %dma_start3A_159 = arith.constant 0 : i32
      %dma_start3A_160 = tpu.memref_slice %arg2[%dma_start3A_158, %dma_start3A_159] : memref<100000x8xf32, #tpu.memory_space<hbm>> -> memref<100000x8xf32, #tpu.memory_space<hbm>>
      tpu.enqueue_indirect_dma source(%dma_start3A_160 : memref<100000x8xf32, #tpu.memory_space<hbm>>) target(%dma_start3A_155 : memref<128x8xf32, #tpu.memory_space<vmem>>) offsets(%dma_start3A_157 : memref<128xi32, #tpu.memory_space<vmem>>) semaphore(%arg10 : memref<!tpu.dma_semaphore, #tpu.memory_space<semaphore_mem>>)
      %dma_wait3A = arith.constant 0 : i32
      %dma_wait3A_161 = arith.constant 0 : i32
      %dma_wait3A_162 = tpu.memref_slice %arg8[%dma_wait3A, %dma_wait3A_161] : memref<2048x8xf32, #tpu.memory_space<vmem>> -> memref<128x8xf32, #tpu.memory_space<vmem>>
      %dma_wait3A_163 = arith.constant 0 : i32
      %dma_wait3A_164 = tpu.memref_slice %arg6[%dma_wait3A_163] : memref<2048xi32, #tpu.memory_space<vmem>> -> memref<128xi32, #tpu.memory_space<vmem>>
      %dma_wait3A_165 = arith.constant 0 : i32
      %dma_wait3A_166 = arith.constant 0 : i32
      %dma_wait3A_167 = tpu.memref_slice %arg2[%dma_wait3A_165, %dma_wait3A_166] : memref<100000x8xf32, #tpu.memory_space<hbm>> -> memref<100000x8xf32, #tpu.memory_space<hbm>>
      tpu.wait_indirect_dma semaphore(%arg10 : memref<!tpu.dma_semaphore, #tpu.memory_space<semaphore_mem>>) src(%dma_wait3A_167 : memref<100000x8xf32, #tpu.memory_space<hbm>>) dst(%dma_wait3A_162 : memref<128x8xf32, #tpu.memory_space<vmem>>)
      %dma_start3A_168 = arith.constant 0 : i32
      %dma_start3A_169 = arith.constant 0 : i32
      %dma_start3A_170 = tpu.memref_slice %arg8[%dma_start3A_168, %dma_start3A_169] : memref<2048x8xf32, #tpu.memory_space<vmem>> -> memref<128x8xf32, #tpu.memory_space<vmem>>
      %dma_start3A_171 = arith.constant 0 : i32
      %dma_start3A_172 = tpu.memref_slice %arg7[%dma_start3A_171] : memref<2048xi32, #tpu.memory_space<vmem>> -> memref<128xi32, #tpu.memory_space<vmem>>
      %dma_start3A_173 = arith.constant 0 : i32
      %dma_start3A_174 = arith.constant 0 : i32
      %dma_start3A_175 = tpu.memref_slice %arg9[%dma_start3A_173, %dma_start3A_174] : memref<100000x8xf32, #tpu.memory_space<vmem_shared>> -> memref<100000x8xf32, #tpu.memory_space<vmem_shared>>
      tpu.enqueue_indirect_dma source(%dma_start3A_170 : memref<128x8xf32, #tpu.memory_space<vmem>>) target(%dma_start3A_175 : memref<100000x8xf32, #tpu.memory_space<vmem_shared>>) offsets(%dma_start3A_172 : memref<128xi32, #tpu.memory_space<vmem>>) semaphore(%arg11 : memref<!tpu.dma_semaphore, #tpu.memory_space<semaphore_mem>>) {add = true}
      %dma_wait3A_176 = arith.constant 128 : i32
      %dma_wait3A_177 = arith.constant 0 : i32
      %dma_wait3A_178 = tpu.memref_slice %arg8[%dma_wait3A_176, %dma_wait3A_177] : memref<2048x8xf32, #tpu.memory_space<vmem>> -> memref<128x8xf32, #tpu.memory_space<vmem>>
      %dma_wait3A_179 = arith.constant 128 : i32
      %dma_wait3A_180 = tpu.memref_slice %arg6[%dma_wait3A_179] : memref<2048xi32, #tpu.memory_space<vmem>> -> memref<128xi32, #tpu.memory_space<vmem>>
      %dma_wait3A_181 = arith.constant 0 : i32
      %dma_wait3A_182 = arith.constant 0 : i32
      %dma_wait3A_183 = tpu.memref_slice %arg2[%dma_wait3A_181, %dma_wait3A_182] : memref<100000x8xf32, #tpu.memory_space<hbm>> -> memref<100000x8xf32, #tpu.memory_space<hbm>>
      tpu.wait_indirect_dma semaphore(%arg10 : memref<!tpu.dma_semaphore, #tpu.memory_space<semaphore_mem>>) src(%dma_wait3A_183 : memref<100000x8xf32, #tpu.memory_space<hbm>>) dst(%dma_wait3A_178 : memref<128x8xf32, #tpu.memory_space<vmem>>)
      %dma_start3A_184 = arith.constant 128 : i32
      %dma_start3A_185 = arith.constant 0 : i32
      %dma_start3A_186 = tpu.memref_slice %arg8[%dma_start3A_184, %dma_start3A_185] : memref<2048x8xf32, #tpu.memory_space<vmem>> -> memref<128x8xf32, #tpu.memory_space<vmem>>
      %dma_start3A_187 = arith.constant 128 : i32
      %dma_start3A_188 = tpu.memref_slice %arg7[%dma_start3A_187] : memref<2048xi32, #tpu.memory_space<vmem>> -> memref<128xi32, #tpu.memory_space<vmem>>
      %dma_start3A_189 = arith.constant 0 : i32
      %dma_start3A_190 = arith.constant 0 : i32
      %dma_start3A_191 = tpu.memref_slice %arg9[%dma_start3A_189, %dma_start3A_190] : memref<100000x8xf32, #tpu.memory_space<vmem_shared>> -> memref<100000x8xf32, #tpu.memory_space<vmem_shared>>
      tpu.enqueue_indirect_dma source(%dma_start3A_186 : memref<128x8xf32, #tpu.memory_space<vmem>>) target(%dma_start3A_191 : memref<100000x8xf32, #tpu.memory_space<vmem_shared>>) offsets(%dma_start3A_188 : memref<128xi32, #tpu.memory_space<vmem>>) semaphore(%arg11 : memref<!tpu.dma_semaphore, #tpu.memory_space<semaphore_mem>>) {add = true}
      %dma_wait3A_192 = arith.constant 256 : i32
      %dma_wait3A_193 = arith.constant 0 : i32
      %dma_wait3A_194 = tpu.memref_slice %arg8[%dma_wait3A_192, %dma_wait3A_193] : memref<2048x8xf32, #tpu.memory_space<vmem>> -> memref<128x8xf32, #tpu.memory_space<vmem>>
      %dma_wait3A_195 = arith.constant 256 : i32
      %dma_wait3A_196 = tpu.memref_slice %arg6[%dma_wait3A_195] : memref<2048xi32, #tpu.memory_space<vmem>> -> memref<128xi32, #tpu.memory_space<vmem>>
      %dma_wait3A_197 = arith.constant 0 : i32
      %dma_wait3A_198 = arith.constant 0 : i32
      %dma_wait3A_199 = tpu.memref_slice %arg2[%dma_wait3A_197, %dma_wait3A_198] : memref<100000x8xf32, #tpu.memory_space<hbm>> -> memref<100000x8xf32, #tpu.memory_space<hbm>>
      tpu.wait_indirect_dma semaphore(%arg10 : memref<!tpu.dma_semaphore, #tpu.memory_space<semaphore_mem>>) src(%dma_wait3A_199 : memref<100000x8xf32, #tpu.memory_space<hbm>>) dst(%dma_wait3A_194 : memref<128x8xf32, #tpu.memory_space<vmem>>)
      %dma_start3A_200 = arith.constant 256 : i32
      %dma_start3A_201 = arith.constant 0 : i32
      %dma_start3A_202 = tpu.memref_slice %arg8[%dma_start3A_200, %dma_start3A_201] : memref<2048x8xf32, #tpu.memory_space<vmem>> -> memref<128x8xf32, #tpu.memory_space<vmem>>
      %dma_start3A_203 = arith.constant 256 : i32
      %dma_start3A_204 = tpu.memref_slice %arg7[%dma_start3A_203] : memref<2048xi32, #tpu.memory_space<vmem>> -> memref<128xi32, #tpu.memory_space<vmem>>
      %dma_start3A_205 = arith.constant 0 : i32
      %dma_start3A_206 = arith.constant 0 : i32
      %dma_start3A_207 = tpu.memref_slice %arg9[%dma_start3A_205, %dma_start3A_206] : memref<100000x8xf32, #tpu.memory_space<vmem_shared>> -> memref<100000x8xf32, #tpu.memory_space<vmem_shared>>
      tpu.enqueue_indirect_dma source(%dma_start3A_202 : memref<128x8xf32, #tpu.memory_space<vmem>>) target(%dma_start3A_207 : memref<100000x8xf32, #tpu.memory_space<vmem_shared>>) offsets(%dma_start3A_204 : memref<128xi32, #tpu.memory_space<vmem>>) semaphore(%arg11 : memref<!tpu.dma_semaphore, #tpu.memory_space<semaphore_mem>>) {add = true}
      %dma_wait3A_208 = arith.constant 384 : i32
      %dma_wait3A_209 = arith.constant 0 : i32
      %dma_wait3A_210 = tpu.memref_slice %arg8[%dma_wait3A_208, %dma_wait3A_209] : memref<2048x8xf32, #tpu.memory_space<vmem>> -> memref<128x8xf32, #tpu.memory_space<vmem>>
      %dma_wait3A_211 = arith.constant 384 : i32
      %dma_wait3A_212 = tpu.memref_slice %arg6[%dma_wait3A_211] : memref<2048xi32, #tpu.memory_space<vmem>> -> memref<128xi32, #tpu.memory_space<vmem>>
      %dma_wait3A_213 = arith.constant 0 : i32
      %dma_wait3A_214 = arith.constant 0 : i32
      %dma_wait3A_215 = tpu.memref_slice %arg2[%dma_wait3A_213, %dma_wait3A_214] : memref<100000x8xf32, #tpu.memory_space<hbm>> -> memref<100000x8xf32, #tpu.memory_space<hbm>>
      tpu.wait_indirect_dma semaphore(%arg10 : memref<!tpu.dma_semaphore, #tpu.memory_space<semaphore_mem>>) src(%dma_wait3A_215 : memref<100000x8xf32, #tpu.memory_space<hbm>>) dst(%dma_wait3A_210 : memref<128x8xf32, #tpu.memory_space<vmem>>)
      %dma_start3A_216 = arith.constant 384 : i32
      %dma_start3A_217 = arith.constant 0 : i32
      %dma_start3A_218 = tpu.memref_slice %arg8[%dma_start3A_216, %dma_start3A_217] : memref<2048x8xf32, #tpu.memory_space<vmem>> -> memref<128x8xf32, #tpu.memory_space<vmem>>
      %dma_start3A_219 = arith.constant 384 : i32
      %dma_start3A_220 = tpu.memref_slice %arg7[%dma_start3A_219] : memref<2048xi32, #tpu.memory_space<vmem>> -> memref<128xi32, #tpu.memory_space<vmem>>
      %dma_start3A_221 = arith.constant 0 : i32
      %dma_start3A_222 = arith.constant 0 : i32
      %dma_start3A_223 = tpu.memref_slice %arg9[%dma_start3A_221, %dma_start3A_222] : memref<100000x8xf32, #tpu.memory_space<vmem_shared>> -> memref<100000x8xf32, #tpu.memory_space<vmem_shared>>
      tpu.enqueue_indirect_dma source(%dma_start3A_218 : memref<128x8xf32, #tpu.memory_space<vmem>>) target(%dma_start3A_223 : memref<100000x8xf32, #tpu.memory_space<vmem_shared>>) offsets(%dma_start3A_220 : memref<128xi32, #tpu.memory_space<vmem>>) semaphore(%arg11 : memref<!tpu.dma_semaphore, #tpu.memory_space<semaphore_mem>>) {add = true}
      %dma_wait3A_224 = arith.constant 512 : i32
      %dma_wait3A_225 = arith.constant 0 : i32
      %dma_wait3A_226 = tpu.memref_slice %arg8[%dma_wait3A_224, %dma_wait3A_225] : memref<2048x8xf32, #tpu.memory_space<vmem>> -> memref<128x8xf32, #tpu.memory_space<vmem>>
      %dma_wait3A_227 = arith.constant 512 : i32
      %dma_wait3A_228 = tpu.memref_slice %arg6[%dma_wait3A_227] : memref<2048xi32, #tpu.memory_space<vmem>> -> memref<128xi32, #tpu.memory_space<vmem>>
      %dma_wait3A_229 = arith.constant 0 : i32
      %dma_wait3A_230 = arith.constant 0 : i32
      %dma_wait3A_231 = tpu.memref_slice %arg2[%dma_wait3A_229, %dma_wait3A_230] : memref<100000x8xf32, #tpu.memory_space<hbm>> -> memref<100000x8xf32, #tpu.memory_space<hbm>>
      tpu.wait_indirect_dma semaphore(%arg10 : memref<!tpu.dma_semaphore, #tpu.memory_space<semaphore_mem>>) src(%dma_wait3A_231 : memref<100000x8xf32, #tpu.memory_space<hbm>>) dst(%dma_wait3A_226 : memref<128x8xf32, #tpu.memory_space<vmem>>)
      %dma_start3A_232 = arith.constant 512 : i32
      %dma_start3A_233 = arith.constant 0 : i32
      %dma_start3A_234 = tpu.memref_slice %arg8[%dma_start3A_232, %dma_start3A_233] : memref<2048x8xf32, #tpu.memory_space<vmem>> -> memref<128x8xf32, #tpu.memory_space<vmem>>
      %dma_start3A_235 = arith.constant 512 : i32
      %dma_start3A_236 = tpu.memref_slice %arg7[%dma_start3A_235] : memref<2048xi32, #tpu.memory_space<vmem>> -> memref<128xi32, #tpu.memory_space<vmem>>
      %dma_start3A_237 = arith.constant 0 : i32
      %dma_start3A_238 = arith.constant 0 : i32
      %dma_start3A_239 = tpu.memref_slice %arg9[%dma_start3A_237, %dma_start3A_238] : memref<100000x8xf32, #tpu.memory_space<vmem_shared>> -> memref<100000x8xf32, #tpu.memory_space<vmem_shared>>
      tpu.enqueue_indirect_dma source(%dma_start3A_234 : memref<128x8xf32, #tpu.memory_space<vmem>>) target(%dma_start3A_239 : memref<100000x8xf32, #tpu.memory_space<vmem_shared>>) offsets(%dma_start3A_236 : memref<128xi32, #tpu.memory_space<vmem>>) semaphore(%arg11 : memref<!tpu.dma_semaphore, #tpu.memory_space<semaphore_mem>>) {add = true}
      %dma_wait3A_240 = arith.constant 640 : i32
      %dma_wait3A_241 = arith.constant 0 : i32
      %dma_wait3A_242 = tpu.memref_slice %arg8[%dma_wait3A_240, %dma_wait3A_241] : memref<2048x8xf32, #tpu.memory_space<vmem>> -> memref<128x8xf32, #tpu.memory_space<vmem>>
      %dma_wait3A_243 = arith.constant 640 : i32
      %dma_wait3A_244 = tpu.memref_slice %arg6[%dma_wait3A_243] : memref<2048xi32, #tpu.memory_space<vmem>> -> memref<128xi32, #tpu.memory_space<vmem>>
      %dma_wait3A_245 = arith.constant 0 : i32
      %dma_wait3A_246 = arith.constant 0 : i32
      %dma_wait3A_247 = tpu.memref_slice %arg2[%dma_wait3A_245, %dma_wait3A_246] : memref<100000x8xf32, #tpu.memory_space<hbm>> -> memref<100000x8xf32, #tpu.memory_space<hbm>>
      tpu.wait_indirect_dma semaphore(%arg10 : memref<!tpu.dma_semaphore, #tpu.memory_space<semaphore_mem>>) src(%dma_wait3A_247 : memref<100000x8xf32, #tpu.memory_space<hbm>>) dst(%dma_wait3A_242 : memref<128x8xf32, #tpu.memory_space<vmem>>)
      %dma_start3A_248 = arith.constant 640 : i32
      %dma_start3A_249 = arith.constant 0 : i32
      %dma_start3A_250 = tpu.memref_slice %arg8[%dma_start3A_248, %dma_start3A_249] : memref<2048x8xf32, #tpu.memory_space<vmem>> -> memref<128x8xf32, #tpu.memory_space<vmem>>
      %dma_start3A_251 = arith.constant 640 : i32
      %dma_start3A_252 = tpu.memref_slice %arg7[%dma_start3A_251] : memref<2048xi32, #tpu.memory_space<vmem>> -> memref<128xi32, #tpu.memory_space<vmem>>
      %dma_start3A_253 = arith.constant 0 : i32
      %dma_start3A_254 = arith.constant 0 : i32
      %dma_start3A_255 = tpu.memref_slice %arg9[%dma_start3A_253, %dma_start3A_254] : memref<100000x8xf32, #tpu.memory_space<vmem_shared>> -> memref<100000x8xf32, #tpu.memory_space<vmem_shared>>
      tpu.enqueue_indirect_dma source(%dma_start3A_250 : memref<128x8xf32, #tpu.memory_space<vmem>>) target(%dma_start3A_255 : memref<100000x8xf32, #tpu.memory_space<vmem_shared>>) offsets(%dma_start3A_252 : memref<128xi32, #tpu.memory_space<vmem>>) semaphore(%arg11 : memref<!tpu.dma_semaphore, #tpu.memory_space<semaphore_mem>>) {add = true}
      %dma_wait3A_256 = arith.constant 768 : i32
      %dma_wait3A_257 = arith.constant 0 : i32
      %dma_wait3A_258 = tpu.memref_slice %arg8[%dma_wait3A_256, %dma_wait3A_257] : memref<2048x8xf32, #tpu.memory_space<vmem>> -> memref<128x8xf32, #tpu.memory_space<vmem>>
      %dma_wait3A_259 = arith.constant 768 : i32
      %dma_wait3A_260 = tpu.memref_slice %arg6[%dma_wait3A_259] : memref<2048xi32, #tpu.memory_space<vmem>> -> memref<128xi32, #tpu.memory_space<vmem>>
      %dma_wait3A_261 = arith.constant 0 : i32
      %dma_wait3A_262 = arith.constant 0 : i32
      %dma_wait3A_263 = tpu.memref_slice %arg2[%dma_wait3A_261, %dma_wait3A_262] : memref<100000x8xf32, #tpu.memory_space<hbm>> -> memref<100000x8xf32, #tpu.memory_space<hbm>>
      tpu.wait_indirect_dma semaphore(%arg10 : memref<!tpu.dma_semaphore, #tpu.memory_space<semaphore_mem>>) src(%dma_wait3A_263 : memref<100000x8xf32, #tpu.memory_space<hbm>>) dst(%dma_wait3A_258 : memref<128x8xf32, #tpu.memory_space<vmem>>)
      %dma_start3A_264 = arith.constant 768 : i32
      %dma_start3A_265 = arith.constant 0 : i32
      %dma_start3A_266 = tpu.memref_slice %arg8[%dma_start3A_264, %dma_start3A_265] : memref<2048x8xf32, #tpu.memory_space<vmem>> -> memref<128x8xf32, #tpu.memory_space<vmem>>
      %dma_start3A_267 = arith.constant 768 : i32
      %dma_start3A_268 = tpu.memref_slice %arg7[%dma_start3A_267] : memref<2048xi32, #tpu.memory_space<vmem>> -> memref<128xi32, #tpu.memory_space<vmem>>
      %dma_start3A_269 = arith.constant 0 : i32
      %dma_start3A_270 = arith.constant 0 : i32
      %dma_start3A_271 = tpu.memref_slice %arg9[%dma_start3A_269, %dma_start3A_270] : memref<100000x8xf32, #tpu.memory_space<vmem_shared>> -> memref<100000x8xf32, #tpu.memory_space<vmem_shared>>
      tpu.enqueue_indirect_dma source(%dma_start3A_266 : memref<128x8xf32, #tpu.memory_space<vmem>>) target(%dma_start3A_271 : memref<100000x8xf32, #tpu.memory_space<vmem_shared>>) offsets(%dma_start3A_268 : memref<128xi32, #tpu.memory_space<vmem>>) semaphore(%arg11 : memref<!tpu.dma_semaphore, #tpu.memory_space<semaphore_mem>>) {add = true}
      %dma_wait3A_272 = arith.constant 896 : i32
      %dma_wait3A_273 = arith.constant 0 : i32
      %dma_wait3A_274 = tpu.memref_slice %arg8[%dma_wait3A_272, %dma_wait3A_273] : memref<2048x8xf32, #tpu.memory_space<vmem>> -> memref<128x8xf32, #tpu.memory_space<vmem>>
      %dma_wait3A_275 = arith.constant 896 : i32
      %dma_wait3A_276 = tpu.memref_slice %arg6[%dma_wait3A_275] : memref<2048xi32, #tpu.memory_space<vmem>> -> memref<128xi32, #tpu.memory_space<vmem>>
      %dma_wait3A_277 = arith.constant 0 : i32
      %dma_wait3A_278 = arith.constant 0 : i32
      %dma_wait3A_279 = tpu.memref_slice %arg2[%dma_wait3A_277, %dma_wait3A_278] : memref<100000x8xf32, #tpu.memory_space<hbm>> -> memref<100000x8xf32, #tpu.memory_space<hbm>>
      tpu.wait_indirect_dma semaphore(%arg10 : memref<!tpu.dma_semaphore, #tpu.memory_space<semaphore_mem>>) src(%dma_wait3A_279 : memref<100000x8xf32, #tpu.memory_space<hbm>>) dst(%dma_wait3A_274 : memref<128x8xf32, #tpu.memory_space<vmem>>)
      %dma_start3A_280 = arith.constant 896 : i32
      %dma_start3A_281 = arith.constant 0 : i32
      %dma_start3A_282 = tpu.memref_slice %arg8[%dma_start3A_280, %dma_start3A_281] : memref<2048x8xf32, #tpu.memory_space<vmem>> -> memref<128x8xf32, #tpu.memory_space<vmem>>
      %dma_start3A_283 = arith.constant 896 : i32
      %dma_start3A_284 = tpu.memref_slice %arg7[%dma_start3A_283] : memref<2048xi32, #tpu.memory_space<vmem>> -> memref<128xi32, #tpu.memory_space<vmem>>
      %dma_start3A_285 = arith.constant 0 : i32
      %dma_start3A_286 = arith.constant 0 : i32
      %dma_start3A_287 = tpu.memref_slice %arg9[%dma_start3A_285, %dma_start3A_286] : memref<100000x8xf32, #tpu.memory_space<vmem_shared>> -> memref<100000x8xf32, #tpu.memory_space<vmem_shared>>
      tpu.enqueue_indirect_dma source(%dma_start3A_282 : memref<128x8xf32, #tpu.memory_space<vmem>>) target(%dma_start3A_287 : memref<100000x8xf32, #tpu.memory_space<vmem_shared>>) offsets(%dma_start3A_284 : memref<128xi32, #tpu.memory_space<vmem>>) semaphore(%arg11 : memref<!tpu.dma_semaphore, #tpu.memory_space<semaphore_mem>>) {add = true}
      %dma_wait3A_288 = arith.constant 1024 : i32
      %dma_wait3A_289 = arith.constant 0 : i32
      %dma_wait3A_290 = tpu.memref_slice %arg8[%dma_wait3A_288, %dma_wait3A_289] : memref<2048x8xf32, #tpu.memory_space<vmem>> -> memref<128x8xf32, #tpu.memory_space<vmem>>
      %dma_wait3A_291 = arith.constant 1024 : i32
      %dma_wait3A_292 = tpu.memref_slice %arg6[%dma_wait3A_291] : memref<2048xi32, #tpu.memory_space<vmem>> -> memref<128xi32, #tpu.memory_space<vmem>>
      %dma_wait3A_293 = arith.constant 0 : i32
      %dma_wait3A_294 = arith.constant 0 : i32
      %dma_wait3A_295 = tpu.memref_slice %arg2[%dma_wait3A_293, %dma_wait3A_294] : memref<100000x8xf32, #tpu.memory_space<hbm>> -> memref<100000x8xf32, #tpu.memory_space<hbm>>
      tpu.wait_indirect_dma semaphore(%arg10 : memref<!tpu.dma_semaphore, #tpu.memory_space<semaphore_mem>>) src(%dma_wait3A_295 : memref<100000x8xf32, #tpu.memory_space<hbm>>) dst(%dma_wait3A_290 : memref<128x8xf32, #tpu.memory_space<vmem>>)
      %dma_start3A_296 = arith.constant 1024 : i32
      %dma_start3A_297 = arith.constant 0 : i32
      %dma_start3A_298 = tpu.memref_slice %arg8[%dma_start3A_296, %dma_start3A_297] : memref<2048x8xf32, #tpu.memory_space<vmem>> -> memref<128x8xf32, #tpu.memory_space<vmem>>
      %dma_start3A_299 = arith.constant 1024 : i32
      %dma_start3A_300 = tpu.memref_slice %arg7[%dma_start3A_299] : memref<2048xi32, #tpu.memory_space<vmem>> -> memref<128xi32, #tpu.memory_space<vmem>>
      %dma_start3A_301 = arith.constant 0 : i32
      %dma_start3A_302 = arith.constant 0 : i32
      %dma_start3A_303 = tpu.memref_slice %arg9[%dma_start3A_301, %dma_start3A_302] : memref<100000x8xf32, #tpu.memory_space<vmem_shared>> -> memref<100000x8xf32, #tpu.memory_space<vmem_shared>>
      tpu.enqueue_indirect_dma source(%dma_start3A_298 : memref<128x8xf32, #tpu.memory_space<vmem>>) target(%dma_start3A_303 : memref<100000x8xf32, #tpu.memory_space<vmem_shared>>) offsets(%dma_start3A_300 : memref<128xi32, #tpu.memory_space<vmem>>) semaphore(%arg11 : memref<!tpu.dma_semaphore, #tpu.memory_space<semaphore_mem>>) {add = true}
      %dma_wait3A_304 = arith.constant 1152 : i32
      %dma_wait3A_305 = arith.constant 0 : i32
      %dma_wait3A_306 = tpu.memref_slice %arg8[%dma_wait3A_304, %dma_wait3A_305] : memref<2048x8xf32, #tpu.memory_space<vmem>> -> memref<128x8xf32, #tpu.memory_space<vmem>>
      %dma_wait3A_307 = arith.constant 1152 : i32
      %dma_wait3A_308 = tpu.memref_slice %arg6[%dma_wait3A_307] : memref<2048xi32, #tpu.memory_space<vmem>> -> memref<128xi32, #tpu.memory_space<vmem>>
      %dma_wait3A_309 = arith.constant 0 : i32
      %dma_wait3A_310 = arith.constant 0 : i32
      %dma_wait3A_311 = tpu.memref_slice %arg2[%dma_wait3A_309, %dma_wait3A_310] : memref<100000x8xf32, #tpu.memory_space<hbm>> -> memref<100000x8xf32, #tpu.memory_space<hbm>>
      tpu.wait_indirect_dma semaphore(%arg10 : memref<!tpu.dma_semaphore, #tpu.memory_space<semaphore_mem>>) src(%dma_wait3A_311 : memref<100000x8xf32, #tpu.memory_space<hbm>>) dst(%dma_wait3A_306 : memref<128x8xf32, #tpu.memory_space<vmem>>)
      %dma_start3A_312 = arith.constant 1152 : i32
      %dma_start3A_313 = arith.constant 0 : i32
      %dma_start3A_314 = tpu.memref_slice %arg8[%dma_start3A_312, %dma_start3A_313] : memref<2048x8xf32, #tpu.memory_space<vmem>> -> memref<128x8xf32, #tpu.memory_space<vmem>>
      %dma_start3A_315 = arith.constant 1152 : i32
      %dma_start3A_316 = tpu.memref_slice %arg7[%dma_start3A_315] : memref<2048xi32, #tpu.memory_space<vmem>> -> memref<128xi32, #tpu.memory_space<vmem>>
      %dma_start3A_317 = arith.constant 0 : i32
      %dma_start3A_318 = arith.constant 0 : i32
      %dma_start3A_319 = tpu.memref_slice %arg9[%dma_start3A_317, %dma_start3A_318] : memref<100000x8xf32, #tpu.memory_space<vmem_shared>> -> memref<100000x8xf32, #tpu.memory_space<vmem_shared>>
      tpu.enqueue_indirect_dma source(%dma_start3A_314 : memref<128x8xf32, #tpu.memory_space<vmem>>) target(%dma_start3A_319 : memref<100000x8xf32, #tpu.memory_space<vmem_shared>>) offsets(%dma_start3A_316 : memref<128xi32, #tpu.memory_space<vmem>>) semaphore(%arg11 : memref<!tpu.dma_semaphore, #tpu.memory_space<semaphore_mem>>) {add = true}
      %dma_wait3A_320 = arith.constant 1280 : i32
      %dma_wait3A_321 = arith.constant 0 : i32
      %dma_wait3A_322 = tpu.memref_slice %arg8[%dma_wait3A_320, %dma_wait3A_321] : memref<2048x8xf32, #tpu.memory_space<vmem>> -> memref<128x8xf32, #tpu.memory_space<vmem>>
      %dma_wait3A_323 = arith.constant 1280 : i32
      %dma_wait3A_324 = tpu.memref_slice %arg6[%dma_wait3A_323] : memref<2048xi32, #tpu.memory_space<vmem>> -> memref<128xi32, #tpu.memory_space<vmem>>
      %dma_wait3A_325 = arith.constant 0 : i32
      %dma_wait3A_326 = arith.constant 0 : i32
      %dma_wait3A_327 = tpu.memref_slice %arg2[%dma_wait3A_325, %dma_wait3A_326] : memref<100000x8xf32, #tpu.memory_space<hbm>> -> memref<100000x8xf32, #tpu.memory_space<hbm>>
      tpu.wait_indirect_dma semaphore(%arg10 : memref<!tpu.dma_semaphore, #tpu.memory_space<semaphore_mem>>) src(%dma_wait3A_327 : memref<100000x8xf32, #tpu.memory_space<hbm>>) dst(%dma_wait3A_322 : memref<128x8xf32, #tpu.memory_space<vmem>>)
      %dma_start3A_328 = arith.constant 1280 : i32
      %dma_start3A_329 = arith.constant 0 : i32
      %dma_start3A_330 = tpu.memref_slice %arg8[%dma_start3A_328, %dma_start3A_329] : memref<2048x8xf32, #tpu.memory_space<vmem>> -> memref<128x8xf32, #tpu.memory_space<vmem>>
      %dma_start3A_331 = arith.constant 1280 : i32
      %dma_start3A_332 = tpu.memref_slice %arg7[%dma_start3A_331] : memref<2048xi32, #tpu.memory_space<vmem>> -> memref<128xi32, #tpu.memory_space<vmem>>
      %dma_start3A_333 = arith.constant 0 : i32
      %dma_start3A_334 = arith.constant 0 : i32
      %dma_start3A_335 = tpu.memref_slice %arg9[%dma_start3A_333, %dma_start3A_334] : memref<100000x8xf32, #tpu.memory_space<vmem_shared>> -> memref<100000x8xf32, #tpu.memory_space<vmem_shared>>
      tpu.enqueue_indirect_dma source(%dma_start3A_330 : memref<128x8xf32, #tpu.memory_space<vmem>>) target(%dma_start3A_335 : memref<100000x8xf32, #tpu.memory_space<vmem_shared>>) offsets(%dma_start3A_332 : memref<128xi32, #tpu.memory_space<vmem>>) semaphore(%arg11 : memref<!tpu.dma_semaphore, #tpu.memory_space<semaphore_mem>>) {add = true}
      %dma_wait3A_336 = arith.constant 1408 : i32
      %dma_wait3A_337 = arith.constant 0 : i32
      %dma_wait3A_338 = tpu.memref_slice %arg8[%dma_wait3A_336, %dma_wait3A_337] : memref<2048x8xf32, #tpu.memory_space<vmem>> -> memref<128x8xf32, #tpu.memory_space<vmem>>
      %dma_wait3A_339 = arith.constant 1408 : i32
      %dma_wait3A_340 = tpu.memref_slice %arg6[%dma_wait3A_339] : memref<2048xi32, #tpu.memory_space<vmem>> -> memref<128xi32, #tpu.memory_space<vmem>>
      %dma_wait3A_341 = arith.constant 0 : i32
      %dma_wait3A_342 = arith.constant 0 : i32
      %dma_wait3A_343 = tpu.memref_slice %arg2[%dma_wait3A_341, %dma_wait3A_342] : memref<100000x8xf32, #tpu.memory_space<hbm>> -> memref<100000x8xf32, #tpu.memory_space<hbm>>
      tpu.wait_indirect_dma semaphore(%arg10 : memref<!tpu.dma_semaphore, #tpu.memory_space<semaphore_mem>>) src(%dma_wait3A_343 : memref<100000x8xf32, #tpu.memory_space<hbm>>) dst(%dma_wait3A_338 : memref<128x8xf32, #tpu.memory_space<vmem>>)
      %dma_start3A_344 = arith.constant 1408 : i32
      %dma_start3A_345 = arith.constant 0 : i32
      %dma_start3A_346 = tpu.memref_slice %arg8[%dma_start3A_344, %dma_start3A_345] : memref<2048x8xf32, #tpu.memory_space<vmem>> -> memref<128x8xf32, #tpu.memory_space<vmem>>
      %dma_start3A_347 = arith.constant 1408 : i32
      %dma_start3A_348 = tpu.memref_slice %arg7[%dma_start3A_347] : memref<2048xi32, #tpu.memory_space<vmem>> -> memref<128xi32, #tpu.memory_space<vmem>>
      %dma_start3A_349 = arith.constant 0 : i32
      %dma_start3A_350 = arith.constant 0 : i32
      %dma_start3A_351 = tpu.memref_slice %arg9[%dma_start3A_349, %dma_start3A_350] : memref<100000x8xf32, #tpu.memory_space<vmem_shared>> -> memref<100000x8xf32, #tpu.memory_space<vmem_shared>>
      tpu.enqueue_indirect_dma source(%dma_start3A_346 : memref<128x8xf32, #tpu.memory_space<vmem>>) target(%dma_start3A_351 : memref<100000x8xf32, #tpu.memory_space<vmem_shared>>) offsets(%dma_start3A_348 : memref<128xi32, #tpu.memory_space<vmem>>) semaphore(%arg11 : memref<!tpu.dma_semaphore, #tpu.memory_space<semaphore_mem>>) {add = true}
      %dma_wait3A_352 = arith.constant 1536 : i32
      %dma_wait3A_353 = arith.constant 0 : i32
      %dma_wait3A_354 = tpu.memref_slice %arg8[%dma_wait3A_352, %dma_wait3A_353] : memref<2048x8xf32, #tpu.memory_space<vmem>> -> memref<128x8xf32, #tpu.memory_space<vmem>>
      %dma_wait3A_355 = arith.constant 1536 : i32
      %dma_wait3A_356 = tpu.memref_slice %arg6[%dma_wait3A_355] : memref<2048xi32, #tpu.memory_space<vmem>> -> memref<128xi32, #tpu.memory_space<vmem>>
      %dma_wait3A_357 = arith.constant 0 : i32
      %dma_wait3A_358 = arith.constant 0 : i32
      %dma_wait3A_359 = tpu.memref_slice %arg2[%dma_wait3A_357, %dma_wait3A_358] : memref<100000x8xf32, #tpu.memory_space<hbm>> -> memref<100000x8xf32, #tpu.memory_space<hbm>>
      tpu.wait_indirect_dma semaphore(%arg10 : memref<!tpu.dma_semaphore, #tpu.memory_space<semaphore_mem>>) src(%dma_wait3A_359 : memref<100000x8xf32, #tpu.memory_space<hbm>>) dst(%dma_wait3A_354 : memref<128x8xf32, #tpu.memory_space<vmem>>)
      %dma_start3A_360 = arith.constant 1536 : i32
      %dma_start3A_361 = arith.constant 0 : i32
      %dma_start3A_362 = tpu.memref_slice %arg8[%dma_start3A_360, %dma_start3A_361] : memref<2048x8xf32, #tpu.memory_space<vmem>> -> memref<128x8xf32, #tpu.memory_space<vmem>>
      %dma_start3A_363 = arith.constant 1536 : i32
      %dma_start3A_364 = tpu.memref_slice %arg7[%dma_start3A_363] : memref<2048xi32, #tpu.memory_space<vmem>> -> memref<128xi32, #tpu.memory_space<vmem>>
      %dma_start3A_365 = arith.constant 0 : i32
      %dma_start3A_366 = arith.constant 0 : i32
      %dma_start3A_367 = tpu.memref_slice %arg9[%dma_start3A_365, %dma_start3A_366] : memref<100000x8xf32, #tpu.memory_space<vmem_shared>> -> memref<100000x8xf32, #tpu.memory_space<vmem_shared>>
      tpu.enqueue_indirect_dma source(%dma_start3A_362 : memref<128x8xf32, #tpu.memory_space<vmem>>) target(%dma_start3A_367 : memref<100000x8xf32, #tpu.memory_space<vmem_shared>>) offsets(%dma_start3A_364 : memref<128xi32, #tpu.memory_space<vmem>>) semaphore(%arg11 : memref<!tpu.dma_semaphore, #tpu.memory_space<semaphore_mem>>) {add = true}
      %dma_wait3A_368 = arith.constant 1664 : i32
      %dma_wait3A_369 = arith.constant 0 : i32
      %dma_wait3A_370 = tpu.memref_slice %arg8[%dma_wait3A_368, %dma_wait3A_369] : memref<2048x8xf32, #tpu.memory_space<vmem>> -> memref<128x8xf32, #tpu.memory_space<vmem>>
      %dma_wait3A_371 = arith.constant 1664 : i32
      %dma_wait3A_372 = tpu.memref_slice %arg6[%dma_wait3A_371] : memref<2048xi32, #tpu.memory_space<vmem>> -> memref<128xi32, #tpu.memory_space<vmem>>
      %dma_wait3A_373 = arith.constant 0 : i32
      %dma_wait3A_374 = arith.constant 0 : i32
      %dma_wait3A_375 = tpu.memref_slice %arg2[%dma_wait3A_373, %dma_wait3A_374] : memref<100000x8xf32, #tpu.memory_space<hbm>> -> memref<100000x8xf32, #tpu.memory_space<hbm>>
      tpu.wait_indirect_dma semaphore(%arg10 : memref<!tpu.dma_semaphore, #tpu.memory_space<semaphore_mem>>) src(%dma_wait3A_375 : memref<100000x8xf32, #tpu.memory_space<hbm>>) dst(%dma_wait3A_370 : memref<128x8xf32, #tpu.memory_space<vmem>>)
      %dma_start3A_376 = arith.constant 1664 : i32
      %dma_start3A_377 = arith.constant 0 : i32
      %dma_start3A_378 = tpu.memref_slice %arg8[%dma_start3A_376, %dma_start3A_377] : memref<2048x8xf32, #tpu.memory_space<vmem>> -> memref<128x8xf32, #tpu.memory_space<vmem>>
      %dma_start3A_379 = arith.constant 1664 : i32
      %dma_start3A_380 = tpu.memref_slice %arg7[%dma_start3A_379] : memref<2048xi32, #tpu.memory_space<vmem>> -> memref<128xi32, #tpu.memory_space<vmem>>
      %dma_start3A_381 = arith.constant 0 : i32
      %dma_start3A_382 = arith.constant 0 : i32
      %dma_start3A_383 = tpu.memref_slice %arg9[%dma_start3A_381, %dma_start3A_382] : memref<100000x8xf32, #tpu.memory_space<vmem_shared>> -> memref<100000x8xf32, #tpu.memory_space<vmem_shared>>
      tpu.enqueue_indirect_dma source(%dma_start3A_378 : memref<128x8xf32, #tpu.memory_space<vmem>>) target(%dma_start3A_383 : memref<100000x8xf32, #tpu.memory_space<vmem_shared>>) offsets(%dma_start3A_380 : memref<128xi32, #tpu.memory_space<vmem>>) semaphore(%arg11 : memref<!tpu.dma_semaphore, #tpu.memory_space<semaphore_mem>>) {add = true}
      %dma_wait3A_384 = arith.constant 1792 : i32
      %dma_wait3A_385 = arith.constant 0 : i32
      %dma_wait3A_386 = tpu.memref_slice %arg8[%dma_wait3A_384, %dma_wait3A_385] : memref<2048x8xf32, #tpu.memory_space<vmem>> -> memref<128x8xf32, #tpu.memory_space<vmem>>
      %dma_wait3A_387 = arith.constant 1792 : i32
      %dma_wait3A_388 = tpu.memref_slice %arg6[%dma_wait3A_387] : memref<2048xi32, #tpu.memory_space<vmem>> -> memref<128xi32, #tpu.memory_space<vmem>>
      %dma_wait3A_389 = arith.constant 0 : i32
      %dma_wait3A_390 = arith.constant 0 : i32
      %dma_wait3A_391 = tpu.memref_slice %arg2[%dma_wait3A_389, %dma_wait3A_390] : memref<100000x8xf32, #tpu.memory_space<hbm>> -> memref<100000x8xf32, #tpu.memory_space<hbm>>
      tpu.wait_indirect_dma semaphore(%arg10 : memref<!tpu.dma_semaphore, #tpu.memory_space<semaphore_mem>>) src(%dma_wait3A_391 : memref<100000x8xf32, #tpu.memory_space<hbm>>) dst(%dma_wait3A_386 : memref<128x8xf32, #tpu.memory_space<vmem>>)
      %dma_start3A_392 = arith.constant 1792 : i32
      %dma_start3A_393 = arith.constant 0 : i32
      %dma_start3A_394 = tpu.memref_slice %arg8[%dma_start3A_392, %dma_start3A_393] : memref<2048x8xf32, #tpu.memory_space<vmem>> -> memref<128x8xf32, #tpu.memory_space<vmem>>
      %dma_start3A_395 = arith.constant 1792 : i32
      %dma_start3A_396 = tpu.memref_slice %arg7[%dma_start3A_395] : memref<2048xi32, #tpu.memory_space<vmem>> -> memref<128xi32, #tpu.memory_space<vmem>>
      %dma_start3A_397 = arith.constant 0 : i32
      %dma_start3A_398 = arith.constant 0 : i32
      %dma_start3A_399 = tpu.memref_slice %arg9[%dma_start3A_397, %dma_start3A_398] : memref<100000x8xf32, #tpu.memory_space<vmem_shared>> -> memref<100000x8xf32, #tpu.memory_space<vmem_shared>>
      tpu.enqueue_indirect_dma source(%dma_start3A_394 : memref<128x8xf32, #tpu.memory_space<vmem>>) target(%dma_start3A_399 : memref<100000x8xf32, #tpu.memory_space<vmem_shared>>) offsets(%dma_start3A_396 : memref<128xi32, #tpu.memory_space<vmem>>) semaphore(%arg11 : memref<!tpu.dma_semaphore, #tpu.memory_space<semaphore_mem>>) {add = true}
      %dma_wait3A_400 = arith.constant 1920 : i32
      %dma_wait3A_401 = arith.constant 0 : i32
      %dma_wait3A_402 = tpu.memref_slice %arg8[%dma_wait3A_400, %dma_wait3A_401] : memref<2048x8xf32, #tpu.memory_space<vmem>> -> memref<128x8xf32, #tpu.memory_space<vmem>>
      %dma_wait3A_403 = arith.constant 1920 : i32
      %dma_wait3A_404 = tpu.memref_slice %arg6[%dma_wait3A_403] : memref<2048xi32, #tpu.memory_space<vmem>> -> memref<128xi32, #tpu.memory_space<vmem>>
      %dma_wait3A_405 = arith.constant 0 : i32
      %dma_wait3A_406 = arith.constant 0 : i32
      %dma_wait3A_407 = tpu.memref_slice %arg2[%dma_wait3A_405, %dma_wait3A_406] : memref<100000x8xf32, #tpu.memory_space<hbm>> -> memref<100000x8xf32, #tpu.memory_space<hbm>>
      tpu.wait_indirect_dma semaphore(%arg10 : memref<!tpu.dma_semaphore, #tpu.memory_space<semaphore_mem>>) src(%dma_wait3A_407 : memref<100000x8xf32, #tpu.memory_space<hbm>>) dst(%dma_wait3A_402 : memref<128x8xf32, #tpu.memory_space<vmem>>)
      %dma_start3A_408 = arith.constant 1920 : i32
      %dma_start3A_409 = arith.constant 0 : i32
      %dma_start3A_410 = tpu.memref_slice %arg8[%dma_start3A_408, %dma_start3A_409] : memref<2048x8xf32, #tpu.memory_space<vmem>> -> memref<128x8xf32, #tpu.memory_space<vmem>>
      %dma_start3A_411 = arith.constant 1920 : i32
      %dma_start3A_412 = tpu.memref_slice %arg7[%dma_start3A_411] : memref<2048xi32, #tpu.memory_space<vmem>> -> memref<128xi32, #tpu.memory_space<vmem>>
      %dma_start3A_413 = arith.constant 0 : i32
      %dma_start3A_414 = arith.constant 0 : i32
      %dma_start3A_415 = tpu.memref_slice %arg9[%dma_start3A_413, %dma_start3A_414] : memref<100000x8xf32, #tpu.memory_space<vmem_shared>> -> memref<100000x8xf32, #tpu.memory_space<vmem_shared>>
      tpu.enqueue_indirect_dma source(%dma_start3A_410 : memref<128x8xf32, #tpu.memory_space<vmem>>) target(%dma_start3A_415 : memref<100000x8xf32, #tpu.memory_space<vmem_shared>>) offsets(%dma_start3A_412 : memref<128xi32, #tpu.memory_space<vmem>>) semaphore(%arg11 : memref<!tpu.dma_semaphore, #tpu.memory_space<semaphore_mem>>) {add = true}
      %dma_wait3A_416 = arith.constant 0 : i32
      %dma_wait3A_417 = arith.constant 0 : i32
      %dma_wait3A_418 = tpu.memref_slice %arg8[%dma_wait3A_416, %dma_wait3A_417] : memref<2048x8xf32, #tpu.memory_space<vmem>> -> memref<128x8xf32, #tpu.memory_space<vmem>>
      %dma_wait3A_419 = arith.constant 0 : i32
      %dma_wait3A_420 = tpu.memref_slice %arg7[%dma_wait3A_419] : memref<2048xi32, #tpu.memory_space<vmem>> -> memref<128xi32, #tpu.memory_space<vmem>>
      %dma_wait3A_421 = arith.constant 0 : i32
      %dma_wait3A_422 = arith.constant 0 : i32
      %dma_wait3A_423 = tpu.memref_slice %arg9[%dma_wait3A_421, %dma_wait3A_422] : memref<100000x8xf32, #tpu.memory_space<vmem_shared>> -> memref<100000x8xf32, #tpu.memory_space<vmem_shared>>
      tpu.wait_indirect_dma semaphore(%arg11 : memref<!tpu.dma_semaphore, #tpu.memory_space<semaphore_mem>>) src(%dma_wait3A_418 : memref<128x8xf32, #tpu.memory_space<vmem>>) dst(%dma_wait3A_423 : memref<100000x8xf32, #tpu.memory_space<vmem_shared>>)
      %dma_wait3A_424 = arith.constant 128 : i32
      %dma_wait3A_425 = arith.constant 0 : i32
      %dma_wait3A_426 = tpu.memref_slice %arg8[%dma_wait3A_424, %dma_wait3A_425] : memref<2048x8xf32, #tpu.memory_space<vmem>> -> memref<128x8xf32, #tpu.memory_space<vmem>>
      %dma_wait3A_427 = arith.constant 128 : i32
      %dma_wait3A_428 = tpu.memref_slice %arg7[%dma_wait3A_427] : memref<2048xi32, #tpu.memory_space<vmem>> -> memref<128xi32, #tpu.memory_space<vmem>>
      %dma_wait3A_429 = arith.constant 0 : i32
      %dma_wait3A_430 = arith.constant 0 : i32
      %dma_wait3A_431 = tpu.memref_slice %arg9[%dma_wait3A_429, %dma_wait3A_430] : memref<100000x8xf32, #tpu.memory_space<vmem_shared>> -> memref<100000x8xf32, #tpu.memory_space<vmem_shared>>
      tpu.wait_indirect_dma semaphore(%arg11 : memref<!tpu.dma_semaphore, #tpu.memory_space<semaphore_mem>>) src(%dma_wait3A_426 : memref<128x8xf32, #tpu.memory_space<vmem>>) dst(%dma_wait3A_431 : memref<100000x8xf32, #tpu.memory_space<vmem_shared>>)
      %dma_wait3A_432 = arith.constant 256 : i32
      %dma_wait3A_433 = arith.constant 0 : i32
      %dma_wait3A_434 = tpu.memref_slice %arg8[%dma_wait3A_432, %dma_wait3A_433] : memref<2048x8xf32, #tpu.memory_space<vmem>> -> memref<128x8xf32, #tpu.memory_space<vmem>>
      %dma_wait3A_435 = arith.constant 256 : i32
      %dma_wait3A_436 = tpu.memref_slice %arg7[%dma_wait3A_435] : memref<2048xi32, #tpu.memory_space<vmem>> -> memref<128xi32, #tpu.memory_space<vmem>>
      %dma_wait3A_437 = arith.constant 0 : i32
      %dma_wait3A_438 = arith.constant 0 : i32
      %dma_wait3A_439 = tpu.memref_slice %arg9[%dma_wait3A_437, %dma_wait3A_438] : memref<100000x8xf32, #tpu.memory_space<vmem_shared>> -> memref<100000x8xf32, #tpu.memory_space<vmem_shared>>
      tpu.wait_indirect_dma semaphore(%arg11 : memref<!tpu.dma_semaphore, #tpu.memory_space<semaphore_mem>>) src(%dma_wait3A_434 : memref<128x8xf32, #tpu.memory_space<vmem>>) dst(%dma_wait3A_439 : memref<100000x8xf32, #tpu.memory_space<vmem_shared>>)
      %dma_wait3A_440 = arith.constant 384 : i32
      %dma_wait3A_441 = arith.constant 0 : i32
      %dma_wait3A_442 = tpu.memref_slice %arg8[%dma_wait3A_440, %dma_wait3A_441] : memref<2048x8xf32, #tpu.memory_space<vmem>> -> memref<128x8xf32, #tpu.memory_space<vmem>>
      %dma_wait3A_443 = arith.constant 384 : i32
      %dma_wait3A_444 = tpu.memref_slice %arg7[%dma_wait3A_443] : memref<2048xi32, #tpu.memory_space<vmem>> -> memref<128xi32, #tpu.memory_space<vmem>>
      %dma_wait3A_445 = arith.constant 0 : i32
      %dma_wait3A_446 = arith.constant 0 : i32
      %dma_wait3A_447 = tpu.memref_slice %arg9[%dma_wait3A_445, %dma_wait3A_446] : memref<100000x8xf32, #tpu.memory_space<vmem_shared>> -> memref<100000x8xf32, #tpu.memory_space<vmem_shared>>
      tpu.wait_indirect_dma semaphore(%arg11 : memref<!tpu.dma_semaphore, #tpu.memory_space<semaphore_mem>>) src(%dma_wait3A_442 : memref<128x8xf32, #tpu.memory_space<vmem>>) dst(%dma_wait3A_447 : memref<100000x8xf32, #tpu.memory_space<vmem_shared>>)
      %dma_wait3A_448 = arith.constant 512 : i32
      %dma_wait3A_449 = arith.constant 0 : i32
      %dma_wait3A_450 = tpu.memref_slice %arg8[%dma_wait3A_448, %dma_wait3A_449] : memref<2048x8xf32, #tpu.memory_space<vmem>> -> memref<128x8xf32, #tpu.memory_space<vmem>>
      %dma_wait3A_451 = arith.constant 512 : i32
      %dma_wait3A_452 = tpu.memref_slice %arg7[%dma_wait3A_451] : memref<2048xi32, #tpu.memory_space<vmem>> -> memref<128xi32, #tpu.memory_space<vmem>>
      %dma_wait3A_453 = arith.constant 0 : i32
      %dma_wait3A_454 = arith.constant 0 : i32
      %dma_wait3A_455 = tpu.memref_slice %arg9[%dma_wait3A_453, %dma_wait3A_454] : memref<100000x8xf32, #tpu.memory_space<vmem_shared>> -> memref<100000x8xf32, #tpu.memory_space<vmem_shared>>
      tpu.wait_indirect_dma semaphore(%arg11 : memref<!tpu.dma_semaphore, #tpu.memory_space<semaphore_mem>>) src(%dma_wait3A_450 : memref<128x8xf32, #tpu.memory_space<vmem>>) dst(%dma_wait3A_455 : memref<100000x8xf32, #tpu.memory_space<vmem_shared>>)
      %dma_wait3A_456 = arith.constant 640 : i32
      %dma_wait3A_457 = arith.constant 0 : i32
      %dma_wait3A_458 = tpu.memref_slice %arg8[%dma_wait3A_456, %dma_wait3A_457] : memref<2048x8xf32, #tpu.memory_space<vmem>> -> memref<128x8xf32, #tpu.memory_space<vmem>>
      %dma_wait3A_459 = arith.constant 640 : i32
      %dma_wait3A_460 = tpu.memref_slice %arg7[%dma_wait3A_459] : memref<2048xi32, #tpu.memory_space<vmem>> -> memref<128xi32, #tpu.memory_space<vmem>>
      %dma_wait3A_461 = arith.constant 0 : i32
      %dma_wait3A_462 = arith.constant 0 : i32
      %dma_wait3A_463 = tpu.memref_slice %arg9[%dma_wait3A_461, %dma_wait3A_462] : memref<100000x8xf32, #tpu.memory_space<vmem_shared>> -> memref<100000x8xf32, #tpu.memory_space<vmem_shared>>
      tpu.wait_indirect_dma semaphore(%arg11 : memref<!tpu.dma_semaphore, #tpu.memory_space<semaphore_mem>>) src(%dma_wait3A_458 : memref<128x8xf32, #tpu.memory_space<vmem>>) dst(%dma_wait3A_463 : memref<100000x8xf32, #tpu.memory_space<vmem_shared>>)
      %dma_wait3A_464 = arith.constant 768 : i32
      %dma_wait3A_465 = arith.constant 0 : i32
      %dma_wait3A_466 = tpu.memref_slice %arg8[%dma_wait3A_464, %dma_wait3A_465] : memref<2048x8xf32, #tpu.memory_space<vmem>> -> memref<128x8xf32, #tpu.memory_space<vmem>>
      %dma_wait3A_467 = arith.constant 768 : i32
      %dma_wait3A_468 = tpu.memref_slice %arg7[%dma_wait3A_467] : memref<2048xi32, #tpu.memory_space<vmem>> -> memref<128xi32, #tpu.memory_space<vmem>>
      %dma_wait3A_469 = arith.constant 0 : i32
      %dma_wait3A_470 = arith.constant 0 : i32
      %dma_wait3A_471 = tpu.memref_slice %arg9[%dma_wait3A_469, %dma_wait3A_470] : memref<100000x8xf32, #tpu.memory_space<vmem_shared>> -> memref<100000x8xf32, #tpu.memory_space<vmem_shared>>
      tpu.wait_indirect_dma semaphore(%arg11 : memref<!tpu.dma_semaphore, #tpu.memory_space<semaphore_mem>>) src(%dma_wait3A_466 : memref<128x8xf32, #tpu.memory_space<vmem>>) dst(%dma_wait3A_471 : memref<100000x8xf32, #tpu.memory_space<vmem_shared>>)
      %dma_wait3A_472 = arith.constant 896 : i32
      %dma_wait3A_473 = arith.constant 0 : i32
      %dma_wait3A_474 = tpu.memref_slice %arg8[%dma_wait3A_472, %dma_wait3A_473] : memref<2048x8xf32, #tpu.memory_space<vmem>> -> memref<128x8xf32, #tpu.memory_space<vmem>>
      %dma_wait3A_475 = arith.constant 896 : i32
      %dma_wait3A_476 = tpu.memref_slice %arg7[%dma_wait3A_475] : memref<2048xi32, #tpu.memory_space<vmem>> -> memref<128xi32, #tpu.memory_space<vmem>>
      %dma_wait3A_477 = arith.constant 0 : i32
      %dma_wait3A_478 = arith.constant 0 : i32
      %dma_wait3A_479 = tpu.memref_slice %arg9[%dma_wait3A_477, %dma_wait3A_478] : memref<100000x8xf32, #tpu.memory_space<vmem_shared>> -> memref<100000x8xf32, #tpu.memory_space<vmem_shared>>
      tpu.wait_indirect_dma semaphore(%arg11 : memref<!tpu.dma_semaphore, #tpu.memory_space<semaphore_mem>>) src(%dma_wait3A_474 : memref<128x8xf32, #tpu.memory_space<vmem>>) dst(%dma_wait3A_479 : memref<100000x8xf32, #tpu.memory_space<vmem_shared>>)
      %dma_wait3A_480 = arith.constant 1024 : i32
      %dma_wait3A_481 = arith.constant 0 : i32
      %dma_wait3A_482 = tpu.memref_slice %arg8[%dma_wait3A_480, %dma_wait3A_481] : memref<2048x8xf32, #tpu.memory_space<vmem>> -> memref<128x8xf32, #tpu.memory_space<vmem>>
      %dma_wait3A_483 = arith.constant 1024 : i32
      %dma_wait3A_484 = tpu.memref_slice %arg7[%dma_wait3A_483] : memref<2048xi32, #tpu.memory_space<vmem>> -> memref<128xi32, #tpu.memory_space<vmem>>
      %dma_wait3A_485 = arith.constant 0 : i32
      %dma_wait3A_486 = arith.constant 0 : i32
      %dma_wait3A_487 = tpu.memref_slice %arg9[%dma_wait3A_485, %dma_wait3A_486] : memref<100000x8xf32, #tpu.memory_space<vmem_shared>> -> memref<100000x8xf32, #tpu.memory_space<vmem_shared>>
      tpu.wait_indirect_dma semaphore(%arg11 : memref<!tpu.dma_semaphore, #tpu.memory_space<semaphore_mem>>) src(%dma_wait3A_482 : memref<128x8xf32, #tpu.memory_space<vmem>>) dst(%dma_wait3A_487 : memref<100000x8xf32, #tpu.memory_space<vmem_shared>>)
      %dma_wait3A_488 = arith.constant 1152 : i32
      %dma_wait3A_489 = arith.constant 0 : i32
      %dma_wait3A_490 = tpu.memref_slice %arg8[%dma_wait3A_488, %dma_wait3A_489] : memref<2048x8xf32, #tpu.memory_space<vmem>> -> memref<128x8xf32, #tpu.memory_space<vmem>>
      %dma_wait3A_491 = arith.constant 1152 : i32
      %dma_wait3A_492 = tpu.memref_slice %arg7[%dma_wait3A_491] : memref<2048xi32, #tpu.memory_space<vmem>> -> memref<128xi32, #tpu.memory_space<vmem>>
      %dma_wait3A_493 = arith.constant 0 : i32
      %dma_wait3A_494 = arith.constant 0 : i32
      %dma_wait3A_495 = tpu.memref_slice %arg9[%dma_wait3A_493, %dma_wait3A_494] : memref<100000x8xf32, #tpu.memory_space<vmem_shared>> -> memref<100000x8xf32, #tpu.memory_space<vmem_shared>>
      tpu.wait_indirect_dma semaphore(%arg11 : memref<!tpu.dma_semaphore, #tpu.memory_space<semaphore_mem>>) src(%dma_wait3A_490 : memref<128x8xf32, #tpu.memory_space<vmem>>) dst(%dma_wait3A_495 : memref<100000x8xf32, #tpu.memory_space<vmem_shared>>)
      %dma_wait3A_496 = arith.constant 1280 : i32
      %dma_wait3A_497 = arith.constant 0 : i32
      %dma_wait3A_498 = tpu.memref_slice %arg8[%dma_wait3A_496, %dma_wait3A_497] : memref<2048x8xf32, #tpu.memory_space<vmem>> -> memref<128x8xf32, #tpu.memory_space<vmem>>
      %dma_wait3A_499 = arith.constant 1280 : i32
      %dma_wait3A_500 = tpu.memref_slice %arg7[%dma_wait3A_499] : memref<2048xi32, #tpu.memory_space<vmem>> -> memref<128xi32, #tpu.memory_space<vmem>>
      %dma_wait3A_501 = arith.constant 0 : i32
      %dma_wait3A_502 = arith.constant 0 : i32
      %dma_wait3A_503 = tpu.memref_slice %arg9[%dma_wait3A_501, %dma_wait3A_502] : memref<100000x8xf32, #tpu.memory_space<vmem_shared>> -> memref<100000x8xf32, #tpu.memory_space<vmem_shared>>
      tpu.wait_indirect_dma semaphore(%arg11 : memref<!tpu.dma_semaphore, #tpu.memory_space<semaphore_mem>>) src(%dma_wait3A_498 : memref<128x8xf32, #tpu.memory_space<vmem>>) dst(%dma_wait3A_503 : memref<100000x8xf32, #tpu.memory_space<vmem_shared>>)
      %dma_wait3A_504 = arith.constant 1408 : i32
      %dma_wait3A_505 = arith.constant 0 : i32
      %dma_wait3A_506 = tpu.memref_slice %arg8[%dma_wait3A_504, %dma_wait3A_505] : memref<2048x8xf32, #tpu.memory_space<vmem>> -> memref<128x8xf32, #tpu.memory_space<vmem>>
      %dma_wait3A_507 = arith.constant 1408 : i32
      %dma_wait3A_508 = tpu.memref_slice %arg7[%dma_wait3A_507] : memref<2048xi32, #tpu.memory_space<vmem>> -> memref<128xi32, #tpu.memory_space<vmem>>
      %dma_wait3A_509 = arith.constant 0 : i32
      %dma_wait3A_510 = arith.constant 0 : i32
      %dma_wait3A_511 = tpu.memref_slice %arg9[%dma_wait3A_509, %dma_wait3A_510] : memref<100000x8xf32, #tpu.memory_space<vmem_shared>> -> memref<100000x8xf32, #tpu.memory_space<vmem_shared>>
      tpu.wait_indirect_dma semaphore(%arg11 : memref<!tpu.dma_semaphore, #tpu.memory_space<semaphore_mem>>) src(%dma_wait3A_506 : memref<128x8xf32, #tpu.memory_space<vmem>>) dst(%dma_wait3A_511 : memref<100000x8xf32, #tpu.memory_space<vmem_shared>>)
      %dma_wait3A_512 = arith.constant 1536 : i32
      %dma_wait3A_513 = arith.constant 0 : i32
      %dma_wait3A_514 = tpu.memref_slice %arg8[%dma_wait3A_512, %dma_wait3A_513] : memref<2048x8xf32, #tpu.memory_space<vmem>> -> memref<128x8xf32, #tpu.memory_space<vmem>>
      %dma_wait3A_515 = arith.constant 1536 : i32
      %dma_wait3A_516 = tpu.memref_slice %arg7[%dma_wait3A_515] : memref<2048xi32, #tpu.memory_space<vmem>> -> memref<128xi32, #tpu.memory_space<vmem>>
      %dma_wait3A_517 = arith.constant 0 : i32
      %dma_wait3A_518 = arith.constant 0 : i32
      %dma_wait3A_519 = tpu.memref_slice %arg9[%dma_wait3A_517, %dma_wait3A_518] : memref<100000x8xf32, #tpu.memory_space<vmem_shared>> -> memref<100000x8xf32, #tpu.memory_space<vmem_shared>>
      tpu.wait_indirect_dma semaphore(%arg11 : memref<!tpu.dma_semaphore, #tpu.memory_space<semaphore_mem>>) src(%dma_wait3A_514 : memref<128x8xf32, #tpu.memory_space<vmem>>) dst(%dma_wait3A_519 : memref<100000x8xf32, #tpu.memory_space<vmem_shared>>)
      %dma_wait3A_520 = arith.constant 1664 : i32
      %dma_wait3A_521 = arith.constant 0 : i32
      %dma_wait3A_522 = tpu.memref_slice %arg8[%dma_wait3A_520, %dma_wait3A_521] : memref<2048x8xf32, #tpu.memory_space<vmem>> -> memref<128x8xf32, #tpu.memory_space<vmem>>
      %dma_wait3A_523 = arith.constant 1664 : i32
      %dma_wait3A_524 = tpu.memref_slice %arg7[%dma_wait3A_523] : memref<2048xi32, #tpu.memory_space<vmem>> -> memref<128xi32, #tpu.memory_space<vmem>>
      %dma_wait3A_525 = arith.constant 0 : i32
      %dma_wait3A_526 = arith.constant 0 : i32
      %dma_wait3A_527 = tpu.memref_slice %arg9[%dma_wait3A_525, %dma_wait3A_526] : memref<100000x8xf32, #tpu.memory_space<vmem_shared>> -> memref<100000x8xf32, #tpu.memory_space<vmem_shared>>
      tpu.wait_indirect_dma semaphore(%arg11 : memref<!tpu.dma_semaphore, #tpu.memory_space<semaphore_mem>>) src(%dma_wait3A_522 : memref<128x8xf32, #tpu.memory_space<vmem>>) dst(%dma_wait3A_527 : memref<100000x8xf32, #tpu.memory_space<vmem_shared>>)
      %dma_wait3A_528 = arith.constant 1792 : i32
      %dma_wait3A_529 = arith.constant 0 : i32
      %dma_wait3A_530 = tpu.memref_slice %arg8[%dma_wait3A_528, %dma_wait3A_529] : memref<2048x8xf32, #tpu.memory_space<vmem>> -> memref<128x8xf32, #tpu.memory_space<vmem>>
      %dma_wait3A_531 = arith.constant 1792 : i32
      %dma_wait3A_532 = tpu.memref_slice %arg7[%dma_wait3A_531] : memref<2048xi32, #tpu.memory_space<vmem>> -> memref<128xi32, #tpu.memory_space<vmem>>
      %dma_wait3A_533 = arith.constant 0 : i32
      %dma_wait3A_534 = arith.constant 0 : i32
      %dma_wait3A_535 = tpu.memref_slice %arg9[%dma_wait3A_533, %dma_wait3A_534] : memref<100000x8xf32, #tpu.memory_space<vmem_shared>> -> memref<100000x8xf32, #tpu.memory_space<vmem_shared>>
      tpu.wait_indirect_dma semaphore(%arg11 : memref<!tpu.dma_semaphore, #tpu.memory_space<semaphore_mem>>) src(%dma_wait3A_530 : memref<128x8xf32, #tpu.memory_space<vmem>>) dst(%dma_wait3A_535 : memref<100000x8xf32, #tpu.memory_space<vmem_shared>>)
      %dma_wait3A_536 = arith.constant 1920 : i32
      %dma_wait3A_537 = arith.constant 0 : i32
      %dma_wait3A_538 = tpu.memref_slice %arg8[%dma_wait3A_536, %dma_wait3A_537] : memref<2048x8xf32, #tpu.memory_space<vmem>> -> memref<128x8xf32, #tpu.memory_space<vmem>>
      %dma_wait3A_539 = arith.constant 1920 : i32
      %dma_wait3A_540 = tpu.memref_slice %arg7[%dma_wait3A_539] : memref<2048xi32, #tpu.memory_space<vmem>> -> memref<128xi32, #tpu.memory_space<vmem>>
      %dma_wait3A_541 = arith.constant 0 : i32
      %dma_wait3A_542 = arith.constant 0 : i32
      %dma_wait3A_543 = tpu.memref_slice %arg9[%dma_wait3A_541, %dma_wait3A_542] : memref<100000x8xf32, #tpu.memory_space<vmem_shared>> -> memref<100000x8xf32, #tpu.memory_space<vmem_shared>>
      tpu.wait_indirect_dma semaphore(%arg11 : memref<!tpu.dma_semaphore, #tpu.memory_space<semaphore_mem>>) src(%dma_wait3A_538 : memref<128x8xf32, #tpu.memory_space<vmem>>) dst(%dma_wait3A_543 : memref<100000x8xf32, #tpu.memory_space<vmem_shared>>)
    }
    %while3A_21 = arith.constant 1 : i32
    scf.for %while3A_27 = %while3A_19 to %while3A_15 step %while3A_21  : i32 {
      %add3A_28 = arith.addi %add3A_8, %while3A_27 : i32
      %mul3A_29 = arith.constant 16 : i32
      %mul3A_30 = arith.muli %add3A_28, %mul3A_29 : i32
      %mul3A_31 = arith.constant 128 : i32
      %mul3A_32 = arith.muli %mul3A_30, %mul3A_31 : i32
      %run_scoped3A = arith.constant 0 : i32
      "tpu.region"() ({
        %run_scoped3A_544 = tpu.sem_alloc : memref<!tpu.dma_semaphore, #tpu.memory_space<semaphore_mem>>
        %dma_start3A_545 = tpu.memref_slice %arg4[%run_scoped3A, %mul3A_32] : memref<2x3200000xi32, #tpu.memory_space<hbm>> -> memref<1x2048xi32, #tpu.memory_space<hbm>>
        %dma_start3A_546 = tpu.memref_squeeze %dma_start3A_545 : memref<1x2048xi32, #tpu.memory_space<hbm>> -> memref<2048xi32, #tpu.memory_space<hbm>>
        %dma_start3A_547 = tpu.memref_slice %arg4[%run_scoped3A, %mul3A_32] : memref<2x3200000xi32, #tpu.memory_space<hbm>> -> memref<1x2048xi32, #tpu.memory_space<hbm>>
        %dma_start3A_548 = tpu.memref_squeeze %dma_start3A_547 : memref<1x2048xi32, #tpu.memory_space<hbm>> -> memref<2048xi32, #tpu.memory_space<hbm>>
        tpu.enqueue_dma source(%dma_start3A_548 : memref<2048xi32, #tpu.memory_space<hbm>>) target(%arg6 : memref<2048xi32, #tpu.memory_space<vmem>>) target_semaphore(%run_scoped3A_544 : memref<!tpu.dma_semaphore, #tpu.memory_space<semaphore_mem>>)
        %dma_wait3A_549 = tpu.memref_slice %arg4[%run_scoped3A, %mul3A_32] : memref<2x3200000xi32, #tpu.memory_space<hbm>> -> memref<1x2048xi32, #tpu.memory_space<hbm>>
        %dma_wait3A_550 = tpu.memref_squeeze %dma_wait3A_549 : memref<1x2048xi32, #tpu.memory_space<hbm>> -> memref<2048xi32, #tpu.memory_space<hbm>>
        %dma_wait3A_551 = tpu.memref_slice %arg4[%run_scoped3A, %mul3A_32] : memref<2x3200000xi32, #tpu.memory_space<hbm>> -> memref<1x2048xi32, #tpu.memory_space<hbm>>
        %dma_wait3A_552 = tpu.memref_squeeze %dma_wait3A_551 : memref<1x2048xi32, #tpu.memory_space<hbm>> -> memref<2048xi32, #tpu.memory_space<hbm>>
        tpu.wait_dma2 semaphore(%run_scoped3A_544 : memref<!tpu.dma_semaphore, #tpu.memory_space<semaphore_mem>>) src(%dma_wait3A_552 : memref<2048xi32, #tpu.memory_space<hbm>>) dst(%arg6 : memref<2048xi32, #tpu.memory_space<vmem>>)
        tpu.yield
      }) : () -> ()
      %run_scoped3A_33 = arith.constant 1 : i32
      "tpu.region"() ({
        %run_scoped3A_544 = tpu.sem_alloc : memref<!tpu.dma_semaphore, #tpu.memory_space<semaphore_mem>>
        %dma_start3A_545 = tpu.memref_slice %arg4[%run_scoped3A_33, %mul3A_32] : memref<2x3200000xi32, #tpu.memory_space<hbm>> -> memref<1x2048xi32, #tpu.memory_space<hbm>>
        %dma_start3A_546 = tpu.memref_squeeze %dma_start3A_545 : memref<1x2048xi32, #tpu.memory_space<hbm>> -> memref<2048xi32, #tpu.memory_space<hbm>>
        %dma_start3A_547 = tpu.memref_slice %arg4[%run_scoped3A_33, %mul3A_32] : memref<2x3200000xi32, #tpu.memory_space<hbm>> -> memref<1x2048xi32, #tpu.memory_space<hbm>>
        %dma_start3A_548 = tpu.memref_squeeze %dma_start3A_547 : memref<1x2048xi32, #tpu.memory_space<hbm>> -> memref<2048xi32, #tpu.memory_space<hbm>>
        tpu.enqueue_dma source(%dma_start3A_548 : memref<2048xi32, #tpu.memory_space<hbm>>) target(%arg7 : memref<2048xi32, #tpu.memory_space<vmem>>) target_semaphore(%run_scoped3A_544 : memref<!tpu.dma_semaphore, #tpu.memory_space<semaphore_mem>>)
        %dma_wait3A_549 = tpu.memref_slice %arg4[%run_scoped3A_33, %mul3A_32] : memref<2x3200000xi32, #tpu.memory_space<hbm>> -> memref<1x2048xi32, #tpu.memory_space<hbm>>
        %dma_wait3A_550 = tpu.memref_squeeze %dma_wait3A_549 : memref<1x2048xi32, #tpu.memory_space<hbm>> -> memref<2048xi32, #tpu.memory_space<hbm>>
        %dma_wait3A_551 = tpu.memref_slice %arg4[%run_scoped3A_33, %mul3A_32] : memref<2x3200000xi32, #tpu.memory_space<hbm>> -> memref<1x2048xi32, #tpu.memory_space<hbm>>
        %dma_wait3A_552 = tpu.memref_squeeze %dma_wait3A_551 : memref<1x2048xi32, #tpu.memory_space<hbm>> -> memref<2048xi32, #tpu.memory_space<hbm>>
        tpu.wait_dma2 semaphore(%run_scoped3A_544 : memref<!tpu.dma_semaphore, #tpu.memory_space<semaphore_mem>>) src(%dma_wait3A_552 : memref<2048xi32, #tpu.memory_space<hbm>>) dst(%arg7 : memref<2048xi32, #tpu.memory_space<vmem>>)
        tpu.yield
      }) : () -> ()
      %dma_start3A = arith.constant 0 : i32
      %dma_start3A_34 = arith.constant 0 : i32
      %dma_start3A_35 = tpu.memref_slice %arg8[%dma_start3A, %dma_start3A_34] : memref<2048x8xf32, #tpu.memory_space<vmem>> -> memref<128x8xf32, #tpu.memory_space<vmem>>
      %dma_start3A_36 = arith.constant 0 : i32
      %dma_start3A_37 = tpu.memref_slice %arg6[%dma_start3A_36] : memref<2048xi32, #tpu.memory_space<vmem>> -> memref<128xi32, #tpu.memory_space<vmem>>
      %dma_start3A_38 = arith.constant 0 : i32
      %dma_start3A_39 = arith.constant 0 : i32
      %dma_start3A_40 = tpu.memref_slice %arg2[%dma_start3A_38, %dma_start3A_39] : memref<100000x8xf32, #tpu.memory_space<hbm>> -> memref<100000x8xf32, #tpu.memory_space<hbm>>
      tpu.enqueue_indirect_dma source(%dma_start3A_40 : memref<100000x8xf32, #tpu.memory_space<hbm>>) target(%dma_start3A_35 : memref<128x8xf32, #tpu.memory_space<vmem>>) offsets(%dma_start3A_37 : memref<128xi32, #tpu.memory_space<vmem>>) semaphore(%arg10 : memref<!tpu.dma_semaphore, #tpu.memory_space<semaphore_mem>>)
      %dma_start3A_41 = arith.constant 128 : i32
      %dma_start3A_42 = arith.constant 0 : i32
      %dma_start3A_43 = tpu.memref_slice %arg8[%dma_start3A_41, %dma_start3A_42] : memref<2048x8xf32, #tpu.memory_space<vmem>> -> memref<128x8xf32, #tpu.memory_space<vmem>>
      %dma_start3A_44 = arith.constant 128 : i32
      %dma_start3A_45 = tpu.memref_slice %arg6[%dma_start3A_44] : memref<2048xi32, #tpu.memory_space<vmem>> -> memref<128xi32, #tpu.memory_space<vmem>>
      %dma_start3A_46 = arith.constant 0 : i32
      %dma_start3A_47 = arith.constant 0 : i32
      %dma_start3A_48 = tpu.memref_slice %arg2[%dma_start3A_46, %dma_start3A_47] : memref<100000x8xf32, #tpu.memory_space<hbm>> -> memref<100000x8xf32, #tpu.memory_space<hbm>>
      tpu.enqueue_indirect_dma source(%dma_start3A_48 : memref<100000x8xf32, #tpu.memory_space<hbm>>) target(%dma_start3A_43 : memref<128x8xf32, #tpu.memory_space<vmem>>) offsets(%dma_start3A_45 : memref<128xi32, #tpu.memory_space<vmem>>) semaphore(%arg10 : memref<!tpu.dma_semaphore, #tpu.memory_space<semaphore_mem>>)
      %dma_start3A_49 = arith.constant 256 : i32
      %dma_start3A_50 = arith.constant 0 : i32
      %dma_start3A_51 = tpu.memref_slice %arg8[%dma_start3A_49, %dma_start3A_50] : memref<2048x8xf32, #tpu.memory_space<vmem>> -> memref<128x8xf32, #tpu.memory_space<vmem>>
      %dma_start3A_52 = arith.constant 256 : i32
      %dma_start3A_53 = tpu.memref_slice %arg6[%dma_start3A_52] : memref<2048xi32, #tpu.memory_space<vmem>> -> memref<128xi32, #tpu.memory_space<vmem>>
      %dma_start3A_54 = arith.constant 0 : i32
      %dma_start3A_55 = arith.constant 0 : i32
      %dma_start3A_56 = tpu.memref_slice %arg2[%dma_start3A_54, %dma_start3A_55] : memref<100000x8xf32, #tpu.memory_space<hbm>> -> memref<100000x8xf32, #tpu.memory_space<hbm>>
      tpu.enqueue_indirect_dma source(%dma_start3A_56 : memref<100000x8xf32, #tpu.memory_space<hbm>>) target(%dma_start3A_51 : memref<128x8xf32, #tpu.memory_space<vmem>>) offsets(%dma_start3A_53 : memref<128xi32, #tpu.memory_space<vmem>>) semaphore(%arg10 : memref<!tpu.dma_semaphore, #tpu.memory_space<semaphore_mem>>)
      %dma_start3A_57 = arith.constant 384 : i32
      %dma_start3A_58 = arith.constant 0 : i32
      %dma_start3A_59 = tpu.memref_slice %arg8[%dma_start3A_57, %dma_start3A_58] : memref<2048x8xf32, #tpu.memory_space<vmem>> -> memref<128x8xf32, #tpu.memory_space<vmem>>
      %dma_start3A_60 = arith.constant 384 : i32
      %dma_start3A_61 = tpu.memref_slice %arg6[%dma_start3A_60] : memref<2048xi32, #tpu.memory_space<vmem>> -> memref<128xi32, #tpu.memory_space<vmem>>
      %dma_start3A_62 = arith.constant 0 : i32
      %dma_start3A_63 = arith.constant 0 : i32
      %dma_start3A_64 = tpu.memref_slice %arg2[%dma_start3A_62, %dma_start3A_63] : memref<100000x8xf32, #tpu.memory_space<hbm>> -> memref<100000x8xf32, #tpu.memory_space<hbm>>
      tpu.enqueue_indirect_dma source(%dma_start3A_64 : memref<100000x8xf32, #tpu.memory_space<hbm>>) target(%dma_start3A_59 : memref<128x8xf32, #tpu.memory_space<vmem>>) offsets(%dma_start3A_61 : memref<128xi32, #tpu.memory_space<vmem>>) semaphore(%arg10 : memref<!tpu.dma_semaphore, #tpu.memory_space<semaphore_mem>>)
      %dma_start3A_65 = arith.constant 512 : i32
      %dma_start3A_66 = arith.constant 0 : i32
      %dma_start3A_67 = tpu.memref_slice %arg8[%dma_start3A_65, %dma_start3A_66] : memref<2048x8xf32, #tpu.memory_space<vmem>> -> memref<128x8xf32, #tpu.memory_space<vmem>>
      %dma_start3A_68 = arith.constant 512 : i32
      %dma_start3A_69 = tpu.memref_slice %arg6[%dma_start3A_68] : memref<2048xi32, #tpu.memory_space<vmem>> -> memref<128xi32, #tpu.memory_space<vmem>>
      %dma_start3A_70 = arith.constant 0 : i32
      %dma_start3A_71 = arith.constant 0 : i32
      %dma_start3A_72 = tpu.memref_slice %arg2[%dma_start3A_70, %dma_start3A_71] : memref<100000x8xf32, #tpu.memory_space<hbm>> -> memref<100000x8xf32, #tpu.memory_space<hbm>>
      tpu.enqueue_indirect_dma source(%dma_start3A_72 : memref<100000x8xf32, #tpu.memory_space<hbm>>) target(%dma_start3A_67 : memref<128x8xf32, #tpu.memory_space<vmem>>) offsets(%dma_start3A_69 : memref<128xi32, #tpu.memory_space<vmem>>) semaphore(%arg10 : memref<!tpu.dma_semaphore, #tpu.memory_space<semaphore_mem>>)
      %dma_start3A_73 = arith.constant 640 : i32
      %dma_start3A_74 = arith.constant 0 : i32
      %dma_start3A_75 = tpu.memref_slice %arg8[%dma_start3A_73, %dma_start3A_74] : memref<2048x8xf32, #tpu.memory_space<vmem>> -> memref<128x8xf32, #tpu.memory_space<vmem>>
      %dma_start3A_76 = arith.constant 640 : i32
      %dma_start3A_77 = tpu.memref_slice %arg6[%dma_start3A_76] : memref<2048xi32, #tpu.memory_space<vmem>> -> memref<128xi32, #tpu.memory_space<vmem>>
      %dma_start3A_78 = arith.constant 0 : i32
      %dma_start3A_79 = arith.constant 0 : i32
      %dma_start3A_80 = tpu.memref_slice %arg2[%dma_start3A_78, %dma_start3A_79] : memref<100000x8xf32, #tpu.memory_space<hbm>> -> memref<100000x8xf32, #tpu.memory_space<hbm>>
      tpu.enqueue_indirect_dma source(%dma_start3A_80 : memref<100000x8xf32, #tpu.memory_space<hbm>>) target(%dma_start3A_75 : memref<128x8xf32, #tpu.memory_space<vmem>>) offsets(%dma_start3A_77 : memref<128xi32, #tpu.memory_space<vmem>>) semaphore(%arg10 : memref<!tpu.dma_semaphore, #tpu.memory_space<semaphore_mem>>)
      %dma_start3A_81 = arith.constant 768 : i32
      %dma_start3A_82 = arith.constant 0 : i32
      %dma_start3A_83 = tpu.memref_slice %arg8[%dma_start3A_81, %dma_start3A_82] : memref<2048x8xf32, #tpu.memory_space<vmem>> -> memref<128x8xf32, #tpu.memory_space<vmem>>
      %dma_start3A_84 = arith.constant 768 : i32
      %dma_start3A_85 = tpu.memref_slice %arg6[%dma_start3A_84] : memref<2048xi32, #tpu.memory_space<vmem>> -> memref<128xi32, #tpu.memory_space<vmem>>
      %dma_start3A_86 = arith.constant 0 : i32
      %dma_start3A_87 = arith.constant 0 : i32
      %dma_start3A_88 = tpu.memref_slice %arg2[%dma_start3A_86, %dma_start3A_87] : memref<100000x8xf32, #tpu.memory_space<hbm>> -> memref<100000x8xf32, #tpu.memory_space<hbm>>
      tpu.enqueue_indirect_dma source(%dma_start3A_88 : memref<100000x8xf32, #tpu.memory_space<hbm>>) target(%dma_start3A_83 : memref<128x8xf32, #tpu.memory_space<vmem>>) offsets(%dma_start3A_85 : memref<128xi32, #tpu.memory_space<vmem>>) semaphore(%arg10 : memref<!tpu.dma_semaphore, #tpu.memory_space<semaphore_mem>>)
      %dma_start3A_89 = arith.constant 896 : i32
      %dma_start3A_90 = arith.constant 0 : i32
      %dma_start3A_91 = tpu.memref_slice %arg8[%dma_start3A_89, %dma_start3A_90] : memref<2048x8xf32, #tpu.memory_space<vmem>> -> memref<128x8xf32, #tpu.memory_space<vmem>>
      %dma_start3A_92 = arith.constant 896 : i32
      %dma_start3A_93 = tpu.memref_slice %arg6[%dma_start3A_92] : memref<2048xi32, #tpu.memory_space<vmem>> -> memref<128xi32, #tpu.memory_space<vmem>>
      %dma_start3A_94 = arith.constant 0 : i32
      %dma_start3A_95 = arith.constant 0 : i32
      %dma_start3A_96 = tpu.memref_slice %arg2[%dma_start3A_94, %dma_start3A_95] : memref<100000x8xf32, #tpu.memory_space<hbm>> -> memref<100000x8xf32, #tpu.memory_space<hbm>>
      tpu.enqueue_indirect_dma source(%dma_start3A_96 : memref<100000x8xf32, #tpu.memory_space<hbm>>) target(%dma_start3A_91 : memref<128x8xf32, #tpu.memory_space<vmem>>) offsets(%dma_start3A_93 : memref<128xi32, #tpu.memory_space<vmem>>) semaphore(%arg10 : memref<!tpu.dma_semaphore, #tpu.memory_space<semaphore_mem>>)
      %dma_start3A_97 = arith.constant 1024 : i32
      %dma_start3A_98 = arith.constant 0 : i32
      %dma_start3A_99 = tpu.memref_slice %arg8[%dma_start3A_97, %dma_start3A_98] : memref<2048x8xf32, #tpu.memory_space<vmem>> -> memref<128x8xf32, #tpu.memory_space<vmem>>
      %dma_start3A_100 = arith.constant 1024 : i32
      %dma_start3A_101 = tpu.memref_slice %arg6[%dma_start3A_100] : memref<2048xi32, #tpu.memory_space<vmem>> -> memref<128xi32, #tpu.memory_space<vmem>>
      %dma_start3A_102 = arith.constant 0 : i32
      %dma_start3A_103 = arith.constant 0 : i32
      %dma_start3A_104 = tpu.memref_slice %arg2[%dma_start3A_102, %dma_start3A_103] : memref<100000x8xf32, #tpu.memory_space<hbm>> -> memref<100000x8xf32, #tpu.memory_space<hbm>>
      tpu.enqueue_indirect_dma source(%dma_start3A_104 : memref<100000x8xf32, #tpu.memory_space<hbm>>) target(%dma_start3A_99 : memref<128x8xf32, #tpu.memory_space<vmem>>) offsets(%dma_start3A_101 : memref<128xi32, #tpu.memory_space<vmem>>) semaphore(%arg10 : memref<!tpu.dma_semaphore, #tpu.memory_space<semaphore_mem>>)
      %dma_start3A_105 = arith.constant 1152 : i32
      %dma_start3A_106 = arith.constant 0 : i32
      %dma_start3A_107 = tpu.memref_slice %arg8[%dma_start3A_105, %dma_start3A_106] : memref<2048x8xf32, #tpu.memory_space<vmem>> -> memref<128x8xf32, #tpu.memory_space<vmem>>
      %dma_start3A_108 = arith.constant 1152 : i32
      %dma_start3A_109 = tpu.memref_slice %arg6[%dma_start3A_108] : memref<2048xi32, #tpu.memory_space<vmem>> -> memref<128xi32, #tpu.memory_space<vmem>>
      %dma_start3A_110 = arith.constant 0 : i32
      %dma_start3A_111 = arith.constant 0 : i32
      %dma_start3A_112 = tpu.memref_slice %arg2[%dma_start3A_110, %dma_start3A_111] : memref<100000x8xf32, #tpu.memory_space<hbm>> -> memref<100000x8xf32, #tpu.memory_space<hbm>>
      tpu.enqueue_indirect_dma source(%dma_start3A_112 : memref<100000x8xf32, #tpu.memory_space<hbm>>) target(%dma_start3A_107 : memref<128x8xf32, #tpu.memory_space<vmem>>) offsets(%dma_start3A_109 : memref<128xi32, #tpu.memory_space<vmem>>) semaphore(%arg10 : memref<!tpu.dma_semaphore, #tpu.memory_space<semaphore_mem>>)
      %dma_start3A_113 = arith.constant 1280 : i32
      %dma_start3A_114 = arith.constant 0 : i32
      %dma_start3A_115 = tpu.memref_slice %arg8[%dma_start3A_113, %dma_start3A_114] : memref<2048x8xf32, #tpu.memory_space<vmem>> -> memref<128x8xf32, #tpu.memory_space<vmem>>
      %dma_start3A_116 = arith.constant 1280 : i32
      %dma_start3A_117 = tpu.memref_slice %arg6[%dma_start3A_116] : memref<2048xi32, #tpu.memory_space<vmem>> -> memref<128xi32, #tpu.memory_space<vmem>>
      %dma_start3A_118 = arith.constant 0 : i32
      %dma_start3A_119 = arith.constant 0 : i32
      %dma_start3A_120 = tpu.memref_slice %arg2[%dma_start3A_118, %dma_start3A_119] : memref<100000x8xf32, #tpu.memory_space<hbm>> -> memref<100000x8xf32, #tpu.memory_space<hbm>>
      tpu.enqueue_indirect_dma source(%dma_start3A_120 : memref<100000x8xf32, #tpu.memory_space<hbm>>) target(%dma_start3A_115 : memref<128x8xf32, #tpu.memory_space<vmem>>) offsets(%dma_start3A_117 : memref<128xi32, #tpu.memory_space<vmem>>) semaphore(%arg10 : memref<!tpu.dma_semaphore, #tpu.memory_space<semaphore_mem>>)
      %dma_start3A_121 = arith.constant 1408 : i32
      %dma_start3A_122 = arith.constant 0 : i32
      %dma_start3A_123 = tpu.memref_slice %arg8[%dma_start3A_121, %dma_start3A_122] : memref<2048x8xf32, #tpu.memory_space<vmem>> -> memref<128x8xf32, #tpu.memory_space<vmem>>
      %dma_start3A_124 = arith.constant 1408 : i32
      %dma_start3A_125 = tpu.memref_slice %arg6[%dma_start3A_124] : memref<2048xi32, #tpu.memory_space<vmem>> -> memref<128xi32, #tpu.memory_space<vmem>>
      %dma_start3A_126 = arith.constant 0 : i32
      %dma_start3A_127 = arith.constant 0 : i32
      %dma_start3A_128 = tpu.memref_slice %arg2[%dma_start3A_126, %dma_start3A_127] : memref<100000x8xf32, #tpu.memory_space<hbm>> -> memref<100000x8xf32, #tpu.memory_space<hbm>>
      tpu.enqueue_indirect_dma source(%dma_start3A_128 : memref<100000x8xf32, #tpu.memory_space<hbm>>) target(%dma_start3A_123 : memref<128x8xf32, #tpu.memory_space<vmem>>) offsets(%dma_start3A_125 : memref<128xi32, #tpu.memory_space<vmem>>) semaphore(%arg10 : memref<!tpu.dma_semaphore, #tpu.memory_space<semaphore_mem>>)
      %dma_start3A_129 = arith.constant 1536 : i32
      %dma_start3A_130 = arith.constant 0 : i32
      %dma_start3A_131 = tpu.memref_slice %arg8[%dma_start3A_129, %dma_start3A_130] : memref<2048x8xf32, #tpu.memory_space<vmem>> -> memref<128x8xf32, #tpu.memory_space<vmem>>
      %dma_start3A_132 = arith.constant 1536 : i32
      %dma_start3A_133 = tpu.memref_slice %arg6[%dma_start3A_132] : memref<2048xi32, #tpu.memory_space<vmem>> -> memref<128xi32, #tpu.memory_space<vmem>>
      %dma_start3A_134 = arith.constant 0 : i32
      %dma_start3A_135 = arith.constant 0 : i32
      %dma_start3A_136 = tpu.memref_slice %arg2[%dma_start3A_134, %dma_start3A_135] : memref<100000x8xf32, #tpu.memory_space<hbm>> -> memref<100000x8xf32, #tpu.memory_space<hbm>>
      tpu.enqueue_indirect_dma source(%dma_start3A_136 : memref<100000x8xf32, #tpu.memory_space<hbm>>) target(%dma_start3A_131 : memref<128x8xf32, #tpu.memory_space<vmem>>) offsets(%dma_start3A_133 : memref<128xi32, #tpu.memory_space<vmem>>) semaphore(%arg10 : memref<!tpu.dma_semaphore, #tpu.memory_space<semaphore_mem>>)
      %dma_start3A_137 = arith.constant 1664 : i32
      %dma_start3A_138 = arith.constant 0 : i32
      %dma_start3A_139 = tpu.memref_slice %arg8[%dma_start3A_137, %dma_start3A_138] : memref<2048x8xf32, #tpu.memory_space<vmem>> -> memref<128x8xf32, #tpu.memory_space<vmem>>
      %dma_start3A_140 = arith.constant 1664 : i32
      %dma_start3A_141 = tpu.memref_slice %arg6[%dma_start3A_140] : memref<2048xi32, #tpu.memory_space<vmem>> -> memref<128xi32, #tpu.memory_space<vmem>>
      %dma_start3A_142 = arith.constant 0 : i32
      %dma_start3A_143 = arith.constant 0 : i32
      %dma_start3A_144 = tpu.memref_slice %arg2[%dma_start3A_142, %dma_start3A_143] : memref<100000x8xf32, #tpu.memory_space<hbm>> -> memref<100000x8xf32, #tpu.memory_space<hbm>>
      tpu.enqueue_indirect_dma source(%dma_start3A_144 : memref<100000x8xf32, #tpu.memory_space<hbm>>) target(%dma_start3A_139 : memref<128x8xf32, #tpu.memory_space<vmem>>) offsets(%dma_start3A_141 : memref<128xi32, #tpu.memory_space<vmem>>) semaphore(%arg10 : memref<!tpu.dma_semaphore, #tpu.memory_space<semaphore_mem>>)
      %dma_start3A_145 = arith.constant 1792 : i32
      %dma_start3A_146 = arith.constant 0 : i32
      %dma_start3A_147 = tpu.memref_slice %arg8[%dma_start3A_145, %dma_start3A_146] : memref<2048x8xf32, #tpu.memory_space<vmem>> -> memref<128x8xf32, #tpu.memory_space<vmem>>
      %dma_start3A_148 = arith.constant 1792 : i32
      %dma_start3A_149 = tpu.memref_slice %arg6[%dma_start3A_148] : memref<2048xi32, #tpu.memory_space<vmem>> -> memref<128xi32, #tpu.memory_space<vmem>>
      %dma_start3A_150 = arith.constant 0 : i32
      %dma_start3A_151 = arith.constant 0 : i32
      %dma_start3A_152 = tpu.memref_slice %arg2[%dma_start3A_150, %dma_start3A_151] : memref<100000x8xf32, #tpu.memory_space<hbm>> -> memref<100000x8xf32, #tpu.memory_space<hbm>>
      tpu.enqueue_indirect_dma source(%dma_start3A_152 : memref<100000x8xf32, #tpu.memory_space<hbm>>) target(%dma_start3A_147 : memref<128x8xf32, #tpu.memory_space<vmem>>) offsets(%dma_start3A_149 : memref<128xi32, #tpu.memory_space<vmem>>) semaphore(%arg10 : memref<!tpu.dma_semaphore, #tpu.memory_space<semaphore_mem>>)
      %dma_start3A_153 = arith.constant 1920 : i32
      %dma_start3A_154 = arith.constant 0 : i32
      %dma_start3A_155 = tpu.memref_slice %arg8[%dma_start3A_153, %dma_start3A_154] : memref<2048x8xf32, #tpu.memory_space<vmem>> -> memref<128x8xf32, #tpu.memory_space<vmem>>
      %dma_start3A_156 = arith.constant 1920 : i32
      %dma_start3A_157 = tpu.memref_slice %arg6[%dma_start3A_156] : memref<2048xi32, #tpu.memory_space<vmem>> -> memref<128xi32, #tpu.memory_space<vmem>>
      %dma_start3A_158 = arith.constant 0 : i32
      %dma_start3A_159 = arith.constant 0 : i32
      %dma_start3A_160 = tpu.memref_slice %arg2[%dma_start3A_158, %dma_start3A_159] : memref<100000x8xf32, #tpu.memory_space<hbm>> -> memref<100000x8xf32, #tpu.memory_space<hbm>>
      tpu.enqueue_indirect_dma source(%dma_start3A_160 : memref<100000x8xf32, #tpu.memory_space<hbm>>) target(%dma_start3A_155 : memref<128x8xf32, #tpu.memory_space<vmem>>) offsets(%dma_start3A_157 : memref<128xi32, #tpu.memory_space<vmem>>) semaphore(%arg10 : memref<!tpu.dma_semaphore, #tpu.memory_space<semaphore_mem>>)
      %dma_wait3A = arith.constant 0 : i32
      %dma_wait3A_161 = arith.constant 0 : i32
      %dma_wait3A_162 = tpu.memref_slice %arg8[%dma_wait3A, %dma_wait3A_161] : memref<2048x8xf32, #tpu.memory_space<vmem>> -> memref<128x8xf32, #tpu.memory_space<vmem>>
      %dma_wait3A_163 = arith.constant 0 : i32
      %dma_wait3A_164 = tpu.memref_slice %arg6[%dma_wait3A_163] : memref<2048xi32, #tpu.memory_space<vmem>> -> memref<128xi32, #tpu.memory_space<vmem>>
      %dma_wait3A_165 = arith.constant 0 : i32
      %dma_wait3A_166 = arith.constant 0 : i32
      %dma_wait3A_167 = tpu.memref_slice %arg2[%dma_wait3A_165, %dma_wait3A_166] : memref<100000x8xf32, #tpu.memory_space<hbm>> -> memref<100000x8xf32, #tpu.memory_space<hbm>>
      tpu.wait_indirect_dma semaphore(%arg10 : memref<!tpu.dma_semaphore, #tpu.memory_space<semaphore_mem>>) src(%dma_wait3A_167 : memref<100000x8xf32, #tpu.memory_space<hbm>>) dst(%dma_wait3A_162 : memref<128x8xf32, #tpu.memory_space<vmem>>)
      %dma_start3A_168 = arith.constant 0 : i32
      %dma_start3A_169 = arith.constant 0 : i32
      %dma_start3A_170 = tpu.memref_slice %arg8[%dma_start3A_168, %dma_start3A_169] : memref<2048x8xf32, #tpu.memory_space<vmem>> -> memref<128x8xf32, #tpu.memory_space<vmem>>
      %dma_start3A_171 = arith.constant 0 : i32
      %dma_start3A_172 = tpu.memref_slice %arg7[%dma_start3A_171] : memref<2048xi32, #tpu.memory_space<vmem>> -> memref<128xi32, #tpu.memory_space<vmem>>
      %dma_start3A_173 = arith.constant 0 : i32
      %dma_start3A_174 = arith.constant 0 : i32
      %dma_start3A_175 = tpu.memref_slice %arg9[%dma_start3A_173, %dma_start3A_174] : memref<100000x8xf32, #tpu.memory_space<vmem_shared>> -> memref<100000x8xf32, #tpu.memory_space<vmem_shared>>
      tpu.enqueue_indirect_dma source(%dma_start3A_170 : memref<128x8xf32, #tpu.memory_space<vmem>>) target(%dma_start3A_175 : memref<100000x8xf32, #tpu.memory_space<vmem_shared>>) offsets(%dma_start3A_172 : memref<128xi32, #tpu.memory_space<vmem>>) semaphore(%arg11 : memref<!tpu.dma_semaphore, #tpu.memory_space<semaphore_mem>>) {add = true}
      %dma_wait3A_176 = arith.constant 128 : i32
      %dma_wait3A_177 = arith.constant 0 : i32
      %dma_wait3A_178 = tpu.memref_slice %arg8[%dma_wait3A_176, %dma_wait3A_177] : memref<2048x8xf32, #tpu.memory_space<vmem>> -> memref<128x8xf32, #tpu.memory_space<vmem>>
      %dma_wait3A_179 = arith.constant 128 : i32
      %dma_wait3A_180 = tpu.memref_slice %arg6[%dma_wait3A_179] : memref<2048xi32, #tpu.memory_space<vmem>> -> memref<128xi32, #tpu.memory_space<vmem>>
      %dma_wait3A_181 = arith.constant 0 : i32
      %dma_wait3A_182 = arith.constant 0 : i32
      %dma_wait3A_183 = tpu.memref_slice %arg2[%dma_wait3A_181, %dma_wait3A_182] : memref<100000x8xf32, #tpu.memory_space<hbm>> -> memref<100000x8xf32, #tpu.memory_space<hbm>>
      tpu.wait_indirect_dma semaphore(%arg10 : memref<!tpu.dma_semaphore, #tpu.memory_space<semaphore_mem>>) src(%dma_wait3A_183 : memref<100000x8xf32, #tpu.memory_space<hbm>>) dst(%dma_wait3A_178 : memref<128x8xf32, #tpu.memory_space<vmem>>)
      %dma_start3A_184 = arith.constant 128 : i32
      %dma_start3A_185 = arith.constant 0 : i32
      %dma_start3A_186 = tpu.memref_slice %arg8[%dma_start3A_184, %dma_start3A_185] : memref<2048x8xf32, #tpu.memory_space<vmem>> -> memref<128x8xf32, #tpu.memory_space<vmem>>
      %dma_start3A_187 = arith.constant 128 : i32
      %dma_start3A_188 = tpu.memref_slice %arg7[%dma_start3A_187] : memref<2048xi32, #tpu.memory_space<vmem>> -> memref<128xi32, #tpu.memory_space<vmem>>
      %dma_start3A_189 = arith.constant 0 : i32
      %dma_start3A_190 = arith.constant 0 : i32
      %dma_start3A_191 = tpu.memref_slice %arg9[%dma_start3A_189, %dma_start3A_190] : memref<100000x8xf32, #tpu.memory_space<vmem_shared>> -> memref<100000x8xf32, #tpu.memory_space<vmem_shared>>
      tpu.enqueue_indirect_dma source(%dma_start3A_186 : memref<128x8xf32, #tpu.memory_space<vmem>>) target(%dma_start3A_191 : memref<100000x8xf32, #tpu.memory_space<vmem_shared>>) offsets(%dma_start3A_188 : memref<128xi32, #tpu.memory_space<vmem>>) semaphore(%arg11 : memref<!tpu.dma_semaphore, #tpu.memory_space<semaphore_mem>>) {add = true}
      %dma_wait3A_192 = arith.constant 256 : i32
      %dma_wait3A_193 = arith.constant 0 : i32
      %dma_wait3A_194 = tpu.memref_slice %arg8[%dma_wait3A_192, %dma_wait3A_193] : memref<2048x8xf32, #tpu.memory_space<vmem>> -> memref<128x8xf32, #tpu.memory_space<vmem>>
      %dma_wait3A_195 = arith.constant 256 : i32
      %dma_wait3A_196 = tpu.memref_slice %arg6[%dma_wait3A_195] : memref<2048xi32, #tpu.memory_space<vmem>> -> memref<128xi32, #tpu.memory_space<vmem>>
      %dma_wait3A_197 = arith.constant 0 : i32
      %dma_wait3A_198 = arith.constant 0 : i32
      %dma_wait3A_199 = tpu.memref_slice %arg2[%dma_wait3A_197, %dma_wait3A_198] : memref<100000x8xf32, #tpu.memory_space<hbm>> -> memref<100000x8xf32, #tpu.memory_space<hbm>>
      tpu.wait_indirect_dma semaphore(%arg10 : memref<!tpu.dma_semaphore, #tpu.memory_space<semaphore_mem>>) src(%dma_wait3A_199 : memref<100000x8xf32, #tpu.memory_space<hbm>>) dst(%dma_wait3A_194 : memref<128x8xf32, #tpu.memory_space<vmem>>)
      %dma_start3A_200 = arith.constant 256 : i32
      %dma_start3A_201 = arith.constant 0 : i32
      %dma_start3A_202 = tpu.memref_slice %arg8[%dma_start3A_200, %dma_start3A_201] : memref<2048x8xf32, #tpu.memory_space<vmem>> -> memref<128x8xf32, #tpu.memory_space<vmem>>
      %dma_start3A_203 = arith.constant 256 : i32
      %dma_start3A_204 = tpu.memref_slice %arg7[%dma_start3A_203] : memref<2048xi32, #tpu.memory_space<vmem>> -> memref<128xi32, #tpu.memory_space<vmem>>
      %dma_start3A_205 = arith.constant 0 : i32
      %dma_start3A_206 = arith.constant 0 : i32
      %dma_start3A_207 = tpu.memref_slice %arg9[%dma_start3A_205, %dma_start3A_206] : memref<100000x8xf32, #tpu.memory_space<vmem_shared>> -> memref<100000x8xf32, #tpu.memory_space<vmem_shared>>
      tpu.enqueue_indirect_dma source(%dma_start3A_202 : memref<128x8xf32, #tpu.memory_space<vmem>>) target(%dma_start3A_207 : memref<100000x8xf32, #tpu.memory_space<vmem_shared>>) offsets(%dma_start3A_204 : memref<128xi32, #tpu.memory_space<vmem>>) semaphore(%arg11 : memref<!tpu.dma_semaphore, #tpu.memory_space<semaphore_mem>>) {add = true}
      %dma_wait3A_208 = arith.constant 384 : i32
      %dma_wait3A_209 = arith.constant 0 : i32
      %dma_wait3A_210 = tpu.memref_slice %arg8[%dma_wait3A_208, %dma_wait3A_209] : memref<2048x8xf32, #tpu.memory_space<vmem>> -> memref<128x8xf32, #tpu.memory_space<vmem>>
      %dma_wait3A_211 = arith.constant 384 : i32
      %dma_wait3A_212 = tpu.memref_slice %arg6[%dma_wait3A_211] : memref<2048xi32, #tpu.memory_space<vmem>> -> memref<128xi32, #tpu.memory_space<vmem>>
      %dma_wait3A_213 = arith.constant 0 : i32
      %dma_wait3A_214 = arith.constant 0 : i32
      %dma_wait3A_215 = tpu.memref_slice %arg2[%dma_wait3A_213, %dma_wait3A_214] : memref<100000x8xf32, #tpu.memory_space<hbm>> -> memref<100000x8xf32, #tpu.memory_space<hbm>>
      tpu.wait_indirect_dma semaphore(%arg10 : memref<!tpu.dma_semaphore, #tpu.memory_space<semaphore_mem>>) src(%dma_wait3A_215 : memref<100000x8xf32, #tpu.memory_space<hbm>>) dst(%dma_wait3A_210 : memref<128x8xf32, #tpu.memory_space<vmem>>)
      %dma_start3A_216 = arith.constant 384 : i32
      %dma_start3A_217 = arith.constant 0 : i32
      %dma_start3A_218 = tpu.memref_slice %arg8[%dma_start3A_216, %dma_start3A_217] : memref<2048x8xf32, #tpu.memory_space<vmem>> -> memref<128x8xf32, #tpu.memory_space<vmem>>
      %dma_start3A_219 = arith.constant 384 : i32
      %dma_start3A_220 = tpu.memref_slice %arg7[%dma_start3A_219] : memref<2048xi32, #tpu.memory_space<vmem>> -> memref<128xi32, #tpu.memory_space<vmem>>
      %dma_start3A_221 = arith.constant 0 : i32
      %dma_start3A_222 = arith.constant 0 : i32
      %dma_start3A_223 = tpu.memref_slice %arg9[%dma_start3A_221, %dma_start3A_222] : memref<100000x8xf32, #tpu.memory_space<vmem_shared>> -> memref<100000x8xf32, #tpu.memory_space<vmem_shared>>
      tpu.enqueue_indirect_dma source(%dma_start3A_218 : memref<128x8xf32, #tpu.memory_space<vmem>>) target(%dma_start3A_223 : memref<100000x8xf32, #tpu.memory_space<vmem_shared>>) offsets(%dma_start3A_220 : memref<128xi32, #tpu.memory_space<vmem>>) semaphore(%arg11 : memref<!tpu.dma_semaphore, #tpu.memory_space<semaphore_mem>>) {add = true}
      %dma_wait3A_224 = arith.constant 512 : i32
      %dma_wait3A_225 = arith.constant 0 : i32
      %dma_wait3A_226 = tpu.memref_slice %arg8[%dma_wait3A_224, %dma_wait3A_225] : memref<2048x8xf32, #tpu.memory_space<vmem>> -> memref<128x8xf32, #tpu.memory_space<vmem>>
      %dma_wait3A_227 = arith.constant 512 : i32
      %dma_wait3A_228 = tpu.memref_slice %arg6[%dma_wait3A_227] : memref<2048xi32, #tpu.memory_space<vmem>> -> memref<128xi32, #tpu.memory_space<vmem>>
      %dma_wait3A_229 = arith.constant 0 : i32
      %dma_wait3A_230 = arith.constant 0 : i32
      %dma_wait3A_231 = tpu.memref_slice %arg2[%dma_wait3A_229, %dma_wait3A_230] : memref<100000x8xf32, #tpu.memory_space<hbm>> -> memref<100000x8xf32, #tpu.memory_space<hbm>>
      tpu.wait_indirect_dma semaphore(%arg10 : memref<!tpu.dma_semaphore, #tpu.memory_space<semaphore_mem>>) src(%dma_wait3A_231 : memref<100000x8xf32, #tpu.memory_space<hbm>>) dst(%dma_wait3A_226 : memref<128x8xf32, #tpu.memory_space<vmem>>)
      %dma_start3A_232 = arith.constant 512 : i32
      %dma_start3A_233 = arith.constant 0 : i32
      %dma_start3A_234 = tpu.memref_slice %arg8[%dma_start3A_232, %dma_start3A_233] : memref<2048x8xf32, #tpu.memory_space<vmem>> -> memref<128x8xf32, #tpu.memory_space<vmem>>
      %dma_start3A_235 = arith.constant 512 : i32
      %dma_start3A_236 = tpu.memref_slice %arg7[%dma_start3A_235] : memref<2048xi32, #tpu.memory_space<vmem>> -> memref<128xi32, #tpu.memory_space<vmem>>
      %dma_start3A_237 = arith.constant 0 : i32
      %dma_start3A_238 = arith.constant 0 : i32
      %dma_start3A_239 = tpu.memref_slice %arg9[%dma_start3A_237, %dma_start3A_238] : memref<100000x8xf32, #tpu.memory_space<vmem_shared>> -> memref<100000x8xf32, #tpu.memory_space<vmem_shared>>
      tpu.enqueue_indirect_dma source(%dma_start3A_234 : memref<128x8xf32, #tpu.memory_space<vmem>>) target(%dma_start3A_239 : memref<100000x8xf32, #tpu.memory_space<vmem_shared>>) offsets(%dma_start3A_236 : memref<128xi32, #tpu.memory_space<vmem>>) semaphore(%arg11 : memref<!tpu.dma_semaphore, #tpu.memory_space<semaphore_mem>>) {add = true}
      %dma_wait3A_240 = arith.constant 640 : i32
      %dma_wait3A_241 = arith.constant 0 : i32
      %dma_wait3A_242 = tpu.memref_slice %arg8[%dma_wait3A_240, %dma_wait3A_241] : memref<2048x8xf32, #tpu.memory_space<vmem>> -> memref<128x8xf32, #tpu.memory_space<vmem>>
      %dma_wait3A_243 = arith.constant 640 : i32
      %dma_wait3A_244 = tpu.memref_slice %arg6[%dma_wait3A_243] : memref<2048xi32, #tpu.memory_space<vmem>> -> memref<128xi32, #tpu.memory_space<vmem>>
      %dma_wait3A_245 = arith.constant 0 : i32
      %dma_wait3A_246 = arith.constant 0 : i32
      %dma_wait3A_247 = tpu.memref_slice %arg2[%dma_wait3A_245, %dma_wait3A_246] : memref<100000x8xf32, #tpu.memory_space<hbm>> -> memref<100000x8xf32, #tpu.memory_space<hbm>>
      tpu.wait_indirect_dma semaphore(%arg10 : memref<!tpu.dma_semaphore, #tpu.memory_space<semaphore_mem>>) src(%dma_wait3A_247 : memref<100000x8xf32, #tpu.memory_space<hbm>>) dst(%dma_wait3A_242 : memref<128x8xf32, #tpu.memory_space<vmem>>)
      %dma_start3A_248 = arith.constant 640 : i32
      %dma_start3A_249 = arith.constant 0 : i32
      %dma_start3A_250 = tpu.memref_slice %arg8[%dma_start3A_248, %dma_start3A_249] : memref<2048x8xf32, #tpu.memory_space<vmem>> -> memref<128x8xf32, #tpu.memory_space<vmem>>
      %dma_start3A_251 = arith.constant 640 : i32
      %dma_start3A_252 = tpu.memref_slice %arg7[%dma_start3A_251] : memref<2048xi32, #tpu.memory_space<vmem>> -> memref<128xi32, #tpu.memory_space<vmem>>
      %dma_start3A_253 = arith.constant 0 : i32
      %dma_start3A_254 = arith.constant 0 : i32
      %dma_start3A_255 = tpu.memref_slice %arg9[%dma_start3A_253, %dma_start3A_254] : memref<100000x8xf32, #tpu.memory_space<vmem_shared>> -> memref<100000x8xf32, #tpu.memory_space<vmem_shared>>
      tpu.enqueue_indirect_dma source(%dma_start3A_250 : memref<128x8xf32, #tpu.memory_space<vmem>>) target(%dma_start3A_255 : memref<100000x8xf32, #tpu.memory_space<vmem_shared>>) offsets(%dma_start3A_252 : memref<128xi32, #tpu.memory_space<vmem>>) semaphore(%arg11 : memref<!tpu.dma_semaphore, #tpu.memory_space<semaphore_mem>>) {add = true}
      %dma_wait3A_256 = arith.constant 768 : i32
      %dma_wait3A_257 = arith.constant 0 : i32
      %dma_wait3A_258 = tpu.memref_slice %arg8[%dma_wait3A_256, %dma_wait3A_257] : memref<2048x8xf32, #tpu.memory_space<vmem>> -> memref<128x8xf32, #tpu.memory_space<vmem>>
      %dma_wait3A_259 = arith.constant 768 : i32
      %dma_wait3A_260 = tpu.memref_slice %arg6[%dma_wait3A_259] : memref<2048xi32, #tpu.memory_space<vmem>> -> memref<128xi32, #tpu.memory_space<vmem>>
      %dma_wait3A_261 = arith.constant 0 : i32
      %dma_wait3A_262 = arith.constant 0 : i32
      %dma_wait3A_263 = tpu.memref_slice %arg2[%dma_wait3A_261, %dma_wait3A_262] : memref<100000x8xf32, #tpu.memory_space<hbm>> -> memref<100000x8xf32, #tpu.memory_space<hbm>>
      tpu.wait_indirect_dma semaphore(%arg10 : memref<!tpu.dma_semaphore, #tpu.memory_space<semaphore_mem>>) src(%dma_wait3A_263 : memref<100000x8xf32, #tpu.memory_space<hbm>>) dst(%dma_wait3A_258 : memref<128x8xf32, #tpu.memory_space<vmem>>)
      %dma_start3A_264 = arith.constant 768 : i32
      %dma_start3A_265 = arith.constant 0 : i32
      %dma_start3A_266 = tpu.memref_slice %arg8[%dma_start3A_264, %dma_start3A_265] : memref<2048x8xf32, #tpu.memory_space<vmem>> -> memref<128x8xf32, #tpu.memory_space<vmem>>
      %dma_start3A_267 = arith.constant 768 : i32
      %dma_start3A_268 = tpu.memref_slice %arg7[%dma_start3A_267] : memref<2048xi32, #tpu.memory_space<vmem>> -> memref<128xi32, #tpu.memory_space<vmem>>
      %dma_start3A_269 = arith.constant 0 : i32
      %dma_start3A_270 = arith.constant 0 : i32
      %dma_start3A_271 = tpu.memref_slice %arg9[%dma_start3A_269, %dma_start3A_270] : memref<100000x8xf32, #tpu.memory_space<vmem_shared>> -> memref<100000x8xf32, #tpu.memory_space<vmem_shared>>
      tpu.enqueue_indirect_dma source(%dma_start3A_266 : memref<128x8xf32, #tpu.memory_space<vmem>>) target(%dma_start3A_271 : memref<100000x8xf32, #tpu.memory_space<vmem_shared>>) offsets(%dma_start3A_268 : memref<128xi32, #tpu.memory_space<vmem>>) semaphore(%arg11 : memref<!tpu.dma_semaphore, #tpu.memory_space<semaphore_mem>>) {add = true}
      %dma_wait3A_272 = arith.constant 896 : i32
      %dma_wait3A_273 = arith.constant 0 : i32
      %dma_wait3A_274 = tpu.memref_slice %arg8[%dma_wait3A_272, %dma_wait3A_273] : memref<2048x8xf32, #tpu.memory_space<vmem>> -> memref<128x8xf32, #tpu.memory_space<vmem>>
      %dma_wait3A_275 = arith.constant 896 : i32
      %dma_wait3A_276 = tpu.memref_slice %arg6[%dma_wait3A_275] : memref<2048xi32, #tpu.memory_space<vmem>> -> memref<128xi32, #tpu.memory_space<vmem>>
      %dma_wait3A_277 = arith.constant 0 : i32
      %dma_wait3A_278 = arith.constant 0 : i32
      %dma_wait3A_279 = tpu.memref_slice %arg2[%dma_wait3A_277, %dma_wait3A_278] : memref<100000x8xf32, #tpu.memory_space<hbm>> -> memref<100000x8xf32, #tpu.memory_space<hbm>>
      tpu.wait_indirect_dma semaphore(%arg10 : memref<!tpu.dma_semaphore, #tpu.memory_space<semaphore_mem>>) src(%dma_wait3A_279 : memref<100000x8xf32, #tpu.memory_space<hbm>>) dst(%dma_wait3A_274 : memref<128x8xf32, #tpu.memory_space<vmem>>)
      %dma_start3A_280 = arith.constant 896 : i32
      %dma_start3A_281 = arith.constant 0 : i32
      %dma_start3A_282 = tpu.memref_slice %arg8[%dma_start3A_280, %dma_start3A_281] : memref<2048x8xf32, #tpu.memory_space<vmem>> -> memref<128x8xf32, #tpu.memory_space<vmem>>
      %dma_start3A_283 = arith.constant 896 : i32
      %dma_start3A_284 = tpu.memref_slice %arg7[%dma_start3A_283] : memref<2048xi32, #tpu.memory_space<vmem>> -> memref<128xi32, #tpu.memory_space<vmem>>
      %dma_start3A_285 = arith.constant 0 : i32
      %dma_start3A_286 = arith.constant 0 : i32
      %dma_start3A_287 = tpu.memref_slice %arg9[%dma_start3A_285, %dma_start3A_286] : memref<100000x8xf32, #tpu.memory_space<vmem_shared>> -> memref<100000x8xf32, #tpu.memory_space<vmem_shared>>
      tpu.enqueue_indirect_dma source(%dma_start3A_282 : memref<128x8xf32, #tpu.memory_space<vmem>>) target(%dma_start3A_287 : memref<100000x8xf32, #tpu.memory_space<vmem_shared>>) offsets(%dma_start3A_284 : memref<128xi32, #tpu.memory_space<vmem>>) semaphore(%arg11 : memref<!tpu.dma_semaphore, #tpu.memory_space<semaphore_mem>>) {add = true}
      %dma_wait3A_288 = arith.constant 1024 : i32
      %dma_wait3A_289 = arith.constant 0 : i32
      %dma_wait3A_290 = tpu.memref_slice %arg8[%dma_wait3A_288, %dma_wait3A_289] : memref<2048x8xf32, #tpu.memory_space<vmem>> -> memref<128x8xf32, #tpu.memory_space<vmem>>
      %dma_wait3A_291 = arith.constant 1024 : i32
      %dma_wait3A_292 = tpu.memref_slice %arg6[%dma_wait3A_291] : memref<2048xi32, #tpu.memory_space<vmem>> -> memref<128xi32, #tpu.memory_space<vmem>>
      %dma_wait3A_293 = arith.constant 0 : i32
      %dma_wait3A_294 = arith.constant 0 : i32
      %dma_wait3A_295 = tpu.memref_slice %arg2[%dma_wait3A_293, %dma_wait3A_294] : memref<100000x8xf32, #tpu.memory_space<hbm>> -> memref<100000x8xf32, #tpu.memory_space<hbm>>
      tpu.wait_indirect_dma semaphore(%arg10 : memref<!tpu.dma_semaphore, #tpu.memory_space<semaphore_mem>>) src(%dma_wait3A_295 : memref<100000x8xf32, #tpu.memory_space<hbm>>) dst(%dma_wait3A_290 : memref<128x8xf32, #tpu.memory_space<vmem>>)
      %dma_start3A_296 = arith.constant 1024 : i32
      %dma_start3A_297 = arith.constant 0 : i32
      %dma_start3A_298 = tpu.memref_slice %arg8[%dma_start3A_296, %dma_start3A_297] : memref<2048x8xf32, #tpu.memory_space<vmem>> -> memref<128x8xf32, #tpu.memory_space<vmem>>
      %dma_start3A_299 = arith.constant 1024 : i32
      %dma_start3A_300 = tpu.memref_slice %arg7[%dma_start3A_299] : memref<2048xi32, #tpu.memory_space<vmem>> -> memref<128xi32, #tpu.memory_space<vmem>>
      %dma_start3A_301 = arith.constant 0 : i32
      %dma_start3A_302 = arith.constant 0 : i32
      %dma_start3A_303 = tpu.memref_slice %arg9[%dma_start3A_301, %dma_start3A_302] : memref<100000x8xf32, #tpu.memory_space<vmem_shared>> -> memref<100000x8xf32, #tpu.memory_space<vmem_shared>>
      tpu.enqueue_indirect_dma source(%dma_start3A_298 : memref<128x8xf32, #tpu.memory_space<vmem>>) target(%dma_start3A_303 : memref<100000x8xf32, #tpu.memory_space<vmem_shared>>) offsets(%dma_start3A_300 : memref<128xi32, #tpu.memory_space<vmem>>) semaphore(%arg11 : memref<!tpu.dma_semaphore, #tpu.memory_space<semaphore_mem>>) {add = true}
      %dma_wait3A_304 = arith.constant 1152 : i32
      %dma_wait3A_305 = arith.constant 0 : i32
      %dma_wait3A_306 = tpu.memref_slice %arg8[%dma_wait3A_304, %dma_wait3A_305] : memref<2048x8xf32, #tpu.memory_space<vmem>> -> memref<128x8xf32, #tpu.memory_space<vmem>>
      %dma_wait3A_307 = arith.constant 1152 : i32
      %dma_wait3A_308 = tpu.memref_slice %arg6[%dma_wait3A_307] : memref<2048xi32, #tpu.memory_space<vmem>> -> memref<128xi32, #tpu.memory_space<vmem>>
      %dma_wait3A_309 = arith.constant 0 : i32
      %dma_wait3A_310 = arith.constant 0 : i32
      %dma_wait3A_311 = tpu.memref_slice %arg2[%dma_wait3A_309, %dma_wait3A_310] : memref<100000x8xf32, #tpu.memory_space<hbm>> -> memref<100000x8xf32, #tpu.memory_space<hbm>>
      tpu.wait_indirect_dma semaphore(%arg10 : memref<!tpu.dma_semaphore, #tpu.memory_space<semaphore_mem>>) src(%dma_wait3A_311 : memref<100000x8xf32, #tpu.memory_space<hbm>>) dst(%dma_wait3A_306 : memref<128x8xf32, #tpu.memory_space<vmem>>)
      %dma_start3A_312 = arith.constant 1152 : i32
      %dma_start3A_313 = arith.constant 0 : i32
      %dma_start3A_314 = tpu.memref_slice %arg8[%dma_start3A_312, %dma_start3A_313] : memref<2048x8xf32, #tpu.memory_space<vmem>> -> memref<128x8xf32, #tpu.memory_space<vmem>>
      %dma_start3A_315 = arith.constant 1152 : i32
      %dma_start3A_316 = tpu.memref_slice %arg7[%dma_start3A_315] : memref<2048xi32, #tpu.memory_space<vmem>> -> memref<128xi32, #tpu.memory_space<vmem>>
      %dma_start3A_317 = arith.constant 0 : i32
      %dma_start3A_318 = arith.constant 0 : i32
      %dma_start3A_319 = tpu.memref_slice %arg9[%dma_start3A_317, %dma_start3A_318] : memref<100000x8xf32, #tpu.memory_space<vmem_shared>> -> memref<100000x8xf32, #tpu.memory_space<vmem_shared>>
      tpu.enqueue_indirect_dma source(%dma_start3A_314 : memref<128x8xf32, #tpu.memory_space<vmem>>) target(%dma_start3A_319 : memref<100000x8xf32, #tpu.memory_space<vmem_shared>>) offsets(%dma_start3A_316 : memref<128xi32, #tpu.memory_space<vmem>>) semaphore(%arg11 : memref<!tpu.dma_semaphore, #tpu.memory_space<semaphore_mem>>) {add = true}
      %dma_wait3A_320 = arith.constant 1280 : i32
      %dma_wait3A_321 = arith.constant 0 : i32
      %dma_wait3A_322 = tpu.memref_slice %arg8[%dma_wait3A_320, %dma_wait3A_321] : memref<2048x8xf32, #tpu.memory_space<vmem>> -> memref<128x8xf32, #tpu.memory_space<vmem>>
      %dma_wait3A_323 = arith.constant 1280 : i32
      %dma_wait3A_324 = tpu.memref_slice %arg6[%dma_wait3A_323] : memref<2048xi32, #tpu.memory_space<vmem>> -> memref<128xi32, #tpu.memory_space<vmem>>
      %dma_wait3A_325 = arith.constant 0 : i32
      %dma_wait3A_326 = arith.constant 0 : i32
      %dma_wait3A_327 = tpu.memref_slice %arg2[%dma_wait3A_325, %dma_wait3A_326] : memref<100000x8xf32, #tpu.memory_space<hbm>> -> memref<100000x8xf32, #tpu.memory_space<hbm>>
      tpu.wait_indirect_dma semaphore(%arg10 : memref<!tpu.dma_semaphore, #tpu.memory_space<semaphore_mem>>) src(%dma_wait3A_327 : memref<100000x8xf32, #tpu.memory_space<hbm>>) dst(%dma_wait3A_322 : memref<128x8xf32, #tpu.memory_space<vmem>>)
      %dma_start3A_328 = arith.constant 1280 : i32
      %dma_start3A_329 = arith.constant 0 : i32
      %dma_start3A_330 = tpu.memref_slice %arg8[%dma_start3A_328, %dma_start3A_329] : memref<2048x8xf32, #tpu.memory_space<vmem>> -> memref<128x8xf32, #tpu.memory_space<vmem>>
      %dma_start3A_331 = arith.constant 1280 : i32
      %dma_start3A_332 = tpu.memref_slice %arg7[%dma_start3A_331] : memref<2048xi32, #tpu.memory_space<vmem>> -> memref<128xi32, #tpu.memory_space<vmem>>
      %dma_start3A_333 = arith.constant 0 : i32
      %dma_start3A_334 = arith.constant 0 : i32
      %dma_start3A_335 = tpu.memref_slice %arg9[%dma_start3A_333, %dma_start3A_334] : memref<100000x8xf32, #tpu.memory_space<vmem_shared>> -> memref<100000x8xf32, #tpu.memory_space<vmem_shared>>
      tpu.enqueue_indirect_dma source(%dma_start3A_330 : memref<128x8xf32, #tpu.memory_space<vmem>>) target(%dma_start3A_335 : memref<100000x8xf32, #tpu.memory_space<vmem_shared>>) offsets(%dma_start3A_332 : memref<128xi32, #tpu.memory_space<vmem>>) semaphore(%arg11 : memref<!tpu.dma_semaphore, #tpu.memory_space<semaphore_mem>>) {add = true}
      %dma_wait3A_336 = arith.constant 1408 : i32
      %dma_wait3A_337 = arith.constant 0 : i32
      %dma_wait3A_338 = tpu.memref_slice %arg8[%dma_wait3A_336, %dma_wait3A_337] : memref<2048x8xf32, #tpu.memory_space<vmem>> -> memref<128x8xf32, #tpu.memory_space<vmem>>
      %dma_wait3A_339 = arith.constant 1408 : i32
      %dma_wait3A_340 = tpu.memref_slice %arg6[%dma_wait3A_339] : memref<2048xi32, #tpu.memory_space<vmem>> -> memref<128xi32, #tpu.memory_space<vmem>>
      %dma_wait3A_341 = arith.constant 0 : i32
      %dma_wait3A_342 = arith.constant 0 : i32
      %dma_wait3A_343 = tpu.memref_slice %arg2[%dma_wait3A_341, %dma_wait3A_342] : memref<100000x8xf32, #tpu.memory_space<hbm>> -> memref<100000x8xf32, #tpu.memory_space<hbm>>
      tpu.wait_indirect_dma semaphore(%arg10 : memref<!tpu.dma_semaphore, #tpu.memory_space<semaphore_mem>>) src(%dma_wait3A_343 : memref<100000x8xf32, #tpu.memory_space<hbm>>) dst(%dma_wait3A_338 : memref<128x8xf32, #tpu.memory_space<vmem>>)
      %dma_start3A_344 = arith.constant 1408 : i32
      %dma_start3A_345 = arith.constant 0 : i32
      %dma_start3A_346 = tpu.memref_slice %arg8[%dma_start3A_344, %dma_start3A_345] : memref<2048x8xf32, #tpu.memory_space<vmem>> -> memref<128x8xf32, #tpu.memory_space<vmem>>
      %dma_start3A_347 = arith.constant 1408 : i32
      %dma_start3A_348 = tpu.memref_slice %arg7[%dma_start3A_347] : memref<2048xi32, #tpu.memory_space<vmem>> -> memref<128xi32, #tpu.memory_space<vmem>>
      %dma_start3A_349 = arith.constant 0 : i32
      %dma_start3A_350 = arith.constant 0 : i32
      %dma_start3A_351 = tpu.memref_slice %arg9[%dma_start3A_349, %dma_start3A_350] : memref<100000x8xf32, #tpu.memory_space<vmem_shared>> -> memref<100000x8xf32, #tpu.memory_space<vmem_shared>>
      tpu.enqueue_indirect_dma source(%dma_start3A_346 : memref<128x8xf32, #tpu.memory_space<vmem>>) target(%dma_start3A_351 : memref<100000x8xf32, #tpu.memory_space<vmem_shared>>) offsets(%dma_start3A_348 : memref<128xi32, #tpu.memory_space<vmem>>) semaphore(%arg11 : memref<!tpu.dma_semaphore, #tpu.memory_space<semaphore_mem>>) {add = true}
      %dma_wait3A_352 = arith.constant 1536 : i32
      %dma_wait3A_353 = arith.constant 0 : i32
      %dma_wait3A_354 = tpu.memref_slice %arg8[%dma_wait3A_352, %dma_wait3A_353] : memref<2048x8xf32, #tpu.memory_space<vmem>> -> memref<128x8xf32, #tpu.memory_space<vmem>>
      %dma_wait3A_355 = arith.constant 1536 : i32
      %dma_wait3A_356 = tpu.memref_slice %arg6[%dma_wait3A_355] : memref<2048xi32, #tpu.memory_space<vmem>> -> memref<128xi32, #tpu.memory_space<vmem>>
      %dma_wait3A_357 = arith.constant 0 : i32
      %dma_wait3A_358 = arith.constant 0 : i32
      %dma_wait3A_359 = tpu.memref_slice %arg2[%dma_wait3A_357, %dma_wait3A_358] : memref<100000x8xf32, #tpu.memory_space<hbm>> -> memref<100000x8xf32, #tpu.memory_space<hbm>>
      tpu.wait_indirect_dma semaphore(%arg10 : memref<!tpu.dma_semaphore, #tpu.memory_space<semaphore_mem>>) src(%dma_wait3A_359 : memref<100000x8xf32, #tpu.memory_space<hbm>>) dst(%dma_wait3A_354 : memref<128x8xf32, #tpu.memory_space<vmem>>)
      %dma_start3A_360 = arith.constant 1536 : i32
      %dma_start3A_361 = arith.constant 0 : i32
      %dma_start3A_362 = tpu.memref_slice %arg8[%dma_start3A_360, %dma_start3A_361] : memref<2048x8xf32, #tpu.memory_space<vmem>> -> memref<128x8xf32, #tpu.memory_space<vmem>>
      %dma_start3A_363 = arith.constant 1536 : i32
      %dma_start3A_364 = tpu.memref_slice %arg7[%dma_start3A_363] : memref<2048xi32, #tpu.memory_space<vmem>> -> memref<128xi32, #tpu.memory_space<vmem>>
      %dma_start3A_365 = arith.constant 0 : i32
      %dma_start3A_366 = arith.constant 0 : i32
      %dma_start3A_367 = tpu.memref_slice %arg9[%dma_start3A_365, %dma_start3A_366] : memref<100000x8xf32, #tpu.memory_space<vmem_shared>> -> memref<100000x8xf32, #tpu.memory_space<vmem_shared>>
      tpu.enqueue_indirect_dma source(%dma_start3A_362 : memref<128x8xf32, #tpu.memory_space<vmem>>) target(%dma_start3A_367 : memref<100000x8xf32, #tpu.memory_space<vmem_shared>>) offsets(%dma_start3A_364 : memref<128xi32, #tpu.memory_space<vmem>>) semaphore(%arg11 : memref<!tpu.dma_semaphore, #tpu.memory_space<semaphore_mem>>) {add = true}
      %dma_wait3A_368 = arith.constant 1664 : i32
      %dma_wait3A_369 = arith.constant 0 : i32
      %dma_wait3A_370 = tpu.memref_slice %arg8[%dma_wait3A_368, %dma_wait3A_369] : memref<2048x8xf32, #tpu.memory_space<vmem>> -> memref<128x8xf32, #tpu.memory_space<vmem>>
      %dma_wait3A_371 = arith.constant 1664 : i32
      %dma_wait3A_372 = tpu.memref_slice %arg6[%dma_wait3A_371] : memref<2048xi32, #tpu.memory_space<vmem>> -> memref<128xi32, #tpu.memory_space<vmem>>
      %dma_wait3A_373 = arith.constant 0 : i32
      %dma_wait3A_374 = arith.constant 0 : i32
      %dma_wait3A_375 = tpu.memref_slice %arg2[%dma_wait3A_373, %dma_wait3A_374] : memref<100000x8xf32, #tpu.memory_space<hbm>> -> memref<100000x8xf32, #tpu.memory_space<hbm>>
      tpu.wait_indirect_dma semaphore(%arg10 : memref<!tpu.dma_semaphore, #tpu.memory_space<semaphore_mem>>) src(%dma_wait3A_375 : memref<100000x8xf32, #tpu.memory_space<hbm>>) dst(%dma_wait3A_370 : memref<128x8xf32, #tpu.memory_space<vmem>>)
      %dma_start3A_376 = arith.constant 1664 : i32
      %dma_start3A_377 = arith.constant 0 : i32
      %dma_start3A_378 = tpu.memref_slice %arg8[%dma_start3A_376, %dma_start3A_377] : memref<2048x8xf32, #tpu.memory_space<vmem>> -> memref<128x8xf32, #tpu.memory_space<vmem>>
      %dma_start3A_379 = arith.constant 1664 : i32
      %dma_start3A_380 = tpu.memref_slice %arg7[%dma_start3A_379] : memref<2048xi32, #tpu.memory_space<vmem>> -> memref<128xi32, #tpu.memory_space<vmem>>
      %dma_start3A_381 = arith.constant 0 : i32
      %dma_start3A_382 = arith.constant 0 : i32
      %dma_start3A_383 = tpu.memref_slice %arg9[%dma_start3A_381, %dma_start3A_382] : memref<100000x8xf32, #tpu.memory_space<vmem_shared>> -> memref<100000x8xf32, #tpu.memory_space<vmem_shared>>
      tpu.enqueue_indirect_dma source(%dma_start3A_378 : memref<128x8xf32, #tpu.memory_space<vmem>>) target(%dma_start3A_383 : memref<100000x8xf32, #tpu.memory_space<vmem_shared>>) offsets(%dma_start3A_380 : memref<128xi32, #tpu.memory_space<vmem>>) semaphore(%arg11 : memref<!tpu.dma_semaphore, #tpu.memory_space<semaphore_mem>>) {add = true}
      %dma_wait3A_384 = arith.constant 1792 : i32
      %dma_wait3A_385 = arith.constant 0 : i32
      %dma_wait3A_386 = tpu.memref_slice %arg8[%dma_wait3A_384, %dma_wait3A_385] : memref<2048x8xf32, #tpu.memory_space<vmem>> -> memref<128x8xf32, #tpu.memory_space<vmem>>
      %dma_wait3A_387 = arith.constant 1792 : i32
      %dma_wait3A_388 = tpu.memref_slice %arg6[%dma_wait3A_387] : memref<2048xi32, #tpu.memory_space<vmem>> -> memref<128xi32, #tpu.memory_space<vmem>>
      %dma_wait3A_389 = arith.constant 0 : i32
      %dma_wait3A_390 = arith.constant 0 : i32
      %dma_wait3A_391 = tpu.memref_slice %arg2[%dma_wait3A_389, %dma_wait3A_390] : memref<100000x8xf32, #tpu.memory_space<hbm>> -> memref<100000x8xf32, #tpu.memory_space<hbm>>
      tpu.wait_indirect_dma semaphore(%arg10 : memref<!tpu.dma_semaphore, #tpu.memory_space<semaphore_mem>>) src(%dma_wait3A_391 : memref<100000x8xf32, #tpu.memory_space<hbm>>) dst(%dma_wait3A_386 : memref<128x8xf32, #tpu.memory_space<vmem>>)
      %dma_start3A_392 = arith.constant 1792 : i32
      %dma_start3A_393 = arith.constant 0 : i32
      %dma_start3A_394 = tpu.memref_slice %arg8[%dma_start3A_392, %dma_start3A_393] : memref<2048x8xf32, #tpu.memory_space<vmem>> -> memref<128x8xf32, #tpu.memory_space<vmem>>
      %dma_start3A_395 = arith.constant 1792 : i32
      %dma_start3A_396 = tpu.memref_slice %arg7[%dma_start3A_395] : memref<2048xi32, #tpu.memory_space<vmem>> -> memref<128xi32, #tpu.memory_space<vmem>>
      %dma_start3A_397 = arith.constant 0 : i32
      %dma_start3A_398 = arith.constant 0 : i32
      %dma_start3A_399 = tpu.memref_slice %arg9[%dma_start3A_397, %dma_start3A_398] : memref<100000x8xf32, #tpu.memory_space<vmem_shared>> -> memref<100000x8xf32, #tpu.memory_space<vmem_shared>>
      tpu.enqueue_indirect_dma source(%dma_start3A_394 : memref<128x8xf32, #tpu.memory_space<vmem>>) target(%dma_start3A_399 : memref<100000x8xf32, #tpu.memory_space<vmem_shared>>) offsets(%dma_start3A_396 : memref<128xi32, #tpu.memory_space<vmem>>) semaphore(%arg11 : memref<!tpu.dma_semaphore, #tpu.memory_space<semaphore_mem>>) {add = true}
      %dma_wait3A_400 = arith.constant 1920 : i32
      %dma_wait3A_401 = arith.constant 0 : i32
      %dma_wait3A_402 = tpu.memref_slice %arg8[%dma_wait3A_400, %dma_wait3A_401] : memref<2048x8xf32, #tpu.memory_space<vmem>> -> memref<128x8xf32, #tpu.memory_space<vmem>>
      %dma_wait3A_403 = arith.constant 1920 : i32
      %dma_wait3A_404 = tpu.memref_slice %arg6[%dma_wait3A_403] : memref<2048xi32, #tpu.memory_space<vmem>> -> memref<128xi32, #tpu.memory_space<vmem>>
      %dma_wait3A_405 = arith.constant 0 : i32
      %dma_wait3A_406 = arith.constant 0 : i32
      %dma_wait3A_407 = tpu.memref_slice %arg2[%dma_wait3A_405, %dma_wait3A_406] : memref<100000x8xf32, #tpu.memory_space<hbm>> -> memref<100000x8xf32, #tpu.memory_space<hbm>>
      tpu.wait_indirect_dma semaphore(%arg10 : memref<!tpu.dma_semaphore, #tpu.memory_space<semaphore_mem>>) src(%dma_wait3A_407 : memref<100000x8xf32, #tpu.memory_space<hbm>>) dst(%dma_wait3A_402 : memref<128x8xf32, #tpu.memory_space<vmem>>)
      %dma_start3A_408 = arith.constant 1920 : i32
      %dma_start3A_409 = arith.constant 0 : i32
      %dma_start3A_410 = tpu.memref_slice %arg8[%dma_start3A_408, %dma_start3A_409] : memref<2048x8xf32, #tpu.memory_space<vmem>> -> memref<128x8xf32, #tpu.memory_space<vmem>>
      %dma_start3A_411 = arith.constant 1920 : i32
      %dma_start3A_412 = tpu.memref_slice %arg7[%dma_start3A_411] : memref<2048xi32, #tpu.memory_space<vmem>> -> memref<128xi32, #tpu.memory_space<vmem>>
      %dma_start3A_413 = arith.constant 0 : i32
      %dma_start3A_414 = arith.constant 0 : i32
      %dma_start3A_415 = tpu.memref_slice %arg9[%dma_start3A_413, %dma_start3A_414] : memref<100000x8xf32, #tpu.memory_space<vmem_shared>> -> memref<100000x8xf32, #tpu.memory_space<vmem_shared>>
      tpu.enqueue_indirect_dma source(%dma_start3A_410 : memref<128x8xf32, #tpu.memory_space<vmem>>) target(%dma_start3A_415 : memref<100000x8xf32, #tpu.memory_space<vmem_shared>>) offsets(%dma_start3A_412 : memref<128xi32, #tpu.memory_space<vmem>>) semaphore(%arg11 : memref<!tpu.dma_semaphore, #tpu.memory_space<semaphore_mem>>) {add = true}
      %dma_wait3A_416 = arith.constant 0 : i32
      %dma_wait3A_417 = arith.constant 0 : i32
      %dma_wait3A_418 = tpu.memref_slice %arg8[%dma_wait3A_416, %dma_wait3A_417] : memref<2048x8xf32, #tpu.memory_space<vmem>> -> memref<128x8xf32, #tpu.memory_space<vmem>>
      %dma_wait3A_419 = arith.constant 0 : i32
      %dma_wait3A_420 = tpu.memref_slice %arg7[%dma_wait3A_419] : memref<2048xi32, #tpu.memory_space<vmem>> -> memref<128xi32, #tpu.memory_space<vmem>>
      %dma_wait3A_421 = arith.constant 0 : i32
      %dma_wait3A_422 = arith.constant 0 : i32
      %dma_wait3A_423 = tpu.memref_slice %arg9[%dma_wait3A_421, %dma_wait3A_422] : memref<100000x8xf32, #tpu.memory_space<vmem_shared>> -> memref<100000x8xf32, #tpu.memory_space<vmem_shared>>
      tpu.wait_indirect_dma semaphore(%arg11 : memref<!tpu.dma_semaphore, #tpu.memory_space<semaphore_mem>>) src(%dma_wait3A_418 : memref<128x8xf32, #tpu.memory_space<vmem>>) dst(%dma_wait3A_423 : memref<100000x8xf32, #tpu.memory_space<vmem_shared>>)
      %dma_wait3A_424 = arith.constant 128 : i32
      %dma_wait3A_425 = arith.constant 0 : i32
      %dma_wait3A_426 = tpu.memref_slice %arg8[%dma_wait3A_424, %dma_wait3A_425] : memref<2048x8xf32, #tpu.memory_space<vmem>> -> memref<128x8xf32, #tpu.memory_space<vmem>>
      %dma_wait3A_427 = arith.constant 128 : i32
      %dma_wait3A_428 = tpu.memref_slice %arg7[%dma_wait3A_427] : memref<2048xi32, #tpu.memory_space<vmem>> -> memref<128xi32, #tpu.memory_space<vmem>>
      %dma_wait3A_429 = arith.constant 0 : i32
      %dma_wait3A_430 = arith.constant 0 : i32
      %dma_wait3A_431 = tpu.memref_slice %arg9[%dma_wait3A_429, %dma_wait3A_430] : memref<100000x8xf32, #tpu.memory_space<vmem_shared>> -> memref<100000x8xf32, #tpu.memory_space<vmem_shared>>
      tpu.wait_indirect_dma semaphore(%arg11 : memref<!tpu.dma_semaphore, #tpu.memory_space<semaphore_mem>>) src(%dma_wait3A_426 : memref<128x8xf32, #tpu.memory_space<vmem>>) dst(%dma_wait3A_431 : memref<100000x8xf32, #tpu.memory_space<vmem_shared>>)
      %dma_wait3A_432 = arith.constant 256 : i32
      %dma_wait3A_433 = arith.constant 0 : i32
      %dma_wait3A_434 = tpu.memref_slice %arg8[%dma_wait3A_432, %dma_wait3A_433] : memref<2048x8xf32, #tpu.memory_space<vmem>> -> memref<128x8xf32, #tpu.memory_space<vmem>>
      %dma_wait3A_435 = arith.constant 256 : i32
      %dma_wait3A_436 = tpu.memref_slice %arg7[%dma_wait3A_435] : memref<2048xi32, #tpu.memory_space<vmem>> -> memref<128xi32, #tpu.memory_space<vmem>>
      %dma_wait3A_437 = arith.constant 0 : i32
      %dma_wait3A_438 = arith.constant 0 : i32
      %dma_wait3A_439 = tpu.memref_slice %arg9[%dma_wait3A_437, %dma_wait3A_438] : memref<100000x8xf32, #tpu.memory_space<vmem_shared>> -> memref<100000x8xf32, #tpu.memory_space<vmem_shared>>
      tpu.wait_indirect_dma semaphore(%arg11 : memref<!tpu.dma_semaphore, #tpu.memory_space<semaphore_mem>>) src(%dma_wait3A_434 : memref<128x8xf32, #tpu.memory_space<vmem>>) dst(%dma_wait3A_439 : memref<100000x8xf32, #tpu.memory_space<vmem_shared>>)
      %dma_wait3A_440 = arith.constant 384 : i32
      %dma_wait3A_441 = arith.constant 0 : i32
      %dma_wait3A_442 = tpu.memref_slice %arg8[%dma_wait3A_440, %dma_wait3A_441] : memref<2048x8xf32, #tpu.memory_space<vmem>> -> memref<128x8xf32, #tpu.memory_space<vmem>>
      %dma_wait3A_443 = arith.constant 384 : i32
      %dma_wait3A_444 = tpu.memref_slice %arg7[%dma_wait3A_443] : memref<2048xi32, #tpu.memory_space<vmem>> -> memref<128xi32, #tpu.memory_space<vmem>>
      %dma_wait3A_445 = arith.constant 0 : i32
      %dma_wait3A_446 = arith.constant 0 : i32
      %dma_wait3A_447 = tpu.memref_slice %arg9[%dma_wait3A_445, %dma_wait3A_446] : memref<100000x8xf32, #tpu.memory_space<vmem_shared>> -> memref<100000x8xf32, #tpu.memory_space<vmem_shared>>
      tpu.wait_indirect_dma semaphore(%arg11 : memref<!tpu.dma_semaphore, #tpu.memory_space<semaphore_mem>>) src(%dma_wait3A_442 : memref<128x8xf32, #tpu.memory_space<vmem>>) dst(%dma_wait3A_447 : memref<100000x8xf32, #tpu.memory_space<vmem_shared>>)
      %dma_wait3A_448 = arith.constant 512 : i32
      %dma_wait3A_449 = arith.constant 0 : i32
      %dma_wait3A_450 = tpu.memref_slice %arg8[%dma_wait3A_448, %dma_wait3A_449] : memref<2048x8xf32, #tpu.memory_space<vmem>> -> memref<128x8xf32, #tpu.memory_space<vmem>>
      %dma_wait3A_451 = arith.constant 512 : i32
      %dma_wait3A_452 = tpu.memref_slice %arg7[%dma_wait3A_451] : memref<2048xi32, #tpu.memory_space<vmem>> -> memref<128xi32, #tpu.memory_space<vmem>>
      %dma_wait3A_453 = arith.constant 0 : i32
      %dma_wait3A_454 = arith.constant 0 : i32
      %dma_wait3A_455 = tpu.memref_slice %arg9[%dma_wait3A_453, %dma_wait3A_454] : memref<100000x8xf32, #tpu.memory_space<vmem_shared>> -> memref<100000x8xf32, #tpu.memory_space<vmem_shared>>
      tpu.wait_indirect_dma semaphore(%arg11 : memref<!tpu.dma_semaphore, #tpu.memory_space<semaphore_mem>>) src(%dma_wait3A_450 : memref<128x8xf32, #tpu.memory_space<vmem>>) dst(%dma_wait3A_455 : memref<100000x8xf32, #tpu.memory_space<vmem_shared>>)
      %dma_wait3A_456 = arith.constant 640 : i32
      %dma_wait3A_457 = arith.constant 0 : i32
      %dma_wait3A_458 = tpu.memref_slice %arg8[%dma_wait3A_456, %dma_wait3A_457] : memref<2048x8xf32, #tpu.memory_space<vmem>> -> memref<128x8xf32, #tpu.memory_space<vmem>>
      %dma_wait3A_459 = arith.constant 640 : i32
      %dma_wait3A_460 = tpu.memref_slice %arg7[%dma_wait3A_459] : memref<2048xi32, #tpu.memory_space<vmem>> -> memref<128xi32, #tpu.memory_space<vmem>>
      %dma_wait3A_461 = arith.constant 0 : i32
      %dma_wait3A_462 = arith.constant 0 : i32
      %dma_wait3A_463 = tpu.memref_slice %arg9[%dma_wait3A_461, %dma_wait3A_462] : memref<100000x8xf32, #tpu.memory_space<vmem_shared>> -> memref<100000x8xf32, #tpu.memory_space<vmem_shared>>
      tpu.wait_indirect_dma semaphore(%arg11 : memref<!tpu.dma_semaphore, #tpu.memory_space<semaphore_mem>>) src(%dma_wait3A_458 : memref<128x8xf32, #tpu.memory_space<vmem>>) dst(%dma_wait3A_463 : memref<100000x8xf32, #tpu.memory_space<vmem_shared>>)
      %dma_wait3A_464 = arith.constant 768 : i32
      %dma_wait3A_465 = arith.constant 0 : i32
      %dma_wait3A_466 = tpu.memref_slice %arg8[%dma_wait3A_464, %dma_wait3A_465] : memref<2048x8xf32, #tpu.memory_space<vmem>> -> memref<128x8xf32, #tpu.memory_space<vmem>>
      %dma_wait3A_467 = arith.constant 768 : i32
      %dma_wait3A_468 = tpu.memref_slice %arg7[%dma_wait3A_467] : memref<2048xi32, #tpu.memory_space<vmem>> -> memref<128xi32, #tpu.memory_space<vmem>>
      %dma_wait3A_469 = arith.constant 0 : i32
      %dma_wait3A_470 = arith.constant 0 : i32
      %dma_wait3A_471 = tpu.memref_slice %arg9[%dma_wait3A_469, %dma_wait3A_470] : memref<100000x8xf32, #tpu.memory_space<vmem_shared>> -> memref<100000x8xf32, #tpu.memory_space<vmem_shared>>
      tpu.wait_indirect_dma semaphore(%arg11 : memref<!tpu.dma_semaphore, #tpu.memory_space<semaphore_mem>>) src(%dma_wait3A_466 : memref<128x8xf32, #tpu.memory_space<vmem>>) dst(%dma_wait3A_471 : memref<100000x8xf32, #tpu.memory_space<vmem_shared>>)
      %dma_wait3A_472 = arith.constant 896 : i32
      %dma_wait3A_473 = arith.constant 0 : i32
      %dma_wait3A_474 = tpu.memref_slice %arg8[%dma_wait3A_472, %dma_wait3A_473] : memref<2048x8xf32, #tpu.memory_space<vmem>> -> memref<128x8xf32, #tpu.memory_space<vmem>>
      %dma_wait3A_475 = arith.constant 896 : i32
      %dma_wait3A_476 = tpu.memref_slice %arg7[%dma_wait3A_475] : memref<2048xi32, #tpu.memory_space<vmem>> -> memref<128xi32, #tpu.memory_space<vmem>>
      %dma_wait3A_477 = arith.constant 0 : i32
      %dma_wait3A_478 = arith.constant 0 : i32
      %dma_wait3A_479 = tpu.memref_slice %arg9[%dma_wait3A_477, %dma_wait3A_478] : memref<100000x8xf32, #tpu.memory_space<vmem_shared>> -> memref<100000x8xf32, #tpu.memory_space<vmem_shared>>
      tpu.wait_indirect_dma semaphore(%arg11 : memref<!tpu.dma_semaphore, #tpu.memory_space<semaphore_mem>>) src(%dma_wait3A_474 : memref<128x8xf32, #tpu.memory_space<vmem>>) dst(%dma_wait3A_479 : memref<100000x8xf32, #tpu.memory_space<vmem_shared>>)
      %dma_wait3A_480 = arith.constant 1024 : i32
      %dma_wait3A_481 = arith.constant 0 : i32
      %dma_wait3A_482 = tpu.memref_slice %arg8[%dma_wait3A_480, %dma_wait3A_481] : memref<2048x8xf32, #tpu.memory_space<vmem>> -> memref<128x8xf32, #tpu.memory_space<vmem>>
      %dma_wait3A_483 = arith.constant 1024 : i32
      %dma_wait3A_484 = tpu.memref_slice %arg7[%dma_wait3A_483] : memref<2048xi32, #tpu.memory_space<vmem>> -> memref<128xi32, #tpu.memory_space<vmem>>
      %dma_wait3A_485 = arith.constant 0 : i32
      %dma_wait3A_486 = arith.constant 0 : i32
      %dma_wait3A_487 = tpu.memref_slice %arg9[%dma_wait3A_485, %dma_wait3A_486] : memref<100000x8xf32, #tpu.memory_space<vmem_shared>> -> memref<100000x8xf32, #tpu.memory_space<vmem_shared>>
      tpu.wait_indirect_dma semaphore(%arg11 : memref<!tpu.dma_semaphore, #tpu.memory_space<semaphore_mem>>) src(%dma_wait3A_482 : memref<128x8xf32, #tpu.memory_space<vmem>>) dst(%dma_wait3A_487 : memref<100000x8xf32, #tpu.memory_space<vmem_shared>>)
      %dma_wait3A_488 = arith.constant 1152 : i32
      %dma_wait3A_489 = arith.constant 0 : i32
      %dma_wait3A_490 = tpu.memref_slice %arg8[%dma_wait3A_488, %dma_wait3A_489] : memref<2048x8xf32, #tpu.memory_space<vmem>> -> memref<128x8xf32, #tpu.memory_space<vmem>>
      %dma_wait3A_491 = arith.constant 1152 : i32
      %dma_wait3A_492 = tpu.memref_slice %arg7[%dma_wait3A_491] : memref<2048xi32, #tpu.memory_space<vmem>> -> memref<128xi32, #tpu.memory_space<vmem>>
      %dma_wait3A_493 = arith.constant 0 : i32
      %dma_wait3A_494 = arith.constant 0 : i32
      %dma_wait3A_495 = tpu.memref_slice %arg9[%dma_wait3A_493, %dma_wait3A_494] : memref<100000x8xf32, #tpu.memory_space<vmem_shared>> -> memref<100000x8xf32, #tpu.memory_space<vmem_shared>>
      tpu.wait_indirect_dma semaphore(%arg11 : memref<!tpu.dma_semaphore, #tpu.memory_space<semaphore_mem>>) src(%dma_wait3A_490 : memref<128x8xf32, #tpu.memory_space<vmem>>) dst(%dma_wait3A_495 : memref<100000x8xf32, #tpu.memory_space<vmem_shared>>)
      %dma_wait3A_496 = arith.constant 1280 : i32
      %dma_wait3A_497 = arith.constant 0 : i32
      %dma_wait3A_498 = tpu.memref_slice %arg8[%dma_wait3A_496, %dma_wait3A_497] : memref<2048x8xf32, #tpu.memory_space<vmem>> -> memref<128x8xf32, #tpu.memory_space<vmem>>
      %dma_wait3A_499 = arith.constant 1280 : i32
      %dma_wait3A_500 = tpu.memref_slice %arg7[%dma_wait3A_499] : memref<2048xi32, #tpu.memory_space<vmem>> -> memref<128xi32, #tpu.memory_space<vmem>>
      %dma_wait3A_501 = arith.constant 0 : i32
      %dma_wait3A_502 = arith.constant 0 : i32
      %dma_wait3A_503 = tpu.memref_slice %arg9[%dma_wait3A_501, %dma_wait3A_502] : memref<100000x8xf32, #tpu.memory_space<vmem_shared>> -> memref<100000x8xf32, #tpu.memory_space<vmem_shared>>
      tpu.wait_indirect_dma semaphore(%arg11 : memref<!tpu.dma_semaphore, #tpu.memory_space<semaphore_mem>>) src(%dma_wait3A_498 : memref<128x8xf32, #tpu.memory_space<vmem>>) dst(%dma_wait3A_503 : memref<100000x8xf32, #tpu.memory_space<vmem_shared>>)
      %dma_wait3A_504 = arith.constant 1408 : i32
      %dma_wait3A_505 = arith.constant 0 : i32
      %dma_wait3A_506 = tpu.memref_slice %arg8[%dma_wait3A_504, %dma_wait3A_505] : memref<2048x8xf32, #tpu.memory_space<vmem>> -> memref<128x8xf32, #tpu.memory_space<vmem>>
      %dma_wait3A_507 = arith.constant 1408 : i32
      %dma_wait3A_508 = tpu.memref_slice %arg7[%dma_wait3A_507] : memref<2048xi32, #tpu.memory_space<vmem>> -> memref<128xi32, #tpu.memory_space<vmem>>
      %dma_wait3A_509 = arith.constant 0 : i32
      %dma_wait3A_510 = arith.constant 0 : i32
      %dma_wait3A_511 = tpu.memref_slice %arg9[%dma_wait3A_509, %dma_wait3A_510] : memref<100000x8xf32, #tpu.memory_space<vmem_shared>> -> memref<100000x8xf32, #tpu.memory_space<vmem_shared>>
      tpu.wait_indirect_dma semaphore(%arg11 : memref<!tpu.dma_semaphore, #tpu.memory_space<semaphore_mem>>) src(%dma_wait3A_506 : memref<128x8xf32, #tpu.memory_space<vmem>>) dst(%dma_wait3A_511 : memref<100000x8xf32, #tpu.memory_space<vmem_shared>>)
      %dma_wait3A_512 = arith.constant 1536 : i32
      %dma_wait3A_513 = arith.constant 0 : i32
      %dma_wait3A_514 = tpu.memref_slice %arg8[%dma_wait3A_512, %dma_wait3A_513] : memref<2048x8xf32, #tpu.memory_space<vmem>> -> memref<128x8xf32, #tpu.memory_space<vmem>>
      %dma_wait3A_515 = arith.constant 1536 : i32
      %dma_wait3A_516 = tpu.memref_slice %arg7[%dma_wait3A_515] : memref<2048xi32, #tpu.memory_space<vmem>> -> memref<128xi32, #tpu.memory_space<vmem>>
      %dma_wait3A_517 = arith.constant 0 : i32
      %dma_wait3A_518 = arith.constant 0 : i32
      %dma_wait3A_519 = tpu.memref_slice %arg9[%dma_wait3A_517, %dma_wait3A_518] : memref<100000x8xf32, #tpu.memory_space<vmem_shared>> -> memref<100000x8xf32, #tpu.memory_space<vmem_shared>>
      tpu.wait_indirect_dma semaphore(%arg11 : memref<!tpu.dma_semaphore, #tpu.memory_space<semaphore_mem>>) src(%dma_wait3A_514 : memref<128x8xf32, #tpu.memory_space<vmem>>) dst(%dma_wait3A_519 : memref<100000x8xf32, #tpu.memory_space<vmem_shared>>)
      %dma_wait3A_520 = arith.constant 1664 : i32
      %dma_wait3A_521 = arith.constant 0 : i32
      %dma_wait3A_522 = tpu.memref_slice %arg8[%dma_wait3A_520, %dma_wait3A_521] : memref<2048x8xf32, #tpu.memory_space<vmem>> -> memref<128x8xf32, #tpu.memory_space<vmem>>
      %dma_wait3A_523 = arith.constant 1664 : i32
      %dma_wait3A_524 = tpu.memref_slice %arg7[%dma_wait3A_523] : memref<2048xi32, #tpu.memory_space<vmem>> -> memref<128xi32, #tpu.memory_space<vmem>>
      %dma_wait3A_525 = arith.constant 0 : i32
      %dma_wait3A_526 = arith.constant 0 : i32
      %dma_wait3A_527 = tpu.memref_slice %arg9[%dma_wait3A_525, %dma_wait3A_526] : memref<100000x8xf32, #tpu.memory_space<vmem_shared>> -> memref<100000x8xf32, #tpu.memory_space<vmem_shared>>
      tpu.wait_indirect_dma semaphore(%arg11 : memref<!tpu.dma_semaphore, #tpu.memory_space<semaphore_mem>>) src(%dma_wait3A_522 : memref<128x8xf32, #tpu.memory_space<vmem>>) dst(%dma_wait3A_527 : memref<100000x8xf32, #tpu.memory_space<vmem_shared>>)
      %dma_wait3A_528 = arith.constant 1792 : i32
      %dma_wait3A_529 = arith.constant 0 : i32
      %dma_wait3A_530 = tpu.memref_slice %arg8[%dma_wait3A_528, %dma_wait3A_529] : memref<2048x8xf32, #tpu.memory_space<vmem>> -> memref<128x8xf32, #tpu.memory_space<vmem>>
      %dma_wait3A_531 = arith.constant 1792 : i32
      %dma_wait3A_532 = tpu.memref_slice %arg7[%dma_wait3A_531] : memref<2048xi32, #tpu.memory_space<vmem>> -> memref<128xi32, #tpu.memory_space<vmem>>
      %dma_wait3A_533 = arith.constant 0 : i32
      %dma_wait3A_534 = arith.constant 0 : i32
      %dma_wait3A_535 = tpu.memref_slice %arg9[%dma_wait3A_533, %dma_wait3A_534] : memref<100000x8xf32, #tpu.memory_space<vmem_shared>> -> memref<100000x8xf32, #tpu.memory_space<vmem_shared>>
      tpu.wait_indirect_dma semaphore(%arg11 : memref<!tpu.dma_semaphore, #tpu.memory_space<semaphore_mem>>) src(%dma_wait3A_530 : memref<128x8xf32, #tpu.memory_space<vmem>>) dst(%dma_wait3A_535 : memref<100000x8xf32, #tpu.memory_space<vmem_shared>>)
      %dma_wait3A_536 = arith.constant 1920 : i32
      %dma_wait3A_537 = arith.constant 0 : i32
      %dma_wait3A_538 = tpu.memref_slice %arg8[%dma_wait3A_536, %dma_wait3A_537] : memref<2048x8xf32, #tpu.memory_space<vmem>> -> memref<128x8xf32, #tpu.memory_space<vmem>>
      %dma_wait3A_539 = arith.constant 1920 : i32
      %dma_wait3A_540 = tpu.memref_slice %arg7[%dma_wait3A_539] : memref<2048xi32, #tpu.memory_space<vmem>> -> memref<128xi32, #tpu.memory_space<vmem>>
      %dma_wait3A_541 = arith.constant 0 : i32
      %dma_wait3A_542 = arith.constant 0 : i32
      %dma_wait3A_543 = tpu.memref_slice %arg9[%dma_wait3A_541, %dma_wait3A_542] : memref<100000x8xf32, #tpu.memory_space<vmem_shared>> -> memref<100000x8xf32, #tpu.memory_space<vmem_shared>>
      tpu.wait_indirect_dma semaphore(%arg11 : memref<!tpu.dma_semaphore, #tpu.memory_space<semaphore_mem>>) src(%dma_wait3A_538 : memref<128x8xf32, #tpu.memory_space<vmem>>) dst(%dma_wait3A_543 : memref<100000x8xf32, #tpu.memory_space<vmem_shared>>)
    }
    %barrier3A_22 = arith.constant 0 : index
    tpu.barrier barrier_id(%barrier3A_22)
    %mul3A_23 = arith.constant 6250 : i32
    %mul3A_24 = arith.muli %arg1, %mul3A_23 : i32
    %mul3A_25 = arith.constant 6250 : i32
    %mul3A_26 = arith.muli %arg1, %mul3A_25 : i32
    "tpu.region"() ({
      %run_scoped3A = tpu.sem_alloc : memref<!tpu.dma_semaphore, #tpu.memory_space<semaphore_mem>>
      %dma_start3A = arith.constant 0 : i32
      %dma_start3A_27 = tpu.memref_slice %arg5[%arg0, %mul3A_26, %dma_start3A] : memref<2x100000x8xf32, #tpu.memory_space<hbm>> -> memref<1x6250x8xf32, #tpu.memory_space<hbm>>
      %dma_start3A_28 = tpu.memref_squeeze %dma_start3A_27 : memref<1x6250x8xf32, #tpu.memory_space<hbm>> -> memref<6250x8xf32, #tpu.memory_space<hbm>>
      %dma_start3A_29 = arith.constant 0 : i32
      %dma_start3A_30 = tpu.memref_slice %arg9[%mul3A_24, %dma_start3A_29] : memref<100000x8xf32, #tpu.memory_space<vmem_shared>> -> memref<6250x8xf32, #tpu.memory_space<vmem_shared>>
      tpu.enqueue_dma source(%dma_start3A_30 : memref<6250x8xf32, #tpu.memory_space<vmem_shared>>) target(%dma_start3A_28 : memref<6250x8xf32, #tpu.memory_space<hbm>>) target_semaphore(%run_scoped3A : memref<!tpu.dma_semaphore, #tpu.memory_space<semaphore_mem>>)
      %dma_wait3A = arith.constant 0 : i32
      %dma_wait3A_31 = tpu.memref_slice %arg5[%arg0, %mul3A_26, %dma_wait3A] : memref<2x100000x8xf32, #tpu.memory_space<hbm>> -> memref<1x6250x8xf32, #tpu.memory_space<hbm>>
      %dma_wait3A_32 = tpu.memref_squeeze %dma_wait3A_31 : memref<1x6250x8xf32, #tpu.memory_space<hbm>> -> memref<6250x8xf32, #tpu.memory_space<hbm>>
      %dma_wait3A_33 = arith.constant 0 : i32
      %dma_wait3A_34 = tpu.memref_slice %arg9[%mul3A_24, %dma_wait3A_33] : memref<100000x8xf32, #tpu.memory_space<vmem_shared>> -> memref<6250x8xf32, #tpu.memory_space<vmem_shared>>
      tpu.wait_dma2 semaphore(%run_scoped3A : memref<!tpu.dma_semaphore, #tpu.memory_space<semaphore_mem>>) src(%dma_wait3A_34 : memref<6250x8xf32, #tpu.memory_space<vmem_shared>>) dst(%dma_wait3A_32 : memref<6250x8xf32, #tpu.memory_space<hbm>>)
      tpu.yield
    }) : () -> ()
    return
  }
}

module attributes {stable_mosaic.version = 14 : i64} {
  func.func @_dense_body(%arg0: memref<6250x128xf32, #tpu.memory_space<vmem>>, %arg1: memref<2x6250x128xf32, #tpu.memory_space<vmem>>, %arg2: memref<128x128xf32, #tpu.memory_space<vmem>>, %arg3: memref<1x128xf32, #tpu.memory_space<vmem>>, %arg4: memref<6250x128xf32, #tpu.memory_space<vmem>>) attributes {dimension_semantics = [], scalar_prefetch = 0 : i64, scratch_operands = 0 : i64, tpu.core_type = #tpu.core_type<tc>} {
    %get3A = arith.constant 0 : index
    %get3A_0 = arith.constant 0 : index
    %get3A_1 = vector.load %arg0[%get3A, %get3A_0] : memref<6250x128xf32, #tpu.memory_space<vmem>>, vector<6250x128xf32>
    %get3A_2 = arith.constant 0 : index
    %get3A_3 = arith.constant 0 : index
    %get3A_4 = arith.constant 0 : index
    %get3A_5 = vector.load %arg1[%get3A_2, %get3A_3, %get3A_4] : memref<2x6250x128xf32, #tpu.memory_space<vmem>>, vector<1x6250x128xf32>
    %get3A_6 = vector.shape_cast %get3A_5 : vector<1x6250x128xf32> to vector<6250x128xf32>
    %add3A = arith.addf %get3A_1, %get3A_6 : vector<6250x128xf32>
    %get3A_7 = arith.constant 1 : index
    %get3A_8 = arith.constant 0 : index
    %get3A_9 = arith.constant 0 : index
    %get3A_10 = vector.load %arg1[%get3A_7, %get3A_8, %get3A_9] : memref<2x6250x128xf32, #tpu.memory_space<vmem>>, vector<1x6250x128xf32>
    %get3A_11 = vector.shape_cast %get3A_10 : vector<1x6250x128xf32> to vector<6250x128xf32>
    %add3A_12 = arith.addf %add3A, %get3A_11 : vector<6250x128xf32>
    %get3A_13 = arith.constant 0 : index
    %get3A_14 = arith.constant 0 : index
    %get3A_15 = vector.load %arg2[%get3A_13, %get3A_14] : memref<128x128xf32, #tpu.memory_space<vmem>>, vector<128x128xf32>
    %dot_general3A = arith.constant dense<0.000000e+00> : vector<6250x128xf32>
    %dot_general3A_16 = tpu.matmul %add3A_12, %get3A_15, %dot_general3A {dimension_numbers = #tpu.dot_dimension_numbers<[1], [0], [0], [1], [0, 0, 1, 1], [], []>, transpose_lhs_hint = false} : vector<6250x128xf32>, vector<128x128xf32>, vector<6250x128xf32> -> vector<6250x128xf32>
    %get3A_17 = arith.constant 0 : index
    %get3A_18 = arith.constant 0 : index
    %get3A_19 = vector.load %arg3[%get3A_17, %get3A_18] : memref<1x128xf32, #tpu.memory_space<vmem>>, vector<1x128xf32>
    %add3A_20 = vector.broadcast %get3A_19 : vector<1x128xf32> to vector<6250x128xf32>
    %add3A_21 = arith.addf %dot_general3A_16, %add3A_20 : vector<6250x128xf32>
    %max3A = arith.constant 0.000000e+00 : f32
    %max3A_22 = vector.broadcast %max3A : f32 to vector<6250x128xf32>
    %max3A_23 = arith.maximumf %add3A_21, %max3A_22 : vector<6250x128xf32>
    %swap3A = arith.constant 0 : index
    %swap3A_24 = arith.constant 0 : index
    %swap3A_25 = vector.load %arg4[%swap3A, %swap3A_24] : memref<6250x128xf32, #tpu.memory_space<vmem>>, vector<6250x128xf32>
    tpu.vector_store %arg4[%swap3A, %swap3A_24], %max3A_23 {strides = array<i32>} : memref<6250x128xf32, #tpu.memory_space<vmem>>, vector<6250x128xf32>,
    return
  }
}

module attributes {stable_mosaic.version = 14 : i64} {
  func.func @_head_body(%arg0: memref<300x1600xf32, #tpu.memory_space<vmem>>, %arg1: memref<3x1600x200xf32, #tpu.memory_space<vmem>>, %arg2: memref<6x12xf32, #tpu.memory_space<vmem>>, %arg3: memref<3x12xf32, #tpu.memory_space<vmem>>, %arg4: memref<1x12xf32, #tpu.memory_space<vmem>>, %arg5: memref<1x12xf32, #tpu.memory_space<vmem>>, %arg6: memref<6x300x300xf32, #tpu.memory_space<vmem>>, %arg7: memref<300x1xf32, #tpu.memory_space<vmem>>, %arg8: memref<1x300xf32, #tpu.memory_space<vmem>>, %arg9: memref<1x1xf32, #tpu.memory_space<vmem>>, %arg10: memref<1x1xf32, #tpu.memory_space<vmem>>) attributes {dimension_semantics = [], scalar_prefetch = 0 : i64, scratch_operands = 0 : i64, tpu.core_type = #tpu.core_type<tc>} {
    %get3A = arith.constant 0 : index
    %get3A_0 = arith.constant 0 : index
    %get3A_1 = vector.load %arg0[%get3A, %get3A_0] : memref<300x1600xf32, #tpu.memory_space<vmem>>, vector<300x1600xf32>
    %get3A_2 = arith.constant 0 : index
    %get3A_3 = arith.constant 0 : index
    %get3A_4 = arith.constant 0 : index
    %get3A_5 = vector.load %arg1[%get3A_2, %get3A_3, %get3A_4] : memref<3x1600x200xf32, #tpu.memory_space<vmem>>, vector<1x1600x200xf32>
    %get3A_6 = vector.shape_cast %get3A_5 : vector<1x1600x200xf32> to vector<1600x200xf32>
    %dot_general3A = arith.constant dense<0.000000e+00> : vector<300x200xf32>
    %dot_general3A_7 = tpu.matmul %get3A_1, %get3A_6, %dot_general3A {dimension_numbers = #tpu.dot_dimension_numbers<[1], [0], [0], [1], [0, 0, 1, 1], [], []>, transpose_lhs_hint = false} : vector<300x1600xf32>, vector<1600x200xf32>, vector<300x200xf32> -> vector<300x200xf32>
    %get3A_8 = arith.constant 1 : index
    %get3A_9 = arith.constant 0 : index
    %get3A_10 = arith.constant 0 : index
    %get3A_11 = vector.load %arg1[%get3A_8, %get3A_9, %get3A_10] : memref<3x1600x200xf32, #tpu.memory_space<vmem>>, vector<1x1600x200xf32>
    %get3A_12 = vector.shape_cast %get3A_11 : vector<1x1600x200xf32> to vector<1600x200xf32>
    %dot_general3A_13 = arith.constant dense<0.000000e+00> : vector<300x200xf32>
    %dot_general3A_14 = tpu.matmul %get3A_1, %get3A_12, %dot_general3A_13 {dimension_numbers = #tpu.dot_dimension_numbers<[1], [0], [0], [1], [0, 0, 1, 1], [], []>, transpose_lhs_hint = false} : vector<300x1600xf32>, vector<1600x200xf32>, vector<300x200xf32> -> vector<300x200xf32>
    %get3A_15 = arith.constant 2 : index
    %get3A_16 = arith.constant 0 : index
    %get3A_17 = arith.constant 0 : index
    %get3A_18 = vector.load %arg1[%get3A_15, %get3A_16, %get3A_17] : memref<3x1600x200xf32, #tpu.memory_space<vmem>>, vector<1x1600x200xf32>
    %get3A_19 = vector.shape_cast %get3A_18 : vector<1x1600x200xf32> to vector<1600x200xf32>
    %dot_general3A_20 = arith.constant dense<0.000000e+00> : vector<300x200xf32>
    %dot_general3A_21 = tpu.matmul %get3A_1, %get3A_19, %dot_general3A_20 {dimension_numbers = #tpu.dot_dimension_numbers<[1], [0], [0], [1], [0, 0, 1, 1], [], []>, transpose_lhs_hint = false} : vector<300x1600xf32>, vector<1600x200xf32>, vector<300x200xf32> -> vector<300x200xf32>
    %get3A_22 = arith.constant 0 : index
    %get3A_23 = arith.constant 0 : index
    %get3A_24 = vector.load %arg2[%get3A_22, %get3A_23] : memref<6x12xf32, #tpu.memory_space<vmem>>, vector<6x12xf32>
    %get3A_25 = arith.constant 0 : index
    %get3A_26 = arith.constant 0 : index
    %get3A_27 = vector.load %arg3[%get3A_25, %get3A_26] : memref<3x12xf32, #tpu.memory_space<vmem>>, vector<3x12xf32>
    %get3A_28 = arith.constant 0 : index
    %get3A_29 = arith.constant 0 : index
    %get3A_30 = vector.load %arg4[%get3A_28, %get3A_29] : memref<1x12xf32, #tpu.memory_space<vmem>>, vector<1x12xf32>
    %get3A_31 = arith.constant 0 : index
    %get3A_32 = arith.constant 0 : index
    %get3A_33 = vector.load %arg5[%get3A_31, %get3A_32] : memref<1x12xf32, #tpu.memory_space<vmem>>, vector<1x12xf32>
    %add3A = arith.addf %get3A_30, %get3A_33 : vector<1x12xf32>
    %broadcast_in_dim3A = arith.constant 0.000000e+00 : f32
    %broadcast_in_dim3A_34 = vector.broadcast %broadcast_in_dim3A : f32 to vector<300x6xf32>
    %broadcast_in_dim3A_35 = arith.constant 0.000000e+00 : f32
    %broadcast_in_dim3A_36 = vector.broadcast %broadcast_in_dim3A_35 : f32 to vector<300x3xf32>
    %broadcast_in_dim3A_37 = arith.constant 0.000000e+00 : f32
    %broadcast_in_dim3A_38 = vector.broadcast %broadcast_in_dim3A_37 : f32 to vector<300x3xf32>
    %dot_general3A_39 = arith.constant dense<0.000000e+00> : vector<300x12xf32>
    %dot_general3A_40 = tpu.matmul %broadcast_in_dim3A_34, %get3A_24, %dot_general3A_39 {dimension_numbers = #tpu.dot_dimension_numbers<[1], [0], [0], [1], [0, 0, 1, 1], [], []>, transpose_lhs_hint = false} : vector<300x6xf32>, vector<6x12xf32>, vector<300x12xf32> -> vector<300x12xf32>
    %dot_general3A_41 = arith.constant dense<0.000000e+00> : vector<300x12xf32>
    %dot_general3A_42 = tpu.matmul %broadcast_in_dim3A_36, %get3A_27, %dot_general3A_41 {dimension_numbers = #tpu.dot_dimension_numbers<[1], [0], [0], [1], [0, 0, 1, 1], [], []>, transpose_lhs_hint = false} : vector<300x3xf32>, vector<3x12xf32>, vector<300x12xf32> -> vector<300x12xf32>
    %add3A_43 = arith.addf %dot_general3A_40, %dot_general3A_42 : vector<300x12xf32>
    %add3A_44 = vector.broadcast %add3A : vector<1x12xf32> to vector<300x12xf32>
    %add3A_45 = arith.addf %add3A_43, %add3A_44 : vector<300x12xf32>
    %slice3A = vector.extract_strided_slice %add3A_45 {offsets = [0, 0], sizes = [300, 3], strides = [1, 1]} : vector<300x12xf32> to vector<300x3xf32>
    %slice3A_46 = vector.extract_strided_slice %add3A_45 {offsets = [0, 3], sizes = [300, 3], strides = [1, 1]} : vector<300x12xf32> to vector<300x3xf32>
    %slice3A_47 = vector.extract_strided_slice %add3A_45 {offsets = [0, 6], sizes = [300, 3], strides = [1, 1]} : vector<300x12xf32> to vector<300x3xf32>
    %slice3A_48 = vector.extract_strided_slice %add3A_45 {offsets = [0, 9], sizes = [300, 3], strides = [1, 1]} : vector<300x12xf32> to vector<300x3xf32>
    %logistic3A = arith.negf %slice3A_46 : vector<300x3xf32>
    %logistic3A_49 = math.exp %logistic3A : vector<300x3xf32>
    %logistic3A_50 = arith.constant 1.000000e+00 : f32
    %logistic3A_51 = vector.broadcast %logistic3A_50 : f32 to vector<300x3xf32>
    %logistic3A_52 = arith.addf %logistic3A_51, %logistic3A_49 : vector<300x3xf32>
    %logistic3A_53 = arith.divf %logistic3A_51, %logistic3A_52 : vector<300x3xf32>
    %mul3A = arith.mulf %logistic3A_53, %broadcast_in_dim3A_38 : vector<300x3xf32>
    %logistic3A_54 = arith.negf %slice3A : vector<300x3xf32>
    %logistic3A_55 = math.exp %logistic3A_54 : vector<300x3xf32>
    %logistic3A_56 = arith.constant 1.000000e+00 : f32
    %logistic3A_57 = vector.broadcast %logistic3A_56 : f32 to vector<300x3xf32>
    %logistic3A_58 = arith.addf %logistic3A_57, %logistic3A_55 : vector<300x3xf32>
    %logistic3A_59 = arith.divf %logistic3A_57, %logistic3A_58 : vector<300x3xf32>
    %tanh3A = math.tanh %slice3A_47 : vector<300x3xf32>
    %mul3A_60 = arith.mulf %logistic3A_59, %tanh3A : vector<300x3xf32>
    %add3A_61 = arith.addf %mul3A, %mul3A_60 : vector<300x3xf32>
    %logistic3A_62 = arith.negf %slice3A_48 : vector<300x3xf32>
    %logistic3A_63 = math.exp %logistic3A_62 : vector<300x3xf32>
    %logistic3A_64 = arith.constant 1.000000e+00 : f32
    %logistic3A_65 = vector.broadcast %logistic3A_64 : f32 to vector<300x3xf32>
    %logistic3A_66 = arith.addf %logistic3A_65, %logistic3A_63 : vector<300x3xf32>
    %logistic3A_67 = arith.divf %logistic3A_65, %logistic3A_66 : vector<300x3xf32>
    %tanh3A_68 = math.tanh %add3A_61 : vector<300x3xf32>
    %mul3A_69 = arith.mulf %logistic3A_67, %tanh3A_68 : vector<300x3xf32>
    %slice3A_70 = vector.extract_strided_slice %mul3A_69 {offsets = [0, 0], sizes = [300, 1], strides = [1, 1]} : vector<300x3xf32> to vector<300x1xf32>
    %mul3A_71 = vector.broadcast %slice3A_70 : vector<300x1xf32> to vector<300x200xf32>
    %mul3A_72 = arith.mulf %dot_general3A_7, %mul3A_71 : vector<300x200xf32>
    %slice3A_73 = vector.extract_strided_slice %mul3A_69 {offsets = [0, 1], sizes = [300, 1], strides = [1, 1]} : vector<300x3xf32> to vector<300x1xf32>
    %mul3A_74 = vector.broadcast %slice3A_73 : vector<300x1xf32> to vector<300x200xf32>
    %mul3A_75 = arith.mulf %dot_general3A_14, %mul3A_74 : vector<300x200xf32>
    %add3A_76 = arith.addf %mul3A_72, %mul3A_75 : vector<300x200xf32>
    %slice3A_77 = vector.extract_strided_slice %mul3A_69 {offsets = [0, 2], sizes = [300, 1], strides = [1, 1]} : vector<300x3xf32> to vector<300x1xf32>
    %mul3A_78 = vector.broadcast %slice3A_77 : vector<300x1xf32> to vector<300x200xf32>
    %mul3A_79 = arith.mulf %dot_general3A_21, %mul3A_78 : vector<300x200xf32>
    %add3A_80 = arith.addf %add3A_76, %mul3A_79 : vector<300x200xf32>
    %reduce_max3A = arith.constant dense<0xFF800000> : vector<300xf32>
    %reduce_max3A_81 = vector.multi_reduction <maximumf>, %add3A_80, %reduce_max3A [1] : vector<300x200xf32> to vector<300xf32>
    %broadcast_in_dim3A_82 = vector.shape_cast %reduce_max3A_81 : vector<300xf32> to vector<300x1xf32>
    %sub3A = vector.broadcast %broadcast_in_dim3A_82 : vector<300x1xf32> to vector<300x200xf32>
    %sub3A_83 = arith.subf %add3A_80, %sub3A : vector<300x200xf32>
    %exp3A = math.exp %sub3A_83 : vector<300x200xf32>
    %reduce_sum3A = arith.constant dense<0.000000e+00> : vector<300xf32>
    %reduce_sum3A_84 = vector.multi_reduction <add>, %exp3A, %reduce_sum3A [1] : vector<300x200xf32> to vector<300xf32>
    %broadcast_in_dim3A_85 = vector.shape_cast %reduce_sum3A_84 : vector<300xf32> to vector<300x1xf32>
    %div3A = vector.broadcast %broadcast_in_dim3A_85 : vector<300x1xf32> to vector<300x200xf32>
    %div3A_86 = arith.divf %exp3A, %div3A : vector<300x200xf32>
    %mul3A_87 = arith.mulf %div3A_86, %dot_general3A_7 : vector<300x200xf32>
    %reduce_sum3A_88 = arith.constant dense<0.000000e+00> : vector<300xf32>
    %reduce_sum3A_89 = vector.multi_reduction <add>, %mul3A_87, %reduce_sum3A_88 [1] : vector<300x200xf32> to vector<300xf32>
    %broadcast_in_dim3A_90 = vector.shape_cast %reduce_sum3A_89 : vector<300xf32> to vector<300x1xf32>
    %mul3A_91 = arith.mulf %div3A_86, %dot_general3A_14 : vector<300x200xf32>
    %reduce_sum3A_92 = arith.constant dense<0.000000e+00> : vector<300xf32>
    %reduce_sum3A_93 = vector.multi_reduction <add>, %mul3A_91, %reduce_sum3A_92 [1] : vector<300x200xf32> to vector<300xf32>
    %broadcast_in_dim3A_94 = vector.shape_cast %reduce_sum3A_93 : vector<300xf32> to vector<300x1xf32>
    %mul3A_95 = arith.mulf %div3A_86, %dot_general3A_21 : vector<300x200xf32>
    %reduce_sum3A_96 = arith.constant dense<0.000000e+00> : vector<300xf32>
    %reduce_sum3A_97 = vector.multi_reduction <add>, %mul3A_95, %reduce_sum3A_96 [1] : vector<300x200xf32> to vector<300xf32>
    %broadcast_in_dim3A_98 = vector.shape_cast %reduce_sum3A_97 : vector<300xf32> to vector<300x1xf32>
    %concatenate3A = tpu.concatenate %mul3A_69, %broadcast_in_dim3A_90, %broadcast_in_dim3A_94, %broadcast_in_dim3A_98 in 1 : vector<300x3xf32>, vector<300x1xf32>, vector<300x1xf32>, vector<300x1xf32> -> vector<300x6xf32>
    %dot_general3A_99 = arith.constant dense<0.000000e+00> : vector<300x12xf32>
    %dot_general3A_100 = tpu.matmul %concatenate3A, %get3A_24, %dot_general3A_99 {dimension_numbers = #tpu.dot_dimension_numbers<[1], [0], [0], [1], [0, 0, 1, 1], [], []>, transpose_lhs_hint = false} : vector<300x6xf32>, vector<6x12xf32>, vector<300x12xf32> -> vector<300x12xf32>
    %dot_general3A_101 = arith.constant dense<0.000000e+00> : vector<300x12xf32>
    %dot_general3A_102 = tpu.matmul %mul3A_69, %get3A_27, %dot_general3A_101 {dimension_numbers = #tpu.dot_dimension_numbers<[1], [0], [0], [1], [0, 0, 1, 1], [], []>, transpose_lhs_hint = false} : vector<300x3xf32>, vector<3x12xf32>, vector<300x12xf32> -> vector<300x12xf32>
    %add3A_103 = arith.addf %dot_general3A_100, %dot_general3A_102 : vector<300x12xf32>
    %add3A_104 = vector.broadcast %add3A : vector<1x12xf32> to vector<300x12xf32>
    %add3A_105 = arith.addf %add3A_103, %add3A_104 : vector<300x12xf32>
    %slice3A_106 = vector.extract_strided_slice %add3A_105 {offsets = [0, 0], sizes = [300, 3], strides = [1, 1]} : vector<300x12xf32> to vector<300x3xf32>
    %slice3A_107 = vector.extract_strided_slice %add3A_105 {offsets = [0, 3], sizes = [300, 3], strides = [1, 1]} : vector<300x12xf32> to vector<300x3xf32>
    %slice3A_108 = vector.extract_strided_slice %add3A_105 {offsets = [0, 6], sizes = [300, 3], strides = [1, 1]} : vector<300x12xf32> to vector<300x3xf32>
    %slice3A_109 = vector.extract_strided_slice %add3A_105 {offsets = [0, 9], sizes = [300, 3], strides = [1, 1]} : vector<300x12xf32> to vector<300x3xf32>
    %logistic3A_110 = arith.negf %slice3A_107 : vector<300x3xf32>
    %logistic3A_111 = math.exp %logistic3A_110 : vector<300x3xf32>
    %logistic3A_112 = arith.constant 1.000000e+00 : f32
    %logistic3A_113 = vector.broadcast %logistic3A_112 : f32 to vector<300x3xf32>
    %logistic3A_114 = arith.addf %logistic3A_113, %logistic3A_111 : vector<300x3xf32>
    %logistic3A_115 = arith.divf %logistic3A_113, %logistic3A_114 : vector<300x3xf32>
    %mul3A_116 = arith.mulf %logistic3A_115, %add3A_61 : vector<300x3xf32>
    %logistic3A_117 = arith.negf %slice3A_106 : vector<300x3xf32>
    %logistic3A_118 = math.exp %logistic3A_117 : vector<300x3xf32>
    %logistic3A_119 = arith.constant 1.000000e+00 : f32
    %logistic3A_120 = vector.broadcast %logistic3A_119 : f32 to vector<300x3xf32>
    %logistic3A_121 = arith.addf %logistic3A_120, %logistic3A_118 : vector<300x3xf32>
    %logistic3A_122 = arith.divf %logistic3A_120, %logistic3A_121 : vector<300x3xf32>
    %tanh3A_123 = math.tanh %slice3A_108 : vector<300x3xf32>
    %mul3A_124 = arith.mulf %logistic3A_122, %tanh3A_123 : vector<300x3xf32>
    %add3A_125 = arith.addf %mul3A_116, %mul3A_124 : vector<300x3xf32>
    %logistic3A_126 = arith.negf %slice3A_109 : vector<300x3xf32>
    %logistic3A_127 = math.exp %logistic3A_126 : vector<300x3xf32>
    %logistic3A_128 = arith.constant 1.000000e+00 : f32
    %logistic3A_129 = vector.broadcast %logistic3A_128 : f32 to vector<300x3xf32>
    %logistic3A_130 = arith.addf %logistic3A_129, %logistic3A_127 : vector<300x3xf32>
    %logistic3A_131 = arith.divf %logistic3A_129, %logistic3A_130 : vector<300x3xf32>
    %tanh3A_132 = math.tanh %add3A_125 : vector<300x3xf32>
    %mul3A_133 = arith.mulf %logistic3A_131, %tanh3A_132 : vector<300x3xf32>
    %slice3A_134 = vector.extract_strided_slice %mul3A_133 {offsets = [0, 0], sizes = [300, 1], strides = [1, 1]} : vector<300x3xf32> to vector<300x1xf32>
    %mul3A_135 = vector.broadcast %slice3A_134 : vector<300x1xf32> to vector<300x200xf32>
    %mul3A_136 = arith.mulf %dot_general3A_7, %mul3A_135 : vector<300x200xf32>
    %slice3A_137 = vector.extract_strided_slice %mul3A_133 {offsets = [0, 1], sizes = [300, 1], strides = [1, 1]} : vector<300x3xf32> to vector<300x1xf32>
    %mul3A_138 = vector.broadcast %slice3A_137 : vector<300x1xf32> to vector<300x200xf32>
    %mul3A_139 = arith.mulf %dot_general3A_14, %mul3A_138 : vector<300x200xf32>
    %add3A_140 = arith.addf %mul3A_136, %mul3A_139 : vector<300x200xf32>
    %slice3A_141 = vector.extract_strided_slice %mul3A_133 {offsets = [0, 2], sizes = [300, 1], strides = [1, 1]} : vector<300x3xf32> to vector<300x1xf32>
    %mul3A_142 = vector.broadcast %slice3A_141 : vector<300x1xf32> to vector<300x200xf32>
    %mul3A_143 = arith.mulf %dot_general3A_21, %mul3A_142 : vector<300x200xf32>
    %add3A_144 = arith.addf %add3A_140, %mul3A_143 : vector<300x200xf32>
    %reduce_max3A_145 = arith.constant dense<0xFF800000> : vector<300xf32>
    %reduce_max3A_146 = vector.multi_reduction <maximumf>, %add3A_144, %reduce_max3A_145 [1] : vector<300x200xf32> to vector<300xf32>
    %broadcast_in_dim3A_147 = vector.shape_cast %reduce_max3A_146 : vector<300xf32> to vector<300x1xf32>
    %sub3A_148 = vector.broadcast %broadcast_in_dim3A_147 : vector<300x1xf32> to vector<300x200xf32>
    %sub3A_149 = arith.subf %add3A_144, %sub3A_148 : vector<300x200xf32>
    %exp3A_150 = math.exp %sub3A_149 : vector<300x200xf32>
    %reduce_sum3A_151 = arith.constant dense<0.000000e+00> : vector<300xf32>
    %reduce_sum3A_152 = vector.multi_reduction <add>, %exp3A_150, %reduce_sum3A_151 [1] : vector<300x200xf32> to vector<300xf32>
    %broadcast_in_dim3A_153 = vector.shape_cast %reduce_sum3A_152 : vector<300xf32> to vector<300x1xf32>
    %div3A_154 = vector.broadcast %broadcast_in_dim3A_153 : vector<300x1xf32> to vector<300x200xf32>
    %div3A_155 = arith.divf %exp3A_150, %div3A_154 : vector<300x200xf32>
    %mul3A_156 = arith.mulf %div3A_155, %dot_general3A_7 : vector<300x200xf32>
    %reduce_sum3A_157 = arith.constant dense<0.000000e+00> : vector<300xf32>
    %reduce_sum3A_158 = vector.multi_reduction <add>, %mul3A_156, %reduce_sum3A_157 [1] : vector<300x200xf32> to vector<300xf32>
    %broadcast_in_dim3A_159 = vector.shape_cast %reduce_sum3A_158 : vector<300xf32> to vector<300x1xf32>
    %mul3A_160 = arith.mulf %div3A_155, %dot_general3A_14 : vector<300x200xf32>
    %reduce_sum3A_161 = arith.constant dense<0.000000e+00> : vector<300xf32>
    %reduce_sum3A_162 = vector.multi_reduction <add>, %mul3A_160, %reduce_sum3A_161 [1] : vector<300x200xf32> to vector<300xf32>
    %broadcast_in_dim3A_163 = vector.shape_cast %reduce_sum3A_162 : vector<300xf32> to vector<300x1xf32>
    %mul3A_164 = arith.mulf %div3A_155, %dot_general3A_21 : vector<300x200xf32>
    %reduce_sum3A_165 = arith.constant dense<0.000000e+00> : vector<300xf32>
    %reduce_sum3A_166 = vector.multi_reduction <add>, %mul3A_164, %reduce_sum3A_165 [1] : vector<300x200xf32> to vector<300xf32>
    %broadcast_in_dim3A_167 = vector.shape_cast %reduce_sum3A_166 : vector<300xf32> to vector<300x1xf32>
    %concatenate3A_168 = tpu.concatenate %mul3A_133, %broadcast_in_dim3A_159, %broadcast_in_dim3A_163, %broadcast_in_dim3A_167 in 1 : vector<300x3xf32>, vector<300x1xf32>, vector<300x1xf32>, vector<300x1xf32> -> vector<300x6xf32>
    %get3A_169 = arith.constant 0 : index
    %get3A_170 = arith.constant 0 : index
    %get3A_171 = vector.load %arg7[%get3A_169, %get3A_170] : memref<300x1xf32, #tpu.memory_space<vmem>>, vector<300x1xf32>
    %get3A_172 = arith.constant 0 : index
    %get3A_173 = arith.constant 0 : index
    %get3A_174 = arith.constant 0 : index
    %get3A_175 = vector.load %arg6[%get3A_172, %get3A_173, %get3A_174] : memref<6x300x300xf32, #tpu.memory_space<vmem>>, vector<1x300x300xf32>
    %get3A_176 = vector.shape_cast %get3A_175 : vector<1x300x300xf32> to vector<300x300xf32>
    %slice3A_177 = vector.extract_strided_slice %concatenate3A_168 {offsets = [0, 0], sizes = [300, 1], strides = [1, 1]} : vector<300x6xf32> to vector<300x1xf32>
    %dot_general3A_178 = arith.constant dense<0.000000e+00> : vector<300x1xf32>
    %dot_general3A_179 = tpu.matmul %get3A_176, %slice3A_177, %dot_general3A_178 {dimension_numbers = #tpu.dot_dimension_numbers<[1], [0], [0], [1], [0, 0, 1, 1], [], []>, transpose_lhs_hint = false} : vector<300x300xf32>, vector<300x1xf32>, vector<300x1xf32> -> vector<300x1xf32>
    %add3A_180 = arith.addf %get3A_171, %dot_general3A_179 : vector<300x1xf32>
    %get3A_181 = arith.constant 1 : index
    %get3A_182 = arith.constant 0 : index
    %get3A_183 = arith.constant 0 : index
    %get3A_184 = vector.load %arg6[%get3A_181, %get3A_182, %get3A_183] : memref<6x300x300xf32, #tpu.memory_space<vmem>>, vector<1x300x300xf32>
    %get3A_185 = vector.shape_cast %get3A_184 : vector<1x300x300xf32> to vector<300x300xf32>
    %slice3A_186 = vector.extract_strided_slice %concatenate3A_168 {offsets = [0, 1], sizes = [300, 1], strides = [1, 1]} : vector<300x6xf32> to vector<300x1xf32>
    %dot_general3A_187 = arith.constant dense<0.000000e+00> : vector<300x1xf32>
    %dot_general3A_188 = tpu.matmul %get3A_185, %slice3A_186, %dot_general3A_187 {dimension_numbers = #tpu.dot_dimension_numbers<[1], [0], [0], [1], [0, 0, 1, 1], [], []>, transpose_lhs_hint = false} : vector<300x300xf32>, vector<300x1xf32>, vector<300x1xf32> -> vector<300x1xf32>
    %add3A_189 = arith.addf %add3A_180, %dot_general3A_188 : vector<300x1xf32>
    %get3A_190 = arith.constant 2 : index
    %get3A_191 = arith.constant 0 : index
    %get3A_192 = arith.constant 0 : index
    %get3A_193 = vector.load %arg6[%get3A_190, %get3A_191, %get3A_192] : memref<6x300x300xf32, #tpu.memory_space<vmem>>, vector<1x300x300xf32>
    %get3A_194 = vector.shape_cast %get3A_193 : vector<1x300x300xf32> to vector<300x300xf32>
    %slice3A_195 = vector.extract_strided_slice %concatenate3A_168 {offsets = [0, 2], sizes = [300, 1], strides = [1, 1]} : vector<300x6xf32> to vector<300x1xf32>
    %dot_general3A_196 = arith.constant dense<0.000000e+00> : vector<300x1xf32>
    %dot_general3A_197 = tpu.matmul %get3A_194, %slice3A_195, %dot_general3A_196 {dimension_numbers = #tpu.dot_dimension_numbers<[1], [0], [0], [1], [0, 0, 1, 1], [], []>, transpose_lhs_hint = false} : vector<300x300xf32>, vector<300x1xf32>, vector<300x1xf32> -> vector<300x1xf32>
    %add3A_198 = arith.addf %add3A_189, %dot_general3A_197 : vector<300x1xf32>
    %get3A_199 = arith.constant 3 : index
    %get3A_200 = arith.constant 0 : index
    %get3A_201 = arith.constant 0 : index
    %get3A_202 = vector.load %arg6[%get3A_199, %get3A_200, %get3A_201] : memref<6x300x300xf32, #tpu.memory_space<vmem>>, vector<1x300x300xf32>
    %get3A_203 = vector.shape_cast %get3A_202 : vector<1x300x300xf32> to vector<300x300xf32>
    %slice3A_204 = vector.extract_strided_slice %concatenate3A_168 {offsets = [0, 3], sizes = [300, 1], strides = [1, 1]} : vector<300x6xf32> to vector<300x1xf32>
    %dot_general3A_205 = arith.constant dense<0.000000e+00> : vector<300x1xf32>
    %dot_general3A_206 = tpu.matmul %get3A_203, %slice3A_204, %dot_general3A_205 {dimension_numbers = #tpu.dot_dimension_numbers<[1], [0], [0], [1], [0, 0, 1, 1], [], []>, transpose_lhs_hint = false} : vector<300x300xf32>, vector<300x1xf32>, vector<300x1xf32> -> vector<300x1xf32>
    %add3A_207 = arith.addf %add3A_198, %dot_general3A_206 : vector<300x1xf32>
    %get3A_208 = arith.constant 4 : index
    %get3A_209 = arith.constant 0 : index
    %get3A_210 = arith.constant 0 : index
    %get3A_211 = vector.load %arg6[%get3A_208, %get3A_209, %get3A_210] : memref<6x300x300xf32, #tpu.memory_space<vmem>>, vector<1x300x300xf32>
    %get3A_212 = vector.shape_cast %get3A_211 : vector<1x300x300xf32> to vector<300x300xf32>
    %slice3A_213 = vector.extract_strided_slice %concatenate3A_168 {offsets = [0, 4], sizes = [300, 1], strides = [1, 1]} : vector<300x6xf32> to vector<300x1xf32>
    %dot_general3A_214 = arith.constant dense<0.000000e+00> : vector<300x1xf32>
    %dot_general3A_215 = tpu.matmul %get3A_212, %slice3A_213, %dot_general3A_214 {dimension_numbers = #tpu.dot_dimension_numbers<[1], [0], [0], [1], [0, 0, 1, 1], [], []>, transpose_lhs_hint = false} : vector<300x300xf32>, vector<300x1xf32>, vector<300x1xf32> -> vector<300x1xf32>
    %add3A_216 = arith.addf %add3A_207, %dot_general3A_215 : vector<300x1xf32>
    %get3A_217 = arith.constant 5 : index
    %get3A_218 = arith.constant 0 : index
    %get3A_219 = arith.constant 0 : index
    %get3A_220 = vector.load %arg6[%get3A_217, %get3A_218, %get3A_219] : memref<6x300x300xf32, #tpu.memory_space<vmem>>, vector<1x300x300xf32>
    %get3A_221 = vector.shape_cast %get3A_220 : vector<1x300x300xf32> to vector<300x300xf32>
    %slice3A_222 = vector.extract_strided_slice %concatenate3A_168 {offsets = [0, 5], sizes = [300, 1], strides = [1, 1]} : vector<300x6xf32> to vector<300x1xf32>
    %dot_general3A_223 = arith.constant dense<0.000000e+00> : vector<300x1xf32>
    %dot_general3A_224 = tpu.matmul %get3A_221, %slice3A_222, %dot_general3A_223 {dimension_numbers = #tpu.dot_dimension_numbers<[1], [0], [0], [1], [0, 0, 1, 1], [], []>, transpose_lhs_hint = false} : vector<300x300xf32>, vector<300x1xf32>, vector<300x1xf32> -> vector<300x1xf32>
    %add3A_225 = arith.addf %add3A_216, %dot_general3A_224 : vector<300x1xf32>
    %max3A = arith.constant 0.000000e+00 : f32
    %max3A_226 = vector.broadcast %max3A : f32 to vector<300x1xf32>
    %max3A_227 = arith.maximumf %add3A_225, %max3A_226 : vector<300x1xf32>
    %get3A_228 = arith.constant 0 : index
    %get3A_229 = arith.constant 0 : index
    %get3A_230 = vector.load %arg8[%get3A_228, %get3A_229] : memref<1x300xf32, #tpu.memory_space<vmem>>, vector<1x300xf32>
    %dot_general3A_231 = arith.constant dense<0.000000e+00> : vector<1x1xf32>
    %dot_general3A_232 = tpu.matmul %get3A_230, %max3A_227, %dot_general3A_231 {dimension_numbers = #tpu.dot_dimension_numbers<[1], [0], [0], [1], [0, 0, 1, 1], [], []>, transpose_lhs_hint = false} : vector<1x300xf32>, vector<300x1xf32>, vector<1x1xf32> -> vector<1x1xf32>
    %get3A_233 = arith.constant 0 : index
    %get3A_234 = arith.constant 0 : index
    %get3A_235 = vector.load %arg9[%get3A_233, %get3A_234] : memref<1x1xf32, #tpu.memory_space<vmem>>, vector<1x1xf32>
    %add3A_236 = arith.addf %dot_general3A_232, %get3A_235 : vector<1x1xf32>
    %logistic3A_237 = arith.negf %add3A_236 : vector<1x1xf32>
    %logistic3A_238 = math.exp %logistic3A_237 : vector<1x1xf32>
    %logistic3A_239 = arith.constant 1.000000e+00 : f32
    %logistic3A_240 = vector.broadcast %logistic3A_239 : f32 to vector<1x1xf32>
    %logistic3A_241 = arith.addf %logistic3A_240, %logistic3A_238 : vector<1x1xf32>
    %logistic3A_242 = arith.divf %logistic3A_240, %logistic3A_241 : vector<1x1xf32>
    %swap3A = arith.constant 0 : index
    %swap3A_243 = arith.constant 0 : index
    %swap3A_244 = vector.load %arg10[%swap3A, %swap3A_243] : memref<1x1xf32, #tpu.memory_space<vmem>>, vector<1x1xf32>
    tpu.vector_store %arg10[%swap3A, %swap3A_243], %logistic3A_242 {strides = array<i32>} : memref<1x1xf32, #tpu.memory_space<vmem>>, vector<1x1xf32>,
    return
  }
}

</mosaic_0001>

<sc_bundles>
// kernel: kernel.11.cloned.1.call-start
scs
__scs_entry_jumppad:
0x0: {  	(pc) =	sbr.rel $0x88, $3  }
0x1: {  	(tag) =	ssettag $0x0;
	lr =	simm.s32 $0x1  }
0x2: {  	[smem:$0x3F92] =	sst lr;
	_ =	strace $0xD0000000  }
0x3: {  	_ = 	snop  }
0x4: {  	_ = 	snop  }
0x5: {  	_ = 	snop  }
0x6: {  	_ = 	snop  }
0x7: {  	_ = 	snop  }
__scs_overlays_trampoline_lowered:
0x8: {  	[smem:$0x3FA1] =	sst s0  }
0x9: {  	[smem:$0x3FA2] =	sst s1  }
0xa: {  	[smem:$0x3FA3] =	sst s2  }
0xb: {  	[smem:$0x3FA4] =	sst s3  }
0xc: {  	[smem:$0x3FA5] =	sst s4  }
0xd: {  	[smem:$0x3FA6] =	sst s5  }
0xe: {  	[smem:$0x3FA7] =	sst s6  }
0xf: {  	[smem:$0x3FA8] =	sst s7  }
0x10: {  	[smem:$0x3FA9] =	sst s8  }
0x11: {  	[smem:$0x3FAA] =	sst s9;
	s0 =	simm.s32 @!p0 $0x0  }
0x12: {  	s1 =	sld [smem:$0x3F90];
	s0 =	simm.s32 @p0 $0x1  }
0x13: {  	[smem:$0x3FAB] =	sst s0;
	s0 =	simm.s32 @!p1 $0x0  }
0x14: {  	s2 =	sld [smem:$0x3F8F];
	s0 =	simm.s32 @p1 $0x1  }
0x15: {  	[smem:$0x3FAC] =	sst s0;
	s0 =	simm.s32 @!p2 $0x0  }
0x16: {  	s3 =	sld [smem:$0x3FDB];
	s0 =	simm.s32 @p2 $0x1  }
0x17: {  	s4 =	simm.s32 $0x1BF5;
	[smem:$0x3FAE] =	sst s0  }
0x18: {  	s0 =	sld [smem:$0x3F91];
	_ =	swait.ge [sflag:s4], $0x0  }
0x19: {  	s7 =	sld [smem:$0x3F92]  }
0x1a: {  	s8 =	sadd.s32 $0xFFFFE003, lr  }
0x1b: {  	s9 =	sadd.s32 $0xFFFFFEF7, lr;
	s5 =	simm.s32 $0xFFFFFFFF;
	p2 =	slt.u32 s8, $0xFFFFF086  }
0x1c: {  	p1 =	slt.u32 s9, $0xF7A;
	s5 =	simm.s32 @!p2 $0x0  }
0x1d: {  	s5 =	simm.s32 @p1 $0x1;
	p0 =	seq.s32 s7, s2  }
0x1e: {  	s7 =	smul.u32 @!p0 $0xF7A, s2;
	p2 =	seq.s32 @!p0 s5, $0x0  }
0x1f: {  	s9 =	smul.u32 $0xF7A, s1;
	s8 =	simm.s32 @!p0 $0x1BF5;
	p2 =	por !p2, p0  }
0x20: {  	[sflag:s8] =	ssyncset.s32 @!p0 $0xFFFFF086;
	s6 =	sadd.s32 @!p0 s3, s7;
	s7 =	simm.s32 @!p0 $0x108  }
0x21: {  	s3 =	sadd.s32 s3, s9;
	s6 =	sadd.s32 @!p0 $0x88, s6;
	s7 =	simm.s32 @p2 $0x1082  }
0x22: {  	[simem:s7], [sflag:s8] =	dma.local @!p0 [hbm:s6], $0xF7A  }
0x23: {  	s9 =	sor.u32 $0xD0000000, s2;
	s6 =	simm.s32 $0x108;
	_ =	swait.ge @!p0 [sflag:s8], $0x0  }
0x24: {  	s3 =	sadd.s32 $0x88, s3;
	s6 =	simm.s32 @!p1 $0x1082;
	[sflag:s4] =	ssyncset.s32 $0xFFFFF086  }
0x25: {  	[simem:s6], [sflag:s4] =	dma.local [hbm:s3], $0xF7A  }
0x26: {  	[smem:$0x3F92] =	sst s1;
	(tag) =	ssettag s2;
	_ =	strace s9  }
0x27: {  	s1 =	sld [smem:$0x3FA2]  }
0x28: {  	s2 =	sld [smem:$0x3FA3]  }
0x29: {  	s4 =	sld [smem:$0x3FA5]  }
0x2a: {  	p0 =	seq.s32 s5, $0x0;
	s5 =	sld [smem:$0x3FA6]  }
0x2b: {  	s6 =	sld [smem:$0x3FA7]  }
0x2c: {  	s7 =	sld [smem:$0x3FA8]  }
0x2d: {  	s3 =	simm.s32 $0x108;
	s8 =	sld [smem:$0x3FA9]  }
0x2e: {  	s3 =	simm.s32 @!p0 $0x1082;
	s9 =	sld [smem:$0x3FAA]  }
0x2f: {  	lr =	sadd.s32 s0, s3;
	s0 =	sld [smem:$0x3FA1]  }
0x30: {  	s3 =	sld [smem:$0x3FA4]  }
0x31: {  	[smem:$0x3FAD] =	sst s10  }
0x32: {  	s10 =	sld [smem:$0x3FAB];
	_ =	sdelay $0x3  }
0x33: {  	p0 =	seq.s32 s10, $0x1;
	s10 =	sld [smem:$0x3FAD];
	_ =	sdelay $0x3  }
0x34: {  	[smem:$0x3FAD] =	sst s10  }
0x35: {  	s10 =	sld [smem:$0x3FAC];
	_ =	sdelay $0x3  }
0x36: {  	p1 =	seq.s32 s10, $0x1;
	s10 =	sld [smem:$0x3FAD];
	_ =	sdelay $0x3  }
0x37: {  	[smem:$0x3FAD] =	sst s10  }
0x38: {  	s10 =	sld [smem:$0x3FAE]  }
0x39: {  	_ = 	snop;
	(pc) =	sbr.ind lr, $3  }
0x3a: {  	_ = 	snop  }
0x3b: {  	_ = 	snop  }
0x3c: {  	p2 =	seq.s32 s10, $0x1;
	s10 =	sld [smem:$0x3FAD]  }
0x3d: {  	_ =	shalt  }
0x3e: {  	_ =	shalt  }
0x3f: {  	_ =	shalt  }
0x40: {  	_ =	shalt  }
0x41: {  	_ =	shalt  }
0x42: {  	_ =	shalt  }
0x43: {  	_ =	shalt  }
0x44: {  	_ =	shalt  }
0x45: {  	_ =	shalt  }
0x46: {  	_ =	shalt  }
0x47: {  	_ =	shalt  }
0x48: {  	_ =	shalt  }
0x49: {  	_ =	shalt  }
0x4a: {  	_ =	shalt  }
0x4b: {  	_ =	shalt  }
0x4c: {  	_ =	shalt  }
0x4d: {  	_ =	shalt  }
0x4e: {  	_ =	shalt  }
0x4f: {  	_ =	shalt  }
0x50: {  	_ =	shalt  }
0x51: {  	_ =	shalt  }
0x52: {  	_ =	shalt  }
0x53: {  	_ =	shalt  }
0x54: {  	_ =	shalt  }
0x55: {  	_ =	shalt  }
0x56: {  	_ =	shalt  }
0x57: {  	_ =	shalt  }
0x58: {  	_ =	shalt  }
0x59: {  	_ =	shalt  }
0x5a: {  	_ =	shalt  }
0x5b: {  	_ =	shalt  }
0x5c: {  	_ =	shalt  }
0x5d: {  	_ =	shalt  }
0x5e: {  	_ =	shalt  }
0x5f: {  	_ =	shalt  }
0x60: {  	_ =	shalt  }
0x61: {  	_ =	shalt  }
0x62: {  	_ =	shalt  }
0x63: {  	_ =	shalt  }
0x64: {  	_ =	shalt  }
0x65: {  	_ =	shalt  }
0x66: {  	_ =	shalt  }
0x67: {  	_ =	shalt  }
0x68: {  	_ =	shalt  }
0x69: {  	_ =	shalt  }
0x6a: {  	_ =	shalt  }
0x6b: {  	_ =	shalt  }
0x6c: {  	_ =	shalt  }
0x6d: {  	_ =	shalt  }
0x6e: {  	_ =	shalt  }
0x6f: {  	_ =	shalt  }
0x70: {  	_ =	shalt  }
0x71: {  	_ =	shalt  }
0x72: {  	_ =	shalt  }
0x73: {  	_ =	shalt  }
0x74: {  	_ =	shalt  }
0x75: {  	_ =	shalt  }
0x76: {  	_ =	shalt  }
0x77: {  	_ =	shalt  }
0x78: {  	_ =	shalt  }
0x79: {  	_ =	shalt  }
0x7a: {  	_ =	shalt  }
0x7b: {  	_ =	shalt  }
0x7c: {  	_ =	shalt  }
0x7d: {  	_ =	shalt  }
0x7e: {  	_ =	shalt  }
0x7f: {  	_ =	shalt  }
0x80: {  	_ =	shalt  }
0x81: {  	_ =	shalt  }
0x82: {  	_ =	shalt  }
0x83: {  	_ =	shalt  }
0x84: {  	_ =	shalt  }
0x85: {  	_ =	shalt  }
0x86: {  	_ =	shalt  }
0x87: {  	_ =	shalt  }
.Lfunc_end0:
.L_simem_size_0:
called_computation.1_lowered:
.L_overlay_start_0:
0x88: {  	s2 =	sld [smem:$0x3FD9]  }
0x89: {  	s3 =	sld [smem:$0x3FFE];
	_ =	sdelay $0x1  }
0x8a: {  	s1 =	srdreg.scid  }
0x8b: {  	s0 =	sand.u32 $0x1, s1  }
0x8c: {  	s16 =	sshll.u32 s0, $0xA;
	s2 =	sadd.s32 s3, s2  }
0x8d: {  	s2 =	sadd.s32 s2, s16  }
0x8e: {  	[smem:$0x3FB9] =	sst s2  }
0x8f: {  	_ = 	snop  }
0x90: {  	(tm) =	ssettm $0x1  }
0x91: {  	s17 =	sld [smem:$0x3FFB];
	_ =	sdelay $0x3  }
0x92: {  	_ =	strace s17  }
0x93: {  	s2 =	sld [smem:$0x3FFC];
	_ =	sdelay $0x3  }
0x94: {  	_ =	strace s2  }
0x95: {  	s2 =	sld [smem:$0x3FFD];
	_ =	sdelay $0x3  }
0x96: {  	_ =	strace s2  }
0x97: {  	_ =	strace $0x8FFFFFFF  }
0x98: {  	s18 =	sld [smem:$0x3FDB];
	_ =	sdelay $0x1  }
0x99: {  	s19 =	simm.s32 $_scs_section_size  }
0x9a: {  	s4 =	simm.s32 $_size__tile_overlayer_lowered;
	s5 =	simm.s32 $_tile_overlayer_lowered  }
0x9b: {  	s22 =	simm.s32 $0x1BFF;
	s21 =	sshll.u32 s5, $0x1;
	s2 =	sadd.s32 s19, s18  }
0x9c: {  	s6 =	simm.s32 $0x0;
	s20 =	sshll.u32 s4, $0x1;
	s4 =	sadd.s32 s21, s2  }
0x9d: {  	[timem:s6], [sflag:s22] =	dma.local [hbm:s4], s20  }
0x9e: {  	_ =	swait.ge [sflag:s22], s20  }
0x9f: {  	s3 =	ssub.s32 $0x0, s20;
	[sflag:s22] =	ssyncset.done $0x0  }
0xa0: {  	[sflag:s22] =	ssyncadd.s32 s3;
	_ =	sdelay $0x1  }
0xa1: {  	s23 =	simm.s32 $0x1B8B  }
0xa2: {  	_ =	swait.ge [sflag:s23], $0x1  }
0xa3: {  	[sflag:s23] =	ssyncset.done $0x0  }
0xa4: {  	s25 =	simm.s32 $0x1B8E;
	s24 =	sld [smem:$0x3FFE];
	[sflag:s23] =	ssyncadd.s32 $0xFFFFFFFF  }
0xa5: {  	s26 =	simm.s32 $execute0_lowered;
	[smem:$0x3FD2] =	sst s25  }
0xa6: {  	s4 =	sshll.u32 s26, $0x1;
	_ =	strace $0x80000049;
	[dreg:$0x1] =	wrdreg $0xFFFFFFFF  }
0xa7: {  	s28 =	simm.s32 $_size_execute0_lowered;
	s2 =	sadd.s32 s2, s4;
	[dreg:$0x0] =	wrdreg $0x0  }
0xa8: {  	s4 =	sshll.u32 s28, $0x1;
	[dreg:$0x2] =	wrdreg s2  }
0xa9: {  	[dreg:$0x3] =	wrdreg s4  }
0xaa: {  	[dreg:$0x4] =	wrdreg $0xC0  }
0xab: {  	_ =	task [dreg:s6], $0x5FFFF  }
0xac: {  	[dreg:$0x1] =	wrdreg $0xFFFFFFFF  }
0xad: {  	[dreg:$0x0] =	wrdreg $0x60  }
0xae: {  	[dreg:$0x2] =	wrdreg s24  }
0xaf: {  	[dreg:$0x3] =	wrdreg $0x50000  }
0xb0: {  	[dreg:$0x4] =	wrdreg $0x9  }
0xb1: {  	_ =	task.clear_ibuf [dreg:s6], $0x5FFFF;
	_ =	strace $0x90000049  }
0xb2: {  	s29 =	simm.s32 $0x9;
	_ =	strace $0x8000004B  }
0xb3: {  	_ =	swait.ge [sflag:s29], $0x1  }
0xb4: {  	[sflag:s29] =	ssyncadd.s32 $0xFFFFFFFF  }
0xb5: {  	_ =	strace $0x9000004B  }
0xb6: {  	_ =	sfence  }
0xb7: {  	s30 =	sld [smem:$0x0];
	_ =	sdelay $0x2  }
0xb8: {  	s31 =	sshll.u32 s1, $0xD;
	s1 =	sshrl.u32 s1, $0x2  }
0xb9: {  	s3 =	sand.u32 $0x4000, s31;
	s1 =	sadd.s32 s1, s30  }
0xba: {  	s0 =	sor.u32 s3, s0;
	s1 =	sshll.u32 s1, $0x11  }
0xbb: {  	s0 =	sor.u32 s1, s0  }
0xbc: {  	s0 =	sadd.s32 $0x8F2B, s0  }
0xbd: {  	[sflag:s0] =	ssyncadd.remote.s32 $0x1  }
0xbe: {  	_ =	sfence.sel $0xFFFF  }
0xbf: {  	[dreg:$0x0] =	wrdreg $0xFFFFFFFF;
	(pc) =	sbr.abs _section_cstart, $3  }
0xc0: {  	[dreg:$0x1] =	wrdreg $0xFFFFFFFF  }
0xc1: {  	_ =	task.clear_ibuf [dreg:s6], $0x2FFFF;
	_ =	strace $0x9FFFFFFF  }
0xc2: {  	(tm) =	ssettm $0x7FFFFFFF  }
0xc3: {  	_ =	shalt  }
tec
execute0_lowered:
.L_overlay_start_1:
0x0: {  	(tag) =	ssettag $0x1  }
0x1: {  	s0 =	srdreg.scid;
	s1 =	rddreg [dreg:$0x0]  }
0x2: {  	s11 =	stileid.u32;
	s2 =	rddreg [dreg:$0x1]  }
0x3: {  	s16 =	simm.s32 $0x100;
	s18 =	simm.s32 $0x180;
	s19 =	simm.s32 $0x200  }
0x4: {  	s20 =	simm.s32 $0x280;
	s21 =	simm.s32 $0x300;
	s0 =	sand.u32 $0x1, s0  }
0x5: {  	s23 =	simm.s32 $0x380;
	s24 =	simm.s32 $0x400;
	s3 =	sshll.u32 s0, $0x4  }
0x6: {  	s25 =	simm.s32 $0x480;
	s6 =	sor.u32 s11, s3;
	s3 =	simm.s32 $0x0  }
0x7: {  	s26 =	simm.s32 $0x500;
	s12 =	simm.s32 $0x700;
	[smem:$0x7FF] =	sst s3  }
0x8: {  	s13 =	simm.s32 $0x780;
	_ =	strace $0x8000004A;
	[dreg:$0x3] =	wrdreg s16  }
0x9: {  	s28 =	simm.s32 $0x4000;
	s29 =	simm.s32 $0x4400;
	[dreg:$0x4] =	wrdreg s18  }
0xa: {  	s30 =	simm.s32 $0x4800;
	s5 =	smul.u32 $0xC350, s11;
	[dreg:$0x5] =	wrdreg s19  }
0xb: {  	s31 =	simm.s32 $0x4C00;
	s8 =	smul.u32 $0x30, s11;
	[dreg:$0x6] =	wrdreg s20  }
0xc: {  	s22 =	sshll.u32 s11, $0x6;
	s4 =	smul.u32 $0x300, s0;
	[dreg:$0x7] =	wrdreg s21  }
0xd: {  	s9 =	smul.u32 $0xC3500, s0;
	s0 =	ssub.s32 $0x2, s0;
	[dreg:$0x8] =	wrdreg s23  }
0xe: {  	s14 =	sshrl.u32 s5, $0x3;
	s17 =	sshrl.u32 s0, $0x1;
	[dreg:$0x9] =	wrdreg s24  }
0xf: {  	s11 =	sor.u32 $0x1C03, s22;
	s22 =	simm.s32 $0xC80;
	[dreg:$0xa] =	wrdreg s25  }
0x10: {  	s7 =	smin.u32 s6, $0x1A;
	s9 =	sadd.s32 s5, s9;
	[dreg:$0xb] =	wrdreg s26  }
0x11: {  	s0 =	ssub.s32 s0, s17;
	s5 =	sadd.s32 s5, s2;
	[dreg:$0xf] =	wrdreg s12  }
0x12: {  	p0 =	slt.u32 s6, $0x1A;
	s17 =	simm.s32 $0xA00;
	[dreg:$0x10] =	wrdreg s13  }
0x13: {  	s7 =	sor.u32 s4, s7;
	s4 =	sadd.s32 $0x4400, s1;
	[dreg:$0x14] =	wrdreg s17  }
0x14: {  	s15 =	sshrl.u32 s9, $0x3;
	s0 =	smax.u32 s0, $0x1;
	[dreg:$0x19] =	wrdreg s22  }
0x15: {  	s9 =	simm.s32 $0x680;
	s12 =	simm.s32 $0x3;
	[dreg:$0x1f] =	wrdreg s11  }
0x16: {  	s13 =	simm.s32 $0x800;
	s16 =	simm.s32 $0x980;
	[smem:$0x7FB] =	sst s0  }
0x17: {  	s18 =	simm.s32 $0xA80;
	s17 =	simm.s32 $0x1800;
	[dreg:$0xe] =	wrdreg s9  }
0x18: {  	s19 =	simm.s32 $0xB00;
	s20 =	simm.s32 $0xB80;
	[dreg:$0x13] =	wrdreg s16  }
0x19: {  	s21 =	simm.s32 $0xC00;
	s23 =	simm.s32 $0xD00;
	[dreg:$0x15] =	wrdreg s18  }
0x1a: {  	s22 =	simm.s32 $0x2C00;
	s24 =	simm.s32 $0xD80;
	[dreg:$0x16] =	wrdreg s19  }
0x1b: {  	s25 =	simm.s32 $0xE00;
	s26 =	simm.s32 $0xE80;
	[dreg:$0x17] =	wrdreg s20  }
0x1c: {  	s7 =	sadd.s32 s8, s7;
	s8 =	sadd.s32 s14, s1;
	[dreg:$0x18] =	wrdreg s21  }
0x1d: {  	s14 =	simm.s32 $0x880;
	s16 =	simm.s32 $0x1400;
	[dreg:$0x1a] =	wrdreg s23  }
0x1e: {  	s18 =	simm.s32 $0x1C00;
	s19 =	simm.s32 $0x2000;
	[dreg:$0x1b] =	wrdreg s24  }
0x1f: {  	s20 =	simm.s32 $0x2400;
	s21 =	simm.s32 $0x2800;
	[dreg:$0x1c] =	wrdreg s25  }
0x20: {  	s23 =	simm.s32 $0x3000;
	s24 =	simm.s32 $0x3400;
	[dreg:$0x1d] =	wrdreg s26  }
0x21: {  	s25 =	simm.s32 $0x3800;
	s26 =	simm.s32 $0x3C00;
	s7 =	sshll.u32 s7, $0x8  }
0x22: {  	s8 =	sadd.s32 $0xE0200, s8;
	[dreg:$0x11] =	wrdreg s14;
	s10 =	sadd.s32 s7, s1  }
0x23: {  	s1 =	sadd.s32 s15, s1;
	[dreg:$0x1e] =	wrdreg s8;
	s8 =	simm.s32 $0x600  }
0x24: {  	s7 =	simm.s32 $0x31;
	s15 =	simm.s32 $0x900;
	[dreg:$0xd] =	wrdreg s8  }
0x25: {  	s0 =	simm.s32 $0xF00;
	s7 =	simm.s32 @!p0 $0x30;
	[dreg:$0x12] =	wrdreg s15  }
0x26: {  	s9 =	simm.s32 $0x0;
	s1 =	sadd.s32 $0xF8A00, s1;
	[smem:$0x7F9] =	sst s7  }
0x27: {  	s14 =	simm.s32 $0x80;
	s10 =	sadd.s32 $0x1CC00, s10;
	[smem:$0x7FA] =	sst s1  }
0x28: {  	s15 =	simm.s32 $0x1000;
	s7 =	simm.s32 $0x580;
	[smem:$0x7FC] =	sst s10  }
0x29: {  	s8 =	simm.s32 $0x2;
	[dreg:$0xc] =	wrdreg s7;
	s7 =	sshrl.u32 s5, $0x3  }
0x2a: {  	s1 =	simm.s32 $0x1;
	s5 =	simm.s32 $0xF80;
	[smem:$0x7FD] =	sst s7  }
.LBB2_1:
0x2b: {  	s6 =	rddreg [dreg:$0x1e]  }
0x2c: {  	[spmem:s7], [sflag:s11] =	dma.local [hbm:s6], $0x186A  }
0x2d: {  	_ =	swait.ge [sflag:s12], $0x186A  }
0x2e: {  	[sflag:s12] =	ssyncset.done $0x0  }
0x2f: {  	[sflag:s12] =	ssyncadd.s32 $0xFFFFE796  }
0x30: {  	[bflag:$0x0] =	sbarrier.arrive $0xFFFF  }
0x31: {  	s7 =	sld [smem:$0x7FC];
	_ =	sdelay $0x2  }
0x32: {  	[tilespmem:s3], [sflag:$0x3] =	stream.linear.gather [hbm4b:s7+s3], $0x800, $0x38;
	[tilespmem:$0x11350] =	vst v63  }
0x33: {  	_ =	swait.ge [sflag:s12], $0x800  }
0x34: {  	[sflag:s12] =	ssyncset.done $0x0  }
0x35: {  	s10 =	sadd.s32 $0x61A80, s7;
	[sflag:s12] =	ssyncadd.s32 $0xFFFFF800  }
0x36: {  	[tilespmem:s13], [sflag:$0x3] =	stream.linear.gather [hbm4b:s10+s3], $0x800, $0x38;
	[tilespmem:$0x11350] =	vst v63  }
0x37: {  	_ =	swait.ge [sflag:s12], $0x800  }
0x38: {  	[sflag:s12] =	ssyncset.done $0x0  }
0x39: {  	[sflag:s12] =	ssyncadd.s32 $0xFFFFF800  }
0x3a: {  	[tilespmem:s15], [sflag:$0x1] =	stream.indirect.gather [hbm4b:s4+s14], $0x8, s3, s14, $0xb8;
	[tilespmem:$0x11350] =	vst v63  }
0x3b: {  	_ = 	snop  }
0x3c: {  	[tilespmem:s16], [sflag:$0x1] =	stream.indirect.gather [hbm4b:s4+s14], $0x8, s14, s14, $0xb8;
	[tilespmem:$0x11350] =	vst v63  }
0x3d: {  	s11 =	rddreg [dreg:$0x3]  }
0x3e: {  	[tilespmem:s17], [sflag:$0x1] =	stream.indirect.gather [hbm4b:s4+s14], $0x8, s11, s14, $0xb8;
	[tilespmem:$0x11350] =	vst v63  }
0x3f: {  	s10 =	rddreg [dreg:$0x4]  }
0x40: {  	[tilespmem:s18], [sflag:$0x1] =	stream.indirect.gather [hbm4b:s4+s14], $0x8, s10, s14, $0xb8;
	[tilespmem:$0x11350] =	vst v63  }
0x41: {  	s6 =	rddreg [dreg:$0x5]  }
0x42: {  	[tilespmem:s19], [sflag:$0x1] =	stream.indirect.gather [hbm4b:s4+s14], $0x8, s6, s14, $0xb8;
	[tilespmem:$0x11350] =	vst v63  }
0x43: {  	s11 =	rddreg [dreg:$0x6]  }
0x44: {  	[tilespmem:s20], [sflag:$0x1] =	stream.indirect.gather [hbm4b:s4+s14], $0x8, s11, s14, $0xb8;
	[tilespmem:$0x11350] =	vst v63  }
0x45: {  	s6 =	rddreg [dreg:$0x7]  }
0x46: {  	[tilespmem:s21], [sflag:$0x1] =	stream.indirect.gather [hbm4b:s4+s14], $0x8, s6, s14, $0xb8;
	[tilespmem:$0x11350] =	vst v63  }
0x47: {  	s11 =	rddreg [dreg:$0x8]  }
0x48: {  	[tilespmem:s22], [sflag:$0x1] =	stream.indirect.gather [hbm4b:s4+s14], $0x8, s11, s14, $0xb8;
	[tilespmem:$0x11350] =	vst v63  }
0x49: {  	s6 =	rddreg [dreg:$0x9]  }
0x4a: {  	[tilespmem:s23], [sflag:$0x1] =	stream.indirect.gather [hbm4b:s4+s14], $0x8, s6, s14, $0xb8;
	[tilespmem:$0x11350] =	vst v63  }
0x4b: {  	s11 =	rddreg [dreg:$0xa]  }
0x4c: {  	[tilespmem:s24], [sflag:$0x1] =	stream.indirect.gather [hbm4b:s4+s14], $0x8, s11, s14, $0xb8;
	[tilespmem:$0x11350] =	vst v63  }
0x4d: {  	s6 =	rddreg [dreg:$0xb]  }
0x4e: {  	[tilespmem:s25], [sflag:$0x1] =	stream.indirect.gather [hbm4b:s4+s14], $0x8, s6, s14, $0xb8;
	[tilespmem:$0x11350] =	vst v63  }
0x4f: {  	s11 =	rddreg [dreg:$0xc]  }
0x50: {  	[tilespmem:s26], [sflag:$0x1] =	stream.indirect.gather [hbm4b:s4+s14], $0x8, s11, s14, $0xb8;
	[tilespmem:$0x11350] =	vst v63  }
0x51: {  	s6 =	rddreg [dreg:$0xd]  }
0x52: {  	[tilespmem:s28], [sflag:$0x1] =	stream.indirect.gather [hbm4b:s4+s14], $0x8, s6, s14, $0xb8;
	[tilespmem:$0x11350] =	vst v63  }
0x53: {  	s11 =	rddreg [dreg:$0xe]  }
0x54: {  	[tilespmem:s29], [sflag:$0x1] =	stream.indirect.gather [hbm4b:s4+s14], $0x8, s11, s14, $0xb8;
	[tilespmem:$0x11350] =	vst v63  }
0x55: {  	s6 =	rddreg [dreg:$0xf]  }
0x56: {  	[tilespmem:s30], [sflag:$0x1] =	stream.indirect.gather [hbm4b:s4+s14], $0x8, s6, s14, $0xb8;
	[tilespmem:$0x11350] =	vst v63  }
0x57: {  	s11 =	rddreg [dreg:$0x10]  }
0x58: {  	[tilespmem:s31], [sflag:$0x1] =	stream.indirect.gather [hbm4b:s4+s14], $0x8, s11, s14, $0xb8;
	[tilespmem:$0x11350] =	vst v63  }
0x59: {  	_ =	swait.ge [sflag:s1], $0x400  }
0x5a: {  	[sflag:s1] =	ssyncset.done $0x0  }
0x5b: {  	[sflag:s1] =	ssyncadd.s32 $0xFFFFFC00  }
0x5c: {  	[spmem:s2] =	stream.indirect.scatter.add.f32 [tilespmem:s15], [sflag:$0x2], $0x8, s13, s14, $0xb8;
	[tilespmem:$0x11350] =	vst v63  }
0x5d: {  	_ =	swait.ge [sflag:s1], $0x400  }
0x5e: {  	[sflag:s1] =	ssyncset.done $0x0  }
0x5f: {  	s10 =	rddreg [dreg:$0x11];
	[sflag:s1] =	ssyncadd.s32 $0xFFFFFC00  }
0x60: {  	[spmem:s2] =	stream.indirect.scatter.add.f32 [tilespmem:s16], [sflag:$0x2], $0x8, s10, s14, $0xb8;
	[tilespmem:$0x11350] =	vst v63  }
0x61: {  	_ =	swait.ge [sflag:s1], $0x400  }
0x62: {  	[sflag:s1] =	ssyncset.done $0x0  }
0x63: {  	s11 =	rddreg [dreg:$0x12];
	[sflag:s1] =	ssyncadd.s32 $0xFFFFFC00  }
0x64: {  	[spmem:s2] =	stream.indirect.scatter.add.f32 [tilespmem:s17], [sflag:$0x2], $0x8, s11, s14, $0xb8;
	[tilespmem:$0x11350] =	vst v63  }
0x65: {  	_ =	swait.ge [sflag:s1], $0x400  }
0x66: {  	[sflag:s1] =	ssyncset.done $0x0  }
0x67: {  	s10 =	rddreg [dreg:$0x13];
	[sflag:s1] =	ssyncadd.s32 $0xFFFFFC00  }
0x68: {  	[spmem:s2] =	stream.indirect.scatter.add.f32 [tilespmem:s18], [sflag:$0x2], $0x8, s10, s14, $0xb8;
	[tilespmem:$0x11350] =	vst v63  }
0x69: {  	_ =	swait.ge [sflag:s1], $0x400  }
0x6a: {  	[sflag:s1] =	ssyncset.done $0x0  }
0x6b: {  	s11 =	rddreg [dreg:$0x14];
	[sflag:s1] =	ssyncadd.s32 $0xFFFFFC00  }
0x6c: {  	[spmem:s2] =	stream.indirect.scatter.add.f32 [tilespmem:s19], [sflag:$0x2], $0x8, s11, s14, $0xb8;
	[tilespmem:$0x11350] =	vst v63  }
0x6d: {  	_ =	swait.ge [sflag:s1], $0x400  }
0x6e: {  	[sflag:s1] =	ssyncset.done $0x0  }
0x6f: {  	s10 =	rddreg [dreg:$0x15];
	[sflag:s1] =	ssyncadd.s32 $0xFFFFFC00  }
0x70: {  	[spmem:s2] =	stream.indirect.scatter.add.f32 [tilespmem:s20], [sflag:$0x2], $0x8, s10, s14, $0xb8;
	[tilespmem:$0x11350] =	vst v63  }
0x71: {  	_ =	swait.ge [sflag:s1], $0x400  }
0x72: {  	[sflag:s1] =	ssyncset.done $0x0  }
0x73: {  	s11 =	rddreg [dreg:$0x16];
	[sflag:s1] =	ssyncadd.s32 $0xFFFFFC00  }
0x74: {  	[spmem:s2] =	stream.indirect.scatter.add.f32 [tilespmem:s21], [sflag:$0x2], $0x8, s11, s14, $0xb8;
	[tilespmem:$0x11350] =	vst v63  }
0x75: {  	_ =	swait.ge [sflag:s1], $0x400  }
0x76: {  	[sflag:s1] =	ssyncset.done $0x0  }
0x77: {  	s10 =	rddreg [dreg:$0x17];
	[sflag:s1] =	ssyncadd.s32 $0xFFFFFC00  }
0x78: {  	[spmem:s2] =	stream.indirect.scatter.add.f32 [tilespmem:s22], [sflag:$0x2], $0x8, s10, s14, $0xb8;
	[tilespmem:$0x11350] =	vst v63  }
0x79: {  	_ =	swait.ge [sflag:s1], $0x400  }
0x7a: {  	[sflag:s1] =	ssyncset.done $0x0  }
0x7b: {  	s11 =	rddreg [dreg:$0x18];
	[sflag:s1] =	ssyncadd.s32 $0xFFFFFC00  }
0x7c: {  	[spmem:s2] =	stream.indirect.scatter.add.f32 [tilespmem:s23], [sflag:$0x2], $0x8, s11, s14, $0xb8;
	[tilespmem:$0x11350] =	vst v63  }
0x7d: {  	_ =	swait.ge [sflag:s1], $0x400  }
0x7e: {  	[sflag:s1] =	ssyncset.done $0x0  }
0x7f: {  	s10 =	rddreg [dreg:$0x19];
	[sflag:s1] =	ssyncadd.s32 $0xFFFFFC00  }
0x80: {  	[spmem:s2] =	stream.indirect.scatter.add.f32 [tilespmem:s24], [sflag:$0x2], $0x8, s10, s14, $0xb8;
	[tilespmem:$0x11350] =	vst v63  }
0x81: {  	_ =	swait.ge [sflag:s1], $0x400  }
0x82: {  	[sflag:s1] =	ssyncset.done $0x0  }
0x83: {  	s11 =	rddreg [dreg:$0x1a];
	[sflag:s1] =	ssyncadd.s32 $0xFFFFFC00  }
0x84: {  	[spmem:s2] =	stream.indirect.scatter.add.f32 [tilespmem:s25], [sflag:$0x2], $0x8, s11, s14, $0xb8;
	[tilespmem:$0x11350] =	vst v63  }
0x85: {  	_ =	swait.ge [sflag:s1], $0x400  }
0x86: {  	[sflag:s1] =	ssyncset.done $0x0  }
0x87: {  	s10 =	rddreg [dreg:$0x1b];
	[sflag:s1] =	ssyncadd.s32 $0xFFFFFC00  }
0x88: {  	[spmem:s2] =	stream.indirect.scatter.add.f32 [tilespmem:s26], [sflag:$0x2], $0x8, s10, s14, $0xb8;
	[tilespmem:$0x11350] =	vst v63  }
0x89: {  	_ =	swait.ge [sflag:s1], $0x400  }
0x8a: {  	[sflag:s1] =	ssyncset.done $0x0  }
0x8b: {  	s11 =	rddreg [dreg:$0x1c];
	[sflag:s1] =	ssyncadd.s32 $0xFFFFFC00  }
0x8c: {  	[spmem:s2] =	stream.indirect.scatter.add.f32 [tilespmem:s28], [sflag:$0x2], $0x8, s11, s14, $0xb8;
	[tilespmem:$0x11350] =	vst v63  }
0x8d: {  	_ =	swait.ge [sflag:s1], $0x400  }
0x8e: {  	[sflag:s1] =	ssyncset.done $0x0  }
0x8f: {  	s10 =	rddreg [dreg:$0x1d];
	[sflag:s1] =	ssyncadd.s32 $0xFFFFFC00  }
0x90: {  	[spmem:s2] =	stream.indirect.scatter.add.f32 [tilespmem:s29], [sflag:$0x2], $0x8, s10, s14, $0xb8;
	[tilespmem:$0x11350] =	vst v63  }
0x91: {  	_ =	swait.ge [sflag:s1], $0x400  }
0x92: {  	[sflag:s1] =	ssyncset.done $0x0  }
0x93: {  	[sflag:s1] =	ssyncadd.s32 $0xFFFFFC00  }
0x94: {  	[spmem:s2] =	stream.indirect.scatter.add.f32 [tilespmem:s30], [sflag:$0x2], $0x8, s0, s14, $0xb8;
	[tilespmem:$0x11350] =	vst v63  }
0x95: {  	_ =	swait.ge [sflag:s1], $0x400  }
0x96: {  	[sflag:s1] =	ssyncset.done $0x0  }
0x97: {  	[sflag:s1] =	ssyncadd.s32 $0xFFFFFC00  }
0x98: {  	[spmem:s2] =	stream.indirect.scatter.add.f32 [tilespmem:s31], [sflag:$0x2], $0x8, s5, s14, $0xb8;
	[tilespmem:$0x11350] =	vst v63  }
0x99: {  	_ =	swait.ge [sflag:s8], $0x400  }
0x9a: {  	[sflag:s8] =	ssyncset.done $0x0  }
0x9b: {  	[sflag:s8] =	ssyncadd.s32 $0xFFFFFC00  }
0x9c: {  	_ =	swait.ge [sflag:s8], $0x400  }
0x9d: {  	[sflag:s8] =	ssyncset.done $0x0  }
0x9e: {  	[sflag:s8] =	ssyncadd.s32 $0xFFFFFC00  }
0x9f: {  	_ =	swait.ge [sflag:s8], $0x400  }
0xa0: {  	[sflag:s8] =	ssyncset.done $0x0  }
0xa1: {  	[sflag:s8] =	ssyncadd.s32 $0xFFFFFC00  }
0xa2: {  	_ =	swait.ge [sflag:s8], $0x400  }
0xa3: {  	[sflag:s8] =	ssyncset.done $0x0  }
0xa4: {  	[sflag:s8] =	ssyncadd.s32 $0xFFFFFC00  }
0xa5: {  	_ =	swait.ge [sflag:s8], $0x400  }
0xa6: {  	[sflag:s8] =	ssyncset.done $0x0  }
0xa7: {  	[sflag:s8] =	ssyncadd.s32 $0xFFFFFC00  }
0xa8: {  	_ =	swait.ge [sflag:s8], $0x400  }
0xa9: {  	[sflag:s8] =	ssyncset.done $0x0  }
0xaa: {  	[sflag:s8] =	ssyncadd.s32 $0xFFFFFC00  }
0xab: {  	_ =	swait.ge [sflag:s8], $0x400  }
0xac: {  	[sflag:s8] =	ssyncset.done $0x0  }
0xad: {  	[sflag:s8] =	ssyncadd.s32 $0xFFFFFC00  }
0xae: {  	_ =	swait.ge [sflag:s8], $0x400  }
0xaf: {  	[sflag:s8] =	ssyncset.done $0x0  }
0xb0: {  	[sflag:s8] =	ssyncadd.s32 $0xFFFFFC00  }
0xb1: {  	_ =	swait.ge [sflag:s8], $0x400  }
0xb2: {  	[sflag:s8] =	ssyncset.done $0x0  }
0xb3: {  	[sflag:s8] =	ssyncadd.s32 $0xFFFFFC00  }
0xb4: {  	_ =	swait.ge [sflag:s8], $0x400  }
0xb5: {  	[sflag:s8] =	ssyncset.done $0x0  }
0xb6: {  	[sflag:s8] =	ssyncadd.s32 $0xFFFFFC00  }
0xb7: {  	_ =	swait.ge [sflag:s8], $0x400  }
0xb8: {  	[sflag:s8] =	ssyncset.done $0x0  }
0xb9: {  	[sflag:s8] =	ssyncadd.s32 $0xFFFFFC00  }
0xba: {  	_ =	swait.ge [sflag:s8], $0x400  }
0xbb: {  	[sflag:s8] =	ssyncset.done $0x0  }
0xbc: {  	[sflag:s8] =	ssyncadd.s32 $0xFFFFFC00  }
0xbd: {  	_ =	swait.ge [sflag:s8], $0x400  }
0xbe: {  	[sflag:s8] =	ssyncset.done $0x0  }
0xbf: {  	[sflag:s8] =	ssyncadd.s32 $0xFFFFFC00  }
0xc0: {  	_ =	swait.ge [sflag:s8], $0x400  }
0xc1: {  	[sflag:s8] =	ssyncset.done $0x0  }
0xc2: {  	[sflag:s8] =	ssyncadd.s32 $0xFFFFFC00  }
0xc3: {  	_ =	swait.ge [sflag:s8], $0x400  }
0xc4: {  	s11 =	sld [smem:$0x7F9];
	_ =	sdelay $0x2  }
0xc5: {  	p0 =	sne.s32 s11, $0x1  }
.Ltmp0:
0xc6: {  	_ = 	snop;
	(pc) =	sbr.rel @!p0 .LBB2_3-.Ltmp0, $4  }
0xc7: {  	[sflag:s8] =	ssyncset.done $0x0  }
0xc8: {  	[sflag:s8] =	ssyncadd.s32 $0xFFFFFC00  }
0xc9: {  	_ =	swait.ge [sflag:s8], $0x400  }
0xca: {  	s10 =	smov.u32 s7;
	s6 =	sadd.s32 $0xFFFFFFFF, s11;
	[sflag:s8] =	ssyncset.done $0x0  }
.LBB2_2:
0xcb: {  	[sflag:s8] =	ssyncadd.s32 $0xFFFFFC00;
	s10 =	sadd.s32 $0x100, s10  }
0xcc: {  	[tilespmem:s3], [sflag:$0x3] =	stream.linear.gather [hbm4b:s10+s3], $0x800, $0x38;
	[tilespmem:$0x11350] =	vst v63  }
0xcd: {  	_ =	swait.ge [sflag:s12], $0x800  }
0xce: {  	[sflag:s12] =	ssyncset.done $0x0  }
0xcf: {  	s7 =	sadd.s32 $0x61A80, s10;
	[sflag:s12] =	ssyncadd.s32 $0xFFFFF800  }
0xd0: {  	[tilespmem:s13], [sflag:$0x3] =	stream.linear.gather [hbm4b:s7+s3], $0x800, $0x38;
	[tilespmem:$0x11350] =	vst v63  }
0xd1: {  	_ =	swait.ge [sflag:s12], $0x800  }
0xd2: {  	[sflag:s12] =	ssyncset.done $0x0  }
0xd3: {  	[sflag:s12] =	ssyncadd.s32 $0xFFFFF800  }
0xd4: {  	[tilespmem:s15], [sflag:$0x1] =	stream.indirect.gather [hbm4b:s4+s14], $0x8, s3, s14, $0xb8;
	[tilespmem:$0x11350] =	vst v63  }
0xd5: {  	_ = 	snop  }
0xd6: {  	[tilespmem:s16], [sflag:$0x1] =	stream.indirect.gather [hbm4b:s4+s14], $0x8, s14, s14, $0xb8;
	[tilespmem:$0x11350] =	vst v63  }
0xd7: {  	s7 =	rddreg [dreg:$0x3]  }
0xd8: {  	[tilespmem:s17], [sflag:$0x1] =	stream.indirect.gather [hbm4b:s4+s14], $0x8, s7, s14, $0xb8;
	[tilespmem:$0x11350] =	vst v63  }
0xd9: {  	s11 =	rddreg [dreg:$0x4]  }
0xda: {  	[tilespmem:s18], [sflag:$0x1] =	stream.indirect.gather [hbm4b:s4+s14], $0x8, s11, s14, $0xb8;
	[tilespmem:$0x11350] =	vst v63  }
0xdb: {  	s7 =	rddreg [dreg:$0x5]  }
0xdc: {  	[tilespmem:s19], [sflag:$0x1] =	stream.indirect.gather [hbm4b:s4+s14], $0x8, s7, s14, $0xb8;
	[tilespmem:$0x11350] =	vst v63  }
0xdd: {  	s11 =	rddreg [dreg:$0x6]  }
0xde: {  	[tilespmem:s20], [sflag:$0x1] =	stream.indirect.gather [hbm4b:s4+s14], $0x8, s11, s14, $0xb8;
	[tilespmem:$0x11350] =	vst v63  }
0xdf: {  	s7 =	rddreg [dreg:$0x7]  }
0xe0: {  	[tilespmem:s21], [sflag:$0x1] =	stream.indirect.gather [hbm4b:s4+s14], $0x8, s7, s14, $0xb8;
	[tilespmem:$0x11350] =	vst v63  }
0xe1: {  	s11 =	rddreg [dreg:$0x8]  }
0xe2: {  	[tilespmem:s22], [sflag:$0x1] =	stream.indirect.gather [hbm4b:s4+s14], $0x8, s11, s14, $0xb8;
	[tilespmem:$0x11350] =	vst v63  }
0xe3: {  	s7 =	rddreg [dreg:$0x9]  }
0xe4: {  	[tilespmem:s23], [sflag:$0x1] =	stream.indirect.gather [hbm4b:s4+s14], $0x8, s7, s14, $0xb8;
	[tilespmem:$0x11350] =	vst v63  }
0xe5: {  	s11 =	rddreg [dreg:$0xa]  }
0xe6: {  	[tilespmem:s24], [sflag:$0x1] =	stream.indirect.gather [hbm4b:s4+s14], $0x8, s11, s14, $0xb8;
	[tilespmem:$0x11350] =	vst v63  }
0xe7: {  	s7 =	rddreg [dreg:$0xb]  }
0xe8: {  	[tilespmem:s25], [sflag:$0x1] =	stream.indirect.gather [hbm4b:s4+s14], $0x8, s7, s14, $0xb8;
	[tilespmem:$0x11350] =	vst v63  }
0xe9: {  	s11 =	rddreg [dreg:$0xc]  }
0xea: {  	[tilespmem:s26], [sflag:$0x1] =	stream.indirect.gather [hbm4b:s4+s14], $0x8, s11, s14, $0xb8;
	[tilespmem:$0x11350] =	vst v63  }
0xeb: {  	s7 =	rddreg [dreg:$0xd]  }
0xec: {  	[tilespmem:s28], [sflag:$0x1] =	stream.indirect.gather [hbm4b:s4+s14], $0x8, s7, s14, $0xb8;
	[tilespmem:$0x11350] =	vst v63  }
0xed: {  	s11 =	rddreg [dreg:$0xe]  }
0xee: {  	[tilespmem:s29], [sflag:$0x1] =	stream.indirect.gather [hbm4b:s4+s14], $0x8, s11, s14, $0xb8;
	[tilespmem:$0x11350] =	vst v63  }
0xef: {  	s7 =	rddreg [dreg:$0xf]  }
0xf0: {  	[tilespmem:s30], [sflag:$0x1] =	stream.indirect.gather [hbm4b:s4+s14], $0x8, s7, s14, $0xb8;
	[tilespmem:$0x11350] =	vst v63  }
0xf1: {  	s11 =	rddreg [dreg:$0x10]  }
0xf2: {  	[tilespmem:s31], [sflag:$0x1] =	stream.indirect.gather [hbm4b:s4+s14], $0x8, s11, s14, $0xb8;
	[tilespmem:$0x11350] =	vst v63  }
0xf3: {  	_ =	swait.ge [sflag:s1], $0x400  }
0xf4: {  	[sflag:s1] =	ssyncset.done $0x0  }
0xf5: {  	[sflag:s1] =	ssyncadd.s32 $0xFFFFFC00  }
0xf6: {  	[spmem:s2] =	stream.indirect.scatter.add.f32 [tilespmem:s15], [sflag:$0x2], $0x8, s13, s14, $0xb8;
	[tilespmem:$0x11350] =	vst v63  }
0xf7: {  	_ =	swait.ge [sflag:s1], $0x400  }
0xf8: {  	[sflag:s1] =	ssyncset.done $0x0  }
0xf9: {  	s11 =	rddreg [dreg:$0x11];
	[sflag:s1] =	ssyncadd.s32 $0xFFFFFC00  }
0xfa: {  	[spmem:s2] =	stream.indirect.scatter.add.f32 [tilespmem:s16], [sflag:$0x2], $0x8, s11, s14, $0xb8;
	[tilespmem:$0x11350] =	vst v63  }
0xfb: {  	_ =	swait.ge [sflag:s1], $0x400  }
0xfc: {  	[sflag:s1] =	ssyncset.done $0x0  }
0xfd: {  	s11 =	rddreg [dreg:$0x12];
	[sflag:s1] =	ssyncadd.s32 $0xFFFFFC00  }
0xfe: {  	[spmem:s2] =	stream.indirect.scatter.add.f32 [tilespmem:s17], [sflag:$0x2], $0x8, s11, s14, $0xb8;
	[tilespmem:$0x11350] =	vst v63  }
0xff: {  	_ =	swait.ge [sflag:s1], $0x400  }
0x100: {  	[sflag:s1] =	ssyncset.done $0x0  }
0x101: {  	s11 =	rddreg [dreg:$0x13];
	[sflag:s1] =	ssyncadd.s32 $0xFFFFFC00  }
0x102: {  	[spmem:s2] =	stream.indirect.scatter.add.f32 [tilespmem:s18], [sflag:$0x2], $0x8, s11, s14, $0xb8;
	[tilespmem:$0x11350] =	vst v63  }
0x103: {  	_ =	swait.ge [sflag:s1], $0x400  }
0x104: {  	[sflag:s1] =	ssyncset.done $0x0  }
0x105: {  	s11 =	rddreg [dreg:$0x14];
	[sflag:s1] =	ssyncadd.s32 $0xFFFFFC00  }
0x106: {  	[spmem:s2] =	stream.indirect.scatter.add.f32 [tilespmem:s19], [sflag:$0x2], $0x8, s11, s14, $0xb8;
	[tilespmem:$0x11350] =	vst v63  }
0x107: {  	_ =	swait.ge [sflag:s1], $0x400  }
0x108: {  	[sflag:s1] =	ssyncset.done $0x0  }
0x109: {  	s11 =	rddreg [dreg:$0x15];
	[sflag:s1] =	ssyncadd.s32 $0xFFFFFC00  }
0x10a: {  	[spmem:s2] =	stream.indirect.scatter.add.f32 [tilespmem:s20], [sflag:$0x2], $0x8, s11, s14, $0xb8;
	[tilespmem:$0x11350] =	vst v63  }
0x10b: {  	_ =	swait.ge [sflag:s1], $0x400  }
0x10c: {  	[sflag:s1] =	ssyncset.done $0x0  }
0x10d: {  	s11 =	rddreg [dreg:$0x16];
	[sflag:s1] =	ssyncadd.s32 $0xFFFFFC00  }
0x10e: {  	[spmem:s2] =	stream.indirect.scatter.add.f32 [tilespmem:s21], [sflag:$0x2], $0x8, s11, s14, $0xb8;
	[tilespmem:$0x11350] =	vst v63  }
0x10f: {  	_ =	swait.ge [sflag:s1], $0x400  }
0x110: {  	[sflag:s1] =	ssyncset.done $0x0  }
0x111: {  	s11 =	rddreg [dreg:$0x17];
	[sflag:s1] =	ssyncadd.s32 $0xFFFFFC00  }
0x112: {  	[spmem:s2] =	stream.indirect.scatter.add.f32 [tilespmem:s22], [sflag:$0x2], $0x8, s11, s14, $0xb8;
	[tilespmem:$0x11350] =	vst v63  }
0x113: {  	_ =	swait.ge [sflag:s1], $0x400  }
0x114: {  	[sflag:s1] =	ssyncset.done $0x0  }
0x115: {  	s11 =	rddreg [dreg:$0x18];
	[sflag:s1] =	ssyncadd.s32 $0xFFFFFC00  }
0x116: {  	[spmem:s2] =	stream.indirect.scatter.add.f32 [tilespmem:s23], [sflag:$0x2], $0x8, s11, s14, $0xb8;
	[tilespmem:$0x11350] =	vst v63  }
0x117: {  	_ =	swait.ge [sflag:s1], $0x400  }
0x118: {  	[sflag:s1] =	ssyncset.done $0x0  }
0x119: {  	s11 =	rddreg [dreg:$0x19];
	[sflag:s1] =	ssyncadd.s32 $0xFFFFFC00  }
0x11a: {  	[spmem:s2] =	stream.indirect.scatter.add.f32 [tilespmem:s24], [sflag:$0x2], $0x8, s11, s14, $0xb8;
	[tilespmem:$0x11350] =	vst v63  }
0x11b: {  	_ =	swait.ge [sflag:s1], $0x400  }
0x11c: {  	[sflag:s1] =	ssyncset.done $0x0  }
0x11d: {  	s11 =	rddreg [dreg:$0x1a];
	[sflag:s1] =	ssyncadd.s32 $0xFFFFFC00  }
0x11e: {  	[spmem:s2] =	stream.indirect.scatter.add.f32 [tilespmem:s25], [sflag:$0x2], $0x8, s11, s14, $0xb8;
	[tilespmem:$0x11350] =	vst v63  }
0x11f: {  	_ =	swait.ge [sflag:s1], $0x400  }
0x120: {  	[sflag:s1] =	ssyncset.done $0x0  }
0x121: {  	s11 =	rddreg [dreg:$0x1b];
	[sflag:s1] =	ssyncadd.s32 $0xFFFFFC00  }
0x122: {  	[spmem:s2] =	stream.indirect.scatter.add.f32 [tilespmem:s26], [sflag:$0x2], $0x8, s11, s14, $0xb8;
	[tilespmem:$0x11350] =	vst v63  }
0x123: {  	_ =	swait.ge [sflag:s1], $0x400  }
0x124: {  	[sflag:s1] =	ssyncset.done $0x0  }
0x125: {  	s11 =	rddreg [dreg:$0x1c];
	[sflag:s1] =	ssyncadd.s32 $0xFFFFFC00  }
0x126: {  	[spmem:s2] =	stream.indirect.scatter.add.f32 [tilespmem:s28], [sflag:$0x2], $0x8, s11, s14, $0xb8;
	[tilespmem:$0x11350] =	vst v63  }
0x127: {  	_ =	swait.ge [sflag:s1], $0x400  }
0x128: {  	[sflag:s1] =	ssyncset.done $0x0  }
0x129: {  	s11 =	rddreg [dreg:$0x1d];
	[sflag:s1] =	ssyncadd.s32 $0xFFFFFC00  }
0x12a: {  	[spmem:s2] =	stream.indirect.scatter.add.f32 [tilespmem:s29], [sflag:$0x2], $0x8, s11, s14, $0xb8;
	[tilespmem:$0x11350] =	vst v63  }
0x12b: {  	_ =	swait.ge [sflag:s1], $0x400  }
0x12c: {  	[sflag:s1] =	ssyncset.done $0x0  }
0x12d: {  	[sflag:s1] =	ssyncadd.s32 $0xFFFFFC00  }
0x12e: {  	[spmem:s2] =	stream.indirect.scatter.add.f32 [tilespmem:s30], [sflag:$0x2], $0x8, s0, s14, $0xb8;
	[tilespmem:$0x11350] =	vst v63  }
0x12f: {  	_ =	swait.ge [sflag:s1], $0x400  }
0x130: {  	[sflag:s1] =	ssyncset.done $0x0  }
0x131: {  	[sflag:s1] =	ssyncadd.s32 $0xFFFFFC00  }
0x132: {  	[spmem:s2] =	stream.indirect.scatter.add.f32 [tilespmem:s31], [sflag:$0x2], $0x8, s5, s14, $0xb8;
	[tilespmem:$0x11350] =	vst v63  }
0x133: {  	_ =	swait.ge [sflag:s8], $0x400  }
0x134: {  	[sflag:s8] =	ssyncset.done $0x0  }
0x135: {  	[sflag:s8] =	ssyncadd.s32 $0xFFFFFC00  }
0x136: {  	_ =	swait.ge [sflag:s8], $0x400  }
0x137: {  	[sflag:s8] =	ssyncset.done $0x0  }
0x138: {  	[sflag:s8] =	ssyncadd.s32 $0xFFFFFC00  }
0x139: {  	_ =	swait.ge [sflag:s8], $0x400  }
0x13a: {  	[sflag:s8] =	ssyncset.done $0x0  }
0x13b: {  	[sflag:s8] =	ssyncadd.s32 $0xFFFFFC00  }
0x13c: {  	_ =	swait.ge [sflag:s8], $0x400  }
0x13d: {  	[sflag:s8] =	ssyncset.done $0x0  }
0x13e: {  	[sflag:s8] =	ssyncadd.s32 $0xFFFFFC00  }
0x13f: {  	_ =	swait.ge [sflag:s8], $0x400  }
0x140: {  	[sflag:s8] =	ssyncset.done $0x0  }
0x141: {  	[sflag:s8] =	ssyncadd.s32 $0xFFFFFC00  }
0x142: {  	_ =	swait.ge [sflag:s8], $0x400  }
0x143: {  	[sflag:s8] =	ssyncset.done $0x0  }
0x144: {  	[sflag:s8] =	ssyncadd.s32 $0xFFFFFC00  }
0x145: {  	_ =	swait.ge [sflag:s8], $0x400  }
0x146: {  	[sflag:s8] =	ssyncset.done $0x0  }
0x147: {  	[sflag:s8] =	ssyncadd.s32 $0xFFFFFC00  }
0x148: {  	_ =	swait.ge [sflag:s8], $0x400  }
0x149: {  	[sflag:s8] =	ssyncset.done $0x0  }
0x14a: {  	[sflag:s8] =	ssyncadd.s32 $0xFFFFFC00  }
0x14b: {  	_ =	swait.ge [sflag:s8], $0x400  }
0x14c: {  	[sflag:s8] =	ssyncset.done $0x0  }
0x14d: {  	[sflag:s8] =	ssyncadd.s32 $0xFFFFFC00  }
0x14e: {  	_ =	swait.ge [sflag:s8], $0x400  }
0x14f: {  	[sflag:s8] =	ssyncset.done $0x0  }
0x150: {  	[sflag:s8] =	ssyncadd.s32 $0xFFFFFC00  }
0x151: {  	_ =	swait.ge [sflag:s8], $0x400  }
0x152: {  	[sflag:s8] =	ssyncset.done $0x0  }
0x153: {  	[sflag:s8] =	ssyncadd.s32 $0xFFFFFC00  }
0x154: {  	_ =	swait.ge [sflag:s8], $0x400  }
0x155: {  	[sflag:s8] =	ssyncset.done $0x0  }
0x156: {  	[sflag:s8] =	ssyncadd.s32 $0xFFFFFC00  }
0x157: {  	_ =	swait.ge [sflag:s8], $0x400  }
0x158: {  	[sflag:s8] =	ssyncset.done $0x0  }
0x159: {  	[sflag:s8] =	ssyncadd.s32 $0xFFFFFC00  }
0x15a: {  	_ =	swait.ge [sflag:s8], $0x400  }
0x15b: {  	[sflag:s8] =	ssyncset.done $0x0  }
0x15c: {  	p0 =	sne.s32 s6, $0x1;
	[sflag:s8] =	ssyncadd.s32 $0xFFFFFC00  }
.Ltmp1:
0x15d: {  	_ =	swait.ge [sflag:s8], $0x400;
	(pc) =	sbr.rel @p0 .LBB2_2-.Ltmp1, $4  }
0x15e: {  	[sflag:s8] =	ssyncset.done $0x0  }
0x15f: {  	[sflag:s8] =	ssyncadd.s32 $0xFFFFFC00  }
0x160: {  	_ =	swait.ge [sflag:s8], $0x400  }
0x161: {  	s6 =	sadd.s32 $0xFFFFFFFF, s6;
	[sflag:s8] =	ssyncset.done $0x0  }
.LBB2_3:
0x162: {  	[sflag:s8] =	ssyncadd.s32 $0xFFFFFC00  }
0x163: {  	[bflag:$0x0] =	sbarrier.arrive $0xFFFF  }
0x164: {  	s6 =	sld [smem:$0x7FA]  }
0x165: {  	s7 =	sld [smem:$0x7FD];
	_ =	sdelay $0x1  }
0x166: {  	s11 =	rddreg [dreg:$0x1f]  }
0x167: {  	[hbm:s6], [sflag:s11] =	dma.local [spmem:s7], $0x186A  }
0x168: {  	_ =	swait.ge [sflag:s12], $0x186A  }
0x169: {  	s10 =	sld [smem:$0x7FB];
	_ =	sdelay $0x1  }
0x16a: {  	s9 =	sadd.s32 $0x1, s9  }
0x16b: {  	p0 =	sne.s32 s9, s10  }
.Ltmp2:
0x16c: {  	_ = 	snop;
	(pc) =	sbr.rel @p0 .LBB2_1-.Ltmp2, $3  }
0x16d: {  	_ =	sdelay $0x1  }
0x16e: {  	[sflag:s12] =	ssyncset.done $0x0  }
0x16f: {  	[sflag:s12] =	ssyncadd.s32 $0xFFFFE796  }
0x170: {  	_ =	sfence.sel $0x180000  }
0x171: {  	[bflag:$0x0] =	sbarrier.arrive $0xFFFF  }
0x172: {  	_ =	strace $0x9000004A  }
0x173: {  	s0 =	stileid.u32;
	[bflag:$0x2] =	sbarrier.arrive $0xFFFF  }
0x174: {  	p0 =	sne.s32 s0, $0x0;
	s0 =	rddreg [dreg:$0x2]  }
0x175: {  	s0 =	sadd.s32 @!p0 $0x100000, s0  }
0x176: {  	[sflag:s0] =	ssyncadd.tile.s32 @!p0 $0x1;
	_ =	shalt  }
.Lfunc_end2:
_tile_overlayer_lowered:
.L_overlay_start_2:
0x177: {  	(tag) =	ssettag $0x2  }
0x178: {  	s0 =	rddreg [dreg:$0x0];
	s2 =	stileid.u32  }
0x179: {  	s1 =	rddreg [dreg:$0x1];
	p0 =	sne.s32 s2, $0x0  }
0x17a: {  	s3 =	rddreg [dreg:$0x2];
	[bflag:$0x3] =	sbarrier.arrive $0xFFFF;
	s2 =	simm.s32 @!p0 $0x1C03  }
0x17b: {  	[timem:s3], [sflag:s2] =	dma.local @!p0 [hbm:s0], s1  }
0x17c: {  	s0 =	simm.s32 @!p0 $0x3  }
0x17d: {  	_ =	swait.ge @!p0 [sflag:s0], s1  }
0x17e: {  	s1 =	ssub.s32 @!p0 $0x0, s1;
	[sflag:s0] =	ssyncset.done @!p0 $0x0  }
0x17f: {  	[sflag:s0] =	ssyncadd.s32 @!p0 s1  }
0x180: {  	[bflag:$0x3] =	sbarrier.arrive $0xFFFF  }
0x181: {  	_ =	shalt  }

// kernel: kernel.14.cloned.1.call-start
scs
__scs_entry_jumppad:
0x0: {  	(pc) =	sbr.rel $0x88, $3  }
0x1: {  	(tag) =	ssettag $0x0;
	lr =	simm.s32 $0x1  }
0x2: {  	[smem:$0x3F92] =	sst lr;
	_ =	strace $0xD0000000  }
0x3: {  	_ = 	snop  }
0x4: {  	_ = 	snop  }
0x5: {  	_ = 	snop  }
0x6: {  	_ = 	snop  }
0x7: {  	_ = 	snop  }
__scs_overlays_trampoline_lowered:
0x8: {  	[smem:$0x3FA1] =	sst s0  }
0x9: {  	[smem:$0x3FA2] =	sst s1  }
0xa: {  	[smem:$0x3FA3] =	sst s2  }
0xb: {  	[smem:$0x3FA4] =	sst s3  }
0xc: {  	[smem:$0x3FA5] =	sst s4  }
0xd: {  	[smem:$0x3FA6] =	sst s5  }
0xe: {  	[smem:$0x3FA7] =	sst s6  }
0xf: {  	[smem:$0x3FA8] =	sst s7  }
0x10: {  	[smem:$0x3FA9] =	sst s8  }
0x11: {  	[smem:$0x3FAA] =	sst s9;
	s0 =	simm.s32 @!p0 $0x0  }
0x12: {  	s1 =	sld [smem:$0x3F90];
	s0 =	simm.s32 @p0 $0x1  }
0x13: {  	[smem:$0x3FAB] =	sst s0;
	s0 =	simm.s32 @!p1 $0x0  }
0x14: {  	s2 =	sld [smem:$0x3F8F];
	s0 =	simm.s32 @p1 $0x1  }
0x15: {  	[smem:$0x3FAC] =	sst s0;
	s0 =	simm.s32 @!p2 $0x0  }
0x16: {  	s3 =	sld [smem:$0x3FDB];
	s0 =	simm.s32 @p2 $0x1  }
0x17: {  	s4 =	simm.s32 $0x1BF5;
	[smem:$0x3FAE] =	sst s0  }
0x18: {  	s0 =	sld [smem:$0x3F91];
	_ =	swait.ge [sflag:s4], $0x0  }
0x19: {  	s7 =	sld [smem:$0x3F92]  }
0x1a: {  	s8 =	sadd.s32 $0xFFFFE003, lr  }
0x1b: {  	s9 =	sadd.s32 $0xFFFFFEF7, lr;
	s5 =	simm.s32 $0xFFFFFFFF;
	p2 =	slt.u32 s8, $0xFFFFF086  }
0x1c: {  	p1 =	slt.u32 s9, $0xF7A;
	s5 =	simm.s32 @!p2 $0x0  }
0x1d: {  	s5 =	simm.s32 @p1 $0x1;
	p0 =	seq.s32 s7, s2  }
0x1e: {  	s7 =	smul.u32 @!p0 $0xF7A, s2;
	p2 =	seq.s32 @!p0 s5, $0x0  }
0x1f: {  	s9 =	smul.u32 $0xF7A, s1;
	s8 =	simm.s32 @!p0 $0x1BF5;
	p2 =	por !p2, p0  }
0x20: {  	[sflag:s8] =	ssyncset.s32 @!p0 $0xFFFFF086;
	s6 =	sadd.s32 @!p0 s3, s7;
	s7 =	simm.s32 @!p0 $0x108  }
0x21: {  	s3 =	sadd.s32 s3, s9;
	s6 =	sadd.s32 @!p0 $0x88, s6;
	s7 =	simm.s32 @p2 $0x1082  }
0x22: {  	[simem:s7], [sflag:s8] =	dma.local @!p0 [hbm:s6], $0xF7A  }
0x23: {  	s9 =	sor.u32 $0xD0000000, s2;
	s6 =	simm.s32 $0x108;
	_ =	swait.ge @!p0 [sflag:s8], $0x0  }
0x24: {  	s3 =	sadd.s32 $0x88, s3;
	s6 =	simm.s32 @!p1 $0x1082;
	[sflag:s4] =	ssyncset.s32 $0xFFFFF086  }
0x25: {  	[simem:s6], [sflag:s4] =	dma.local [hbm:s3], $0xF7A  }
0x26: {  	[smem:$0x3F92] =	sst s1;
	(tag) =	ssettag s2;
	_ =	strace s9  }
0x27: {  	s1 =	sld [smem:$0x3FA2]  }
0x28: {  	s2 =	sld [smem:$0x3FA3]  }
0x29: {  	s4 =	sld [smem:$0x3FA5]  }
0x2a: {  	p0 =	seq.s32 s5, $0x0;
	s5 =	sld [smem:$0x3FA6]  }
0x2b: {  	s6 =	sld [smem:$0x3FA7]  }
0x2c: {  	s7 =	sld [smem:$0x3FA8]  }
0x2d: {  	s3 =	simm.s32 $0x108;
	s8 =	sld [smem:$0x3FA9]  }
0x2e: {  	s3 =	simm.s32 @!p0 $0x1082;
	s9 =	sld [smem:$0x3FAA]  }
0x2f: {  	lr =	sadd.s32 s0, s3;
	s0 =	sld [smem:$0x3FA1]  }
0x30: {  	s3 =	sld [smem:$0x3FA4]  }
0x31: {  	[smem:$0x3FAD] =	sst s10  }
0x32: {  	s10 =	sld [smem:$0x3FAB];
	_ =	sdelay $0x3  }
0x33: {  	p0 =	seq.s32 s10, $0x1;
	s10 =	sld [smem:$0x3FAD];
	_ =	sdelay $0x3  }
0x34: {  	[smem:$0x3FAD] =	sst s10  }
0x35: {  	s10 =	sld [smem:$0x3FAC];
	_ =	sdelay $0x3  }
0x36: {  	p1 =	seq.s32 s10, $0x1;
	s10 =	sld [smem:$0x3FAD];
	_ =	sdelay $0x3  }
0x37: {  	[smem:$0x3FAD] =	sst s10  }
0x38: {  	s10 =	sld [smem:$0x3FAE]  }
0x39: {  	_ = 	snop;
	(pc) =	sbr.ind lr, $3  }
0x3a: {  	_ = 	snop  }
0x3b: {  	_ = 	snop  }
0x3c: {  	p2 =	seq.s32 s10, $0x1;
	s10 =	sld [smem:$0x3FAD]  }
0x3d: {  	_ =	shalt  }
0x3e: {  	_ =	shalt  }
0x3f: {  	_ =	shalt  }
0x40: {  	_ =	shalt  }
0x41: {  	_ =	shalt  }
0x42: {  	_ =	shalt  }
0x43: {  	_ =	shalt  }
0x44: {  	_ =	shalt  }
0x45: {  	_ =	shalt  }
0x46: {  	_ =	shalt  }
0x47: {  	_ =	shalt  }
0x48: {  	_ =	shalt  }
0x49: {  	_ =	shalt  }
0x4a: {  	_ =	shalt  }
0x4b: {  	_ =	shalt  }
0x4c: {  	_ =	shalt  }
0x4d: {  	_ =	shalt  }
0x4e: {  	_ =	shalt  }
0x4f: {  	_ =	shalt  }
0x50: {  	_ =	shalt  }
0x51: {  	_ =	shalt  }
0x52: {  	_ =	shalt  }
0x53: {  	_ =	shalt  }
0x54: {  	_ =	shalt  }
0x55: {  	_ =	shalt  }
0x56: {  	_ =	shalt  }
0x57: {  	_ =	shalt  }
0x58: {  	_ =	shalt  }
0x59: {  	_ =	shalt  }
0x5a: {  	_ =	shalt  }
0x5b: {  	_ =	shalt  }
0x5c: {  	_ =	shalt  }
0x5d: {  	_ =	shalt  }
0x5e: {  	_ =	shalt  }
0x5f: {  	_ =	shalt  }
0x60: {  	_ =	shalt  }
0x61: {  	_ =	shalt  }
0x62: {  	_ =	shalt  }
0x63: {  	_ =	shalt  }
0x64: {  	_ =	shalt  }
0x65: {  	_ =	shalt  }
0x66: {  	_ =	shalt  }
0x67: {  	_ =	shalt  }
0x68: {  	_ =	shalt  }
0x69: {  	_ =	shalt  }
0x6a: {  	_ =	shalt  }
0x6b: {  	_ =	shalt  }
0x6c: {  	_ =	shalt  }
0x6d: {  	_ =	shalt  }
0x6e: {  	_ =	shalt  }
0x6f: {  	_ =	shalt  }
0x70: {  	_ =	shalt  }
0x71: {  	_ =	shalt  }
0x72: {  	_ =	shalt  }
0x73: {  	_ =	shalt  }
0x74: {  	_ =	shalt  }
0x75: {  	_ =	shalt  }
0x76: {  	_ =	shalt  }
0x77: {  	_ =	shalt  }
0x78: {  	_ =	shalt  }
0x79: {  	_ =	shalt  }
0x7a: {  	_ =	shalt  }
0x7b: {  	_ =	shalt  }
0x7c: {  	_ =	shalt  }
0x7d: {  	_ =	shalt  }
0x7e: {  	_ =	shalt  }
0x7f: {  	_ =	shalt  }
0x80: {  	_ =	shalt  }
0x81: {  	_ =	shalt  }
0x82: {  	_ =	shalt  }
0x83: {  	_ =	shalt  }
0x84: {  	_ =	shalt  }
0x85: {  	_ =	shalt  }
0x86: {  	_ =	shalt  }
0x87: {  	_ =	shalt  }
.Lfunc_end0:
.L_simem_size_0:
called_computation.2_lowered:
.L_overlay_start_0:
0x88: {  	s2 =	sld [smem:$0x3FD9]  }
0x89: {  	s3 =	sld [smem:$0x3FFE];
	_ =	sdelay $0x1  }
0x8a: {  	s1 =	srdreg.scid  }
0x8b: {  	s0 =	sand.u32 $0x1, s1  }
0x8c: {  	s16 =	sshll.u32 s0, $0xA;
	s2 =	sadd.s32 s3, s2  }
0x8d: {  	s2 =	sadd.s32 s2, s16  }
0x8e: {  	[smem:$0x3FB9] =	sst s2  }
0x8f: {  	_ = 	snop  }
0x90: {  	(tm) =	ssettm $0x1  }
0x91: {  	s17 =	sld [smem:$0x3FFB];
	_ =	sdelay $0x3  }
0x92: {  	_ =	strace s17  }
0x93: {  	s2 =	sld [smem:$0x3FFC];
	_ =	sdelay $0x3  }
0x94: {  	_ =	strace s2  }
0x95: {  	s2 =	sld [smem:$0x3FFD];
	_ =	sdelay $0x3  }
0x96: {  	_ =	strace s2  }
0x97: {  	_ =	strace $0x8FFFFFFF  }
0x98: {  	s18 =	sld [smem:$0x3FDB];
	_ =	sdelay $0x1  }
0x99: {  	s19 =	simm.s32 $_scs_section_size  }
0x9a: {  	s4 =	simm.s32 $_size__tile_overlayer_lowered;
	s5 =	simm.s32 $_tile_overlayer_lowered  }
0x9b: {  	s22 =	simm.s32 $0x1BFF;
	s21 =	sshll.u32 s5, $0x1;
	s2 =	sadd.s32 s19, s18  }
0x9c: {  	s6 =	simm.s32 $0x0;
	s20 =	sshll.u32 s4, $0x1;
	s4 =	sadd.s32 s21, s2  }
0x9d: {  	[timem:s6], [sflag:s22] =	dma.local [hbm:s4], s20  }
0x9e: {  	_ =	swait.ge [sflag:s22], s20  }
0x9f: {  	s3 =	ssub.s32 $0x0, s20;
	[sflag:s22] =	ssyncset.done $0x0  }
0xa0: {  	[sflag:s22] =	ssyncadd.s32 s3;
	_ =	sdelay $0x1  }
0xa1: {  	s23 =	simm.s32 $0x1B8B  }
0xa2: {  	_ =	swait.ge [sflag:s23], $0x1  }
0xa3: {  	[sflag:s23] =	ssyncset.done $0x0  }
0xa4: {  	s25 =	simm.s32 $0x1B8E;
	s24 =	sld [smem:$0x3FFE];
	[sflag:s23] =	ssyncadd.s32 $0xFFFFFFFF  }
0xa5: {  	s26 =	simm.s32 $execute0_lowered;
	[smem:$0x3FD2] =	sst s25  }
0xa6: {  	s4 =	sshll.u32 s26, $0x1;
	_ =	strace $0x8000004C;
	[dreg:$0x1] =	wrdreg $0xFFFFFFFF  }
0xa7: {  	s28 =	simm.s32 $_size_execute0_lowered;
	s2 =	sadd.s32 s2, s4;
	[dreg:$0x0] =	wrdreg $0x0  }
0xa8: {  	s4 =	sshll.u32 s28, $0x1;
	[dreg:$0x2] =	wrdreg s2  }
0xa9: {  	[dreg:$0x3] =	wrdreg s4  }
0xaa: {  	[dreg:$0x4] =	wrdreg $0xC0  }
0xab: {  	_ =	task [dreg:s6], $0x5FFFF  }
0xac: {  	[dreg:$0x1] =	wrdreg $0xFFFFFFFF  }
0xad: {  	[dreg:$0x0] =	wrdreg $0x60  }
0xae: {  	[dreg:$0x2] =	wrdreg s24  }
0xaf: {  	[dreg:$0x3] =	wrdreg $0x9  }
0xb0: {  	_ =	task.clear_ibuf [dreg:s6], $0x4FFFF;
	_ =	strace $0x9000004C  }
0xb1: {  	s29 =	simm.s32 $0x9;
	_ =	strace $0x8000004E  }
0xb2: {  	_ =	swait.ge [sflag:s29], $0x1  }
0xb3: {  	[sflag:s29] =	ssyncadd.s32 $0xFFFFFFFF  }
0xb4: {  	_ =	strace $0x9000004E  }
0xb5: {  	_ =	sfence  }
0xb6: {  	s30 =	sld [smem:$0x0];
	_ =	sdelay $0x2  }
0xb7: {  	s31 =	sshll.u32 s1, $0xD;
	s1 =	sshrl.u32 s1, $0x2  }
0xb8: {  	s3 =	sand.u32 $0x4000, s31;
	s1 =	sadd.s32 s1, s30  }
0xb9: {  	s0 =	sor.u32 s3, s0;
	s1 =	sshll.u32 s1, $0x11  }
0xba: {  	s0 =	sor.u32 s1, s0  }
0xbb: {  	s0 =	sadd.s32 $0x8F2B, s0  }
0xbc: {  	[sflag:s0] =	ssyncadd.remote.s32 $0x1  }
0xbd: {  	_ =	sfence.sel $0xFFFF  }
0xbe: {  	[dreg:$0x0] =	wrdreg $0xFFFFFFFF;
	(pc) =	sbr.abs _section_cstart, $3  }
0xbf: {  	[dreg:$0x1] =	wrdreg $0xFFFFFFFF  }
0xc0: {  	_ =	task.clear_ibuf [dreg:s6], $0x2FFFF;
	_ =	strace $0x9FFFFFFF  }
0xc1: {  	(tm) =	ssettm $0x7FFFFFFF  }
tec
execute0_lowered:
.L_overlay_start_1:
0x0: {  	(tag) =	ssettag $0x1  }
0x1: {  	s0 =	srdreg.scid  }
0x2: {  	s2 =	stileid.u32;
	s3 =	rddreg [dreg:$0x0];
	s28 =	simm.s32 $0xB80  }
0x3: {  	s29 =	simm.s32 $0x100;
	s30 =	simm.s32 $0xF80;
	s7 =	simm.s32 $0x80  }
0x4: {  	s31 =	simm.s32 $0x180;
	s10 =	simm.s32 $0x200;
	s0 =	sand.u32 $0x1, s0  }
0x5: {  	p0 =	por $0x0, $0x0;
	s1 =	sshll.u32 s0, $0x4;
	s0 =	ssub.s32 $0x2, s0  }
0x6: {  	s1 =	sor.u32 s2, s1;
	s2 =	simm.s32 $0x0;
	s26 =	sshrl.u32 s0, $0x1  }
0x7: {  	s4 =	smul.u32 $0xF0, s1;
	[smem:$0x7FF] =	sst s2;
	s0 =	ssub.s32 s0, s26  }
0x8: {  	_ =	strace $0x8000004D;
	s0 =	smax.u32 s0, $0x1;
	[dreg:$0x4] =	wrdreg s28  }
0x9: {  	s1 =	smul.u32 $0x780, s1;
	[dreg:$0x5] =	wrdreg s29;
	p1 =	sne.s32 s0, $0x1  }
.Ltmp0:
0xa: {  	[dreg:$0x6] =	wrdreg s30;
	s4 =	sadd.s32 s4, s3;
	(pc) =	sbr.rel @!p1 .LBB2_1-.Ltmp0, $4  }
0xb: {  	[dreg:$0x7] =	wrdreg s31;
	s1 =	sadd.s32 s1, s3;
	s25 =	sadd.s32 $0x129800, s4  }
0xc: {  	s6 =	simm.s32 $0x1;
	s1 =	sadd.s32 $0x1CC00, s1;
	[dreg:$0x2] =	wrdreg s25  }
0xd: {  	s5 =	sadd.s32 $0x4400, s3;
	s3 =	simm.s32 $0x2;
	[dreg:$0x3] =	wrdreg s1  }
0xe: {  	s8 =	sadd.s32 $0xFFFFFFFF, s0;
	s4 =	simm.s32 $0x780;
	s0 =	rddreg [dreg:$0x2]  }
0xf: {  	[tilespmem:s2], [sflag:$0x2] =	stream.linear.gather [hbm4b:s0+s2], $0x780, $0x38;
	[tilespmem:$0x4380] =	vst v63  }
0x10: {  	_ =	swait.ge [sflag:s3], $0x780  }
0x11: {  	s23 =	rddreg [dreg:$0x6]  }
0x12: {  	[sflag:s3] =	ssyncset.done $0x0;
	s1 =	rddreg [dreg:$0x4]  }
0x13: {  	s0 =	rddreg [dreg:$0x5];
	[sflag:s3] =	ssyncadd.s32 $0xFFFFF880  }
0x14: {  	[tilespmem:s4], [sflag:$0x1] =	stream.indirect.gather [hbm4b:s5+s7], $0x8, s2, s7, $0xb8;
	[tilespmem:$0x4380] =	vst v63  }
0x15: {  	[dreg:$0x8] =	wrdreg s23  }
0x16: {  	[tilespmem:s1], [sflag:$0x1] =	stream.indirect.gather [hbm4b:s5+s7], $0x8, s7, s7, $0xb8;
	[tilespmem:$0x4380] =	vst v63  }
0x17: {  	s31 =	rddreg [dreg:$0x8]  }
0x18: {  	[tilespmem:s31], [sflag:$0x1] =	stream.indirect.gather [hbm4b:s5+s7], $0x8, s0, s7, $0xb8;
	[tilespmem:$0x4380] =	vst v63  }
0x19: {  	s9 =	simm.s32 $0x1380;
	s1 =	rddreg [dreg:$0x7]  }
0x1a: {  	[tilespmem:s9], [sflag:$0x1] =	stream.indirect.gather [hbm4b:s5+s7], $0x8, s1, s7, $0xb8;
	[tilespmem:$0x4380] =	vst v63  }
0x1b: {  	s11 =	simm.s32 $0x1780  }
0x1c: {  	[tilespmem:s11], [sflag:$0x1] =	stream.indirect.gather [hbm4b:s5+s7], $0x8, s10, s7, $0xb8;
	[tilespmem:$0x4380] =	vst v63  }
0x1d: {  	s12 =	simm.s32 $0x280;
	s13 =	simm.s32 $0x1B80  }
0x1e: {  	[tilespmem:s13], [sflag:$0x1] =	stream.indirect.gather [hbm4b:s5+s7], $0x8, s12, s7, $0xb8;
	[tilespmem:$0x4380] =	vst v63  }
0x1f: {  	s14 =	simm.s32 $0x300;
	s15 =	simm.s32 $0x1F80  }
0x20: {  	[tilespmem:s15], [sflag:$0x1] =	stream.indirect.gather [hbm4b:s5+s7], $0x8, s14, s7, $0xb8;
	[tilespmem:$0x4380] =	vst v63  }
0x21: {  	s16 =	simm.s32 $0x380;
	s17 =	simm.s32 $0x2380  }
0x22: {  	[tilespmem:s17], [sflag:$0x1] =	stream.indirect.gather [hbm4b:s5+s7], $0x8, s16, s7, $0xb8;
	[tilespmem:$0x4380] =	vst v63  }
0x23: {  	s18 =	simm.s32 $0x400;
	s19 =	simm.s32 $0x2780  }
0x24: {  	[tilespmem:s19], [sflag:$0x1] =	stream.indirect.gather [hbm4b:s5+s7], $0x8, s18, s7, $0xb8;
	[tilespmem:$0x4380] =	vst v63  }
0x25: {  	s20 =	simm.s32 $0x480;
	s21 =	simm.s32 $0x2B80  }
0x26: {  	[tilespmem:s21], [sflag:$0x1] =	stream.indirect.gather [hbm4b:s5+s7], $0x8, s20, s7, $0xb8;
	[tilespmem:$0x4380] =	vst v63  }
0x27: {  	s22 =	simm.s32 $0x500;
	s23 =	simm.s32 $0x2F80  }
0x28: {  	[tilespmem:s23], [sflag:$0x1] =	stream.indirect.gather [hbm4b:s5+s7], $0x8, s22, s7, $0xb8;
	[tilespmem:$0x4380] =	vst v63  }
0x29: {  	s24 =	simm.s32 $0x580;
	s25 =	simm.s32 $0x3380  }
0x2a: {  	[tilespmem:s25], [sflag:$0x1] =	stream.indirect.gather [hbm4b:s5+s7], $0x8, s24, s7, $0xb8;
	[tilespmem:$0x4380] =	vst v63  }
0x2b: {  	s26 =	simm.s32 $0x600;
	s28 =	simm.s32 $0x3780  }
0x2c: {  	[tilespmem:s28], [sflag:$0x1] =	stream.indirect.gather [hbm4b:s5+s7], $0x8, s26, s7, $0xb8;
	[tilespmem:$0x4380] =	vst v63  }
0x2d: {  	s29 =	simm.s32 $0x680;
	s30 =	simm.s32 $0x3B80  }
0x2e: {  	[tilespmem:s30], [sflag:$0x1] =	stream.indirect.gather [hbm4b:s5+s7], $0x8, s29, s7, $0xb8;
	[tilespmem:$0x4380] =	vst v63  }
0x2f: {  	s24 =	simm.s32 $0x700;
	s25 =	simm.s32 $0x3F80  }
0x30: {  	[tilespmem:s25], [sflag:$0x1] =	stream.indirect.gather [hbm4b:s5+s7], $0x8, s24, s7, $0xb8;
	[tilespmem:$0x4380] =	vst v63  }
0x31: {  	_ =	swait.ge [sflag:s6], $0x400  }
0x32: {  	[sflag:s6] =	ssyncset.done $0x0  }
0x33: {  	[sflag:s6] =	ssyncadd.s32 $0xFFFFFC00  }
0x34: {  	_ =	swait.ge [sflag:s6], $0x400  }
0x35: {  	[sflag:s6] =	ssyncset.done $0x0  }
0x36: {  	[sflag:s6] =	ssyncadd.s32 $0xFFFFFC00  }
0x37: {  	_ =	swait.ge [sflag:s6], $0x400  }
0x38: {  	[sflag:s6] =	ssyncset.done $0x0  }
0x39: {  	[sflag:s6] =	ssyncadd.s32 $0xFFFFFC00  }
0x3a: {  	_ =	swait.ge [sflag:s6], $0x400  }
0x3b: {  	[sflag:s6] =	ssyncset.done $0x0  }
0x3c: {  	[sflag:s6] =	ssyncadd.s32 $0xFFFFFC00  }
0x3d: {  	_ =	swait.ge [sflag:s6], $0x400  }
0x3e: {  	[sflag:s6] =	ssyncset.done $0x0  }
0x3f: {  	[sflag:s6] =	ssyncadd.s32 $0xFFFFFC00  }
0x40: {  	_ =	swait.ge [sflag:s6], $0x400  }
0x41: {  	[sflag:s6] =	ssyncset.done $0x0  }
0x42: {  	[sflag:s6] =	ssyncadd.s32 $0xFFFFFC00  }
0x43: {  	_ =	swait.ge [sflag:s6], $0x400  }
0x44: {  	[sflag:s6] =	ssyncset.done $0x0  }
0x45: {  	[sflag:s6] =	ssyncadd.s32 $0xFFFFFC00  }
0x46: {  	_ =	swait.ge [sflag:s6], $0x400  }
0x47: {  	[sflag:s6] =	ssyncset.done $0x0  }
0x48: {  	[sflag:s6] =	ssyncadd.s32 $0xFFFFFC00  }
0x49: {  	_ =	swait.ge [sflag:s6], $0x400  }
0x4a: {  	[sflag:s6] =	ssyncset.done $0x0  }
0x4b: {  	[sflag:s6] =	ssyncadd.s32 $0xFFFFFC00  }
0x4c: {  	_ =	swait.ge [sflag:s6], $0x400  }
0x4d: {  	[sflag:s6] =	ssyncset.done $0x0  }
0x4e: {  	[sflag:s6] =	ssyncadd.s32 $0xFFFFFC00  }
0x4f: {  	_ =	swait.ge [sflag:s6], $0x400  }
0x50: {  	[sflag:s6] =	ssyncset.done $0x0  }
0x51: {  	[sflag:s6] =	ssyncadd.s32 $0xFFFFFC00  }
0x52: {  	_ =	swait.ge [sflag:s6], $0x400  }
0x53: {  	p1 =	sne.s32 s8, $0x1;
	p0 =	por $0x1, $0x1;
	[sflag:s6] =	ssyncset.done $0x0  }
0x54: {  	s31 =	simm.s32 $0x700;
	s1 =	sadd.s32 $0xFFFFFFFF, s8;
	[sflag:s6] =	ssyncadd.s32 $0xFFFFFC00  }
0x55: {  	s11 =	simm.s32 $0x1780;
	s12 =	simm.s32 $0x3F80;
	_ =	swait.ge [sflag:s6], $0x400  }
0x56: {  	s13 =	simm.s32 $0x1B80;
	s15 =	simm.s32 $0x1F80;
	[sflag:s6] =	ssyncset.done $0x0  }
0x57: {  	s14 =	simm.s32 $0x300;
	s17 =	simm.s32 $0x2380;
	[sflag:s6] =	ssyncadd.s32 $0xFFFFFC00  }
0x58: {  	s16 =	simm.s32 $0x380;
	s19 =	simm.s32 $0x2780;
	_ =	swait.ge [sflag:s6], $0x400  }
0x59: {  	s18 =	simm.s32 $0x400;
	s21 =	simm.s32 $0x2B80;
	[sflag:s6] =	ssyncset.done $0x0  }
0x5a: {  	s20 =	simm.s32 $0x480;
	s23 =	simm.s32 $0x2F80;
	[sflag:s6] =	ssyncadd.s32 $0xFFFFFC00  }
0x5b: {  	s22 =	simm.s32 $0x500;
	s28 =	simm.s32 $0x3780;
	_ =	swait.ge [sflag:s6], $0x400  }
.Ltmp1:
0x5c: {  	s30 =	simm.s32 $0x3B80;
	[sflag:s6] =	ssyncset.done $0x0;
	(pc) =	sbr.rel @!p1 .LBB2_3-.Ltmp1, $4  }
0x5d: {  	s29 =	simm.s32 $0x680;
	s26 =	rddreg [dreg:$0x3];
	[sflag:s6] =	ssyncadd.s32 $0xFFFFFC00  }
0x5e: {  	[hbm4b:s26+s2] =	stream.linear.scatter [tilespmem:s4], [sflag:$0x2], $0x3C00, $0x38;
	[tilespmem:$0x4380] =	vst v63  }
0x5f: {  	s25 =	simm.s32 $0x3380;
	s24 =	simm.s32 $0x580;
	_ =	swait.ge [sflag:s3], $0x3C00  }
0x60: {  	s26 =	simm.s32 $0x600;
	s0 =	rddreg [dreg:$0x2];
	[sflag:s3] =	ssyncset.done $0x0  }
.LBB2_4:
0x61: {  	[sflag:s3] =	ssyncadd.s32 $0xFFFFC400  }
0x62: {  	[tilespmem:s2], [sflag:$0x2] =	stream.linear.gather [hbm4b:s0+s2], $0x780, $0x38;
	[tilespmem:$0x4380] =	vst v63  }
0x63: {  	_ =	swait.ge [sflag:s3], $0x780  }
0x64: {  	[sflag:s3] =	ssyncset.done $0x0  }
0x65: {  	s0 =	rddreg [dreg:$0x6];
	[sflag:s3] =	ssyncadd.s32 $0xFFFFF880  }
0x66: {  	[tilespmem:s4], [sflag:$0x1] =	stream.indirect.gather [hbm4b:s5+s7], $0x8, s2, s7, $0xb8;
	[tilespmem:$0x4380] =	vst v63  }
0x67: {  	s8 =	rddreg [dreg:$0x4]  }
0x68: {  	[tilespmem:s8], [sflag:$0x1] =	stream.indirect.gather [hbm4b:s5+s7], $0x8, s7, s7, $0xb8;
	[tilespmem:$0x4380] =	vst v63  }
0x69: {  	s9 =	rddreg [dreg:$0x5]  }
0x6a: {  	[tilespmem:s0], [sflag:$0x1] =	stream.indirect.gather [hbm4b:s5+s7], $0x8, s9, s7, $0xb8;
	[tilespmem:$0x4380] =	vst v63  }
0x6b: {  	s10 =	simm.s32 $0x1380;
	s8 =	rddreg [dreg:$0x7]  }
0x6c: {  	[tilespmem:s10], [sflag:$0x1] =	stream.indirect.gather [hbm4b:s5+s7], $0x8, s8, s7, $0xb8;
	[tilespmem:$0x4380] =	vst v63  }
0x6d: {  	s10 =	simm.s32 $0x200  }
0x6e: {  	[tilespmem:s11], [sflag:$0x1] =	stream.indirect.gather [hbm4b:s5+s7], $0x8, s10, s7, $0xb8;
	[tilespmem:$0x4380] =	vst v63  }
0x6f: {  	s8 =	simm.s32 $0x280  }
0x70: {  	[tilespmem:s13], [sflag:$0x1] =	stream.indirect.gather [hbm4b:s5+s7], $0x8, s8, s7, $0xb8;
	[tilespmem:$0x4380] =	vst v63  }
0x71: {  	_ = 	snop  }
0x72: {  	[tilespmem:s15], [sflag:$0x1] =	stream.indirect.gather [hbm4b:s5+s7], $0x8, s14, s7, $0xb8;
	[tilespmem:$0x4380] =	vst v63  }
0x73: {  	_ = 	snop  }
0x74: {  	[tilespmem:s17], [sflag:$0x1] =	stream.indirect.gather [hbm4b:s5+s7], $0x8, s16, s7, $0xb8;
	[tilespmem:$0x4380] =	vst v63  }
0x75: {  	_ = 	snop  }
0x76: {  	[tilespmem:s19], [sflag:$0x1] =	stream.indirect.gather [hbm4b:s5+s7], $0x8, s18, s7, $0xb8;
	[tilespmem:$0x4380] =	vst v63  }
0x77: {  	_ = 	snop  }
0x78: {  	[tilespmem:s21], [sflag:$0x1] =	stream.indirect.gather [hbm4b:s5+s7], $0x8, s20, s7, $0xb8;
	[tilespmem:$0x4380] =	vst v63  }
0x79: {  	_ = 	snop  }
0x7a: {  	[tilespmem:s23], [sflag:$0x1] =	stream.indirect.gather [hbm4b:s5+s7], $0x8, s22, s7, $0xb8;
	[tilespmem:$0x4380] =	vst v63  }
0x7b: {  	_ = 	snop  }
0x7c: {  	[tilespmem:s25], [sflag:$0x1] =	stream.indirect.gather [hbm4b:s5+s7], $0x8, s24, s7, $0xb8;
	[tilespmem:$0x4380] =	vst v63  }
0x7d: {  	_ = 	snop  }
0x7e: {  	[tilespmem:s28], [sflag:$0x1] =	stream.indirect.gather [hbm4b:s5+s7], $0x8, s26, s7, $0xb8;
	[tilespmem:$0x4380] =	vst v63  }
0x7f: {  	_ = 	snop  }
0x80: {  	[tilespmem:s30], [sflag:$0x1] =	stream.indirect.gather [hbm4b:s5+s7], $0x8, s29, s7, $0xb8;
	[tilespmem:$0x4380] =	vst v63  }
0x81: {  	_ = 	snop  }
0x82: {  	[tilespmem:s12], [sflag:$0x1] =	stream.indirect.gather [hbm4b:s5+s7], $0x8, s31, s7, $0xb8;
	[tilespmem:$0x4380] =	vst v63  }
0x83: {  	_ =	swait.ge [sflag:s6], $0x400  }
0x84: {  	[sflag:s6] =	ssyncset.done $0x0  }
0x85: {  	[sflag:s6] =	ssyncadd.s32 $0xFFFFFC00  }
0x86: {  	_ =	swait.ge [sflag:s6], $0x400  }
0x87: {  	[sflag:s6] =	ssyncset.done $0x0  }
0x88: {  	[sflag:s6] =	ssyncadd.s32 $0xFFFFFC00  }
0x89: {  	_ =	swait.ge [sflag:s6], $0x400  }
0x8a: {  	[sflag:s6] =	ssyncset.done $0x0  }
0x8b: {  	[sflag:s6] =	ssyncadd.s32 $0xFFFFFC00  }
0x8c: {  	_ =	swait.ge [sflag:s6], $0x400  }
0x8d: {  	[sflag:s6] =	ssyncset.done $0x0  }
0x8e: {  	[sflag:s6] =	ssyncadd.s32 $0xFFFFFC00  }
0x8f: {  	_ =	swait.ge [sflag:s6], $0x400  }
0x90: {  	[sflag:s6] =	ssyncset.done $0x0  }
0x91: {  	[sflag:s6] =	ssyncadd.s32 $0xFFFFFC00  }
0x92: {  	_ =	swait.ge [sflag:s6], $0x400  }
0x93: {  	[sflag:s6] =	ssyncset.done $0x0  }
0x94: {  	[sflag:s6] =	ssyncadd.s32 $0xFFFFFC00  }
0x95: {  	_ =	swait.ge [sflag:s6], $0x400  }
0x96: {  	[sflag:s6] =	ssyncset.done $0x0  }
0x97: {  	[sflag:s6] =	ssyncadd.s32 $0xFFFFFC00  }
0x98: {  	_ =	swait.ge [sflag:s6], $0x400  }
0x99: {  	[sflag:s6] =	ssyncset.done $0x0  }
0x9a: {  	[sflag:s6] =	ssyncadd.s32 $0xFFFFFC00  }
0x9b: {  	_ =	swait.ge [sflag:s6], $0x400  }
0x9c: {  	[sflag:s6] =	ssyncset.done $0x0  }
0x9d: {  	[sflag:s6] =	ssyncadd.s32 $0xFFFFFC00  }
0x9e: {  	_ =	swait.ge [sflag:s6], $0x400  }
0x9f: {  	[sflag:s6] =	ssyncset.done $0x0  }
0xa0: {  	[sflag:s6] =	ssyncadd.s32 $0xFFFFFC00  }
0xa1: {  	_ =	swait.ge [sflag:s6], $0x400  }
0xa2: {  	[sflag:s6] =	ssyncset.done $0x0  }
0xa3: {  	[sflag:s6] =	ssyncadd.s32 $0xFFFFFC00  }
0xa4: {  	_ =	swait.ge [sflag:s6], $0x400  }
0xa5: {  	[sflag:s6] =	ssyncset.done $0x0  }
0xa6: {  	[sflag:s6] =	ssyncadd.s32 $0xFFFFFC00  }
0xa7: {  	_ =	swait.ge [sflag:s6], $0x400  }
0xa8: {  	[sflag:s6] =	ssyncset.done $0x0  }
0xa9: {  	[sflag:s6] =	ssyncadd.s32 $0xFFFFFC00  }
0xaa: {  	_ =	swait.ge [sflag:s6], $0x400  }
0xab: {  	[sflag:s6] =	ssyncset.done $0x0  }
0xac: {  	[sflag:s6] =	ssyncadd.s32 $0xFFFFFC00  }
0xad: {  	p1 =	sne.s32 s1, $0x1;
	_ =	swait.ge [sflag:s6], $0x400  }
.Ltmp2:
0xae: {  	[sflag:s6] =	ssyncset.done $0x0;
	(pc) =	sbr.rel @p1 .LBB2_4-.Ltmp2, $4  }
0xaf: {  	s9 =	rddreg [dreg:$0x3];
	[sflag:s6] =	ssyncadd.s32 $0xFFFFFC00  }
0xb0: {  	[hbm4b:s9+s2] =	stream.linear.scatter [tilespmem:s4], [sflag:$0x2], $0x3C00, $0x38;
	[tilespmem:$0x4380] =	vst v63  }
0xb1: {  	_ =	swait.ge [sflag:s3], $0x3C00  }
0xb2: {  	s1 =	sadd.s32 $0xFFFFFFFF, s1;
	s0 =	rddreg [dreg:$0x2];
	[sflag:s3] =	ssyncset.done $0x0  }
0xb3: {  	s31 =	simm.s32 $0x700;
	s30 =	simm.s32 $0x3B80;
	s29 =	simm.s32 $0x680  }
0xb4: {  	s28 =	simm.s32 $0x3780;
	s26 =	simm.s32 $0x600;
	s25 =	simm.s32 $0x3380  }
0xb5: {  	s24 =	simm.s32 $0x580;
	s23 =	simm.s32 $0x2F80;
	s22 =	simm.s32 $0x500  }
0xb6: {  	s21 =	simm.s32 $0x2B80;
	s20 =	simm.s32 $0x480;
	s19 =	simm.s32 $0x2780  }
0xb7: {  	s18 =	simm.s32 $0x400;
	s17 =	simm.s32 $0x2380;
	s16 =	simm.s32 $0x380  }
0xb8: {  	s15 =	simm.s32 $0x1F80;
	s14 =	simm.s32 $0x300;
	s13 =	simm.s32 $0x1B80  }
0xb9: {  	s12 =	simm.s32 $0x280;
	s11 =	simm.s32 $0x1780;
	s9 =	simm.s32 $0x1380  }
.LBB2_6:
0xba: {  	[sflag:s3] =	ssyncadd.s32 @p0 $0xFFFFC400  }
0xbb: {  	[tilespmem:s2], [sflag:$0x2] =	stream.linear.gather [hbm4b:s0+s2], $0x780, $0x38;
	[tilespmem:$0x4380] =	vst v63  }
0xbc: {  	_ =	swait.ge [sflag:s3], $0x780  }
0xbd: {  	[sflag:s3] =	ssyncset.done $0x0  }
0xbe: {  	s0 =	rddreg [dreg:$0x4];
	[sflag:s3] =	ssyncadd.s32 $0xFFFFF880  }
0xbf: {  	[tilespmem:s4], [sflag:$0x1] =	stream.indirect.gather [hbm4b:s5+s7], $0x8, s2, s7, $0xb8;
	[tilespmem:$0x4380] =	vst v63  }
0xc0: {  	s1 =	rddreg [dreg:$0x6]  }
0xc1: {  	[tilespmem:s0], [sflag:$0x1] =	stream.indirect.gather [hbm4b:s5+s7], $0x8, s7, s7, $0xb8;
	[tilespmem:$0x4380] =	vst v63  }
0xc2: {  	s8 =	rddreg [dreg:$0x5]  }
0xc3: {  	[tilespmem:s1], [sflag:$0x1] =	stream.indirect.gather [hbm4b:s5+s7], $0x8, s8, s7, $0xb8;
	[tilespmem:$0x4380] =	vst v63  }
0xc4: {  	s0 =	rddreg [dreg:$0x7]  }
0xc5: {  	[tilespmem:s9], [sflag:$0x1] =	stream.indirect.gather [hbm4b:s5+s7], $0x8, s0, s7, $0xb8;
	[tilespmem:$0x4380] =	vst v63  }
0xc6: {  	_ = 	snop  }
0xc7: {  	[tilespmem:s11], [sflag:$0x1] =	stream.indirect.gather [hbm4b:s5+s7], $0x8, s10, s7, $0xb8;
	[tilespmem:$0x4380] =	vst v63  }
0xc8: {  	_ = 	snop  }
0xc9: {  	[tilespmem:s13], [sflag:$0x1] =	stream.indirect.gather [hbm4b:s5+s7], $0x8, s12, s7, $0xb8;
	[tilespmem:$0x4380] =	vst v63  }
0xca: {  	_ = 	snop  }
0xcb: {  	[tilespmem:s15], [sflag:$0x1] =	stream.indirect.gather [hbm4b:s5+s7], $0x8, s14, s7, $0xb8;
	[tilespmem:$0x4380] =	vst v63  }
0xcc: {  	_ = 	snop  }
0xcd: {  	[tilespmem:s17], [sflag:$0x1] =	stream.indirect.gather [hbm4b:s5+s7], $0x8, s16, s7, $0xb8;
	[tilespmem:$0x4380] =	vst v63  }
0xce: {  	_ = 	snop  }
0xcf: {  	[tilespmem:s19], [sflag:$0x1] =	stream.indirect.gather [hbm4b:s5+s7], $0x8, s18, s7, $0xb8;
	[tilespmem:$0x4380] =	vst v63  }
0xd0: {  	_ = 	snop  }
0xd1: {  	[tilespmem:s21], [sflag:$0x1] =	stream.indirect.gather [hbm4b:s5+s7], $0x8, s20, s7, $0xb8;
	[tilespmem:$0x4380] =	vst v63  }
0xd2: {  	_ = 	snop  }
0xd3: {  	[tilespmem:s23], [sflag:$0x1] =	stream.indirect.gather [hbm4b:s5+s7], $0x8, s22, s7, $0xb8;
	[tilespmem:$0x4380] =	vst v63  }
0xd4: {  	_ = 	snop  }
0xd5: {  	[tilespmem:s25], [sflag:$0x1] =	stream.indirect.gather [hbm4b:s5+s7], $0x8, s24, s7, $0xb8;
	[tilespmem:$0x4380] =	vst v63  }
0xd6: {  	_ = 	snop  }
0xd7: {  	[tilespmem:s28], [sflag:$0x1] =	stream.indirect.gather [hbm4b:s5+s7], $0x8, s26, s7, $0xb8;
	[tilespmem:$0x4380] =	vst v63  }
0xd8: {  	_ = 	snop  }
0xd9: {  	[tilespmem:s30], [sflag:$0x1] =	stream.indirect.gather [hbm4b:s5+s7], $0x8, s29, s7, $0xb8;
	[tilespmem:$0x4380] =	vst v63  }
0xda: {  	s29 =	simm.s32 $0x3F80  }
0xdb: {  	[tilespmem:s29], [sflag:$0x1] =	stream.indirect.gather [hbm4b:s5+s7], $0x8, s31, s7, $0xb8;
	[tilespmem:$0x4380] =	vst v63  }
0xdc: {  	_ =	swait.ge [sflag:s6], $0x400  }
0xdd: {  	[sflag:s6] =	ssyncset.done $0x0  }
0xde: {  	[sflag:s6] =	ssyncadd.s32 $0xFFFFFC00  }
0xdf: {  	_ =	swait.ge [sflag:s6], $0x400  }
0xe0: {  	[sflag:s6] =	ssyncset.done $0x0  }
0xe1: {  	[sflag:s6] =	ssyncadd.s32 $0xFFFFFC00  }
0xe2: {  	_ =	swait.ge [sflag:s6], $0x400  }
0xe3: {  	[sflag:s6] =	ssyncset.done $0x0  }
0xe4: {  	[sflag:s6] =	ssyncadd.s32 $0xFFFFFC00  }
0xe5: {  	_ =	swait.ge [sflag:s6], $0x400  }
0xe6: {  	[sflag:s6] =	ssyncset.done $0x0  }
0xe7: {  	[sflag:s6] =	ssyncadd.s32 $0xFFFFFC00  }
0xe8: {  	_ =	swait.ge [sflag:s6], $0x400  }
0xe9: {  	[sflag:s6] =	ssyncset.done $0x0  }
0xea: {  	[sflag:s6] =	ssyncadd.s32 $0xFFFFFC00  }
0xeb: {  	_ =	swait.ge [sflag:s6], $0x400  }
0xec: {  	[sflag:s6] =	ssyncset.done $0x0  }
0xed: {  	[sflag:s6] =	ssyncadd.s32 $0xFFFFFC00  }
0xee: {  	_ =	swait.ge [sflag:s6], $0x400  }
0xef: {  	[sflag:s6] =	ssyncset.done $0x0  }
0xf0: {  	[sflag:s6] =	ssyncadd.s32 $0xFFFFFC00  }
0xf1: {  	_ =	swait.ge [sflag:s6], $0x400  }
0xf2: {  	[sflag:s6] =	ssyncset.done $0x0  }
0xf3: {  	[sflag:s6] =	ssyncadd.s32 $0xFFFFFC00  }
0xf4: {  	_ =	swait.ge [sflag:s6], $0x400  }
0xf5: {  	[sflag:s6] =	ssyncset.done $0x0  }
0xf6: {  	[sflag:s6] =	ssyncadd.s32 $0xFFFFFC00  }
0xf7: {  	_ =	swait.ge [sflag:s6], $0x400  }
0xf8: {  	[sflag:s6] =	ssyncset.done $0x0  }
0xf9: {  	[sflag:s6] =	ssyncadd.s32 $0xFFFFFC00  }
0xfa: {  	_ =	swait.ge [sflag:s6], $0x400  }
0xfb: {  	[sflag:s6] =	ssyncset.done $0x0  }
0xfc: {  	[sflag:s6] =	ssyncadd.s32 $0xFFFFFC00  }
0xfd: {  	_ =	swait.ge [sflag:s6], $0x400  }
0xfe: {  	[sflag:s6] =	ssyncset.done $0x0  }
0xff: {  	[sflag:s6] =	ssyncadd.s32 $0xFFFFFC00  }
0x100: {  	_ =	swait.ge [sflag:s6], $0x400  }
0x101: {  	[sflag:s6] =	ssyncset.done $0x0  }
0x102: {  	[sflag:s6] =	ssyncadd.s32 $0xFFFFFC00  }
0x103: {  	_ =	swait.ge [sflag:s6], $0x400  }
0x104: {  	[sflag:s6] =	ssyncset.done $0x0  }
0x105: {  	[sflag:s6] =	ssyncadd.s32 $0xFFFFFC00  }
0x106: {  	_ =	swait.ge [sflag:s6], $0x400  }
0x107: {  	[sflag:s6] =	ssyncset.done $0x0  }
0x108: {  	s30 =	rddreg [dreg:$0x3];
	[sflag:s6] =	ssyncadd.s32 $0xFFFFFC00  }
0x109: {  	[hbm4b:s30+s2] =	stream.linear.scatter [tilespmem:s4], [sflag:$0x2], $0x3C00, $0x38;
	[tilespmem:$0x4380] =	vst v63  }
0x10a: {  	_ =	swait.ge [sflag:s3], $0x3C00  }
0x10b: {  	[sflag:s3] =	ssyncset.done $0x0  }
0x10c: {  	[sflag:s3] =	ssyncadd.s32 $0xFFFFC400  }
0x10d: {  	_ =	sfence.sel $0x180000  }
0x10e: {  	[bflag:$0x0] =	sbarrier.arrive $0xFFFF  }
0x10f: {  	_ =	strace $0x9000004D  }
0x110: {  	s31 =	stileid.u32;
	[bflag:$0x2] =	sbarrier.arrive $0xFFFF  }
0x111: {  	p0 =	sne.s32 s31, $0x0;
	s0 =	rddreg [dreg:$0x1]  }
0x112: {  	s0 =	sadd.s32 @!p0 $0x100000, s0  }
0x113: {  	[sflag:s0] =	ssyncadd.tile.s32 @!p0 $0x1;
	_ =	shalt  }
.LBB2_1:
0x114: {  	s31 =	simm.s32 $0x700  }
0x115: {  	s30 =	simm.s32 $0x3B80;
	s29 =	simm.s32 $0x680;
	s28 =	simm.s32 $0x3780  }
0x116: {  	s26 =	simm.s32 $0x600;
	s25 =	simm.s32 $0x3380;
	s24 =	simm.s32 $0x580  }
.Ltmp3:
0x117: {  	s23 =	simm.s32 $0x2F80;
	s22 =	simm.s32 $0x500;
	(pc) =	sbr.rel .LBB2_6-.Ltmp3, $4  }
0x118: {  	s21 =	simm.s32 $0x2B80;
	s20 =	simm.s32 $0x480;
	s19 =	simm.s32 $0x2780  }
0x119: {  	s18 =	simm.s32 $0x400;
	s17 =	simm.s32 $0x2380;
	s16 =	simm.s32 $0x380  }
0x11a: {  	s15 =	simm.s32 $0x1F80;
	s14 =	simm.s32 $0x300;
	s13 =	simm.s32 $0x1B80  }
0x11b: {  	s12 =	simm.s32 $0x280;
	s11 =	simm.s32 $0x1780;
	s9 =	simm.s32 $0x1380  }
.LBB2_3:
0x11c: {  	s31 =	simm.s32 $0x700  }
0x11d: {  	s30 =	simm.s32 $0x3B80;
	s29 =	simm.s32 $0x680;
	s28 =	simm.s32 $0x3780  }
0x11e: {  	s26 =	simm.s32 $0x600;
	s25 =	simm.s32 $0x3380;
	s24 =	simm.s32 $0x580  }
.Ltmp4:
0x11f: {  	s23 =	simm.s32 $0x2F80;
	s22 =	simm.s32 $0x500;
	(pc) =	sbr.rel .LBB2_6-.Ltmp4, $4  }
0x120: {  	s21 =	simm.s32 $0x2B80;
	s20 =	simm.s32 $0x480;
	s19 =	simm.s32 $0x2780  }
0x121: {  	s18 =	simm.s32 $0x400;
	s17 =	simm.s32 $0x2380;
	s16 =	simm.s32 $0x380  }
0x122: {  	s15 =	simm.s32 $0x1F80;
	s14 =	simm.s32 $0x300;
	s13 =	simm.s32 $0x1B80  }
0x123: {  	s12 =	simm.s32 $0x280;
	s11 =	simm.s32 $0x1780;
	s9 =	simm.s32 $0x1380  }
.Lfunc_end2:
_tile_overlayer_lowered:
.L_overlay_start_2:
0x124: {  	(tag) =	ssettag $0x2  }
0x125: {  	s0 =	rddreg [dreg:$0x0];
	s2 =	stileid.u32  }
0x126: {  	s1 =	rddreg [dreg:$0x1];
	p0 =	sne.s32 s2, $0x0  }
0x127: {  	s3 =	rddreg [dreg:$0x2];
	[bflag:$0x3] =	sbarrier.arrive $0xFFFF;
	s2 =	simm.s32 @!p0 $0x1C02  }
0x128: {  	[timem:s3], [sflag:s2] =	dma.local @!p0 [hbm:s0], s1  }
0x129: {  	s0 =	simm.s32 @!p0 $0x2  }
0x12a: {  	_ =	swait.ge @!p0 [sflag:s0], s1  }
0x12b: {  	s1 =	ssub.s32 @!p0 $0x0, s1;
	[sflag:s0] =	ssyncset.done @!p0 $0x0  }
0x12c: {  	[sflag:s0] =	ssyncadd.s32 @!p0 s1  }
0x12d: {  	[bflag:$0x3] =	sbarrier.arrive $0xFFFF  }
0x12e: {  	_ =	shalt  }

// kernel: kernel.8.cloned.1.call-start
scs
__scs_entry_jumppad:
0x0: {  	(pc) =	sbr.rel $0x88, $3  }
0x1: {  	(tag) =	ssettag $0x0;
	lr =	simm.s32 $0x1  }
0x2: {  	[smem:$0x3F92] =	sst lr;
	_ =	strace $0xD0000000  }
0x3: {  	_ = 	snop  }
0x4: {  	_ = 	snop  }
0x5: {  	_ = 	snop  }
0x6: {  	_ = 	snop  }
0x7: {  	_ = 	snop  }
__scs_overlays_trampoline_lowered:
0x8: {  	[smem:$0x3FA1] =	sst s0  }
0x9: {  	[smem:$0x3FA2] =	sst s1  }
0xa: {  	[smem:$0x3FA3] =	sst s2  }
0xb: {  	[smem:$0x3FA4] =	sst s3  }
0xc: {  	[smem:$0x3FA5] =	sst s4  }
0xd: {  	[smem:$0x3FA6] =	sst s5  }
0xe: {  	[smem:$0x3FA7] =	sst s6  }
0xf: {  	[smem:$0x3FA8] =	sst s7  }
0x10: {  	[smem:$0x3FA9] =	sst s8  }
0x11: {  	[smem:$0x3FAA] =	sst s9;
	s0 =	simm.s32 @!p0 $0x0  }
0x12: {  	s1 =	sld [smem:$0x3F90];
	s0 =	simm.s32 @p0 $0x1  }
0x13: {  	[smem:$0x3FAB] =	sst s0;
	s0 =	simm.s32 @!p1 $0x0  }
0x14: {  	s2 =	sld [smem:$0x3F8F];
	s0 =	simm.s32 @p1 $0x1  }
0x15: {  	[smem:$0x3FAC] =	sst s0;
	s0 =	simm.s32 @!p2 $0x0  }
0x16: {  	s3 =	sld [smem:$0x3FDB];
	s0 =	simm.s32 @p2 $0x1  }
0x17: {  	s4 =	simm.s32 $0x1BF5;
	[smem:$0x3FAE] =	sst s0  }
0x18: {  	s0 =	sld [smem:$0x3F91];
	_ =	swait.ge [sflag:s4], $0x0  }
0x19: {  	s7 =	sld [smem:$0x3F92]  }
0x1a: {  	s8 =	sadd.s32 $0xFFFFE003, lr  }
0x1b: {  	s9 =	sadd.s32 $0xFFFFFEF7, lr;
	s5 =	simm.s32 $0xFFFFFFFF;
	p2 =	slt.u32 s8, $0xFFFFF086  }
0x1c: {  	p1 =	slt.u32 s9, $0xF7A;
	s5 =	simm.s32 @!p2 $0x0  }
0x1d: {  	s5 =	simm.s32 @p1 $0x1;
	p0 =	seq.s32 s7, s2  }
0x1e: {  	s7 =	smul.u32 @!p0 $0xF7A, s2;
	p2 =	seq.s32 @!p0 s5, $0x0  }
0x1f: {  	s9 =	smul.u32 $0xF7A, s1;
	s8 =	simm.s32 @!p0 $0x1BF5;
	p2 =	por !p2, p0  }
0x20: {  	[sflag:s8] =	ssyncset.s32 @!p0 $0xFFFFF086;
	s6 =	sadd.s32 @!p0 s3, s7;
	s7 =	simm.s32 @!p0 $0x108  }
0x21: {  	s3 =	sadd.s32 s3, s9;
	s6 =	sadd.s32 @!p0 $0x88, s6;
	s7 =	simm.s32 @p2 $0x1082  }
0x22: {  	[simem:s7], [sflag:s8] =	dma.local @!p0 [hbm:s6], $0xF7A  }
0x23: {  	s9 =	sor.u32 $0xD0000000, s2;
	s6 =	simm.s32 $0x108;
	_ =	swait.ge @!p0 [sflag:s8], $0x0  }
0x24: {  	s3 =	sadd.s32 $0x88, s3;
	s6 =	simm.s32 @!p1 $0x1082;
	[sflag:s4] =	ssyncset.s32 $0xFFFFF086  }
0x25: {  	[simem:s6], [sflag:s4] =	dma.local [hbm:s3], $0xF7A  }
0x26: {  	[smem:$0x3F92] =	sst s1;
	(tag) =	ssettag s2;
	_ =	strace s9  }
0x27: {  	s1 =	sld [smem:$0x3FA2]  }
0x28: {  	s2 =	sld [smem:$0x3FA3]  }
0x29: {  	s4 =	sld [smem:$0x3FA5]  }
0x2a: {  	p0 =	seq.s32 s5, $0x0;
	s5 =	sld [smem:$0x3FA6]  }
0x2b: {  	s6 =	sld [smem:$0x3FA7]  }
0x2c: {  	s7 =	sld [smem:$0x3FA8]  }
0x2d: {  	s3 =	simm.s32 $0x108;
	s8 =	sld [smem:$0x3FA9]  }
0x2e: {  	s3 =	simm.s32 @!p0 $0x1082;
	s9 =	sld [smem:$0x3FAA]  }
0x2f: {  	lr =	sadd.s32 s0, s3;
	s0 =	sld [smem:$0x3FA1]  }
0x30: {  	s3 =	sld [smem:$0x3FA4]  }
0x31: {  	[smem:$0x3FAD] =	sst s10  }
0x32: {  	s10 =	sld [smem:$0x3FAB];
	_ =	sdelay $0x3  }
0x33: {  	p0 =	seq.s32 s10, $0x1;
	s10 =	sld [smem:$0x3FAD];
	_ =	sdelay $0x3  }
0x34: {  	[smem:$0x3FAD] =	sst s10  }
0x35: {  	s10 =	sld [smem:$0x3FAC];
	_ =	sdelay $0x3  }
0x36: {  	p1 =	seq.s32 s10, $0x1;
	s10 =	sld [smem:$0x3FAD];
	_ =	sdelay $0x3  }
0x37: {  	[smem:$0x3FAD] =	sst s10  }
0x38: {  	s10 =	sld [smem:$0x3FAE]  }
0x39: {  	_ = 	snop;
	(pc) =	sbr.ind lr, $3  }
0x3a: {  	_ = 	snop  }
0x3b: {  	_ = 	snop  }
0x3c: {  	p2 =	seq.s32 s10, $0x1;
	s10 =	sld [smem:$0x3FAD]  }
0x3d: {  	_ =	shalt  }
0x3e: {  	_ =	shalt  }
0x3f: {  	_ =	shalt  }
0x40: {  	_ =	shalt  }
0x41: {  	_ =	shalt  }
0x42: {  	_ =	shalt  }
0x43: {  	_ =	shalt  }
0x44: {  	_ =	shalt  }
0x45: {  	_ =	shalt  }
0x46: {  	_ =	shalt  }
0x47: {  	_ =	shalt  }
0x48: {  	_ =	shalt  }
0x49: {  	_ =	shalt  }
0x4a: {  	_ =	shalt  }
0x4b: {  	_ =	shalt  }
0x4c: {  	_ =	shalt  }
0x4d: {  	_ =	shalt  }
0x4e: {  	_ =	shalt  }
0x4f: {  	_ =	shalt  }
0x50: {  	_ =	shalt  }
0x51: {  	_ =	shalt  }
0x52: {  	_ =	shalt  }
0x53: {  	_ =	shalt  }
0x54: {  	_ =	shalt  }
0x55: {  	_ =	shalt  }
0x56: {  	_ =	shalt  }
0x57: {  	_ =	shalt  }
0x58: {  	_ =	shalt  }
0x59: {  	_ =	shalt  }
0x5a: {  	_ =	shalt  }
0x5b: {  	_ =	shalt  }
0x5c: {  	_ =	shalt  }
0x5d: {  	_ =	shalt  }
0x5e: {  	_ =	shalt  }
0x5f: {  	_ =	shalt  }
0x60: {  	_ =	shalt  }
0x61: {  	_ =	shalt  }
0x62: {  	_ =	shalt  }
0x63: {  	_ =	shalt  }
0x64: {  	_ =	shalt  }
0x65: {  	_ =	shalt  }
0x66: {  	_ =	shalt  }
0x67: {  	_ =	shalt  }
0x68: {  	_ =	shalt  }
0x69: {  	_ =	shalt  }
0x6a: {  	_ =	shalt  }
0x6b: {  	_ =	shalt  }
0x6c: {  	_ =	shalt  }
0x6d: {  	_ =	shalt  }
0x6e: {  	_ =	shalt  }
0x6f: {  	_ =	shalt  }
0x70: {  	_ =	shalt  }
0x71: {  	_ =	shalt  }
0x72: {  	_ =	shalt  }
0x73: {  	_ =	shalt  }
0x74: {  	_ =	shalt  }
0x75: {  	_ =	shalt  }
0x76: {  	_ =	shalt  }
0x77: {  	_ =	shalt  }
0x78: {  	_ =	shalt  }
0x79: {  	_ =	shalt  }
0x7a: {  	_ =	shalt  }
0x7b: {  	_ =	shalt  }
0x7c: {  	_ =	shalt  }
0x7d: {  	_ =	shalt  }
0x7e: {  	_ =	shalt  }
0x7f: {  	_ =	shalt  }
0x80: {  	_ =	shalt  }
0x81: {  	_ =	shalt  }
0x82: {  	_ =	shalt  }
0x83: {  	_ =	shalt  }
0x84: {  	_ =	shalt  }
0x85: {  	_ =	shalt  }
0x86: {  	_ =	shalt  }
0x87: {  	_ =	shalt  }
.Lfunc_end0:
.L_simem_size_0:
called_computation_lowered:
.L_overlay_start_0:
0x88: {  	s2 =	sld [smem:$0x3FD9]  }
0x89: {  	s3 =	sld [smem:$0x3FFE];
	_ =	sdelay $0x1  }
0x8a: {  	s1 =	srdreg.scid  }
0x8b: {  	s0 =	sand.u32 $0x1, s1  }
0x8c: {  	s16 =	sshll.u32 s0, $0xA;
	s2 =	sadd.s32 s3, s2  }
0x8d: {  	s2 =	sadd.s32 s2, s16  }
0x8e: {  	[smem:$0x3FB9] =	sst s2  }
0x8f: {  	_ = 	snop  }
0x90: {  	(tm) =	ssettm $0x1  }
0x91: {  	s17 =	sld [smem:$0x3FFB];
	_ =	sdelay $0x3  }
0x92: {  	_ =	strace s17  }
0x93: {  	s2 =	sld [smem:$0x3FFC];
	_ =	sdelay $0x3  }
0x94: {  	_ =	strace s2  }
0x95: {  	s2 =	sld [smem:$0x3FFD];
	_ =	sdelay $0x3  }
0x96: {  	_ =	strace s2  }
0x97: {  	_ =	strace $0x8FFFFFFF  }
0x98: {  	s18 =	sld [smem:$0x3FDB];
	_ =	sdelay $0x1  }
0x99: {  	s19 =	simm.s32 $_scs_section_size  }
0x9a: {  	s4 =	simm.s32 $_size__tile_overlayer_lowered;
	s5 =	simm.s32 $_tile_overlayer_lowered  }
0x9b: {  	s22 =	simm.s32 $0x1BFF;
	s21 =	sshll.u32 s5, $0x1;
	s2 =	sadd.s32 s19, s18  }
0x9c: {  	s6 =	simm.s32 $0x0;
	s20 =	sshll.u32 s4, $0x1;
	s4 =	sadd.s32 s21, s2  }
0x9d: {  	[timem:s6], [sflag:s22] =	dma.local [hbm:s4], s20  }
0x9e: {  	_ =	swait.ge [sflag:s22], s20  }
0x9f: {  	s3 =	ssub.s32 $0x0, s20;
	[sflag:s22] =	ssyncset.done $0x0  }
0xa0: {  	[sflag:s22] =	ssyncadd.s32 s3;
	_ =	sdelay $0x1  }
0xa1: {  	s23 =	simm.s32 $0x1B8B  }
0xa2: {  	_ =	swait.ge [sflag:s23], $0x1  }
0xa3: {  	[sflag:s23] =	ssyncset.done $0x0  }
0xa4: {  	s25 =	simm.s32 $0x1B8E;
	s24 =	sld [smem:$0x3FFE];
	[sflag:s23] =	ssyncadd.s32 $0xFFFFFFFF  }
0xa5: {  	s26 =	simm.s32 $execute0_lowered;
	[smem:$0x3FD2] =	sst s25  }
0xa6: {  	s4 =	sshll.u32 s26, $0x1;
	_ =	strace $0x80000046;
	[dreg:$0x1] =	wrdreg $0xFFFFFFFF  }
0xa7: {  	s28 =	simm.s32 $_size_execute0_lowered;
	s2 =	sadd.s32 s2, s4;
	[dreg:$0x0] =	wrdreg $0x0  }
0xa8: {  	s4 =	sshll.u32 s28, $0x1;
	[dreg:$0x2] =	wrdreg s2  }
0xa9: {  	[dreg:$0x3] =	wrdreg s4  }
0xaa: {  	[dreg:$0x4] =	wrdreg $0xC0  }
0xab: {  	_ =	task [dreg:s6], $0x5FFFF  }
0xac: {  	[dreg:$0x1] =	wrdreg $0xFFFFFFFF  }
0xad: {  	[dreg:$0x0] =	wrdreg $0x60  }
0xae: {  	[dreg:$0x2] =	wrdreg s24  }
0xaf: {  	[dreg:$0x3] =	wrdreg $0x50000  }
0xb0: {  	[dreg:$0x4] =	wrdreg $0x9  }
0xb1: {  	_ =	task.clear_ibuf [dreg:s6], $0x5FFFF;
	_ =	strace $0x90000046  }
0xb2: {  	s29 =	simm.s32 $0x9;
	_ =	strace $0x80000048  }
0xb3: {  	_ =	swait.ge [sflag:s29], $0x1  }
0xb4: {  	[sflag:s29] =	ssyncadd.s32 $0xFFFFFFFF  }
0xb5: {  	_ =	strace $0x90000048  }
0xb6: {  	_ =	sfence  }
0xb7: {  	s30 =	sld [smem:$0x0];
	_ =	sdelay $0x2  }
0xb8: {  	s31 =	sshll.u32 s1, $0xD;
	s1 =	sshrl.u32 s1, $0x2  }
0xb9: {  	s3 =	sand.u32 $0x4000, s31;
	s1 =	sadd.s32 s1, s30  }
0xba: {  	s0 =	sor.u32 s3, s0;
	s1 =	sshll.u32 s1, $0x11  }
0xbb: {  	s0 =	sor.u32 s1, s0  }
0xbc: {  	s0 =	sadd.s32 $0x8F2B, s0  }
0xbd: {  	[sflag:s0] =	ssyncadd.remote.s32 $0x1  }
0xbe: {  	_ =	sfence.sel $0xFFFF  }
0xbf: {  	[dreg:$0x0] =	wrdreg $0xFFFFFFFF;
	(pc) =	sbr.abs _section_cstart, $3  }
0xc0: {  	[dreg:$0x1] =	wrdreg $0xFFFFFFFF  }
0xc1: {  	_ =	task.clear_ibuf [dreg:s6], $0x2FFFF;
	_ =	strace $0x9FFFFFFF  }
0xc2: {  	(tm) =	ssettm $0x7FFFFFFF  }
0xc3: {  	_ =	shalt  }
tec
execute0_lowered:
.L_overlay_start_1:
0x0: {  	(tag) =	ssettag $0x1  }
0x1: {  	s0 =	srdreg.scid;
	s1 =	rddreg [dreg:$0x0]  }
0x2: {  	s11 =	stileid.u32;
	s2 =	rddreg [dreg:$0x1]  }
0x3: {  	s16 =	simm.s32 $0x100;
	s18 =	simm.s32 $0x180;
	s19 =	simm.s32 $0x200  }
0x4: {  	s20 =	simm.s32 $0x280;
	s21 =	simm.s32 $0x300;
	s0 =	sand.u32 $0x1, s0  }
0x5: {  	s23 =	simm.s32 $0x380;
	s24 =	simm.s32 $0x400;
	s3 =	sshll.u32 s0, $0x4  }
0x6: {  	s25 =	simm.s32 $0x480;
	s6 =	sor.u32 s11, s3;
	s3 =	simm.s32 $0x0  }
0x7: {  	s26 =	simm.s32 $0x500;
	s12 =	simm.s32 $0x700;
	[smem:$0x7FF] =	sst s3  }
0x8: {  	s13 =	simm.s32 $0x780;
	_ =	strace $0x80000047;
	[dreg:$0x3] =	wrdreg s16  }
0x9: {  	s28 =	simm.s32 $0x4000;
	s29 =	simm.s32 $0x4400;
	[dreg:$0x4] =	wrdreg s18  }
0xa: {  	s30 =	simm.s32 $0x4800;
	s5 =	smul.u32 $0xC350, s11;
	[dreg:$0x5] =	wrdreg s19  }
0xb: {  	s31 =	simm.s32 $0x4C00;
	s8 =	smul.u32 $0x30, s11;
	[dreg:$0x6] =	wrdreg s20  }
0xc: {  	s22 =	sshll.u32 s11, $0x6;
	s4 =	smul.u32 $0x300, s0;
	[dreg:$0x7] =	wrdreg s21  }
0xd: {  	s9 =	smul.u32 $0xC3500, s0;
	s0 =	ssub.s32 $0x2, s0;
	[dreg:$0x8] =	wrdreg s23  }
0xe: {  	s14 =	sshrl.u32 s5, $0x3;
	s17 =	sshrl.u32 s0, $0x1;
	[dreg:$0x9] =	wrdreg s24  }
0xf: {  	s11 =	sor.u32 $0x1C03, s22;
	s22 =	simm.s32 $0xC80;
	[dreg:$0xa] =	wrdreg s25  }
0x10: {  	s7 =	smin.u32 s6, $0x1A;
	s9 =	sadd.s32 s5, s9;
	[dreg:$0xb] =	wrdreg s26  }
0x11: {  	s0 =	ssub.s32 s0, s17;
	s5 =	sadd.s32 s5, s2;
	[dreg:$0xf] =	wrdreg s12  }
0x12: {  	p0 =	slt.u32 s6, $0x1A;
	s17 =	simm.s32 $0xA00;
	[dreg:$0x10] =	wrdreg s13  }
0x13: {  	s7 =	sor.u32 s4, s7;
	s4 =	sadd.s32 $0x4400, s1;
	[dreg:$0x14] =	wrdreg s17  }
0x14: {  	s15 =	sshrl.u32 s9, $0x3;
	s0 =	smax.u32 s0, $0x1;
	[dreg:$0x19] =	wrdreg s22  }
0x15: {  	s9 =	simm.s32 $0x680;
	s12 =	simm.s32 $0x3;
	[dreg:$0x1f] =	wrdreg s11  }
0x16: {  	s13 =	simm.s32 $0x800;
	s16 =	simm.s32 $0x980;
	[smem:$0x7FB] =	sst s0  }
0x17: {  	s18 =	simm.s32 $0xA80;
	s17 =	simm.s32 $0x1800;
	[dreg:$0xe] =	wrdreg s9  }
0x18: {  	s19 =	simm.s32 $0xB00;
	s20 =	simm.s32 $0xB80;
	[dreg:$0x13] =	wrdreg s16  }
0x19: {  	s21 =	simm.s32 $0xC00;
	s23 =	simm.s32 $0xD00;
	[dreg:$0x15] =	wrdreg s18  }
0x1a: {  	s22 =	simm.s32 $0x2C00;
	s24 =	simm.s32 $0xD80;
	[dreg:$0x16] =	wrdreg s19  }
0x1b: {  	s25 =	simm.s32 $0xE00;
	s26 =	simm.s32 $0xE80;
	[dreg:$0x17] =	wrdreg s20  }
0x1c: {  	s7 =	sadd.s32 s8, s7;
	s8 =	sadd.s32 s14, s1;
	[dreg:$0x18] =	wrdreg s21  }
0x1d: {  	s14 =	simm.s32 $0x880;
	s16 =	simm.s32 $0x1400;
	[dreg:$0x1a] =	wrdreg s23  }
0x1e: {  	s18 =	simm.s32 $0x1C00;
	s19 =	simm.s32 $0x2000;
	[dreg:$0x1b] =	wrdreg s24  }
0x1f: {  	s20 =	simm.s32 $0x2400;
	s21 =	simm.s32 $0x2800;
	[dreg:$0x1c] =	wrdreg s25  }
0x20: {  	s23 =	simm.s32 $0x3000;
	s24 =	simm.s32 $0x3400;
	[dreg:$0x1d] =	wrdreg s26  }
0x21: {  	s25 =	simm.s32 $0x3800;
	s26 =	simm.s32 $0x3C00;
	s7 =	sshll.u32 s7, $0x8  }
0x22: {  	s8 =	sadd.s32 $0xE0200, s8;
	[dreg:$0x11] =	wrdreg s14;
	s10 =	sadd.s32 s7, s1  }
0x23: {  	s1 =	sadd.s32 s15, s1;
	[dreg:$0x1e] =	wrdreg s8;
	s8 =	simm.s32 $0x600  }
0x24: {  	s7 =	simm.s32 $0x31;
	s15 =	simm.s32 $0x900;
	[dreg:$0xd] =	wrdreg s8  }
0x25: {  	s0 =	simm.s32 $0xF00;
	s7 =	simm.s32 @!p0 $0x30;
	[dreg:$0x12] =	wrdreg s15  }
0x26: {  	s9 =	simm.s32 $0x0;
	s1 =	sadd.s32 $0xF8A00, s1;
	[smem:$0x7F9] =	sst s7  }
0x27: {  	s14 =	simm.s32 $0x80;
	s10 =	sadd.s32 $0x1CC00, s10;
	[smem:$0x7FA] =	sst s1  }
0x28: {  	s15 =	simm.s32 $0x1000;
	s7 =	simm.s32 $0x580;
	[smem:$0x7FC] =	sst s10  }
0x29: {  	s8 =	simm.s32 $0x2;
	[dreg:$0xc] =	wrdreg s7;
	s7 =	sshrl.u32 s5, $0x3  }
0x2a: {  	s1 =	simm.s32 $0x1;
	s5 =	simm.s32 $0xF80;
	[smem:$0x7FD] =	sst s7  }
.LBB2_1:
0x2b: {  	s6 =	rddreg [dreg:$0x1e]  }
0x2c: {  	[spmem:s7], [sflag:s11] =	dma.local [hbm:s6], $0x186A  }
0x2d: {  	_ =	swait.ge [sflag:s12], $0x186A  }
0x2e: {  	[sflag:s12] =	ssyncset.done $0x0  }
0x2f: {  	[sflag:s12] =	ssyncadd.s32 $0xFFFFE796  }
0x30: {  	[bflag:$0x0] =	sbarrier.arrive $0xFFFF  }
0x31: {  	s7 =	sld [smem:$0x7FC];
	_ =	sdelay $0x2  }
0x32: {  	[tilespmem:s3], [sflag:$0x3] =	stream.linear.gather [hbm4b:s7+s3], $0x800, $0x38;
	[tilespmem:$0x11350] =	vst v63  }
0x33: {  	_ =	swait.ge [sflag:s12], $0x800  }
0x34: {  	[sflag:s12] =	ssyncset.done $0x0  }
0x35: {  	s10 =	sadd.s32 $0x61A80, s7;
	[sflag:s12] =	ssyncadd.s32 $0xFFFFF800  }
0x36: {  	[tilespmem:s13], [sflag:$0x3] =	stream.linear.gather [hbm4b:s10+s3], $0x800, $0x38;
	[tilespmem:$0x11350] =	vst v63  }
0x37: {  	_ =	swait.ge [sflag:s12], $0x800  }
0x38: {  	[sflag:s12] =	ssyncset.done $0x0  }
0x39: {  	[sflag:s12] =	ssyncadd.s32 $0xFFFFF800  }
0x3a: {  	[tilespmem:s15], [sflag:$0x1] =	stream.indirect.gather [hbm4b:s4+s14], $0x8, s3, s14, $0xb8;
	[tilespmem:$0x11350] =	vst v63  }
0x3b: {  	_ = 	snop  }
0x3c: {  	[tilespmem:s16], [sflag:$0x1] =	stream.indirect.gather [hbm4b:s4+s14], $0x8, s14, s14, $0xb8;
	[tilespmem:$0x11350] =	vst v63  }
0x3d: {  	s11 =	rddreg [dreg:$0x3]  }
0x3e: {  	[tilespmem:s17], [sflag:$0x1] =	stream.indirect.gather [hbm4b:s4+s14], $0x8, s11, s14, $0xb8;
	[tilespmem:$0x11350] =	vst v63  }
0x3f: {  	s10 =	rddreg [dreg:$0x4]  }
0x40: {  	[tilespmem:s18], [sflag:$0x1] =	stream.indirect.gather [hbm4b:s4+s14], $0x8, s10, s14, $0xb8;
	[tilespmem:$0x11350] =	vst v63  }
0x41: {  	s6 =	rddreg [dreg:$0x5]  }
0x42: {  	[tilespmem:s19], [sflag:$0x1] =	stream.indirect.gather [hbm4b:s4+s14], $0x8, s6, s14, $0xb8;
	[tilespmem:$0x11350] =	vst v63  }
0x43: {  	s11 =	rddreg [dreg:$0x6]  }
0x44: {  	[tilespmem:s20], [sflag:$0x1] =	stream.indirect.gather [hbm4b:s4+s14], $0x8, s11, s14, $0xb8;
	[tilespmem:$0x11350] =	vst v63  }
0x45: {  	s6 =	rddreg [dreg:$0x7]  }
0x46: {  	[tilespmem:s21], [sflag:$0x1] =	stream.indirect.gather [hbm4b:s4+s14], $0x8, s6, s14, $0xb8;
	[tilespmem:$0x11350] =	vst v63  }
0x47: {  	s11 =	rddreg [dreg:$0x8]  }
0x48: {  	[tilespmem:s22], [sflag:$0x1] =	stream.indirect.gather [hbm4b:s4+s14], $0x8, s11, s14, $0xb8;
	[tilespmem:$0x11350] =	vst v63  }
0x49: {  	s6 =	rddreg [dreg:$0x9]  }
0x4a: {  	[tilespmem:s23], [sflag:$0x1] =	stream.indirect.gather [hbm4b:s4+s14], $0x8, s6, s14, $0xb8;
	[tilespmem:$0x11350] =	vst v63  }
0x4b: {  	s11 =	rddreg [dreg:$0xa]  }
0x4c: {  	[tilespmem:s24], [sflag:$0x1] =	stream.indirect.gather [hbm4b:s4+s14], $0x8, s11, s14, $0xb8;
	[tilespmem:$0x11350] =	vst v63  }
0x4d: {  	s6 =	rddreg [dreg:$0xb]  }
0x4e: {  	[tilespmem:s25], [sflag:$0x1] =	stream.indirect.gather [hbm4b:s4+s14], $0x8, s6, s14, $0xb8;
	[tilespmem:$0x11350] =	vst v63  }
0x4f: {  	s11 =	rddreg [dreg:$0xc]  }
0x50: {  	[tilespmem:s26], [sflag:$0x1] =	stream.indirect.gather [hbm4b:s4+s14], $0x8, s11, s14, $0xb8;
	[tilespmem:$0x11350] =	vst v63  }
0x51: {  	s6 =	rddreg [dreg:$0xd]  }
0x52: {  	[tilespmem:s28], [sflag:$0x1] =	stream.indirect.gather [hbm4b:s4+s14], $0x8, s6, s14, $0xb8;
	[tilespmem:$0x11350] =	vst v63  }
0x53: {  	s11 =	rddreg [dreg:$0xe]  }
0x54: {  	[tilespmem:s29], [sflag:$0x1] =	stream.indirect.gather [hbm4b:s4+s14], $0x8, s11, s14, $0xb8;
	[tilespmem:$0x11350] =	vst v63  }
0x55: {  	s6 =	rddreg [dreg:$0xf]  }
0x56: {  	[tilespmem:s30], [sflag:$0x1] =	stream.indirect.gather [hbm4b:s4+s14], $0x8, s6, s14, $0xb8;
	[tilespmem:$0x11350] =	vst v63  }
0x57: {  	s11 =	rddreg [dreg:$0x10]  }
0x58: {  	[tilespmem:s31], [sflag:$0x1] =	stream.indirect.gather [hbm4b:s4+s14], $0x8, s11, s14, $0xb8;
	[tilespmem:$0x11350] =	vst v63  }
0x59: {  	_ =	swait.ge [sflag:s1], $0x400  }
0x5a: {  	[sflag:s1] =	ssyncset.done $0x0  }
0x5b: {  	[sflag:s1] =	ssyncadd.s32 $0xFFFFFC00  }
0x5c: {  	[spmem:s2] =	stream.indirect.scatter.add.f32 [tilespmem:s15], [sflag:$0x2], $0x8, s13, s14, $0xb8;
	[tilespmem:$0x11350] =	vst v63  }
0x5d: {  	_ =	swait.ge [sflag:s1], $0x400  }
0x5e: {  	[sflag:s1] =	ssyncset.done $0x0  }
0x5f: {  	s10 =	rddreg [dreg:$0x11];
	[sflag:s1] =	ssyncadd.s32 $0xFFFFFC00  }
0x60: {  	[spmem:s2] =	stream.indirect.scatter.add.f32 [tilespmem:s16], [sflag:$0x2], $0x8, s10, s14, $0xb8;
	[tilespmem:$0x11350] =	vst v63  }
0x61: {  	_ =	swait.ge [sflag:s1], $0x400  }
0x62: {  	[sflag:s1] =	ssyncset.done $0x0  }
0x63: {  	s11 =	rddreg [dreg:$0x12];
	[sflag:s1] =	ssyncadd.s32 $0xFFFFFC00  }
0x64: {  	[spmem:s2] =	stream.indirect.scatter.add.f32 [tilespmem:s17], [sflag:$0x2], $0x8, s11, s14, $0xb8;
	[tilespmem:$0x11350] =	vst v63  }
0x65: {  	_ =	swait.ge [sflag:s1], $0x400  }
0x66: {  	[sflag:s1] =	ssyncset.done $0x0  }
0x67: {  	s10 =	rddreg [dreg:$0x13];
	[sflag:s1] =	ssyncadd.s32 $0xFFFFFC00  }
0x68: {  	[spmem:s2] =	stream.indirect.scatter.add.f32 [tilespmem:s18], [sflag:$0x2], $0x8, s10, s14, $0xb8;
	[tilespmem:$0x11350] =	vst v63  }
0x69: {  	_ =	swait.ge [sflag:s1], $0x400  }
0x6a: {  	[sflag:s1] =	ssyncset.done $0x0  }
0x6b: {  	s11 =	rddreg [dreg:$0x14];
	[sflag:s1] =	ssyncadd.s32 $0xFFFFFC00  }
0x6c: {  	[spmem:s2] =	stream.indirect.scatter.add.f32 [tilespmem:s19], [sflag:$0x2], $0x8, s11, s14, $0xb8;
	[tilespmem:$0x11350] =	vst v63  }
0x6d: {  	_ =	swait.ge [sflag:s1], $0x400  }
0x6e: {  	[sflag:s1] =	ssyncset.done $0x0  }
0x6f: {  	s10 =	rddreg [dreg:$0x15];
	[sflag:s1] =	ssyncadd.s32 $0xFFFFFC00  }
0x70: {  	[spmem:s2] =	stream.indirect.scatter.add.f32 [tilespmem:s20], [sflag:$0x2], $0x8, s10, s14, $0xb8;
	[tilespmem:$0x11350] =	vst v63  }
0x71: {  	_ =	swait.ge [sflag:s1], $0x400  }
0x72: {  	[sflag:s1] =	ssyncset.done $0x0  }
0x73: {  	s11 =	rddreg [dreg:$0x16];
	[sflag:s1] =	ssyncadd.s32 $0xFFFFFC00  }
0x74: {  	[spmem:s2] =	stream.indirect.scatter.add.f32 [tilespmem:s21], [sflag:$0x2], $0x8, s11, s14, $0xb8;
	[tilespmem:$0x11350] =	vst v63  }
0x75: {  	_ =	swait.ge [sflag:s1], $0x400  }
0x76: {  	[sflag:s1] =	ssyncset.done $0x0  }
0x77: {  	s10 =	rddreg [dreg:$0x17];
	[sflag:s1] =	ssyncadd.s32 $0xFFFFFC00  }
0x78: {  	[spmem:s2] =	stream.indirect.scatter.add.f32 [tilespmem:s22], [sflag:$0x2], $0x8, s10, s14, $0xb8;
	[tilespmem:$0x11350] =	vst v63  }
0x79: {  	_ =	swait.ge [sflag:s1], $0x400  }
0x7a: {  	[sflag:s1] =	ssyncset.done $0x0  }
0x7b: {  	s11 =	rddreg [dreg:$0x18];
	[sflag:s1] =	ssyncadd.s32 $0xFFFFFC00  }
0x7c: {  	[spmem:s2] =	stream.indirect.scatter.add.f32 [tilespmem:s23], [sflag:$0x2], $0x8, s11, s14, $0xb8;
	[tilespmem:$0x11350] =	vst v63  }
0x7d: {  	_ =	swait.ge [sflag:s1], $0x400  }
0x7e: {  	[sflag:s1] =	ssyncset.done $0x0  }
0x7f: {  	s10 =	rddreg [dreg:$0x19];
	[sflag:s1] =	ssyncadd.s32 $0xFFFFFC00  }
0x80: {  	[spmem:s2] =	stream.indirect.scatter.add.f32 [tilespmem:s24], [sflag:$0x2], $0x8, s10, s14, $0xb8;
	[tilespmem:$0x11350] =	vst v63  }
0x81: {  	_ =	swait.ge [sflag:s1], $0x400  }
0x82: {  	[sflag:s1] =	ssyncset.done $0x0  }
0x83: {  	s11 =	rddreg [dreg:$0x1a];
	[sflag:s1] =	ssyncadd.s32 $0xFFFFFC00  }
0x84: {  	[spmem:s2] =	stream.indirect.scatter.add.f32 [tilespmem:s25], [sflag:$0x2], $0x8, s11, s14, $0xb8;
	[tilespmem:$0x11350] =	vst v63  }
0x85: {  	_ =	swait.ge [sflag:s1], $0x400  }
0x86: {  	[sflag:s1] =	ssyncset.done $0x0  }
0x87: {  	s10 =	rddreg [dreg:$0x1b];
	[sflag:s1] =	ssyncadd.s32 $0xFFFFFC00  }
0x88: {  	[spmem:s2] =	stream.indirect.scatter.add.f32 [tilespmem:s26], [sflag:$0x2], $0x8, s10, s14, $0xb8;
	[tilespmem:$0x11350] =	vst v63  }
0x89: {  	_ =	swait.ge [sflag:s1], $0x400  }
0x8a: {  	[sflag:s1] =	ssyncset.done $0x0  }
0x8b: {  	s11 =	rddreg [dreg:$0x1c];
	[sflag:s1] =	ssyncadd.s32 $0xFFFFFC00  }
0x8c: {  	[spmem:s2] =	stream.indirect.scatter.add.f32 [tilespmem:s28], [sflag:$0x2], $0x8, s11, s14, $0xb8;
	[tilespmem:$0x11350] =	vst v63  }
0x8d: {  	_ =	swait.ge [sflag:s1], $0x400  }
0x8e: {  	[sflag:s1] =	ssyncset.done $0x0  }
0x8f: {  	s10 =	rddreg [dreg:$0x1d];
	[sflag:s1] =	ssyncadd.s32 $0xFFFFFC00  }
0x90: {  	[spmem:s2] =	stream.indirect.scatter.add.f32 [tilespmem:s29], [sflag:$0x2], $0x8, s10, s14, $0xb8;
	[tilespmem:$0x11350] =	vst v63  }
0x91: {  	_ =	swait.ge [sflag:s1], $0x400  }
0x92: {  	[sflag:s1] =	ssyncset.done $0x0  }
0x93: {  	[sflag:s1] =	ssyncadd.s32 $0xFFFFFC00  }
0x94: {  	[spmem:s2] =	stream.indirect.scatter.add.f32 [tilespmem:s30], [sflag:$0x2], $0x8, s0, s14, $0xb8;
	[tilespmem:$0x11350] =	vst v63  }
0x95: {  	_ =	swait.ge [sflag:s1], $0x400  }
0x96: {  	[sflag:s1] =	ssyncset.done $0x0  }
0x97: {  	[sflag:s1] =	ssyncadd.s32 $0xFFFFFC00  }
0x98: {  	[spmem:s2] =	stream.indirect.scatter.add.f32 [tilespmem:s31], [sflag:$0x2], $0x8, s5, s14, $0xb8;
	[tilespmem:$0x11350] =	vst v63  }
0x99: {  	_ =	swait.ge [sflag:s8], $0x400  }
0x9a: {  	[sflag:s8] =	ssyncset.done $0x0  }
0x9b: {  	[sflag:s8] =	ssyncadd.s32 $0xFFFFFC00  }
0x9c: {  	_ =	swait.ge [sflag:s8], $0x400  }
0x9d: {  	[sflag:s8] =	ssyncset.done $0x0  }
0x9e: {  	[sflag:s8] =	ssyncadd.s32 $0xFFFFFC00  }
0x9f: {  	_ =	swait.ge [sflag:s8], $0x400  }
0xa0: {  	[sflag:s8] =	ssyncset.done $0x0  }
0xa1: {  	[sflag:s8] =	ssyncadd.s32 $0xFFFFFC00  }
0xa2: {  	_ =	swait.ge [sflag:s8], $0x400  }
0xa3: {  	[sflag:s8] =	ssyncset.done $0x0  }
0xa4: {  	[sflag:s8] =	ssyncadd.s32 $0xFFFFFC00  }
0xa5: {  	_ =	swait.ge [sflag:s8], $0x400  }
0xa6: {  	[sflag:s8] =	ssyncset.done $0x0  }
0xa7: {  	[sflag:s8] =	ssyncadd.s32 $0xFFFFFC00  }
0xa8: {  	_ =	swait.ge [sflag:s8], $0x400  }
0xa9: {  	[sflag:s8] =	ssyncset.done $0x0  }
0xaa: {  	[sflag:s8] =	ssyncadd.s32 $0xFFFFFC00  }
0xab: {  	_ =	swait.ge [sflag:s8], $0x400  }
0xac: {  	[sflag:s8] =	ssyncset.done $0x0  }
0xad: {  	[sflag:s8] =	ssyncadd.s32 $0xFFFFFC00  }
0xae: {  	_ =	swait.ge [sflag:s8], $0x400  }
0xaf: {  	[sflag:s8] =	ssyncset.done $0x0  }
0xb0: {  	[sflag:s8] =	ssyncadd.s32 $0xFFFFFC00  }
0xb1: {  	_ =	swait.ge [sflag:s8], $0x400  }
0xb2: {  	[sflag:s8] =	ssyncset.done $0x0  }
0xb3: {  	[sflag:s8] =	ssyncadd.s32 $0xFFFFFC00  }
0xb4: {  	_ =	swait.ge [sflag:s8], $0x400  }
0xb5: {  	[sflag:s8] =	ssyncset.done $0x0  }
0xb6: {  	[sflag:s8] =	ssyncadd.s32 $0xFFFFFC00  }
0xb7: {  	_ =	swait.ge [sflag:s8], $0x400  }
0xb8: {  	[sflag:s8] =	ssyncset.done $0x0  }
0xb9: {  	[sflag:s8] =	ssyncadd.s32 $0xFFFFFC00  }
0xba: {  	_ =	swait.ge [sflag:s8], $0x400  }
0xbb: {  	[sflag:s8] =	ssyncset.done $0x0  }
0xbc: {  	[sflag:s8] =	ssyncadd.s32 $0xFFFFFC00  }
0xbd: {  	_ =	swait.ge [sflag:s8], $0x400  }
0xbe: {  	[sflag:s8] =	ssyncset.done $0x0  }
0xbf: {  	[sflag:s8] =	ssyncadd.s32 $0xFFFFFC00  }
0xc0: {  	_ =	swait.ge [sflag:s8], $0x400  }
0xc1: {  	[sflag:s8] =	ssyncset.done $0x0  }
0xc2: {  	[sflag:s8] =	ssyncadd.s32 $0xFFFFFC00  }
0xc3: {  	_ =	swait.ge [sflag:s8], $0x400  }
0xc4: {  	s11 =	sld [smem:$0x7F9];
	_ =	sdelay $0x2  }
0xc5: {  	p0 =	sne.s32 s11, $0x1  }
.Ltmp0:
0xc6: {  	_ = 	snop;
	(pc) =	sbr.rel @!p0 .LBB2_3-.Ltmp0, $4  }
0xc7: {  	[sflag:s8] =	ssyncset.done $0x0  }
0xc8: {  	[sflag:s8] =	ssyncadd.s32 $0xFFFFFC00  }
0xc9: {  	_ =	swait.ge [sflag:s8], $0x400  }
0xca: {  	s10 =	smov.u32 s7;
	s6 =	sadd.s32 $0xFFFFFFFF, s11;
	[sflag:s8] =	ssyncset.done $0x0  }
.LBB2_2:
0xcb: {  	[sflag:s8] =	ssyncadd.s32 $0xFFFFFC00;
	s10 =	sadd.s32 $0x100, s10  }
0xcc: {  	[tilespmem:s3], [sflag:$0x3] =	stream.linear.gather [hbm4b:s10+s3], $0x800, $0x38;
	[tilespmem:$0x11350] =	vst v63  }
0xcd: {  	_ =	swait.ge [sflag:s12], $0x800  }
0xce: {  	[sflag:s12] =	ssyncset.done $0x0  }
0xcf: {  	s7 =	sadd.s32 $0x61A80, s10;
	[sflag:s12] =	ssyncadd.s32 $0xFFFFF800  }
0xd0: {  	[tilespmem:s13], [sflag:$0x3] =	stream.linear.gather [hbm4b:s7+s3], $0x800, $0x38;
	[tilespmem:$0x11350] =	vst v63  }
0xd1: {  	_ =	swait.ge [sflag:s12], $0x800  }
0xd2: {  	[sflag:s12] =	ssyncset.done $0x0  }
0xd3: {  	[sflag:s12] =	ssyncadd.s32 $0xFFFFF800  }
0xd4: {  	[tilespmem:s15], [sflag:$0x1] =	stream.indirect.gather [hbm4b:s4+s14], $0x8, s3, s14, $0xb8;
	[tilespmem:$0x11350] =	vst v63  }
0xd5: {  	_ = 	snop  }
0xd6: {  	[tilespmem:s16], [sflag:$0x1] =	stream.indirect.gather [hbm4b:s4+s14], $0x8, s14, s14, $0xb8;
	[tilespmem:$0x11350] =	vst v63  }
0xd7: {  	s7 =	rddreg [dreg:$0x3]  }
0xd8: {  	[tilespmem:s17], [sflag:$0x1] =	stream.indirect.gather [hbm4b:s4+s14], $0x8, s7, s14, $0xb8;
	[tilespmem:$0x11350] =	vst v63  }
0xd9: {  	s11 =	rddreg [dreg:$0x4]  }
0xda: {  	[tilespmem:s18], [sflag:$0x1] =	stream.indirect.gather [hbm4b:s4+s14], $0x8, s11, s14, $0xb8;
	[tilespmem:$0x11350] =	vst v63  }
0xdb: {  	s7 =	rddreg [dreg:$0x5]  }
0xdc: {  	[tilespmem:s19], [sflag:$0x1] =	stream.indirect.gather [hbm4b:s4+s14], $0x8, s7, s14, $0xb8;
	[tilespmem:$0x11350] =	vst v63  }
0xdd: {  	s11 =	rddreg [dreg:$0x6]  }
0xde: {  	[tilespmem:s20], [sflag:$0x1] =	stream.indirect.gather [hbm4b:s4+s14], $0x8, s11, s14, $0xb8;
	[tilespmem:$0x11350] =	vst v63  }
0xdf: {  	s7 =	rddreg [dreg:$0x7]  }
0xe0: {  	[tilespmem:s21], [sflag:$0x1] =	stream.indirect.gather [hbm4b:s4+s14], $0x8, s7, s14, $0xb8;
	[tilespmem:$0x11350] =	vst v63  }
0xe1: {  	s11 =	rddreg [dreg:$0x8]  }
0xe2: {  	[tilespmem:s22], [sflag:$0x1] =	stream.indirect.gather [hbm4b:s4+s14], $0x8, s11, s14, $0xb8;
	[tilespmem:$0x11350] =	vst v63  }
0xe3: {  	s7 =	rddreg [dreg:$0x9]  }
0xe4: {  	[tilespmem:s23], [sflag:$0x1] =	stream.indirect.gather [hbm4b:s4+s14], $0x8, s7, s14, $0xb8;
	[tilespmem:$0x11350] =	vst v63  }
0xe5: {  	s11 =	rddreg [dreg:$0xa]  }
0xe6: {  	[tilespmem:s24], [sflag:$0x1] =	stream.indirect.gather [hbm4b:s4+s14], $0x8, s11, s14, $0xb8;
	[tilespmem:$0x11350] =	vst v63  }
0xe7: {  	s7 =	rddreg [dreg:$0xb]  }
0xe8: {  	[tilespmem:s25], [sflag:$0x1] =	stream.indirect.gather [hbm4b:s4+s14], $0x8, s7, s14, $0xb8;
	[tilespmem:$0x11350] =	vst v63  }
0xe9: {  	s11 =	rddreg [dreg:$0xc]  }
0xea: {  	[tilespmem:s26], [sflag:$0x1] =	stream.indirect.gather [hbm4b:s4+s14], $0x8, s11, s14, $0xb8;
	[tilespmem:$0x11350] =	vst v63  }
0xeb: {  	s7 =	rddreg [dreg:$0xd]  }
0xec: {  	[tilespmem:s28], [sflag:$0x1] =	stream.indirect.gather [hbm4b:s4+s14], $0x8, s7, s14, $0xb8;
	[tilespmem:$0x11350] =	vst v63  }
0xed: {  	s11 =	rddreg [dreg:$0xe]  }
0xee: {  	[tilespmem:s29], [sflag:$0x1] =	stream.indirect.gather [hbm4b:s4+s14], $0x8, s11, s14, $0xb8;
	[tilespmem:$0x11350] =	vst v63  }
0xef: {  	s7 =	rddreg [dreg:$0xf]  }
0xf0: {  	[tilespmem:s30], [sflag:$0x1] =	stream.indirect.gather [hbm4b:s4+s14], $0x8, s7, s14, $0xb8;
	[tilespmem:$0x11350] =	vst v63  }
0xf1: {  	s11 =	rddreg [dreg:$0x10]  }
0xf2: {  	[tilespmem:s31], [sflag:$0x1] =	stream.indirect.gather [hbm4b:s4+s14], $0x8, s11, s14, $0xb8;
	[tilespmem:$0x11350] =	vst v63  }
0xf3: {  	_ =	swait.ge [sflag:s1], $0x400  }
0xf4: {  	[sflag:s1] =	ssyncset.done $0x0  }
0xf5: {  	[sflag:s1] =	ssyncadd.s32 $0xFFFFFC00  }
0xf6: {  	[spmem:s2] =	stream.indirect.scatter.add.f32 [tilespmem:s15], [sflag:$0x2], $0x8, s13, s14, $0xb8;
	[tilespmem:$0x11350] =	vst v63  }
0xf7: {  	_ =	swait.ge [sflag:s1], $0x400  }
0xf8: {  	[sflag:s1] =	ssyncset.done $0x0  }
0xf9: {  	s11 =	rddreg [dreg:$0x11];
	[sflag:s1] =	ssyncadd.s32 $0xFFFFFC00  }
0xfa: {  	[spmem:s2] =	stream.indirect.scatter.add.f32 [tilespmem:s16], [sflag:$0x2], $0x8, s11, s14, $0xb8;
	[tilespmem:$0x11350] =	vst v63  }
0xfb: {  	_ =	swait.ge [sflag:s1], $0x400  }
0xfc: {  	[sflag:s1] =	ssyncset.done $0x0  }
0xfd: {  	s11 =	rddreg [dreg:$0x12];
	[sflag:s1] =	ssyncadd.s32 $0xFFFFFC00  }
0xfe: {  	[spmem:s2] =	stream.indirect.scatter.add.f32 [tilespmem:s17], [sflag:$0x2], $0x8, s11, s14, $0xb8;
	[tilespmem:$0x11350] =	vst v63  }
0xff: {  	_ =	swait.ge [sflag:s1], $0x400  }
0x100: {  	[sflag:s1] =	ssyncset.done $0x0  }
0x101: {  	s11 =	rddreg [dreg:$0x13];
	[sflag:s1] =	ssyncadd.s32 $0xFFFFFC00  }
0x102: {  	[spmem:s2] =	stream.indirect.scatter.add.f32 [tilespmem:s18], [sflag:$0x2], $0x8, s11, s14, $0xb8;
	[tilespmem:$0x11350] =	vst v63  }
0x103: {  	_ =	swait.ge [sflag:s1], $0x400  }
0x104: {  	[sflag:s1] =	ssyncset.done $0x0  }
0x105: {  	s11 =	rddreg [dreg:$0x14];
	[sflag:s1] =	ssyncadd.s32 $0xFFFFFC00  }
0x106: {  	[spmem:s2] =	stream.indirect.scatter.add.f32 [tilespmem:s19], [sflag:$0x2], $0x8, s11, s14, $0xb8;
	[tilespmem:$0x11350] =	vst v63  }
0x107: {  	_ =	swait.ge [sflag:s1], $0x400  }
0x108: {  	[sflag:s1] =	ssyncset.done $0x0  }
0x109: {  	s11 =	rddreg [dreg:$0x15];
	[sflag:s1] =	ssyncadd.s32 $0xFFFFFC00  }
0x10a: {  	[spmem:s2] =	stream.indirect.scatter.add.f32 [tilespmem:s20], [sflag:$0x2], $0x8, s11, s14, $0xb8;
	[tilespmem:$0x11350] =	vst v63  }
0x10b: {  	_ =	swait.ge [sflag:s1], $0x400  }
0x10c: {  	[sflag:s1] =	ssyncset.done $0x0  }
0x10d: {  	s11 =	rddreg [dreg:$0x16];
	[sflag:s1] =	ssyncadd.s32 $0xFFFFFC00  }
0x10e: {  	[spmem:s2] =	stream.indirect.scatter.add.f32 [tilespmem:s21], [sflag:$0x2], $0x8, s11, s14, $0xb8;
	[tilespmem:$0x11350] =	vst v63  }
0x10f: {  	_ =	swait.ge [sflag:s1], $0x400  }
0x110: {  	[sflag:s1] =	ssyncset.done $0x0  }
0x111: {  	s11 =	rddreg [dreg:$0x17];
	[sflag:s1] =	ssyncadd.s32 $0xFFFFFC00  }
0x112: {  	[spmem:s2] =	stream.indirect.scatter.add.f32 [tilespmem:s22], [sflag:$0x2], $0x8, s11, s14, $0xb8;
	[tilespmem:$0x11350] =	vst v63  }
0x113: {  	_ =	swait.ge [sflag:s1], $0x400  }
0x114: {  	[sflag:s1] =	ssyncset.done $0x0  }
0x115: {  	s11 =	rddreg [dreg:$0x18];
	[sflag:s1] =	ssyncadd.s32 $0xFFFFFC00  }
0x116: {  	[spmem:s2] =	stream.indirect.scatter.add.f32 [tilespmem:s23], [sflag:$0x2], $0x8, s11, s14, $0xb8;
	[tilespmem:$0x11350] =	vst v63  }
0x117: {  	_ =	swait.ge [sflag:s1], $0x400  }
0x118: {  	[sflag:s1] =	ssyncset.done $0x0  }
0x119: {  	s11 =	rddreg [dreg:$0x19];
	[sflag:s1] =	ssyncadd.s32 $0xFFFFFC00  }
0x11a: {  	[spmem:s2] =	stream.indirect.scatter.add.f32 [tilespmem:s24], [sflag:$0x2], $0x8, s11, s14, $0xb8;
	[tilespmem:$0x11350] =	vst v63  }
0x11b: {  	_ =	swait.ge [sflag:s1], $0x400  }
0x11c: {  	[sflag:s1] =	ssyncset.done $0x0  }
0x11d: {  	s11 =	rddreg [dreg:$0x1a];
	[sflag:s1] =	ssyncadd.s32 $0xFFFFFC00  }
0x11e: {  	[spmem:s2] =	stream.indirect.scatter.add.f32 [tilespmem:s25], [sflag:$0x2], $0x8, s11, s14, $0xb8;
	[tilespmem:$0x11350] =	vst v63  }
0x11f: {  	_ =	swait.ge [sflag:s1], $0x400  }
0x120: {  	[sflag:s1] =	ssyncset.done $0x0  }
0x121: {  	s11 =	rddreg [dreg:$0x1b];
	[sflag:s1] =	ssyncadd.s32 $0xFFFFFC00  }
0x122: {  	[spmem:s2] =	stream.indirect.scatter.add.f32 [tilespmem:s26], [sflag:$0x2], $0x8, s11, s14, $0xb8;
	[tilespmem:$0x11350] =	vst v63  }
0x123: {  	_ =	swait.ge [sflag:s1], $0x400  }
0x124: {  	[sflag:s1] =	ssyncset.done $0x0  }
0x125: {  	s11 =	rddreg [dreg:$0x1c];
	[sflag:s1] =	ssyncadd.s32 $0xFFFFFC00  }
0x126: {  	[spmem:s2] =	stream.indirect.scatter.add.f32 [tilespmem:s28], [sflag:$0x2], $0x8, s11, s14, $0xb8;
	[tilespmem:$0x11350] =	vst v63  }
0x127: {  	_ =	swait.ge [sflag:s1], $0x400  }
0x128: {  	[sflag:s1] =	ssyncset.done $0x0  }
0x129: {  	s11 =	rddreg [dreg:$0x1d];
	[sflag:s1] =	ssyncadd.s32 $0xFFFFFC00  }
0x12a: {  	[spmem:s2] =	stream.indirect.scatter.add.f32 [tilespmem:s29], [sflag:$0x2], $0x8, s11, s14, $0xb8;
	[tilespmem:$0x11350] =	vst v63  }
0x12b: {  	_ =	swait.ge [sflag:s1], $0x400  }
0x12c: {  	[sflag:s1] =	ssyncset.done $0x0  }
0x12d: {  	[sflag:s1] =	ssyncadd.s32 $0xFFFFFC00  }
0x12e: {  	[spmem:s2] =	stream.indirect.scatter.add.f32 [tilespmem:s30], [sflag:$0x2], $0x8, s0, s14, $0xb8;
	[tilespmem:$0x11350] =	vst v63  }
0x12f: {  	_ =	swait.ge [sflag:s1], $0x400  }
0x130: {  	[sflag:s1] =	ssyncset.done $0x0  }
0x131: {  	[sflag:s1] =	ssyncadd.s32 $0xFFFFFC00  }
0x132: {  	[spmem:s2] =	stream.indirect.scatter.add.f32 [tilespmem:s31], [sflag:$0x2], $0x8, s5, s14, $0xb8;
	[tilespmem:$0x11350] =	vst v63  }
0x133: {  	_ =	swait.ge [sflag:s8], $0x400  }
0x134: {  	[sflag:s8] =	ssyncset.done $0x0  }
0x135: {  	[sflag:s8] =	ssyncadd.s32 $0xFFFFFC00  }
0x136: {  	_ =	swait.ge [sflag:s8], $0x400  }
0x137: {  	[sflag:s8] =	ssyncset.done $0x0  }
0x138: {  	[sflag:s8] =	ssyncadd.s32 $0xFFFFFC00  }
0x139: {  	_ =	swait.ge [sflag:s8], $0x400  }
0x13a: {  	[sflag:s8] =	ssyncset.done $0x0  }
0x13b: {  	[sflag:s8] =	ssyncadd.s32 $0xFFFFFC00  }
0x13c: {  	_ =	swait.ge [sflag:s8], $0x400  }
0x13d: {  	[sflag:s8] =	ssyncset.done $0x0  }
0x13e: {  	[sflag:s8] =	ssyncadd.s32 $0xFFFFFC00  }
0x13f: {  	_ =	swait.ge [sflag:s8], $0x400  }
0x140: {  	[sflag:s8] =	ssyncset.done $0x0  }
0x141: {  	[sflag:s8] =	ssyncadd.s32 $0xFFFFFC00  }
0x142: {  	_ =	swait.ge [sflag:s8], $0x400  }
0x143: {  	[sflag:s8] =	ssyncset.done $0x0  }
0x144: {  	[sflag:s8] =	ssyncadd.s32 $0xFFFFFC00  }
0x145: {  	_ =	swait.ge [sflag:s8], $0x400  }
0x146: {  	[sflag:s8] =	ssyncset.done $0x0  }
0x147: {  	[sflag:s8] =	ssyncadd.s32 $0xFFFFFC00  }
0x148: {  	_ =	swait.ge [sflag:s8], $0x400  }
0x149: {  	[sflag:s8] =	ssyncset.done $0x0  }
0x14a: {  	[sflag:s8] =	ssyncadd.s32 $0xFFFFFC00  }
0x14b: {  	_ =	swait.ge [sflag:s8], $0x400  }
0x14c: {  	[sflag:s8] =	ssyncset.done $0x0  }
0x14d: {  	[sflag:s8] =	ssyncadd.s32 $0xFFFFFC00  }
0x14e: {  	_ =	swait.ge [sflag:s8], $0x400  }
0x14f: {  	[sflag:s8] =	ssyncset.done $0x0  }
0x150: {  	[sflag:s8] =	ssyncadd.s32 $0xFFFFFC00  }
0x151: {  	_ =	swait.ge [sflag:s8], $0x400  }
0x152: {  	[sflag:s8] =	ssyncset.done $0x0  }
0x153: {  	[sflag:s8] =	ssyncadd.s32 $0xFFFFFC00  }
0x154: {  	_ =	swait.ge [sflag:s8], $0x400  }
0x155: {  	[sflag:s8] =	ssyncset.done $0x0  }
0x156: {  	[sflag:s8] =	ssyncadd.s32 $0xFFFFFC00  }
0x157: {  	_ =	swait.ge [sflag:s8], $0x400  }
0x158: {  	[sflag:s8] =	ssyncset.done $0x0  }
0x159: {  	[sflag:s8] =	ssyncadd.s32 $0xFFFFFC00  }
0x15a: {  	_ =	swait.ge [sflag:s8], $0x400  }
0x15b: {  	[sflag:s8] =	ssyncset.done $0x0  }
0x15c: {  	p0 =	sne.s32 s6, $0x1;
	[sflag:s8] =	ssyncadd.s32 $0xFFFFFC00  }
.Ltmp1:
0x15d: {  	_ =	swait.ge [sflag:s8], $0x400;
	(pc) =	sbr.rel @p0 .LBB2_2-.Ltmp1, $4  }
0x15e: {  	[sflag:s8] =	ssyncset.done $0x0  }
0x15f: {  	[sflag:s8] =	ssyncadd.s32 $0xFFFFFC00  }
0x160: {  	_ =	swait.ge [sflag:s8], $0x400  }
0x161: {  	s6 =	sadd.s32 $0xFFFFFFFF, s6;
	[sflag:s8] =	ssyncset.done $0x0  }
.LBB2_3:
0x162: {  	[sflag:s8] =	ssyncadd.s32 $0xFFFFFC00  }
0x163: {  	[bflag:$0x0] =	sbarrier.arrive $0xFFFF  }
0x164: {  	s6 =	sld [smem:$0x7FA]  }
0x165: {  	s7 =	sld [smem:$0x7FD];
	_ =	sdelay $0x1  }
0x166: {  	s11 =	rddreg [dreg:$0x1f]  }
0x167: {  	[hbm:s6], [sflag:s11] =	dma.local [spmem:s7], $0x186A  }
0x168: {  	_ =	swait.ge [sflag:s12], $0x186A  }
0x169: {  	s10 =	sld [smem:$0x7FB];
	_ =	sdelay $0x1  }
0x16a: {  	s9 =	sadd.s32 $0x1, s9  }
0x16b: {  	p0 =	sne.s32 s9, s10  }
.Ltmp2:
0x16c: {  	_ = 	snop;
	(pc) =	sbr.rel @p0 .LBB2_1-.Ltmp2, $3  }
0x16d: {  	_ =	sdelay $0x1  }
0x16e: {  	[sflag:s12] =	ssyncset.done $0x0  }
0x16f: {  	[sflag:s12] =	ssyncadd.s32 $0xFFFFE796  }
0x170: {  	_ =	sfence.sel $0x180000  }
0x171: {  	[bflag:$0x0] =	sbarrier.arrive $0xFFFF  }
0x172: {  	_ =	strace $0x90000047  }
0x173: {  	s0 =	stileid.u32;
	[bflag:$0x2] =	sbarrier.arrive $0xFFFF  }
0x174: {  	p0 =	sne.s32 s0, $0x0;
	s0 =	rddreg [dreg:$0x2]  }
0x175: {  	s0 =	sadd.s32 @!p0 $0x100000, s0  }
0x176: {  	[sflag:s0] =	ssyncadd.tile.s32 @!p0 $0x1;
	_ =	shalt  }
.Lfunc_end2:
_tile_overlayer_lowered:
.L_overlay_start_2:
0x177: {  	(tag) =	ssettag $0x2  }
0x178: {  	s0 =	rddreg [dreg:$0x0];
	s2 =	stileid.u32  }
0x179: {  	s1 =	rddreg [dreg:$0x1];
	p0 =	sne.s32 s2, $0x0  }
0x17a: {  	s3 =	rddreg [dreg:$0x2];
	[bflag:$0x3] =	sbarrier.arrive $0xFFFF;
	s2 =	simm.s32 @!p0 $0x1C03  }
0x17b: {  	[timem:s3], [sflag:s2] =	dma.local @!p0 [hbm:s0], s1  }
0x17c: {  	s0 =	simm.s32 @!p0 $0x3  }
0x17d: {  	_ =	swait.ge @!p0 [sflag:s0], s1  }
0x17e: {  	s1 =	ssub.s32 @!p0 $0x0, s1;
	[sflag:s0] =	ssyncset.done @!p0 $0x0  }
0x17f: {  	[sflag:s0] =	ssyncadd.s32 @!p0 s1  }
0x180: {  	[bflag:$0x3] =	sbarrier.arrive $0xFFFF  }
0x181: {  	_ =	shalt  }

</sc_bundles>
